<compile_context>
chip_gen: v7x
topology: tpu7x:2x2x1
jax: 0.10.2.dev20260603
libtpu: 0.0.44.dev20260713+nightly
codegen_flags: <defaults>
</compile_context>

<pallas_src>
import functools

import jax
import jax.numpy as jnp
from jax import lax
from jax.experimental import pallas as pl
from jax.experimental.pallas import tpu as pltpu
from jax.experimental.pallas import tpu_sc as plsc

_L = 16
_B, _T, _D = 16, 2048, 512
_NC, _NS = 2, 16
_NW = _NC * _NS
_HALF = _T // 2
_CHUNK = 64
_NCHUNK = _HALF // _CHUNK
_VPC = _CHUNK // _L
_NVEC = _T // _L


def _bcast_last(v):
    idx = jnp.full((_L, 1), _L - 1, jnp.int32)
    dn = lax.GatherDimensionNumbers(
        offset_dims=(), collapsed_slice_dims=(0,), start_index_map=(0,))
    return lax.gather(v, idx, dn, (1,),
                      mode=lax.GatherScatterMode.PROMISE_IN_BOUNDS)


def _body(x_hbm, dur_hbm, out_hbm, dur_v, ind_v, g_v,
          buf0, buf1, rs0, rs1, ws0, ws1, ds0):
    cid = lax.axis_index("c")
    sid = lax.axis_index("s")
    wid = sid * _NC + cid
    row = wid // 2
    half = wid % 2

    dur_cp = pltpu.async_copy(dur_hbm.at[row], dur_v, ds0)

    zeros = jnp.zeros((_L,), jnp.int32)

    def zero_body(k, carry):
        for u in range(8):
            ind_v[pl.ds((k * 8 + u) * _L, _L)] = zeros
        return carry

    lax.fori_loop(0, _NVEC // 8, zero_body, 0)
    dur_cp.wait()

    ones = jnp.ones((_L,), jnp.int32)

    def scat_body(k, carry):
        for u in range(4):
            d = dur_v[pl.ds((k * 4 + u) * _L, _L)]
            d = jnp.minimum(jnp.maximum(d, 0.0), 4096.0)
            r = (d + 0.5).astype(jnp.int32)
            incl = jnp.cumsum(r)
            excl = incl - r + carry
            plsc.addupdate_scatter(ind_v, (excl,), ones, mask=excl < _T)
            carry = carry + _bcast_last(incl)
        return carry

    lax.fori_loop(0, _NVEC // 4, scat_body, zeros)

    row_base = row * _T
    lo = half * (_HALF // _L)
    out_base = row_base + half * _HALF

    def presum_body(k, acc):
        return acc + ind_v[pl.ds(k * _L, _L)]

    acc = lax.fori_loop(0, lo, presum_body, zeros)
    carry = zeros + jnp.sum(acc)

    bufs, rsems, wsems = (buf0, buf1), (rs0, rs1), (ws0, ws1)
    gathers = [None, None]
    writes = [None, None]

    def out_slice(cc):
        return out_hbm.at[pl.ds(out_base + cc * _CHUNK, _CHUNK)]

    for cc in range(_NCHUNK):
        b = cc % 2
        if writes[b] is not None:
            writes[b].wait()
        for o in range(_VPC):
            k = lo + cc * _VPC + o
            ind = ind_v[pl.ds(k * _L, _L)]
            incl = jnp.cumsum(ind)
            g_v[cc, pl.ds(o * _L, _L)] = incl + carry - 1 + row_base
            carry = carry + _bcast_last(incl)
        gathers[b] = pltpu.async_copy(x_hbm.at[g_v.at[cc]], bufs[b], rsems[b])
        if cc >= 1:
            pb = 1 - b
            gathers[pb].wait()
            writes[pb] = pltpu.async_copy(bufs[pb], out_slice(cc - 1), wsems[pb])

    last = (_NCHUNK - 1) % 2
    gathers[last].wait()
    writes[last] = pltpu.async_copy(bufs[last], out_slice(_NCHUNK - 1), wsems[last])
    writes[0].wait()
    writes[1].wait()


_regulate = functools.partial(
    pl.kernel,
    out_type=jax.ShapeDtypeStruct((_B * _T, _D), jnp.float32),
    mesh=plsc.VectorSubcoreMesh(
        core_axis_name="c", subcore_axis_name="s",
        num_cores=_NC, num_subcores=_NS),
    compiler_params=pltpu.CompilerParams(needs_layout_passes=False),
    scratch_types=[
        pltpu.VMEM((_T,), jnp.float32),
        pltpu.VMEM((_T,), jnp.int32),
        pltpu.VMEM((_NCHUNK, _CHUNK), jnp.int32),
        pltpu.VMEM((_CHUNK, _D), jnp.float32),
        pltpu.VMEM((_CHUNK, _D), jnp.float32),
        pltpu.SemaphoreType.DMA,
        pltpu.SemaphoreType.DMA,
        pltpu.SemaphoreType.DMA,
        pltpu.SemaphoreType.DMA,
        pltpu.SemaphoreType.DMA,
    ],
)(_body)


def kernel(x, dur):
    out = _regulate(x.reshape(_B * _T, _D), dur)
    return out.reshape(_B, _T, _D)

# --- scband reference (transcript-rebuilt; emitter-appended) ---
"""Pipeline reference for scband-length-regulator-11879879543362 (READ-ONLY COPY).

The authoritative reference and input builder live on the scoring server;
editing this copy changes nothing except your own understanding.
"""

import jax, jax.numpy as jnp
import numpy as np


def setup_inputs(seed: int = 0) -> dict:
    key = jax.random.key(seed)
    x = jax.random.normal(jax.random.fold_in(key, 0), (16, 2048, 512), dtype=jnp.float32)
    dur = jnp.ones((16, 2048), dtype=jnp.float32)
    return {"x": x, "dur": dur}


def reference(x, dur):
    # dur[dur < 0] = 0.0
    dur = jnp.where(dur < 0, 0.0, dur)
    # repeats = (dur + 0.5).long()  (floor after +0.5 == round-half-up)
    reps = jnp.floor(dur + 0.5).astype(jnp.int32)
    total = x.shape[1]
    rows = []
    for i in range(x.shape[0]):
        # torch.repeat_interleave(x[i], reps[i], dim=0)
        rows.append(jnp.repeat(x[i], reps[i], axis=0, total_repeat_length=total))
    # torch.stack(x_expanded) -- requires all rows to have equal expanded length
    output = jnp.stack(rows)
    return output

if __name__ == "__main__":
    import jax
    _d = setup_inputs()
    print(jax.jit(kernel)(*tuple(_d.values())))

</pallas_src>

<mosaic_0001>
#map = affine_map<(d0, d1) -> (0, 0)>
module attributes {stable_mosaic.version = 14 : i64} {
  func.func @_body(%arg0: i32, %arg1: i32, %arg2: memref<32768x512xf32, #tpu.memory_space<hbm>>, %arg3: memref<16x2048xf32, #tpu.memory_space<hbm>>, %arg4: memref<32768x512xf32, #tpu.memory_space<hbm>>, %arg5: memref<2048xf32, #tpu.memory_space<vmem>>, %arg6: memref<2048xi32, #tpu.memory_space<vmem>>, %arg7: memref<16x64xi32, #tpu.memory_space<vmem>>, %arg8: memref<64x512xf32, #tpu.memory_space<vmem>>, %arg9: memref<64x512xf32, #tpu.memory_space<vmem>>, %arg10: memref<!tpu.dma_semaphore, #tpu.memory_space<semaphore_mem>>, %arg11: memref<!tpu.dma_semaphore, #tpu.memory_space<semaphore_mem>>, %arg12: memref<!tpu.dma_semaphore, #tpu.memory_space<semaphore_mem>>, %arg13: memref<!tpu.dma_semaphore, #tpu.memory_space<semaphore_mem>>, %arg14: memref<!tpu.dma_semaphore, #tpu.memory_space<semaphore_mem>>) attributes {dimension_semantics = [#tpu.dimension_semantics<core_parallel>, #tpu.dimension_semantics<subcore_parallel>], iteration_bounds = array<i64: 2, 16>, scalar_prefetch = 0 : i64, scratch_operands = 10 : i64, tpu.core_type = #tpu.core_type<sc_vector_subcore>, window_params = [{transform_indices = #map}, {transform_indices = #map}, {transform_indices = #map}]} {
    %mul3A = arith.constant 2 : i32
    %mul3A_0 = arith.muli %arg1, %mul3A : i32
    %add3A = arith.addi %mul3A_0, %arg0 : i32
    %jit3A = arith.constant 2 : i32
    %div3A = arith.divsi %add3A, %jit3A : i32
    %sign3A = arith.constant 0 : i32
    %sign3A_1 = arith.cmpi sgt, %add3A, %sign3A : i32
    %sign3A_2 = arith.extui %sign3A_1 : i1 to i32
    %sign3A_3 = arith.constant 0 : i32
    %sign3A_4 = arith.cmpi slt, %add3A, %sign3A_3 : i32
    %sign3A_5 = arith.extui %sign3A_4 : i1 to i32
    %sign3A_6 = arith.subi %sign3A_2, %sign3A_5 : i32
    %sign3A_7 = arith.constant 0 : i32
    %sign3A_8 = arith.cmpi sgt, %jit3A, %sign3A_7 : i32
    %sign3A_9 = arith.extui %sign3A_8 : i1 to i32
    %sign3A_10 = arith.constant 0 : i32
    %sign3A_11 = arith.cmpi slt, %jit3A, %sign3A_10 : i32
    %sign3A_12 = arith.extui %sign3A_11 : i1 to i32
    %sign3A_13 = arith.subi %sign3A_9, %sign3A_12 : i32
    %ne3A = arith.cmpi ne, %sign3A_6, %sign3A_13 : i32
    %rem3A = arith.remsi %add3A, %jit3A : i32
    %ne3A_14 = arith.constant 0 : i32
    %ne3A_15 = arith.cmpi ne, %rem3A, %ne3A_14 : i32
    %and3A = arith.andi %ne3A, %ne3A_15 : i1
    %sub3A = arith.constant 1 : i32
    %sub3A_16 = arith.subi %div3A, %sub3A : i32
    %select_n3A = arith.select %and3A, %sub3A_16, %div3A : i32
    %jit3A_17 = arith.constant 2 : i32
    %eq3A = arith.constant 0 : i32
    %eq3A_18 = arith.cmpi eq, %jit3A_17, %eq3A : i32
    %jit3A_19 = arith.constant 1 : i32
    %select_n3A_20 = arith.select %eq3A_18, %jit3A_19, %jit3A_17 : i32
    %rem3A_21 = arith.remsi %add3A, %select_n3A_20 : i32
    %ne3A_22 = arith.constant 0 : i32
    %ne3A_23 = arith.cmpi ne, %rem3A_21, %ne3A_22 : i32
    %lt3A = arith.constant 0 : i32
    %lt3A_24 = arith.cmpi slt, %rem3A_21, %lt3A : i32
    %lt3A_25 = arith.constant 0 : i32
    %lt3A_26 = arith.cmpi slt, %select_n3A_20, %lt3A_25 : i32
    %ne3A_27 = arith.xori %lt3A_24, %lt3A_26 : i1
    %and3A_28 = arith.andi %ne3A_27, %ne3A_23 : i1
    %add3A_29 = arith.addi %rem3A_21, %select_n3A_20 : i32
    %select_n3A_30 = arith.select %and3A_28, %add3A_29, %rem3A_21 : i32
    %dma_start3A = arith.constant 0 : i32
    %dma_start3A_31 = tpu.memref_slice %arg3[%select_n3A, %dma_start3A] : memref<16x2048xf32, #tpu.memory_space<hbm>> -> memref<1x2048xf32, #tpu.memory_space<hbm>>
    %dma_start3A_32 = tpu.memref_squeeze %dma_start3A_31 : memref<1x2048xf32, #tpu.memory_space<hbm>> -> memref<2048xf32, #tpu.memory_space<hbm>>
    %dma_start3A_33 = arith.constant 0 : i32
    %dma_start3A_34 = tpu.memref_slice %arg3[%select_n3A, %dma_start3A_33] : memref<16x2048xf32, #tpu.memory_space<hbm>> -> memref<1x2048xf32, #tpu.memory_space<hbm>>
    %dma_start3A_35 = tpu.memref_squeeze %dma_start3A_34 : memref<1x2048xf32, #tpu.memory_space<hbm>> -> memref<2048xf32, #tpu.memory_space<hbm>>
    tpu.enqueue_dma source(%dma_start3A_35 : memref<2048xf32, #tpu.memory_space<hbm>>) target(%arg5 : memref<2048xf32, #tpu.memory_space<vmem>>) target_semaphore(%arg14 : memref<!tpu.dma_semaphore, #tpu.memory_space<semaphore_mem>>)
    %broadcast_in_dim3A = arith.constant 0 : i32
    %broadcast_in_dim3A_36 = vector.broadcast %broadcast_in_dim3A : i32 to vector<16xi32>
    %scan3A = arith.constant 0 : i32
    %scan3A_37 = arith.constant 0 : i32
    %scan3A_38 = arith.constant 16 : i32
    %scan3A_39 = arith.addi %scan3A_37, %scan3A_38 : i32
    %scan3A_40 = arith.constant 1 : i32
    scf.for %scan3A_2121 = %scan3A_37 to %scan3A_39 step %scan3A_40  : i32 {
      %mul3A_2122 = arith.constant 8 : i32
      %mul3A_2123 = arith.muli %scan3A_2121, %mul3A_2122 : i32
      %add3A_2124 = arith.constant 0 : i32
      %add3A_2125 = arith.addi %mul3A_2123, %add3A_2124 : i32
      %mul3A_2126 = arith.constant 16 : i32
      %mul3A_2127 = arith.muli %add3A_2125, %mul3A_2126 : i32
      %swap3A_2128 = arith.index_cast %mul3A_2127 : i32 to index
      %swap3A_2129 = tpu.vector_load %arg6[%swap3A_2128] {strides = array<i32>} : memref<2048xi32, #tpu.memory_space<vmem>>, vector<16xi32>,
      tpu.vector_store %arg6[%swap3A_2128], %broadcast_in_dim3A_36 {strides = array<i32>} : memref<2048xi32, #tpu.memory_space<vmem>>, vector<16xi32>,
      %mul3A_2130 = arith.constant 8 : i32
      %mul3A_2131 = arith.muli %scan3A_2121, %mul3A_2130 : i32
      %add3A_2132 = arith.constant 1 : i32
      %add3A_2133 = arith.addi %mul3A_2131, %add3A_2132 : i32
      %mul3A_2134 = arith.constant 16 : i32
      %mul3A_2135 = arith.muli %add3A_2133, %mul3A_2134 : i32
      %swap3A_2136 = arith.index_cast %mul3A_2135 : i32 to index
      %swap3A_2137 = tpu.vector_load %arg6[%swap3A_2136] {strides = array<i32>} : memref<2048xi32, #tpu.memory_space<vmem>>, vector<16xi32>,
      tpu.vector_store %arg6[%swap3A_2136], %broadcast_in_dim3A_36 {strides = array<i32>} : memref<2048xi32, #tpu.memory_space<vmem>>, vector<16xi32>,
      %mul3A_2138 = arith.constant 8 : i32
      %mul3A_2139 = arith.muli %scan3A_2121, %mul3A_2138 : i32
      %add3A_2140 = arith.constant 2 : i32
      %add3A_2141 = arith.addi %mul3A_2139, %add3A_2140 : i32
      %mul3A_2142 = arith.constant 16 : i32
      %mul3A_2143 = arith.muli %add3A_2141, %mul3A_2142 : i32
      %swap3A_2144 = arith.index_cast %mul3A_2143 : i32 to index
      %swap3A_2145 = tpu.vector_load %arg6[%swap3A_2144] {strides = array<i32>} : memref<2048xi32, #tpu.memory_space<vmem>>, vector<16xi32>,
      tpu.vector_store %arg6[%swap3A_2144], %broadcast_in_dim3A_36 {strides = array<i32>} : memref<2048xi32, #tpu.memory_space<vmem>>, vector<16xi32>,
      %mul3A_2146 = arith.constant 8 : i32
      %mul3A_2147 = arith.muli %scan3A_2121, %mul3A_2146 : i32
      %add3A_2148 = arith.constant 3 : i32
      %add3A_2149 = arith.addi %mul3A_2147, %add3A_2148 : i32
      %mul3A_2150 = arith.constant 16 : i32
      %mul3A_2151 = arith.muli %add3A_2149, %mul3A_2150 : i32
      %swap3A_2152 = arith.index_cast %mul3A_2151 : i32 to index
      %swap3A_2153 = tpu.vector_load %arg6[%swap3A_2152] {strides = array<i32>} : memref<2048xi32, #tpu.memory_space<vmem>>, vector<16xi32>,
      tpu.vector_store %arg6[%swap3A_2152], %broadcast_in_dim3A_36 {strides = array<i32>} : memref<2048xi32, #tpu.memory_space<vmem>>, vector<16xi32>,
      %mul3A_2154 = arith.constant 8 : i32
      %mul3A_2155 = arith.muli %scan3A_2121, %mul3A_2154 : i32
      %add3A_2156 = arith.constant 4 : i32
      %add3A_2157 = arith.addi %mul3A_2155, %add3A_2156 : i32
      %mul3A_2158 = arith.constant 16 : i32
      %mul3A_2159 = arith.muli %add3A_2157, %mul3A_2158 : i32
      %swap3A_2160 = arith.index_cast %mul3A_2159 : i32 to index
      %swap3A_2161 = tpu.vector_load %arg6[%swap3A_2160] {strides = array<i32>} : memref<2048xi32, #tpu.memory_space<vmem>>, vector<16xi32>,
      tpu.vector_store %arg6[%swap3A_2160], %broadcast_in_dim3A_36 {strides = array<i32>} : memref<2048xi32, #tpu.memory_space<vmem>>, vector<16xi32>,
      %mul3A_2162 = arith.constant 8 : i32
      %mul3A_2163 = arith.muli %scan3A_2121, %mul3A_2162 : i32
      %add3A_2164 = arith.constant 5 : i32
      %add3A_2165 = arith.addi %mul3A_2163, %add3A_2164 : i32
      %mul3A_2166 = arith.constant 16 : i32
      %mul3A_2167 = arith.muli %add3A_2165, %mul3A_2166 : i32
      %swap3A_2168 = arith.index_cast %mul3A_2167 : i32 to index
      %swap3A_2169 = tpu.vector_load %arg6[%swap3A_2168] {strides = array<i32>} : memref<2048xi32, #tpu.memory_space<vmem>>, vector<16xi32>,
      tpu.vector_store %arg6[%swap3A_2168], %broadcast_in_dim3A_36 {strides = array<i32>} : memref<2048xi32, #tpu.memory_space<vmem>>, vector<16xi32>,
      %mul3A_2170 = arith.constant 8 : i32
      %mul3A_2171 = arith.muli %scan3A_2121, %mul3A_2170 : i32
      %add3A_2172 = arith.constant 6 : i32
      %add3A_2173 = arith.addi %mul3A_2171, %add3A_2172 : i32
      %mul3A_2174 = arith.constant 16 : i32
      %mul3A_2175 = arith.muli %add3A_2173, %mul3A_2174 : i32
      %swap3A_2176 = arith.index_cast %mul3A_2175 : i32 to index
      %swap3A_2177 = tpu.vector_load %arg6[%swap3A_2176] {strides = array<i32>} : memref<2048xi32, #tpu.memory_space<vmem>>, vector<16xi32>,
      tpu.vector_store %arg6[%swap3A_2176], %broadcast_in_dim3A_36 {strides = array<i32>} : memref<2048xi32, #tpu.memory_space<vmem>>, vector<16xi32>,
      %mul3A_2178 = arith.constant 8 : i32
      %mul3A_2179 = arith.muli %scan3A_2121, %mul3A_2178 : i32
      %add3A_2180 = arith.constant 7 : i32
      %add3A_2181 = arith.addi %mul3A_2179, %add3A_2180 : i32
      %mul3A_2182 = arith.constant 16 : i32
      %mul3A_2183 = arith.muli %add3A_2181, %mul3A_2182 : i32
      %swap3A_2184 = arith.index_cast %mul3A_2183 : i32 to index
      %swap3A_2185 = tpu.vector_load %arg6[%swap3A_2184] {strides = array<i32>} : memref<2048xi32, #tpu.memory_space<vmem>>, vector<16xi32>,
      tpu.vector_store %arg6[%swap3A_2184], %broadcast_in_dim3A_36 {strides = array<i32>} : memref<2048xi32, #tpu.memory_space<vmem>>, vector<16xi32>,
    }
    %scan3A_41 = arith.constant 16 : i32
    %dma_wait3A = arith.constant 0 : i32
    %dma_wait3A_42 = tpu.memref_slice %arg3[%select_n3A, %dma_wait3A] : memref<16x2048xf32, #tpu.memory_space<hbm>> -> memref<1x2048xf32, #tpu.memory_space<hbm>>
    %dma_wait3A_43 = tpu.memref_squeeze %dma_wait3A_42 : memref<1x2048xf32, #tpu.memory_space<hbm>> -> memref<2048xf32, #tpu.memory_space<hbm>>
    %dma_wait3A_44 = arith.constant 0 : i32
    %dma_wait3A_45 = tpu.memref_slice %arg3[%select_n3A, %dma_wait3A_44] : memref<16x2048xf32, #tpu.memory_space<hbm>> -> memref<1x2048xf32, #tpu.memory_space<hbm>>
    %dma_wait3A_46 = tpu.memref_squeeze %dma_wait3A_45 : memref<1x2048xf32, #tpu.memory_space<hbm>> -> memref<2048xf32, #tpu.memory_space<hbm>>
    tpu.wait_dma2 semaphore(%arg14 : memref<!tpu.dma_semaphore, #tpu.memory_space<semaphore_mem>>) src(%dma_wait3A_46 : memref<2048xf32, #tpu.memory_space<hbm>>) dst(%arg5 : memref<2048xf32, #tpu.memory_space<vmem>>)
    %broadcast_in_dim3A_47 = arith.constant 1 : i32
    %broadcast_in_dim3A_48 = vector.broadcast %broadcast_in_dim3A_47 : i32 to vector<16xi32>
    %scan3A_49 = arith.constant 0 : i32
    %scan3A_50 = arith.constant 32 : i32
    %scan3A_51 = arith.addi %scan3A_49, %scan3A_50 : i32
    %scan3A_52 = arith.constant 1 : i32
    %scan3A_53 = scf.for %scan3A_2121 = %scan3A_49 to %scan3A_51 step %scan3A_52 iter_args(%scan3A_2122 = %broadcast_in_dim3A_36) -> (vector<16xi32>)  : i32 {
      %mul3A_2123 = arith.constant 4 : i32
      %mul3A_2124 = arith.muli %scan3A_2121, %mul3A_2123 : i32
      %add3A_2125 = arith.constant 0 : i32
      %add3A_2126 = arith.addi %mul3A_2124, %add3A_2125 : i32
      %mul3A_2127 = arith.constant 16 : i32
      %mul3A_2128 = arith.muli %add3A_2126, %mul3A_2127 : i32
      %get3A_2129 = arith.index_cast %mul3A_2128 : i32 to index
      %get3A_2130 = tpu.vector_load %arg5[%get3A_2129] {strides = array<i32>} : memref<2048xf32, #tpu.memory_space<vmem>>, vector<16xf32>,
      %max3A = arith.constant 0.000000e+00 : f32
      %max3A_2131 = vector.broadcast %max3A : f32 to vector<16xf32>
      %max3A_2132 = arith.maximumf %get3A_2130, %max3A_2131 : vector<16xf32>
      %min3A = arith.constant 4.096000e+03 : f32
      %min3A_2133 = vector.broadcast %min3A : f32 to vector<16xf32>
      %min3A_2134 = arith.minimumf %max3A_2132, %min3A_2133 : vector<16xf32>
      %add3A_2135 = arith.constant 5.000000e-01 : f32
      %add3A_2136 = vector.broadcast %add3A_2135 : f32 to vector<16xf32>
      %add3A_2137 = arith.addf %min3A_2134, %add3A_2136 : vector<16xf32>
      %convert_element_type3A = arith.fptosi %add3A_2137 : vector<16xf32> to vector<16xi32>
      %cumsum3A_2138 = arith.constant true
      %cumsum3A_2139 = vector.broadcast %cumsum3A_2138 : i1 to vector<16xi1>
      %cumsum3A_2140 = tpu.scan <sum>, %convert_element_type3A masked %cumsum3A_2139 : vector<16xi32>, vector<16xi1> -> vector<16xi32>
      %sub3A_2141 = arith.subi %cumsum3A_2140, %convert_element_type3A : vector<16xi32>
      %add3A_2142 = arith.addi %sub3A_2141, %scan3A_2122 : vector<16xi32>
      %lt3A_2143 = arith.constant 2048 : i32
      %lt3A_2144 = vector.broadcast %lt3A_2143 : i32 to vector<16xi32>
      %lt3A_2145 = arith.cmpi slt, %add3A_2142, %lt3A_2144 : vector<16xi32>
      tpu.vector_store_idx %arg6[%add3A_2142], %broadcast_in_dim3A_48 masked %lt3A_2145 {add = true} : memref<2048xi32, #tpu.memory_space<vmem>>[vector<16xi32>], vector<16xi32>, vector<16xi1>
      %broadcast_in_dim3A_2146 = arith.constant 15 : i32
      %broadcast_in_dim3A_2147 = vector.broadcast %broadcast_in_dim3A_2146 : i32 to vector<16x1xi32>
      %gather3A_2148 = vector.shape_cast %broadcast_in_dim3A_2147 : vector<16x1xi32> to vector<16xi32>
      %gather3A_2149 = tpu.dynamic_gather %cumsum3A_2140[%gather3A_2148] in [0] : vector<16xi32>, vector<16xi32> -> vector<16xi32>
      %add3A_2150 = arith.addi %scan3A_2122, %gather3A_2149 : vector<16xi32>
      %mul3A_2151 = arith.constant 4 : i32
      %mul3A_2152 = arith.muli %scan3A_2121, %mul3A_2151 : i32
      %add3A_2153 = arith.constant 1 : i32
      %add3A_2154 = arith.addi %mul3A_2152, %add3A_2153 : i32
      %mul3A_2155 = arith.constant 16 : i32
      %mul3A_2156 = arith.muli %add3A_2154, %mul3A_2155 : i32
      %get3A_2157 = arith.index_cast %mul3A_2156 : i32 to index
      %get3A_2158 = tpu.vector_load %arg5[%get3A_2157] {strides = array<i32>} : memref<2048xf32, #tpu.memory_space<vmem>>, vector<16xf32>,
      %max3A_2159 = arith.constant 0.000000e+00 : f32
      %max3A_2160 = vector.broadcast %max3A_2159 : f32 to vector<16xf32>
      %max3A_2161 = arith.maximumf %get3A_2158, %max3A_2160 : vector<16xf32>
      %min3A_2162 = arith.constant 4.096000e+03 : f32
      %min3A_2163 = vector.broadcast %min3A_2162 : f32 to vector<16xf32>
      %min3A_2164 = arith.minimumf %max3A_2161, %min3A_2163 : vector<16xf32>
      %add3A_2165 = arith.constant 5.000000e-01 : f32
      %add3A_2166 = vector.broadcast %add3A_2165 : f32 to vector<16xf32>
      %add3A_2167 = arith.addf %min3A_2164, %add3A_2166 : vector<16xf32>
      %convert_element_type3A_2168 = arith.fptosi %add3A_2167 : vector<16xf32> to vector<16xi32>
      %cumsum3A_2169 = arith.constant true
      %cumsum3A_2170 = vector.broadcast %cumsum3A_2169 : i1 to vector<16xi1>
      %cumsum3A_2171 = tpu.scan <sum>, %convert_element_type3A_2168 masked %cumsum3A_2170 : vector<16xi32>, vector<16xi1> -> vector<16xi32>
      %sub3A_2172 = arith.subi %cumsum3A_2171, %convert_element_type3A_2168 : vector<16xi32>
      %add3A_2173 = arith.addi %sub3A_2172, %add3A_2150 : vector<16xi32>
      %lt3A_2174 = arith.constant 2048 : i32
      %lt3A_2175 = vector.broadcast %lt3A_2174 : i32 to vector<16xi32>
      %lt3A_2176 = arith.cmpi slt, %add3A_2173, %lt3A_2175 : vector<16xi32>
      tpu.vector_store_idx %arg6[%add3A_2173], %broadcast_in_dim3A_48 masked %lt3A_2176 {add = true} : memref<2048xi32, #tpu.memory_space<vmem>>[vector<16xi32>], vector<16xi32>, vector<16xi1>
      %broadcast_in_dim3A_2177 = arith.constant 15 : i32
      %broadcast_in_dim3A_2178 = vector.broadcast %broadcast_in_dim3A_2177 : i32 to vector<16x1xi32>
      %gather3A_2179 = vector.shape_cast %broadcast_in_dim3A_2178 : vector<16x1xi32> to vector<16xi32>
      %gather3A_2180 = tpu.dynamic_gather %cumsum3A_2171[%gather3A_2179] in [0] : vector<16xi32>, vector<16xi32> -> vector<16xi32>
      %add3A_2181 = arith.addi %add3A_2150, %gather3A_2180 : vector<16xi32>
      %mul3A_2182 = arith.constant 4 : i32
      %mul3A_2183 = arith.muli %scan3A_2121, %mul3A_2182 : i32
      %add3A_2184 = arith.constant 2 : i32
      %add3A_2185 = arith.addi %mul3A_2183, %add3A_2184 : i32
      %mul3A_2186 = arith.constant 16 : i32
      %mul3A_2187 = arith.muli %add3A_2185, %mul3A_2186 : i32
      %get3A_2188 = arith.index_cast %mul3A_2187 : i32 to index
      %get3A_2189 = tpu.vector_load %arg5[%get3A_2188] {strides = array<i32>} : memref<2048xf32, #tpu.memory_space<vmem>>, vector<16xf32>,
      %max3A_2190 = arith.constant 0.000000e+00 : f32
      %max3A_2191 = vector.broadcast %max3A_2190 : f32 to vector<16xf32>
      %max3A_2192 = arith.maximumf %get3A_2189, %max3A_2191 : vector<16xf32>
      %min3A_2193 = arith.constant 4.096000e+03 : f32
      %min3A_2194 = vector.broadcast %min3A_2193 : f32 to vector<16xf32>
      %min3A_2195 = arith.minimumf %max3A_2192, %min3A_2194 : vector<16xf32>
      %add3A_2196 = arith.constant 5.000000e-01 : f32
      %add3A_2197 = vector.broadcast %add3A_2196 : f32 to vector<16xf32>
      %add3A_2198 = arith.addf %min3A_2195, %add3A_2197 : vector<16xf32>
      %convert_element_type3A_2199 = arith.fptosi %add3A_2198 : vector<16xf32> to vector<16xi32>
      %cumsum3A_2200 = arith.constant true
      %cumsum3A_2201 = vector.broadcast %cumsum3A_2200 : i1 to vector<16xi1>
      %cumsum3A_2202 = tpu.scan <sum>, %convert_element_type3A_2199 masked %cumsum3A_2201 : vector<16xi32>, vector<16xi1> -> vector<16xi32>
      %sub3A_2203 = arith.subi %cumsum3A_2202, %convert_element_type3A_2199 : vector<16xi32>
      %add3A_2204 = arith.addi %sub3A_2203, %add3A_2181 : vector<16xi32>
      %lt3A_2205 = arith.constant 2048 : i32
      %lt3A_2206 = vector.broadcast %lt3A_2205 : i32 to vector<16xi32>
      %lt3A_2207 = arith.cmpi slt, %add3A_2204, %lt3A_2206 : vector<16xi32>
      tpu.vector_store_idx %arg6[%add3A_2204], %broadcast_in_dim3A_48 masked %lt3A_2207 {add = true} : memref<2048xi32, #tpu.memory_space<vmem>>[vector<16xi32>], vector<16xi32>, vector<16xi1>
      %broadcast_in_dim3A_2208 = arith.constant 15 : i32
      %broadcast_in_dim3A_2209 = vector.broadcast %broadcast_in_dim3A_2208 : i32 to vector<16x1xi32>
      %gather3A_2210 = vector.shape_cast %broadcast_in_dim3A_2209 : vector<16x1xi32> to vector<16xi32>
      %gather3A_2211 = tpu.dynamic_gather %cumsum3A_2202[%gather3A_2210] in [0] : vector<16xi32>, vector<16xi32> -> vector<16xi32>
      %add3A_2212 = arith.addi %add3A_2181, %gather3A_2211 : vector<16xi32>
      %mul3A_2213 = arith.constant 4 : i32
      %mul3A_2214 = arith.muli %scan3A_2121, %mul3A_2213 : i32
      %add3A_2215 = arith.constant 3 : i32
      %add3A_2216 = arith.addi %mul3A_2214, %add3A_2215 : i32
      %mul3A_2217 = arith.constant 16 : i32
      %mul3A_2218 = arith.muli %add3A_2216, %mul3A_2217 : i32
      %get3A_2219 = arith.index_cast %mul3A_2218 : i32 to index
      %get3A_2220 = tpu.vector_load %arg5[%get3A_2219] {strides = array<i32>} : memref<2048xf32, #tpu.memory_space<vmem>>, vector<16xf32>,
      %max3A_2221 = arith.constant 0.000000e+00 : f32
      %max3A_2222 = vector.broadcast %max3A_2221 : f32 to vector<16xf32>
      %max3A_2223 = arith.maximumf %get3A_2220, %max3A_2222 : vector<16xf32>
      %min3A_2224 = arith.constant 4.096000e+03 : f32
      %min3A_2225 = vector.broadcast %min3A_2224 : f32 to vector<16xf32>
      %min3A_2226 = arith.minimumf %max3A_2223, %min3A_2225 : vector<16xf32>
      %add3A_2227 = arith.constant 5.000000e-01 : f32
      %add3A_2228 = vector.broadcast %add3A_2227 : f32 to vector<16xf32>
      %add3A_2229 = arith.addf %min3A_2226, %add3A_2228 : vector<16xf32>
      %convert_element_type3A_2230 = arith.fptosi %add3A_2229 : vector<16xf32> to vector<16xi32>
      %cumsum3A_2231 = arith.constant true
      %cumsum3A_2232 = vector.broadcast %cumsum3A_2231 : i1 to vector<16xi1>
      %cumsum3A_2233 = tpu.scan <sum>, %convert_element_type3A_2230 masked %cumsum3A_2232 : vector<16xi32>, vector<16xi1> -> vector<16xi32>
      %sub3A_2234 = arith.subi %cumsum3A_2233, %convert_element_type3A_2230 : vector<16xi32>
      %add3A_2235 = arith.addi %sub3A_2234, %add3A_2212 : vector<16xi32>
      %lt3A_2236 = arith.constant 2048 : i32
      %lt3A_2237 = vector.broadcast %lt3A_2236 : i32 to vector<16xi32>
      %lt3A_2238 = arith.cmpi slt, %add3A_2235, %lt3A_2237 : vector<16xi32>
      tpu.vector_store_idx %arg6[%add3A_2235], %broadcast_in_dim3A_48 masked %lt3A_2238 {add = true} : memref<2048xi32, #tpu.memory_space<vmem>>[vector<16xi32>], vector<16xi32>, vector<16xi1>
      %broadcast_in_dim3A_2239 = arith.constant 15 : i32
      %broadcast_in_dim3A_2240 = vector.broadcast %broadcast_in_dim3A_2239 : i32 to vector<16x1xi32>
      %gather3A_2241 = vector.shape_cast %broadcast_in_dim3A_2240 : vector<16x1xi32> to vector<16xi32>
      %gather3A_2242 = tpu.dynamic_gather %cumsum3A_2233[%gather3A_2241] in [0] : vector<16xi32>, vector<16xi32> -> vector<16xi32>
      %add3A_2243 = arith.addi %add3A_2212, %gather3A_2242 : vector<16xi32>
      scf.yield %add3A_2243 : vector<16xi32>
    }
    %scan3A_54 = arith.constant 32 : i32
    %mul3A_55 = arith.constant 2048 : i32
    %mul3A_56 = arith.muli %select_n3A, %mul3A_55 : i32
    %mul3A_57 = arith.constant 64 : i32
    %mul3A_58 = arith.muli %select_n3A_30, %mul3A_57 : i32
    %mul3A_59 = arith.constant 1024 : i32
    %mul3A_60 = arith.muli %select_n3A_30, %mul3A_59 : i32
    %add3A_61 = arith.addi %mul3A_56, %mul3A_60 : i32
    %while3A = arith.constant 0 : i32
    %while3A_62 = arith.subi %mul3A_58, %while3A : i32
    %while3A_63 = arith.addi %while3A, %while3A_62 : i32
    %while3A_64 = arith.constant 1 : i32
    %while3A_65 = arith.divsi %while3A_62, %while3A_64 : i32
    %while3A_66 = arith.muli %while3A_65, %while3A_64 : i32
    %while3A_67 = arith.addi %while3A, %while3A_66 : i32
    %while3A_68 = arith.constant 1 : i32
    %while3A_69 = scf.for %while3A_2121 = %while3A to %while3A_67 step %while3A_68 iter_args(%while3A_2122 = %broadcast_in_dim3A_36) -> (vector<16xi32>)  : i32 {
      %mul3A_2123 = arith.constant 16 : i32
      %mul3A_2124 = arith.muli %while3A_2121, %mul3A_2123 : i32
      %get3A_2125 = arith.index_cast %mul3A_2124 : i32 to index
      %get3A_2126 = tpu.vector_load %arg6[%get3A_2125] {strides = array<i32>} : memref<2048xi32, #tpu.memory_space<vmem>>, vector<16xi32>,
      %add3A_2127 = arith.addi %while3A_2122, %get3A_2126 : vector<16xi32>
      scf.yield %add3A_2127 : vector<16xi32>
    }
    %while3A_70 = arith.constant 1 : i32
    %while3A_71 = scf.for %while3A_2121 = %while3A_67 to %while3A_63 step %while3A_70 iter_args(%while3A_2122 = %while3A_69) -> (vector<16xi32>)  : i32 {
      %mul3A_2123 = arith.constant 16 : i32
      %mul3A_2124 = arith.muli %while3A_2121, %mul3A_2123 : i32
      %get3A_2125 = arith.index_cast %mul3A_2124 : i32 to index
      %get3A_2126 = tpu.vector_load %arg6[%get3A_2125] {strides = array<i32>} : memref<2048xi32, #tpu.memory_space<vmem>>, vector<16xi32>,
      %add3A_2127 = arith.addi %while3A_2122, %get3A_2126 : vector<16xi32>
      scf.yield %add3A_2127 : vector<16xi32>
    }
    %reduce_sum3A = arith.constant true
    %reduce_sum3A_72 = vector.broadcast %reduce_sum3A : i1 to vector<16xi1>
    %reduce_sum3A_73 = tpu.scan <sum>, %while3A_71 masked %reduce_sum3A_72 : vector<16xi32>, vector<16xi1> -> vector<16xi32>
    %reduce_sum3A_74 = vector.extract %reduce_sum3A_73[15] : i32 from vector<16xi32>
    %add3A_75 = vector.broadcast %reduce_sum3A_74 : i32 to vector<16xi32>
    %add3A_76 = arith.addi %broadcast_in_dim3A_36, %add3A_75 : vector<16xi32>
    %add3A_77 = arith.constant 0 : i32
    %add3A_78 = arith.addi %mul3A_58, %add3A_77 : i32
    %add3A_79 = arith.constant 0 : i32
    %add3A_80 = arith.addi %add3A_78, %add3A_79 : i32
    %mul3A_81 = arith.constant 16 : i32
    %mul3A_82 = arith.muli %add3A_80, %mul3A_81 : i32
    %get3A = arith.index_cast %mul3A_82 : i32 to index
    %get3A_83 = tpu.vector_load %arg6[%get3A] {strides = array<i32>} : memref<2048xi32, #tpu.memory_space<vmem>>, vector<16xi32>,
    %cumsum3A = arith.constant true
    %cumsum3A_84 = vector.broadcast %cumsum3A : i1 to vector<16xi1>
    %cumsum3A_85 = tpu.scan <sum>, %get3A_83 masked %cumsum3A_84 : vector<16xi32>, vector<16xi1> -> vector<16xi32>
    %add3A_86 = arith.addi %cumsum3A_85, %add3A_76 : vector<16xi32>
    %sub3A_87 = arith.constant 1 : i32
    %sub3A_88 = vector.broadcast %sub3A_87 : i32 to vector<16xi32>
    %sub3A_89 = arith.subi %add3A_86, %sub3A_88 : vector<16xi32>
    %add3A_90 = vector.broadcast %mul3A_56 : i32 to vector<16xi32>
    %add3A_91 = arith.addi %sub3A_89, %add3A_90 : vector<16xi32>
    %swap3A = arith.constant 0 : i32
    %swap3A_92 = arith.index_cast %swap3A : i32 to index
    %swap3A_93 = arith.constant 0 : index
    %swap3A_94 = tpu.vector_load %arg7[%swap3A_92, %swap3A_93] {strides = array<i32>} : memref<16x64xi32, #tpu.memory_space<vmem>>, vector<16xi32>,
    tpu.vector_store %arg7[%swap3A_92, %swap3A_93], %add3A_91 {strides = array<i32>} : memref<16x64xi32, #tpu.memory_space<vmem>>, vector<16xi32>,
    %broadcast_in_dim3A_95 = arith.constant 15 : i32
    %broadcast_in_dim3A_96 = vector.broadcast %broadcast_in_dim3A_95 : i32 to vector<16x1xi32>
    %gather3A = vector.shape_cast %broadcast_in_dim3A_96 : vector<16x1xi32> to vector<16xi32>
    %gather3A_97 = tpu.dynamic_gather %cumsum3A_85[%gather3A] in [0] : vector<16xi32>, vector<16xi32> -> vector<16xi32>
    %add3A_98 = arith.addi %add3A_76, %gather3A_97 : vector<16xi32>
    %add3A_99 = arith.constant 0 : i32
    %add3A_100 = arith.addi %mul3A_58, %add3A_99 : i32
    %add3A_101 = arith.constant 1 : i32
    %add3A_102 = arith.addi %add3A_100, %add3A_101 : i32
    %mul3A_103 = arith.constant 16 : i32
    %mul3A_104 = arith.muli %add3A_102, %mul3A_103 : i32
    %get3A_105 = arith.index_cast %mul3A_104 : i32 to index
    %get3A_106 = tpu.vector_load %arg6[%get3A_105] {strides = array<i32>} : memref<2048xi32, #tpu.memory_space<vmem>>, vector<16xi32>,
    %cumsum3A_107 = arith.constant true
    %cumsum3A_108 = vector.broadcast %cumsum3A_107 : i1 to vector<16xi1>
    %cumsum3A_109 = tpu.scan <sum>, %get3A_106 masked %cumsum3A_108 : vector<16xi32>, vector<16xi1> -> vector<16xi32>
    %add3A_110 = arith.addi %cumsum3A_109, %add3A_98 : vector<16xi32>
    %sub3A_111 = arith.constant 1 : i32
    %sub3A_112 = vector.broadcast %sub3A_111 : i32 to vector<16xi32>
    %sub3A_113 = arith.subi %add3A_110, %sub3A_112 : vector<16xi32>
    %add3A_114 = vector.broadcast %mul3A_56 : i32 to vector<16xi32>
    %add3A_115 = arith.addi %sub3A_113, %add3A_114 : vector<16xi32>
    %swap3A_116 = arith.constant 0 : i32
    %swap3A_117 = arith.index_cast %swap3A_116 : i32 to index
    %swap3A_118 = arith.constant 16 : index
    %swap3A_119 = tpu.vector_load %arg7[%swap3A_117, %swap3A_118] {strides = array<i32>} : memref<16x64xi32, #tpu.memory_space<vmem>>, vector<16xi32>,
    tpu.vector_store %arg7[%swap3A_117, %swap3A_118], %add3A_115 {strides = array<i32>} : memref<16x64xi32, #tpu.memory_space<vmem>>, vector<16xi32>,
    %broadcast_in_dim3A_120 = arith.constant 15 : i32
    %broadcast_in_dim3A_121 = vector.broadcast %broadcast_in_dim3A_120 : i32 to vector<16x1xi32>
    %gather3A_122 = vector.shape_cast %broadcast_in_dim3A_121 : vector<16x1xi32> to vector<16xi32>
    %gather3A_123 = tpu.dynamic_gather %cumsum3A_109[%gather3A_122] in [0] : vector<16xi32>, vector<16xi32> -> vector<16xi32>
    %add3A_124 = arith.addi %add3A_98, %gather3A_123 : vector<16xi32>
    %add3A_125 = arith.constant 0 : i32
    %add3A_126 = arith.addi %mul3A_58, %add3A_125 : i32
    %add3A_127 = arith.constant 2 : i32
    %add3A_128 = arith.addi %add3A_126, %add3A_127 : i32
    %mul3A_129 = arith.constant 16 : i32
    %mul3A_130 = arith.muli %add3A_128, %mul3A_129 : i32
    %get3A_131 = arith.index_cast %mul3A_130 : i32 to index
    %get3A_132 = tpu.vector_load %arg6[%get3A_131] {strides = array<i32>} : memref<2048xi32, #tpu.memory_space<vmem>>, vector<16xi32>,
    %cumsum3A_133 = arith.constant true
    %cumsum3A_134 = vector.broadcast %cumsum3A_133 : i1 to vector<16xi1>
    %cumsum3A_135 = tpu.scan <sum>, %get3A_132 masked %cumsum3A_134 : vector<16xi32>, vector<16xi1> -> vector<16xi32>
    %add3A_136 = arith.addi %cumsum3A_135, %add3A_124 : vector<16xi32>
    %sub3A_137 = arith.constant 1 : i32
    %sub3A_138 = vector.broadcast %sub3A_137 : i32 to vector<16xi32>
    %sub3A_139 = arith.subi %add3A_136, %sub3A_138 : vector<16xi32>
    %add3A_140 = vector.broadcast %mul3A_56 : i32 to vector<16xi32>
    %add3A_141 = arith.addi %sub3A_139, %add3A_140 : vector<16xi32>
    %swap3A_142 = arith.constant 0 : i32
    %swap3A_143 = arith.index_cast %swap3A_142 : i32 to index
    %swap3A_144 = arith.constant 32 : index
    %swap3A_145 = tpu.vector_load %arg7[%swap3A_143, %swap3A_144] {strides = array<i32>} : memref<16x64xi32, #tpu.memory_space<vmem>>, vector<16xi32>,
    tpu.vector_store %arg7[%swap3A_143, %swap3A_144], %add3A_141 {strides = array<i32>} : memref<16x64xi32, #tpu.memory_space<vmem>>, vector<16xi32>,
    %broadcast_in_dim3A_146 = arith.constant 15 : i32
    %broadcast_in_dim3A_147 = vector.broadcast %broadcast_in_dim3A_146 : i32 to vector<16x1xi32>
    %gather3A_148 = vector.shape_cast %broadcast_in_dim3A_147 : vector<16x1xi32> to vector<16xi32>
    %gather3A_149 = tpu.dynamic_gather %cumsum3A_135[%gather3A_148] in [0] : vector<16xi32>, vector<16xi32> -> vector<16xi32>
    %add3A_150 = arith.addi %add3A_124, %gather3A_149 : vector<16xi32>
    %add3A_151 = arith.constant 0 : i32
    %add3A_152 = arith.addi %mul3A_58, %add3A_151 : i32
    %add3A_153 = arith.constant 3 : i32
    %add3A_154 = arith.addi %add3A_152, %add3A_153 : i32
    %mul3A_155 = arith.constant 16 : i32
    %mul3A_156 = arith.muli %add3A_154, %mul3A_155 : i32
    %get3A_157 = arith.index_cast %mul3A_156 : i32 to index
    %get3A_158 = tpu.vector_load %arg6[%get3A_157] {strides = array<i32>} : memref<2048xi32, #tpu.memory_space<vmem>>, vector<16xi32>,
    %cumsum3A_159 = arith.constant true
    %cumsum3A_160 = vector.broadcast %cumsum3A_159 : i1 to vector<16xi1>
    %cumsum3A_161 = tpu.scan <sum>, %get3A_158 masked %cumsum3A_160 : vector<16xi32>, vector<16xi1> -> vector<16xi32>
    %add3A_162 = arith.addi %cumsum3A_161, %add3A_150 : vector<16xi32>
    %sub3A_163 = arith.constant 1 : i32
    %sub3A_164 = vector.broadcast %sub3A_163 : i32 to vector<16xi32>
    %sub3A_165 = arith.subi %add3A_162, %sub3A_164 : vector<16xi32>
    %add3A_166 = vector.broadcast %mul3A_56 : i32 to vector<16xi32>
    %add3A_167 = arith.addi %sub3A_165, %add3A_166 : vector<16xi32>
    %swap3A_168 = arith.constant 0 : i32
    %swap3A_169 = arith.index_cast %swap3A_168 : i32 to index
    %swap3A_170 = arith.constant 48 : index
    %swap3A_171 = tpu.vector_load %arg7[%swap3A_169, %swap3A_170] {strides = array<i32>} : memref<16x64xi32, #tpu.memory_space<vmem>>, vector<16xi32>,
    tpu.vector_store %arg7[%swap3A_169, %swap3A_170], %add3A_167 {strides = array<i32>} : memref<16x64xi32, #tpu.memory_space<vmem>>, vector<16xi32>,
    %broadcast_in_dim3A_172 = arith.constant 15 : i32
    %broadcast_in_dim3A_173 = vector.broadcast %broadcast_in_dim3A_172 : i32 to vector<16x1xi32>
    %gather3A_174 = vector.shape_cast %broadcast_in_dim3A_173 : vector<16x1xi32> to vector<16xi32>
    %gather3A_175 = tpu.dynamic_gather %cumsum3A_161[%gather3A_174] in [0] : vector<16xi32>, vector<16xi32> -> vector<16xi32>
    %add3A_176 = arith.addi %add3A_150, %gather3A_175 : vector<16xi32>
    %dma_start3A_177 = arith.constant 0 : i32
    %dma_start3A_178 = arith.constant 0 : i32
    %dma_start3A_179 = tpu.memref_slice %arg7[%dma_start3A_177, %dma_start3A_178] : memref<16x64xi32, #tpu.memory_space<vmem>> -> memref<1x64xi32, #tpu.memory_space<vmem>>
    %dma_start3A_180 = tpu.memref_squeeze %dma_start3A_179 : memref<1x64xi32, #tpu.memory_space<vmem>> -> memref<64xi32, #tpu.memory_space<vmem>>
    %dma_start3A_181 = arith.constant 0 : i32
    %dma_start3A_182 = arith.constant 0 : i32
    %dma_start3A_183 = tpu.memref_slice %arg2[%dma_start3A_181, %dma_start3A_182] : memref<32768x512xf32, #tpu.memory_space<hbm>> -> memref<32768x512xf32, #tpu.memory_space<hbm>>
    tpu.enqueue_indirect_dma source(%dma_start3A_183 : memref<32768x512xf32, #tpu.memory_space<hbm>>) target(%arg8 : memref<64x512xf32, #tpu.memory_space<vmem>>) offsets(%dma_start3A_180 : memref<64xi32, #tpu.memory_space<vmem>>) semaphore(%arg10 : memref<!tpu.dma_semaphore, #tpu.memory_space<semaphore_mem>>)
    %add3A_184 = arith.constant 4 : i32
    %add3A_185 = arith.addi %mul3A_58, %add3A_184 : i32
    %add3A_186 = arith.constant 0 : i32
    %add3A_187 = arith.addi %add3A_185, %add3A_186 : i32
    %mul3A_188 = arith.constant 16 : i32
    %mul3A_189 = arith.muli %add3A_187, %mul3A_188 : i32
    %get3A_190 = arith.index_cast %mul3A_189 : i32 to index
    %get3A_191 = tpu.vector_load %arg6[%get3A_190] {strides = array<i32>} : memref<2048xi32, #tpu.memory_space<vmem>>, vector<16xi32>,
    %cumsum3A_192 = arith.constant true
    %cumsum3A_193 = vector.broadcast %cumsum3A_192 : i1 to vector<16xi1>
    %cumsum3A_194 = tpu.scan <sum>, %get3A_191 masked %cumsum3A_193 : vector<16xi32>, vector<16xi1> -> vector<16xi32>
    %add3A_195 = arith.addi %cumsum3A_194, %add3A_176 : vector<16xi32>
    %sub3A_196 = arith.constant 1 : i32
    %sub3A_197 = vector.broadcast %sub3A_196 : i32 to vector<16xi32>
    %sub3A_198 = arith.subi %add3A_195, %sub3A_197 : vector<16xi32>
    %add3A_199 = vector.broadcast %mul3A_56 : i32 to vector<16xi32>
    %add3A_200 = arith.addi %sub3A_198, %add3A_199 : vector<16xi32>
    %swap3A_201 = arith.constant 1 : i32
    %swap3A_202 = arith.index_cast %swap3A_201 : i32 to index
    %swap3A_203 = arith.constant 0 : index
    %swap3A_204 = tpu.vector_load %arg7[%swap3A_202, %swap3A_203] {strides = array<i32>} : memref<16x64xi32, #tpu.memory_space<vmem>>, vector<16xi32>,
    tpu.vector_store %arg7[%swap3A_202, %swap3A_203], %add3A_200 {strides = array<i32>} : memref<16x64xi32, #tpu.memory_space<vmem>>, vector<16xi32>,
    %broadcast_in_dim3A_205 = arith.constant 15 : i32
    %broadcast_in_dim3A_206 = vector.broadcast %broadcast_in_dim3A_205 : i32 to vector<16x1xi32>
    %gather3A_207 = vector.shape_cast %broadcast_in_dim3A_206 : vector<16x1xi32> to vector<16xi32>
    %gather3A_208 = tpu.dynamic_gather %cumsum3A_194[%gather3A_207] in [0] : vector<16xi32>, vector<16xi32> -> vector<16xi32>
    %add3A_209 = arith.addi %add3A_176, %gather3A_208 : vector<16xi32>
    %add3A_210 = arith.constant 4 : i32
    %add3A_211 = arith.addi %mul3A_58, %add3A_210 : i32
    %add3A_212 = arith.constant 1 : i32
    %add3A_213 = arith.addi %add3A_211, %add3A_212 : i32
    %mul3A_214 = arith.constant 16 : i32
    %mul3A_215 = arith.muli %add3A_213, %mul3A_214 : i32
    %get3A_216 = arith.index_cast %mul3A_215 : i32 to index
    %get3A_217 = tpu.vector_load %arg6[%get3A_216] {strides = array<i32>} : memref<2048xi32, #tpu.memory_space<vmem>>, vector<16xi32>,
    %cumsum3A_218 = arith.constant true
    %cumsum3A_219 = vector.broadcast %cumsum3A_218 : i1 to vector<16xi1>
    %cumsum3A_220 = tpu.scan <sum>, %get3A_217 masked %cumsum3A_219 : vector<16xi32>, vector<16xi1> -> vector<16xi32>
    %add3A_221 = arith.addi %cumsum3A_220, %add3A_209 : vector<16xi32>
    %sub3A_222 = arith.constant 1 : i32
    %sub3A_223 = vector.broadcast %sub3A_222 : i32 to vector<16xi32>
    %sub3A_224 = arith.subi %add3A_221, %sub3A_223 : vector<16xi32>
    %add3A_225 = vector.broadcast %mul3A_56 : i32 to vector<16xi32>
    %add3A_226 = arith.addi %sub3A_224, %add3A_225 : vector<16xi32>
    %swap3A_227 = arith.constant 1 : i32
    %swap3A_228 = arith.index_cast %swap3A_227 : i32 to index
    %swap3A_229 = arith.constant 16 : index
    %swap3A_230 = tpu.vector_load %arg7[%swap3A_228, %swap3A_229] {strides = array<i32>} : memref<16x64xi32, #tpu.memory_space<vmem>>, vector<16xi32>,
    tpu.vector_store %arg7[%swap3A_228, %swap3A_229], %add3A_226 {strides = array<i32>} : memref<16x64xi32, #tpu.memory_space<vmem>>, vector<16xi32>,
    %broadcast_in_dim3A_231 = arith.constant 15 : i32
    %broadcast_in_dim3A_232 = vector.broadcast %broadcast_in_dim3A_231 : i32 to vector<16x1xi32>
    %gather3A_233 = vector.shape_cast %broadcast_in_dim3A_232 : vector<16x1xi32> to vector<16xi32>
    %gather3A_234 = tpu.dynamic_gather %cumsum3A_220[%gather3A_233] in [0] : vector<16xi32>, vector<16xi32> -> vector<16xi32>
    %add3A_235 = arith.addi %add3A_209, %gather3A_234 : vector<16xi32>
    %add3A_236 = arith.constant 4 : i32
    %add3A_237 = arith.addi %mul3A_58, %add3A_236 : i32
    %add3A_238 = arith.constant 2 : i32
    %add3A_239 = arith.addi %add3A_237, %add3A_238 : i32
    %mul3A_240 = arith.constant 16 : i32
    %mul3A_241 = arith.muli %add3A_239, %mul3A_240 : i32
    %get3A_242 = arith.index_cast %mul3A_241 : i32 to index
    %get3A_243 = tpu.vector_load %arg6[%get3A_242] {strides = array<i32>} : memref<2048xi32, #tpu.memory_space<vmem>>, vector<16xi32>,
    %cumsum3A_244 = arith.constant true
    %cumsum3A_245 = vector.broadcast %cumsum3A_244 : i1 to vector<16xi1>
    %cumsum3A_246 = tpu.scan <sum>, %get3A_243 masked %cumsum3A_245 : vector<16xi32>, vector<16xi1> -> vector<16xi32>
    %add3A_247 = arith.addi %cumsum3A_246, %add3A_235 : vector<16xi32>
    %sub3A_248 = arith.constant 1 : i32
    %sub3A_249 = vector.broadcast %sub3A_248 : i32 to vector<16xi32>
    %sub3A_250 = arith.subi %add3A_247, %sub3A_249 : vector<16xi32>
    %add3A_251 = vector.broadcast %mul3A_56 : i32 to vector<16xi32>
    %add3A_252 = arith.addi %sub3A_250, %add3A_251 : vector<16xi32>
    %swap3A_253 = arith.constant 1 : i32
    %swap3A_254 = arith.index_cast %swap3A_253 : i32 to index
    %swap3A_255 = arith.constant 32 : index
    %swap3A_256 = tpu.vector_load %arg7[%swap3A_254, %swap3A_255] {strides = array<i32>} : memref<16x64xi32, #tpu.memory_space<vmem>>, vector<16xi32>,
    tpu.vector_store %arg7[%swap3A_254, %swap3A_255], %add3A_252 {strides = array<i32>} : memref<16x64xi32, #tpu.memory_space<vmem>>, vector<16xi32>,
    %broadcast_in_dim3A_257 = arith.constant 15 : i32
    %broadcast_in_dim3A_258 = vector.broadcast %broadcast_in_dim3A_257 : i32 to vector<16x1xi32>
    %gather3A_259 = vector.shape_cast %broadcast_in_dim3A_258 : vector<16x1xi32> to vector<16xi32>
    %gather3A_260 = tpu.dynamic_gather %cumsum3A_246[%gather3A_259] in [0] : vector<16xi32>, vector<16xi32> -> vector<16xi32>
    %add3A_261 = arith.addi %add3A_235, %gather3A_260 : vector<16xi32>
    %add3A_262 = arith.constant 4 : i32
    %add3A_263 = arith.addi %mul3A_58, %add3A_262 : i32
    %add3A_264 = arith.constant 3 : i32
    %add3A_265 = arith.addi %add3A_263, %add3A_264 : i32
    %mul3A_266 = arith.constant 16 : i32
    %mul3A_267 = arith.muli %add3A_265, %mul3A_266 : i32
    %get3A_268 = arith.index_cast %mul3A_267 : i32 to index
    %get3A_269 = tpu.vector_load %arg6[%get3A_268] {strides = array<i32>} : memref<2048xi32, #tpu.memory_space<vmem>>, vector<16xi32>,
    %cumsum3A_270 = arith.constant true
    %cumsum3A_271 = vector.broadcast %cumsum3A_270 : i1 to vector<16xi1>
    %cumsum3A_272 = tpu.scan <sum>, %get3A_269 masked %cumsum3A_271 : vector<16xi32>, vector<16xi1> -> vector<16xi32>
    %add3A_273 = arith.addi %cumsum3A_272, %add3A_261 : vector<16xi32>
    %sub3A_274 = arith.constant 1 : i32
    %sub3A_275 = vector.broadcast %sub3A_274 : i32 to vector<16xi32>
    %sub3A_276 = arith.subi %add3A_273, %sub3A_275 : vector<16xi32>
    %add3A_277 = vector.broadcast %mul3A_56 : i32 to vector<16xi32>
    %add3A_278 = arith.addi %sub3A_276, %add3A_277 : vector<16xi32>
    %swap3A_279 = arith.constant 1 : i32
    %swap3A_280 = arith.index_cast %swap3A_279 : i32 to index
    %swap3A_281 = arith.constant 48 : index
    %swap3A_282 = tpu.vector_load %arg7[%swap3A_280, %swap3A_281] {strides = array<i32>} : memref<16x64xi32, #tpu.memory_space<vmem>>, vector<16xi32>,
    tpu.vector_store %arg7[%swap3A_280, %swap3A_281], %add3A_278 {strides = array<i32>} : memref<16x64xi32, #tpu.memory_space<vmem>>, vector<16xi32>,
    %broadcast_in_dim3A_283 = arith.constant 15 : i32
    %broadcast_in_dim3A_284 = vector.broadcast %broadcast_in_dim3A_283 : i32 to vector<16x1xi32>
    %gather3A_285 = vector.shape_cast %broadcast_in_dim3A_284 : vector<16x1xi32> to vector<16xi32>
    %gather3A_286 = tpu.dynamic_gather %cumsum3A_272[%gather3A_285] in [0] : vector<16xi32>, vector<16xi32> -> vector<16xi32>
    %add3A_287 = arith.addi %add3A_261, %gather3A_286 : vector<16xi32>
    %dma_start3A_288 = arith.constant 1 : i32
    %dma_start3A_289 = arith.constant 0 : i32
    %dma_start3A_290 = tpu.memref_slice %arg7[%dma_start3A_288, %dma_start3A_289] : memref<16x64xi32, #tpu.memory_space<vmem>> -> memref<1x64xi32, #tpu.memory_space<vmem>>
    %dma_start3A_291 = tpu.memref_squeeze %dma_start3A_290 : memref<1x64xi32, #tpu.memory_space<vmem>> -> memref<64xi32, #tpu.memory_space<vmem>>
    %dma_start3A_292 = arith.constant 0 : i32
    %dma_start3A_293 = arith.constant 0 : i32
    %dma_start3A_294 = tpu.memref_slice %arg2[%dma_start3A_292, %dma_start3A_293] : memref<32768x512xf32, #tpu.memory_space<hbm>> -> memref<32768x512xf32, #tpu.memory_space<hbm>>
    tpu.enqueue_indirect_dma source(%dma_start3A_294 : memref<32768x512xf32, #tpu.memory_space<hbm>>) target(%arg9 : memref<64x512xf32, #tpu.memory_space<vmem>>) offsets(%dma_start3A_291 : memref<64xi32, #tpu.memory_space<vmem>>) semaphore(%arg11 : memref<!tpu.dma_semaphore, #tpu.memory_space<semaphore_mem>>)
    %dma_wait3A_295 = arith.constant 0 : i32
    %dma_wait3A_296 = arith.constant 0 : i32
    %dma_wait3A_297 = tpu.memref_slice %arg7[%dma_wait3A_295, %dma_wait3A_296] : memref<16x64xi32, #tpu.memory_space<vmem>> -> memref<1x64xi32, #tpu.memory_space<vmem>>
    %dma_wait3A_298 = tpu.memref_squeeze %dma_wait3A_297 : memref<1x64xi32, #tpu.memory_space<vmem>> -> memref<64xi32, #tpu.memory_space<vmem>>
    %dma_wait3A_299 = arith.constant 0 : i32
    %dma_wait3A_300 = arith.constant 0 : i32
    %dma_wait3A_301 = tpu.memref_slice %arg2[%dma_wait3A_299, %dma_wait3A_300] : memref<32768x512xf32, #tpu.memory_space<hbm>> -> memref<32768x512xf32, #tpu.memory_space<hbm>>
    tpu.wait_indirect_dma semaphore(%arg10 : memref<!tpu.dma_semaphore, #tpu.memory_space<semaphore_mem>>) src(%dma_wait3A_301 : memref<32768x512xf32, #tpu.memory_space<hbm>>) dst(%arg8 : memref<64x512xf32, #tpu.memory_space<vmem>>)
    %add3A_302 = arith.constant 0 : i32
    %add3A_303 = arith.addi %add3A_61, %add3A_302 : i32
    %dma_start3A_304 = arith.constant 0 : i32
    %dma_start3A_305 = tpu.memref_slice %arg4[%add3A_303, %dma_start3A_304] : memref<32768x512xf32, #tpu.memory_space<hbm>> -> memref<64x512xf32, #tpu.memory_space<hbm>>
    %dma_start3A_306 = arith.constant 0 : i32
    %dma_start3A_307 = tpu.memref_slice %arg4[%add3A_303, %dma_start3A_306] : memref<32768x512xf32, #tpu.memory_space<hbm>> -> memref<64x512xf32, #tpu.memory_space<hbm>>
    tpu.enqueue_dma source(%arg8 : memref<64x512xf32, #tpu.memory_space<vmem>>) target(%dma_start3A_307 : memref<64x512xf32, #tpu.memory_space<hbm>>) target_semaphore(%arg12 : memref<!tpu.dma_semaphore, #tpu.memory_space<semaphore_mem>>)
    %dma_wait3A_308 = arith.constant 0 : i32
    %dma_wait3A_309 = tpu.memref_slice %arg4[%add3A_303, %dma_wait3A_308] : memref<32768x512xf32, #tpu.memory_space<hbm>> -> memref<64x512xf32, #tpu.memory_space<hbm>>
    %dma_wait3A_310 = arith.constant 0 : i32
    %dma_wait3A_311 = tpu.memref_slice %arg4[%add3A_303, %dma_wait3A_310] : memref<32768x512xf32, #tpu.memory_space<hbm>> -> memref<64x512xf32, #tpu.memory_space<hbm>>
    tpu.wait_dma2 semaphore(%arg12 : memref<!tpu.dma_semaphore, #tpu.memory_space<semaphore_mem>>) src(%arg8 : memref<64x512xf32, #tpu.memory_space<vmem>>) dst(%dma_wait3A_311 : memref<64x512xf32, #tpu.memory_space<hbm>>)
    %add3A_312 = arith.constant 8 : i32
    %add3A_313 = arith.addi %mul3A_58, %add3A_312 : i32
    %add3A_314 = arith.constant 0 : i32
    %add3A_315 = arith.addi %add3A_313, %add3A_314 : i32
    %mul3A_316 = arith.constant 16 : i32
    %mul3A_317 = arith.muli %add3A_315, %mul3A_316 : i32
    %get3A_318 = arith.index_cast %mul3A_317 : i32 to index
    %get3A_319 = tpu.vector_load %arg6[%get3A_318] {strides = array<i32>} : memref<2048xi32, #tpu.memory_space<vmem>>, vector<16xi32>,
    %cumsum3A_320 = arith.constant true
    %cumsum3A_321 = vector.broadcast %cumsum3A_320 : i1 to vector<16xi1>
    %cumsum3A_322 = tpu.scan <sum>, %get3A_319 masked %cumsum3A_321 : vector<16xi32>, vector<16xi1> -> vector<16xi32>
    %add3A_323 = arith.addi %cumsum3A_322, %add3A_287 : vector<16xi32>
    %sub3A_324 = arith.constant 1 : i32
    %sub3A_325 = vector.broadcast %sub3A_324 : i32 to vector<16xi32>
    %sub3A_326 = arith.subi %add3A_323, %sub3A_325 : vector<16xi32>
    %add3A_327 = vector.broadcast %mul3A_56 : i32 to vector<16xi32>
    %add3A_328 = arith.addi %sub3A_326, %add3A_327 : vector<16xi32>
    %swap3A_329 = arith.constant 2 : i32
    %swap3A_330 = arith.index_cast %swap3A_329 : i32 to index
    %swap3A_331 = arith.constant 0 : index
    %swap3A_332 = tpu.vector_load %arg7[%swap3A_330, %swap3A_331] {strides = array<i32>} : memref<16x64xi32, #tpu.memory_space<vmem>>, vector<16xi32>,
    tpu.vector_store %arg7[%swap3A_330, %swap3A_331], %add3A_328 {strides = array<i32>} : memref<16x64xi32, #tpu.memory_space<vmem>>, vector<16xi32>,
    %broadcast_in_dim3A_333 = arith.constant 15 : i32
    %broadcast_in_dim3A_334 = vector.broadcast %broadcast_in_dim3A_333 : i32 to vector<16x1xi32>
    %gather3A_335 = vector.shape_cast %broadcast_in_dim3A_334 : vector<16x1xi32> to vector<16xi32>
    %gather3A_336 = tpu.dynamic_gather %cumsum3A_322[%gather3A_335] in [0] : vector<16xi32>, vector<16xi32> -> vector<16xi32>
    %add3A_337 = arith.addi %add3A_287, %gather3A_336 : vector<16xi32>
    %add3A_338 = arith.constant 8 : i32
    %add3A_339 = arith.addi %mul3A_58, %add3A_338 : i32
    %add3A_340 = arith.constant 1 : i32
    %add3A_341 = arith.addi %add3A_339, %add3A_340 : i32
    %mul3A_342 = arith.constant 16 : i32
    %mul3A_343 = arith.muli %add3A_341, %mul3A_342 : i32
    %get3A_344 = arith.index_cast %mul3A_343 : i32 to index
    %get3A_345 = tpu.vector_load %arg6[%get3A_344] {strides = array<i32>} : memref<2048xi32, #tpu.memory_space<vmem>>, vector<16xi32>,
    %cumsum3A_346 = arith.constant true
    %cumsum3A_347 = vector.broadcast %cumsum3A_346 : i1 to vector<16xi1>
    %cumsum3A_348 = tpu.scan <sum>, %get3A_345 masked %cumsum3A_347 : vector<16xi32>, vector<16xi1> -> vector<16xi32>
    %add3A_349 = arith.addi %cumsum3A_348, %add3A_337 : vector<16xi32>
    %sub3A_350 = arith.constant 1 : i32
    %sub3A_351 = vector.broadcast %sub3A_350 : i32 to vector<16xi32>
    %sub3A_352 = arith.subi %add3A_349, %sub3A_351 : vector<16xi32>
    %add3A_353 = vector.broadcast %mul3A_56 : i32 to vector<16xi32>
    %add3A_354 = arith.addi %sub3A_352, %add3A_353 : vector<16xi32>
    %swap3A_355 = arith.constant 2 : i32
    %swap3A_356 = arith.index_cast %swap3A_355 : i32 to index
    %swap3A_357 = arith.constant 16 : index
    %swap3A_358 = tpu.vector_load %arg7[%swap3A_356, %swap3A_357] {strides = array<i32>} : memref<16x64xi32, #tpu.memory_space<vmem>>, vector<16xi32>,
    tpu.vector_store %arg7[%swap3A_356, %swap3A_357], %add3A_354 {strides = array<i32>} : memref<16x64xi32, #tpu.memory_space<vmem>>, vector<16xi32>,
    %broadcast_in_dim3A_359 = arith.constant 15 : i32
    %broadcast_in_dim3A_360 = vector.broadcast %broadcast_in_dim3A_359 : i32 to vector<16x1xi32>
    %gather3A_361 = vector.shape_cast %broadcast_in_dim3A_360 : vector<16x1xi32> to vector<16xi32>
    %gather3A_362 = tpu.dynamic_gather %cumsum3A_348[%gather3A_361] in [0] : vector<16xi32>, vector<16xi32> -> vector<16xi32>
    %add3A_363 = arith.addi %add3A_337, %gather3A_362 : vector<16xi32>
    %add3A_364 = arith.constant 8 : i32
    %add3A_365 = arith.addi %mul3A_58, %add3A_364 : i32
    %add3A_366 = arith.constant 2 : i32
    %add3A_367 = arith.addi %add3A_365, %add3A_366 : i32
    %mul3A_368 = arith.constant 16 : i32
    %mul3A_369 = arith.muli %add3A_367, %mul3A_368 : i32
    %get3A_370 = arith.index_cast %mul3A_369 : i32 to index
    %get3A_371 = tpu.vector_load %arg6[%get3A_370] {strides = array<i32>} : memref<2048xi32, #tpu.memory_space<vmem>>, vector<16xi32>,
    %cumsum3A_372 = arith.constant true
    %cumsum3A_373 = vector.broadcast %cumsum3A_372 : i1 to vector<16xi1>
    %cumsum3A_374 = tpu.scan <sum>, %get3A_371 masked %cumsum3A_373 : vector<16xi32>, vector<16xi1> -> vector<16xi32>
    %add3A_375 = arith.addi %cumsum3A_374, %add3A_363 : vector<16xi32>
    %sub3A_376 = arith.constant 1 : i32
    %sub3A_377 = vector.broadcast %sub3A_376 : i32 to vector<16xi32>
    %sub3A_378 = arith.subi %add3A_375, %sub3A_377 : vector<16xi32>
    %add3A_379 = vector.broadcast %mul3A_56 : i32 to vector<16xi32>
    %add3A_380 = arith.addi %sub3A_378, %add3A_379 : vector<16xi32>
    %swap3A_381 = arith.constant 2 : i32
    %swap3A_382 = arith.index_cast %swap3A_381 : i32 to index
    %swap3A_383 = arith.constant 32 : index
    %swap3A_384 = tpu.vector_load %arg7[%swap3A_382, %swap3A_383] {strides = array<i32>} : memref<16x64xi32, #tpu.memory_space<vmem>>, vector<16xi32>,
    tpu.vector_store %arg7[%swap3A_382, %swap3A_383], %add3A_380 {strides = array<i32>} : memref<16x64xi32, #tpu.memory_space<vmem>>, vector<16xi32>,
    %broadcast_in_dim3A_385 = arith.constant 15 : i32
    %broadcast_in_dim3A_386 = vector.broadcast %broadcast_in_dim3A_385 : i32 to vector<16x1xi32>
    %gather3A_387 = vector.shape_cast %broadcast_in_dim3A_386 : vector<16x1xi32> to vector<16xi32>
    %gather3A_388 = tpu.dynamic_gather %cumsum3A_374[%gather3A_387] in [0] : vector<16xi32>, vector<16xi32> -> vector<16xi32>
    %add3A_389 = arith.addi %add3A_363, %gather3A_388 : vector<16xi32>
    %add3A_390 = arith.constant 8 : i32
    %add3A_391 = arith.addi %mul3A_58, %add3A_390 : i32
    %add3A_392 = arith.constant 3 : i32
    %add3A_393 = arith.addi %add3A_391, %add3A_392 : i32
    %mul3A_394 = arith.constant 16 : i32
    %mul3A_395 = arith.muli %add3A_393, %mul3A_394 : i32
    %get3A_396 = arith.index_cast %mul3A_395 : i32 to index
    %get3A_397 = tpu.vector_load %arg6[%get3A_396] {strides = array<i32>} : memref<2048xi32, #tpu.memory_space<vmem>>, vector<16xi32>,
    %cumsum3A_398 = arith.constant true
    %cumsum3A_399 = vector.broadcast %cumsum3A_398 : i1 to vector<16xi1>
    %cumsum3A_400 = tpu.scan <sum>, %get3A_397 masked %cumsum3A_399 : vector<16xi32>, vector<16xi1> -> vector<16xi32>
    %add3A_401 = arith.addi %cumsum3A_400, %add3A_389 : vector<16xi32>
    %sub3A_402 = arith.constant 1 : i32
    %sub3A_403 = vector.broadcast %sub3A_402 : i32 to vector<16xi32>
    %sub3A_404 = arith.subi %add3A_401, %sub3A_403 : vector<16xi32>
    %add3A_405 = vector.broadcast %mul3A_56 : i32 to vector<16xi32>
    %add3A_406 = arith.addi %sub3A_404, %add3A_405 : vector<16xi32>
    %swap3A_407 = arith.constant 2 : i32
    %swap3A_408 = arith.index_cast %swap3A_407 : i32 to index
    %swap3A_409 = arith.constant 48 : index
    %swap3A_410 = tpu.vector_load %arg7[%swap3A_408, %swap3A_409] {strides = array<i32>} : memref<16x64xi32, #tpu.memory_space<vmem>>, vector<16xi32>,
    tpu.vector_store %arg7[%swap3A_408, %swap3A_409], %add3A_406 {strides = array<i32>} : memref<16x64xi32, #tpu.memory_space<vmem>>, vector<16xi32>,
    %broadcast_in_dim3A_411 = arith.constant 15 : i32
    %broadcast_in_dim3A_412 = vector.broadcast %broadcast_in_dim3A_411 : i32 to vector<16x1xi32>
    %gather3A_413 = vector.shape_cast %broadcast_in_dim3A_412 : vector<16x1xi32> to vector<16xi32>
    %gather3A_414 = tpu.dynamic_gather %cumsum3A_400[%gather3A_413] in [0] : vector<16xi32>, vector<16xi32> -> vector<16xi32>
    %add3A_415 = arith.addi %add3A_389, %gather3A_414 : vector<16xi32>
    %dma_start3A_416 = arith.constant 2 : i32
    %dma_start3A_417 = arith.constant 0 : i32
    %dma_start3A_418 = tpu.memref_slice %arg7[%dma_start3A_416, %dma_start3A_417] : memref<16x64xi32, #tpu.memory_space<vmem>> -> memref<1x64xi32, #tpu.memory_space<vmem>>
    %dma_start3A_419 = tpu.memref_squeeze %dma_start3A_418 : memref<1x64xi32, #tpu.memory_space<vmem>> -> memref<64xi32, #tpu.memory_space<vmem>>
    %dma_start3A_420 = arith.constant 0 : i32
    %dma_start3A_421 = arith.constant 0 : i32
    %dma_start3A_422 = tpu.memref_slice %arg2[%dma_start3A_420, %dma_start3A_421] : memref<32768x512xf32, #tpu.memory_space<hbm>> -> memref<32768x512xf32, #tpu.memory_space<hbm>>
    tpu.enqueue_indirect_dma source(%dma_start3A_422 : memref<32768x512xf32, #tpu.memory_space<hbm>>) target(%arg8 : memref<64x512xf32, #tpu.memory_space<vmem>>) offsets(%dma_start3A_419 : memref<64xi32, #tpu.memory_space<vmem>>) semaphore(%arg10 : memref<!tpu.dma_semaphore, #tpu.memory_space<semaphore_mem>>)
    %dma_wait3A_423 = arith.constant 1 : i32
    %dma_wait3A_424 = arith.constant 0 : i32
    %dma_wait3A_425 = tpu.memref_slice %arg7[%dma_wait3A_423, %dma_wait3A_424] : memref<16x64xi32, #tpu.memory_space<vmem>> -> memref<1x64xi32, #tpu.memory_space<vmem>>
    %dma_wait3A_426 = tpu.memref_squeeze %dma_wait3A_425 : memref<1x64xi32, #tpu.memory_space<vmem>> -> memref<64xi32, #tpu.memory_space<vmem>>
    %dma_wait3A_427 = arith.constant 0 : i32
    %dma_wait3A_428 = arith.constant 0 : i32
    %dma_wait3A_429 = tpu.memref_slice %arg2[%dma_wait3A_427, %dma_wait3A_428] : memref<32768x512xf32, #tpu.memory_space<hbm>> -> memref<32768x512xf32, #tpu.memory_space<hbm>>
    tpu.wait_indirect_dma semaphore(%arg11 : memref<!tpu.dma_semaphore, #tpu.memory_space<semaphore_mem>>) src(%dma_wait3A_429 : memref<32768x512xf32, #tpu.memory_space<hbm>>) dst(%arg9 : memref<64x512xf32, #tpu.memory_space<vmem>>)
    %add3A_430 = arith.constant 64 : i32
    %add3A_431 = arith.addi %add3A_61, %add3A_430 : i32
    %dma_start3A_432 = arith.constant 0 : i32
    %dma_start3A_433 = tpu.memref_slice %arg4[%add3A_431, %dma_start3A_432] : memref<32768x512xf32, #tpu.memory_space<hbm>> -> memref<64x512xf32, #tpu.memory_space<hbm>>
    %dma_start3A_434 = arith.constant 0 : i32
    %dma_start3A_435 = tpu.memref_slice %arg4[%add3A_431, %dma_start3A_434] : memref<32768x512xf32, #tpu.memory_space<hbm>> -> memref<64x512xf32, #tpu.memory_space<hbm>>
    tpu.enqueue_dma source(%arg9 : memref<64x512xf32, #tpu.memory_space<vmem>>) target(%dma_start3A_435 : memref<64x512xf32, #tpu.memory_space<hbm>>) target_semaphore(%arg13 : memref<!tpu.dma_semaphore, #tpu.memory_space<semaphore_mem>>)
    %dma_wait3A_436 = arith.constant 0 : i32
    %dma_wait3A_437 = tpu.memref_slice %arg4[%add3A_431, %dma_wait3A_436] : memref<32768x512xf32, #tpu.memory_space<hbm>> -> memref<64x512xf32, #tpu.memory_space<hbm>>
    %dma_wait3A_438 = arith.constant 0 : i32
    %dma_wait3A_439 = tpu.memref_slice %arg4[%add3A_431, %dma_wait3A_438] : memref<32768x512xf32, #tpu.memory_space<hbm>> -> memref<64x512xf32, #tpu.memory_space<hbm>>
    tpu.wait_dma2 semaphore(%arg13 : memref<!tpu.dma_semaphore, #tpu.memory_space<semaphore_mem>>) src(%arg9 : memref<64x512xf32, #tpu.memory_space<vmem>>) dst(%dma_wait3A_439 : memref<64x512xf32, #tpu.memory_space<hbm>>)
    %add3A_440 = arith.constant 12 : i32
    %add3A_441 = arith.addi %mul3A_58, %add3A_440 : i32
    %add3A_442 = arith.constant 0 : i32
    %add3A_443 = arith.addi %add3A_441, %add3A_442 : i32
    %mul3A_444 = arith.constant 16 : i32
    %mul3A_445 = arith.muli %add3A_443, %mul3A_444 : i32
    %get3A_446 = arith.index_cast %mul3A_445 : i32 to index
    %get3A_447 = tpu.vector_load %arg6[%get3A_446] {strides = array<i32>} : memref<2048xi32, #tpu.memory_space<vmem>>, vector<16xi32>,
    %cumsum3A_448 = arith.constant true
    %cumsum3A_449 = vector.broadcast %cumsum3A_448 : i1 to vector<16xi1>
    %cumsum3A_450 = tpu.scan <sum>, %get3A_447 masked %cumsum3A_449 : vector<16xi32>, vector<16xi1> -> vector<16xi32>
    %add3A_451 = arith.addi %cumsum3A_450, %add3A_415 : vector<16xi32>
    %sub3A_452 = arith.constant 1 : i32
    %sub3A_453 = vector.broadcast %sub3A_452 : i32 to vector<16xi32>
    %sub3A_454 = arith.subi %add3A_451, %sub3A_453 : vector<16xi32>
    %add3A_455 = vector.broadcast %mul3A_56 : i32 to vector<16xi32>
    %add3A_456 = arith.addi %sub3A_454, %add3A_455 : vector<16xi32>
    %swap3A_457 = arith.constant 3 : i32
    %swap3A_458 = arith.index_cast %swap3A_457 : i32 to index
    %swap3A_459 = arith.constant 0 : index
    %swap3A_460 = tpu.vector_load %arg7[%swap3A_458, %swap3A_459] {strides = array<i32>} : memref<16x64xi32, #tpu.memory_space<vmem>>, vector<16xi32>,
    tpu.vector_store %arg7[%swap3A_458, %swap3A_459], %add3A_456 {strides = array<i32>} : memref<16x64xi32, #tpu.memory_space<vmem>>, vector<16xi32>,
    %broadcast_in_dim3A_461 = arith.constant 15 : i32
    %broadcast_in_dim3A_462 = vector.broadcast %broadcast_in_dim3A_461 : i32 to vector<16x1xi32>
    %gather3A_463 = vector.shape_cast %broadcast_in_dim3A_462 : vector<16x1xi32> to vector<16xi32>
    %gather3A_464 = tpu.dynamic_gather %cumsum3A_450[%gather3A_463] in [0] : vector<16xi32>, vector<16xi32> -> vector<16xi32>
    %add3A_465 = arith.addi %add3A_415, %gather3A_464 : vector<16xi32>
    %add3A_466 = arith.constant 12 : i32
    %add3A_467 = arith.addi %mul3A_58, %add3A_466 : i32
    %add3A_468 = arith.constant 1 : i32
    %add3A_469 = arith.addi %add3A_467, %add3A_468 : i32
    %mul3A_470 = arith.constant 16 : i32
    %mul3A_471 = arith.muli %add3A_469, %mul3A_470 : i32
    %get3A_472 = arith.index_cast %mul3A_471 : i32 to index
    %get3A_473 = tpu.vector_load %arg6[%get3A_472] {strides = array<i32>} : memref<2048xi32, #tpu.memory_space<vmem>>, vector<16xi32>,
    %cumsum3A_474 = arith.constant true
    %cumsum3A_475 = vector.broadcast %cumsum3A_474 : i1 to vector<16xi1>
    %cumsum3A_476 = tpu.scan <sum>, %get3A_473 masked %cumsum3A_475 : vector<16xi32>, vector<16xi1> -> vector<16xi32>
    %add3A_477 = arith.addi %cumsum3A_476, %add3A_465 : vector<16xi32>
    %sub3A_478 = arith.constant 1 : i32
    %sub3A_479 = vector.broadcast %sub3A_478 : i32 to vector<16xi32>
    %sub3A_480 = arith.subi %add3A_477, %sub3A_479 : vector<16xi32>
    %add3A_481 = vector.broadcast %mul3A_56 : i32 to vector<16xi32>
    %add3A_482 = arith.addi %sub3A_480, %add3A_481 : vector<16xi32>
    %swap3A_483 = arith.constant 3 : i32
    %swap3A_484 = arith.index_cast %swap3A_483 : i32 to index
    %swap3A_485 = arith.constant 16 : index
    %swap3A_486 = tpu.vector_load %arg7[%swap3A_484, %swap3A_485] {strides = array<i32>} : memref<16x64xi32, #tpu.memory_space<vmem>>, vector<16xi32>,
    tpu.vector_store %arg7[%swap3A_484, %swap3A_485], %add3A_482 {strides = array<i32>} : memref<16x64xi32, #tpu.memory_space<vmem>>, vector<16xi32>,
    %broadcast_in_dim3A_487 = arith.constant 15 : i32
    %broadcast_in_dim3A_488 = vector.broadcast %broadcast_in_dim3A_487 : i32 to vector<16x1xi32>
    %gather3A_489 = vector.shape_cast %broadcast_in_dim3A_488 : vector<16x1xi32> to vector<16xi32>
    %gather3A_490 = tpu.dynamic_gather %cumsum3A_476[%gather3A_489] in [0] : vector<16xi32>, vector<16xi32> -> vector<16xi32>
    %add3A_491 = arith.addi %add3A_465, %gather3A_490 : vector<16xi32>
    %add3A_492 = arith.constant 12 : i32
    %add3A_493 = arith.addi %mul3A_58, %add3A_492 : i32
    %add3A_494 = arith.constant 2 : i32
    %add3A_495 = arith.addi %add3A_493, %add3A_494 : i32
    %mul3A_496 = arith.constant 16 : i32
    %mul3A_497 = arith.muli %add3A_495, %mul3A_496 : i32
    %get3A_498 = arith.index_cast %mul3A_497 : i32 to index
    %get3A_499 = tpu.vector_load %arg6[%get3A_498] {strides = array<i32>} : memref<2048xi32, #tpu.memory_space<vmem>>, vector<16xi32>,
    %cumsum3A_500 = arith.constant true
    %cumsum3A_501 = vector.broadcast %cumsum3A_500 : i1 to vector<16xi1>
    %cumsum3A_502 = tpu.scan <sum>, %get3A_499 masked %cumsum3A_501 : vector<16xi32>, vector<16xi1> -> vector<16xi32>
    %add3A_503 = arith.addi %cumsum3A_502, %add3A_491 : vector<16xi32>
    %sub3A_504 = arith.constant 1 : i32
    %sub3A_505 = vector.broadcast %sub3A_504 : i32 to vector<16xi32>
    %sub3A_506 = arith.subi %add3A_503, %sub3A_505 : vector<16xi32>
    %add3A_507 = vector.broadcast %mul3A_56 : i32 to vector<16xi32>
    %add3A_508 = arith.addi %sub3A_506, %add3A_507 : vector<16xi32>
    %swap3A_509 = arith.constant 3 : i32
    %swap3A_510 = arith.index_cast %swap3A_509 : i32 to index
    %swap3A_511 = arith.constant 32 : index
    %swap3A_512 = tpu.vector_load %arg7[%swap3A_510, %swap3A_511] {strides = array<i32>} : memref<16x64xi32, #tpu.memory_space<vmem>>, vector<16xi32>,
    tpu.vector_store %arg7[%swap3A_510, %swap3A_511], %add3A_508 {strides = array<i32>} : memref<16x64xi32, #tpu.memory_space<vmem>>, vector<16xi32>,
    %broadcast_in_dim3A_513 = arith.constant 15 : i32
    %broadcast_in_dim3A_514 = vector.broadcast %broadcast_in_dim3A_513 : i32 to vector<16x1xi32>
    %gather3A_515 = vector.shape_cast %broadcast_in_dim3A_514 : vector<16x1xi32> to vector<16xi32>
    %gather3A_516 = tpu.dynamic_gather %cumsum3A_502[%gather3A_515] in [0] : vector<16xi32>, vector<16xi32> -> vector<16xi32>
    %add3A_517 = arith.addi %add3A_491, %gather3A_516 : vector<16xi32>
    %add3A_518 = arith.constant 12 : i32
    %add3A_519 = arith.addi %mul3A_58, %add3A_518 : i32
    %add3A_520 = arith.constant 3 : i32
    %add3A_521 = arith.addi %add3A_519, %add3A_520 : i32
    %mul3A_522 = arith.constant 16 : i32
    %mul3A_523 = arith.muli %add3A_521, %mul3A_522 : i32
    %get3A_524 = arith.index_cast %mul3A_523 : i32 to index
    %get3A_525 = tpu.vector_load %arg6[%get3A_524] {strides = array<i32>} : memref<2048xi32, #tpu.memory_space<vmem>>, vector<16xi32>,
    %cumsum3A_526 = arith.constant true
    %cumsum3A_527 = vector.broadcast %cumsum3A_526 : i1 to vector<16xi1>
    %cumsum3A_528 = tpu.scan <sum>, %get3A_525 masked %cumsum3A_527 : vector<16xi32>, vector<16xi1> -> vector<16xi32>
    %add3A_529 = arith.addi %cumsum3A_528, %add3A_517 : vector<16xi32>
    %sub3A_530 = arith.constant 1 : i32
    %sub3A_531 = vector.broadcast %sub3A_530 : i32 to vector<16xi32>
    %sub3A_532 = arith.subi %add3A_529, %sub3A_531 : vector<16xi32>
    %add3A_533 = vector.broadcast %mul3A_56 : i32 to vector<16xi32>
    %add3A_534 = arith.addi %sub3A_532, %add3A_533 : vector<16xi32>
    %swap3A_535 = arith.constant 3 : i32
    %swap3A_536 = arith.index_cast %swap3A_535 : i32 to index
    %swap3A_537 = arith.constant 48 : index
    %swap3A_538 = tpu.vector_load %arg7[%swap3A_536, %swap3A_537] {strides = array<i32>} : memref<16x64xi32, #tpu.memory_space<vmem>>, vector<16xi32>,
    tpu.vector_store %arg7[%swap3A_536, %swap3A_537], %add3A_534 {strides = array<i32>} : memref<16x64xi32, #tpu.memory_space<vmem>>, vector<16xi32>,
    %broadcast_in_dim3A_539 = arith.constant 15 : i32
    %broadcast_in_dim3A_540 = vector.broadcast %broadcast_in_dim3A_539 : i32 to vector<16x1xi32>
    %gather3A_541 = vector.shape_cast %broadcast_in_dim3A_540 : vector<16x1xi32> to vector<16xi32>
    %gather3A_542 = tpu.dynamic_gather %cumsum3A_528[%gather3A_541] in [0] : vector<16xi32>, vector<16xi32> -> vector<16xi32>
    %add3A_543 = arith.addi %add3A_517, %gather3A_542 : vector<16xi32>
    %dma_start3A_544 = arith.constant 3 : i32
    %dma_start3A_545 = arith.constant 0 : i32
    %dma_start3A_546 = tpu.memref_slice %arg7[%dma_start3A_544, %dma_start3A_545] : memref<16x64xi32, #tpu.memory_space<vmem>> -> memref<1x64xi32, #tpu.memory_space<vmem>>
    %dma_start3A_547 = tpu.memref_squeeze %dma_start3A_546 : memref<1x64xi32, #tpu.memory_space<vmem>> -> memref<64xi32, #tpu.memory_space<vmem>>
    %dma_start3A_548 = arith.constant 0 : i32
    %dma_start3A_549 = arith.constant 0 : i32
    %dma_start3A_550 = tpu.memref_slice %arg2[%dma_start3A_548, %dma_start3A_549] : memref<32768x512xf32, #tpu.memory_space<hbm>> -> memref<32768x512xf32, #tpu.memory_space<hbm>>
    tpu.enqueue_indirect_dma source(%dma_start3A_550 : memref<32768x512xf32, #tpu.memory_space<hbm>>) target(%arg9 : memref<64x512xf32, #tpu.memory_space<vmem>>) offsets(%dma_start3A_547 : memref<64xi32, #tpu.memory_space<vmem>>) semaphore(%arg11 : memref<!tpu.dma_semaphore, #tpu.memory_space<semaphore_mem>>)
    %dma_wait3A_551 = arith.constant 2 : i32
    %dma_wait3A_552 = arith.constant 0 : i32
    %dma_wait3A_553 = tpu.memref_slice %arg7[%dma_wait3A_551, %dma_wait3A_552] : memref<16x64xi32, #tpu.memory_space<vmem>> -> memref<1x64xi32, #tpu.memory_space<vmem>>
    %dma_wait3A_554 = tpu.memref_squeeze %dma_wait3A_553 : memref<1x64xi32, #tpu.memory_space<vmem>> -> memref<64xi32, #tpu.memory_space<vmem>>
    %dma_wait3A_555 = arith.constant 0 : i32
    %dma_wait3A_556 = arith.constant 0 : i32
    %dma_wait3A_557 = tpu.memref_slice %arg2[%dma_wait3A_555, %dma_wait3A_556] : memref<32768x512xf32, #tpu.memory_space<hbm>> -> memref<32768x512xf32, #tpu.memory_space<hbm>>
    tpu.wait_indirect_dma semaphore(%arg10 : memref<!tpu.dma_semaphore, #tpu.memory_space<semaphore_mem>>) src(%dma_wait3A_557 : memref<32768x512xf32, #tpu.memory_space<hbm>>) dst(%arg8 : memref<64x512xf32, #tpu.memory_space<vmem>>)
    %add3A_558 = arith.constant 128 : i32
    %add3A_559 = arith.addi %add3A_61, %add3A_558 : i32
    %dma_start3A_560 = arith.constant 0 : i32
    %dma_start3A_561 = tpu.memref_slice %arg4[%add3A_559, %dma_start3A_560] : memref<32768x512xf32, #tpu.memory_space<hbm>> -> memref<64x512xf32, #tpu.memory_space<hbm>>
    %dma_start3A_562 = arith.constant 0 : i32
    %dma_start3A_563 = tpu.memref_slice %arg4[%add3A_559, %dma_start3A_562] : memref<32768x512xf32, #tpu.memory_space<hbm>> -> memref<64x512xf32, #tpu.memory_space<hbm>>
    tpu.enqueue_dma source(%arg8 : memref<64x512xf32, #tpu.memory_space<vmem>>) target(%dma_start3A_563 : memref<64x512xf32, #tpu.memory_space<hbm>>) target_semaphore(%arg12 : memref<!tpu.dma_semaphore, #tpu.memory_space<semaphore_mem>>)
    %dma_wait3A_564 = arith.constant 0 : i32
    %dma_wait3A_565 = tpu.memref_slice %arg4[%add3A_559, %dma_wait3A_564] : memref<32768x512xf32, #tpu.memory_space<hbm>> -> memref<64x512xf32, #tpu.memory_space<hbm>>
    %dma_wait3A_566 = arith.constant 0 : i32
    %dma_wait3A_567 = tpu.memref_slice %arg4[%add3A_559, %dma_wait3A_566] : memref<32768x512xf32, #tpu.memory_space<hbm>> -> memref<64x512xf32, #tpu.memory_space<hbm>>
    tpu.wait_dma2 semaphore(%arg12 : memref<!tpu.dma_semaphore, #tpu.memory_space<semaphore_mem>>) src(%arg8 : memref<64x512xf32, #tpu.memory_space<vmem>>) dst(%dma_wait3A_567 : memref<64x512xf32, #tpu.memory_space<hbm>>)
    %add3A_568 = arith.constant 16 : i32
    %add3A_569 = arith.addi %mul3A_58, %add3A_568 : i32
    %add3A_570 = arith.constant 0 : i32
    %add3A_571 = arith.addi %add3A_569, %add3A_570 : i32
    %mul3A_572 = arith.constant 16 : i32
    %mul3A_573 = arith.muli %add3A_571, %mul3A_572 : i32
    %get3A_574 = arith.index_cast %mul3A_573 : i32 to index
    %get3A_575 = tpu.vector_load %arg6[%get3A_574] {strides = array<i32>} : memref<2048xi32, #tpu.memory_space<vmem>>, vector<16xi32>,
    %cumsum3A_576 = arith.constant true
    %cumsum3A_577 = vector.broadcast %cumsum3A_576 : i1 to vector<16xi1>
    %cumsum3A_578 = tpu.scan <sum>, %get3A_575 masked %cumsum3A_577 : vector<16xi32>, vector<16xi1> -> vector<16xi32>
    %add3A_579 = arith.addi %cumsum3A_578, %add3A_543 : vector<16xi32>
    %sub3A_580 = arith.constant 1 : i32
    %sub3A_581 = vector.broadcast %sub3A_580 : i32 to vector<16xi32>
    %sub3A_582 = arith.subi %add3A_579, %sub3A_581 : vector<16xi32>
    %add3A_583 = vector.broadcast %mul3A_56 : i32 to vector<16xi32>
    %add3A_584 = arith.addi %sub3A_582, %add3A_583 : vector<16xi32>
    %swap3A_585 = arith.constant 4 : i32
    %swap3A_586 = arith.index_cast %swap3A_585 : i32 to index
    %swap3A_587 = arith.constant 0 : index
    %swap3A_588 = tpu.vector_load %arg7[%swap3A_586, %swap3A_587] {strides = array<i32>} : memref<16x64xi32, #tpu.memory_space<vmem>>, vector<16xi32>,
    tpu.vector_store %arg7[%swap3A_586, %swap3A_587], %add3A_584 {strides = array<i32>} : memref<16x64xi32, #tpu.memory_space<vmem>>, vector<16xi32>,
    %broadcast_in_dim3A_589 = arith.constant 15 : i32
    %broadcast_in_dim3A_590 = vector.broadcast %broadcast_in_dim3A_589 : i32 to vector<16x1xi32>
    %gather3A_591 = vector.shape_cast %broadcast_in_dim3A_590 : vector<16x1xi32> to vector<16xi32>
    %gather3A_592 = tpu.dynamic_gather %cumsum3A_578[%gather3A_591] in [0] : vector<16xi32>, vector<16xi32> -> vector<16xi32>
    %add3A_593 = arith.addi %add3A_543, %gather3A_592 : vector<16xi32>
    %add3A_594 = arith.constant 16 : i32
    %add3A_595 = arith.addi %mul3A_58, %add3A_594 : i32
    %add3A_596 = arith.constant 1 : i32
    %add3A_597 = arith.addi %add3A_595, %add3A_596 : i32
    %mul3A_598 = arith.constant 16 : i32
    %mul3A_599 = arith.muli %add3A_597, %mul3A_598 : i32
    %get3A_600 = arith.index_cast %mul3A_599 : i32 to index
    %get3A_601 = tpu.vector_load %arg6[%get3A_600] {strides = array<i32>} : memref<2048xi32, #tpu.memory_space<vmem>>, vector<16xi32>,
    %cumsum3A_602 = arith.constant true
    %cumsum3A_603 = vector.broadcast %cumsum3A_602 : i1 to vector<16xi1>
    %cumsum3A_604 = tpu.scan <sum>, %get3A_601 masked %cumsum3A_603 : vector<16xi32>, vector<16xi1> -> vector<16xi32>
    %add3A_605 = arith.addi %cumsum3A_604, %add3A_593 : vector<16xi32>
    %sub3A_606 = arith.constant 1 : i32
    %sub3A_607 = vector.broadcast %sub3A_606 : i32 to vector<16xi32>
    %sub3A_608 = arith.subi %add3A_605, %sub3A_607 : vector<16xi32>
    %add3A_609 = vector.broadcast %mul3A_56 : i32 to vector<16xi32>
    %add3A_610 = arith.addi %sub3A_608, %add3A_609 : vector<16xi32>
    %swap3A_611 = arith.constant 4 : i32
    %swap3A_612 = arith.index_cast %swap3A_611 : i32 to index
    %swap3A_613 = arith.constant 16 : index
    %swap3A_614 = tpu.vector_load %arg7[%swap3A_612, %swap3A_613] {strides = array<i32>} : memref<16x64xi32, #tpu.memory_space<vmem>>, vector<16xi32>,
    tpu.vector_store %arg7[%swap3A_612, %swap3A_613], %add3A_610 {strides = array<i32>} : memref<16x64xi32, #tpu.memory_space<vmem>>, vector<16xi32>,
    %broadcast_in_dim3A_615 = arith.constant 15 : i32
    %broadcast_in_dim3A_616 = vector.broadcast %broadcast_in_dim3A_615 : i32 to vector<16x1xi32>
    %gather3A_617 = vector.shape_cast %broadcast_in_dim3A_616 : vector<16x1xi32> to vector<16xi32>
    %gather3A_618 = tpu.dynamic_gather %cumsum3A_604[%gather3A_617] in [0] : vector<16xi32>, vector<16xi32> -> vector<16xi32>
    %add3A_619 = arith.addi %add3A_593, %gather3A_618 : vector<16xi32>
    %add3A_620 = arith.constant 16 : i32
    %add3A_621 = arith.addi %mul3A_58, %add3A_620 : i32
    %add3A_622 = arith.constant 2 : i32
    %add3A_623 = arith.addi %add3A_621, %add3A_622 : i32
    %mul3A_624 = arith.constant 16 : i32
    %mul3A_625 = arith.muli %add3A_623, %mul3A_624 : i32
    %get3A_626 = arith.index_cast %mul3A_625 : i32 to index
    %get3A_627 = tpu.vector_load %arg6[%get3A_626] {strides = array<i32>} : memref<2048xi32, #tpu.memory_space<vmem>>, vector<16xi32>,
    %cumsum3A_628 = arith.constant true
    %cumsum3A_629 = vector.broadcast %cumsum3A_628 : i1 to vector<16xi1>
    %cumsum3A_630 = tpu.scan <sum>, %get3A_627 masked %cumsum3A_629 : vector<16xi32>, vector<16xi1> -> vector<16xi32>
    %add3A_631 = arith.addi %cumsum3A_630, %add3A_619 : vector<16xi32>
    %sub3A_632 = arith.constant 1 : i32
    %sub3A_633 = vector.broadcast %sub3A_632 : i32 to vector<16xi32>
    %sub3A_634 = arith.subi %add3A_631, %sub3A_633 : vector<16xi32>
    %add3A_635 = vector.broadcast %mul3A_56 : i32 to vector<16xi32>
    %add3A_636 = arith.addi %sub3A_634, %add3A_635 : vector<16xi32>
    %swap3A_637 = arith.constant 4 : i32
    %swap3A_638 = arith.index_cast %swap3A_637 : i32 to index
    %swap3A_639 = arith.constant 32 : index
    %swap3A_640 = tpu.vector_load %arg7[%swap3A_638, %swap3A_639] {strides = array<i32>} : memref<16x64xi32, #tpu.memory_space<vmem>>, vector<16xi32>,
    tpu.vector_store %arg7[%swap3A_638, %swap3A_639], %add3A_636 {strides = array<i32>} : memref<16x64xi32, #tpu.memory_space<vmem>>, vector<16xi32>,
    %broadcast_in_dim3A_641 = arith.constant 15 : i32
    %broadcast_in_dim3A_642 = vector.broadcast %broadcast_in_dim3A_641 : i32 to vector<16x1xi32>
    %gather3A_643 = vector.shape_cast %broadcast_in_dim3A_642 : vector<16x1xi32> to vector<16xi32>
    %gather3A_644 = tpu.dynamic_gather %cumsum3A_630[%gather3A_643] in [0] : vector<16xi32>, vector<16xi32> -> vector<16xi32>
    %add3A_645 = arith.addi %add3A_619, %gather3A_644 : vector<16xi32>
    %add3A_646 = arith.constant 16 : i32
    %add3A_647 = arith.addi %mul3A_58, %add3A_646 : i32
    %add3A_648 = arith.constant 3 : i32
    %add3A_649 = arith.addi %add3A_647, %add3A_648 : i32
    %mul3A_650 = arith.constant 16 : i32
    %mul3A_651 = arith.muli %add3A_649, %mul3A_650 : i32
    %get3A_652 = arith.index_cast %mul3A_651 : i32 to index
    %get3A_653 = tpu.vector_load %arg6[%get3A_652] {strides = array<i32>} : memref<2048xi32, #tpu.memory_space<vmem>>, vector<16xi32>,
    %cumsum3A_654 = arith.constant true
    %cumsum3A_655 = vector.broadcast %cumsum3A_654 : i1 to vector<16xi1>
    %cumsum3A_656 = tpu.scan <sum>, %get3A_653 masked %cumsum3A_655 : vector<16xi32>, vector<16xi1> -> vector<16xi32>
    %add3A_657 = arith.addi %cumsum3A_656, %add3A_645 : vector<16xi32>
    %sub3A_658 = arith.constant 1 : i32
    %sub3A_659 = vector.broadcast %sub3A_658 : i32 to vector<16xi32>
    %sub3A_660 = arith.subi %add3A_657, %sub3A_659 : vector<16xi32>
    %add3A_661 = vector.broadcast %mul3A_56 : i32 to vector<16xi32>
    %add3A_662 = arith.addi %sub3A_660, %add3A_661 : vector<16xi32>
    %swap3A_663 = arith.constant 4 : i32
    %swap3A_664 = arith.index_cast %swap3A_663 : i32 to index
    %swap3A_665 = arith.constant 48 : index
    %swap3A_666 = tpu.vector_load %arg7[%swap3A_664, %swap3A_665] {strides = array<i32>} : memref<16x64xi32, #tpu.memory_space<vmem>>, vector<16xi32>,
    tpu.vector_store %arg7[%swap3A_664, %swap3A_665], %add3A_662 {strides = array<i32>} : memref<16x64xi32, #tpu.memory_space<vmem>>, vector<16xi32>,
    %broadcast_in_dim3A_667 = arith.constant 15 : i32
    %broadcast_in_dim3A_668 = vector.broadcast %broadcast_in_dim3A_667 : i32 to vector<16x1xi32>
    %gather3A_669 = vector.shape_cast %broadcast_in_dim3A_668 : vector<16x1xi32> to vector<16xi32>
    %gather3A_670 = tpu.dynamic_gather %cumsum3A_656[%gather3A_669] in [0] : vector<16xi32>, vector<16xi32> -> vector<16xi32>
    %add3A_671 = arith.addi %add3A_645, %gather3A_670 : vector<16xi32>
    %dma_start3A_672 = arith.constant 4 : i32
    %dma_start3A_673 = arith.constant 0 : i32
    %dma_start3A_674 = tpu.memref_slice %arg7[%dma_start3A_672, %dma_start3A_673] : memref<16x64xi32, #tpu.memory_space<vmem>> -> memref<1x64xi32, #tpu.memory_space<vmem>>
    %dma_start3A_675 = tpu.memref_squeeze %dma_start3A_674 : memref<1x64xi32, #tpu.memory_space<vmem>> -> memref<64xi32, #tpu.memory_space<vmem>>
    %dma_start3A_676 = arith.constant 0 : i32
    %dma_start3A_677 = arith.constant 0 : i32
    %dma_start3A_678 = tpu.memref_slice %arg2[%dma_start3A_676, %dma_start3A_677] : memref<32768x512xf32, #tpu.memory_space<hbm>> -> memref<32768x512xf32, #tpu.memory_space<hbm>>
    tpu.enqueue_indirect_dma source(%dma_start3A_678 : memref<32768x512xf32, #tpu.memory_space<hbm>>) target(%arg8 : memref<64x512xf32, #tpu.memory_space<vmem>>) offsets(%dma_start3A_675 : memref<64xi32, #tpu.memory_space<vmem>>) semaphore(%arg10 : memref<!tpu.dma_semaphore, #tpu.memory_space<semaphore_mem>>)
    %dma_wait3A_679 = arith.constant 3 : i32
    %dma_wait3A_680 = arith.constant 0 : i32
    %dma_wait3A_681 = tpu.memref_slice %arg7[%dma_wait3A_679, %dma_wait3A_680] : memref<16x64xi32, #tpu.memory_space<vmem>> -> memref<1x64xi32, #tpu.memory_space<vmem>>
    %dma_wait3A_682 = tpu.memref_squeeze %dma_wait3A_681 : memref<1x64xi32, #tpu.memory_space<vmem>> -> memref<64xi32, #tpu.memory_space<vmem>>
    %dma_wait3A_683 = arith.constant 0 : i32
    %dma_wait3A_684 = arith.constant 0 : i32
    %dma_wait3A_685 = tpu.memref_slice %arg2[%dma_wait3A_683, %dma_wait3A_684] : memref<32768x512xf32, #tpu.memory_space<hbm>> -> memref<32768x512xf32, #tpu.memory_space<hbm>>
    tpu.wait_indirect_dma semaphore(%arg11 : memref<!tpu.dma_semaphore, #tpu.memory_space<semaphore_mem>>) src(%dma_wait3A_685 : memref<32768x512xf32, #tpu.memory_space<hbm>>) dst(%arg9 : memref<64x512xf32, #tpu.memory_space<vmem>>)
    %add3A_686 = arith.constant 192 : i32
    %add3A_687 = arith.addi %add3A_61, %add3A_686 : i32
    %dma_start3A_688 = arith.constant 0 : i32
    %dma_start3A_689 = tpu.memref_slice %arg4[%add3A_687, %dma_start3A_688] : memref<32768x512xf32, #tpu.memory_space<hbm>> -> memref<64x512xf32, #tpu.memory_space<hbm>>
    %dma_start3A_690 = arith.constant 0 : i32
    %dma_start3A_691 = tpu.memref_slice %arg4[%add3A_687, %dma_start3A_690] : memref<32768x512xf32, #tpu.memory_space<hbm>> -> memref<64x512xf32, #tpu.memory_space<hbm>>
    tpu.enqueue_dma source(%arg9 : memref<64x512xf32, #tpu.memory_space<vmem>>) target(%dma_start3A_691 : memref<64x512xf32, #tpu.memory_space<hbm>>) target_semaphore(%arg13 : memref<!tpu.dma_semaphore, #tpu.memory_space<semaphore_mem>>)
    %dma_wait3A_692 = arith.constant 0 : i32
    %dma_wait3A_693 = tpu.memref_slice %arg4[%add3A_687, %dma_wait3A_692] : memref<32768x512xf32, #tpu.memory_space<hbm>> -> memref<64x512xf32, #tpu.memory_space<hbm>>
    %dma_wait3A_694 = arith.constant 0 : i32
    %dma_wait3A_695 = tpu.memref_slice %arg4[%add3A_687, %dma_wait3A_694] : memref<32768x512xf32, #tpu.memory_space<hbm>> -> memref<64x512xf32, #tpu.memory_space<hbm>>
    tpu.wait_dma2 semaphore(%arg13 : memref<!tpu.dma_semaphore, #tpu.memory_space<semaphore_mem>>) src(%arg9 : memref<64x512xf32, #tpu.memory_space<vmem>>) dst(%dma_wait3A_695 : memref<64x512xf32, #tpu.memory_space<hbm>>)
    %add3A_696 = arith.constant 20 : i32
    %add3A_697 = arith.addi %mul3A_58, %add3A_696 : i32
    %add3A_698 = arith.constant 0 : i32
    %add3A_699 = arith.addi %add3A_697, %add3A_698 : i32
    %mul3A_700 = arith.constant 16 : i32
    %mul3A_701 = arith.muli %add3A_699, %mul3A_700 : i32
    %get3A_702 = arith.index_cast %mul3A_701 : i32 to index
    %get3A_703 = tpu.vector_load %arg6[%get3A_702] {strides = array<i32>} : memref<2048xi32, #tpu.memory_space<vmem>>, vector<16xi32>,
    %cumsum3A_704 = arith.constant true
    %cumsum3A_705 = vector.broadcast %cumsum3A_704 : i1 to vector<16xi1>
    %cumsum3A_706 = tpu.scan <sum>, %get3A_703 masked %cumsum3A_705 : vector<16xi32>, vector<16xi1> -> vector<16xi32>
    %add3A_707 = arith.addi %cumsum3A_706, %add3A_671 : vector<16xi32>
    %sub3A_708 = arith.constant 1 : i32
    %sub3A_709 = vector.broadcast %sub3A_708 : i32 to vector<16xi32>
    %sub3A_710 = arith.subi %add3A_707, %sub3A_709 : vector<16xi32>
    %add3A_711 = vector.broadcast %mul3A_56 : i32 to vector<16xi32>
    %add3A_712 = arith.addi %sub3A_710, %add3A_711 : vector<16xi32>
    %swap3A_713 = arith.constant 5 : i32
    %swap3A_714 = arith.index_cast %swap3A_713 : i32 to index
    %swap3A_715 = arith.constant 0 : index
    %swap3A_716 = tpu.vector_load %arg7[%swap3A_714, %swap3A_715] {strides = array<i32>} : memref<16x64xi32, #tpu.memory_space<vmem>>, vector<16xi32>,
    tpu.vector_store %arg7[%swap3A_714, %swap3A_715], %add3A_712 {strides = array<i32>} : memref<16x64xi32, #tpu.memory_space<vmem>>, vector<16xi32>,
    %broadcast_in_dim3A_717 = arith.constant 15 : i32
    %broadcast_in_dim3A_718 = vector.broadcast %broadcast_in_dim3A_717 : i32 to vector<16x1xi32>
    %gather3A_719 = vector.shape_cast %broadcast_in_dim3A_718 : vector<16x1xi32> to vector<16xi32>
    %gather3A_720 = tpu.dynamic_gather %cumsum3A_706[%gather3A_719] in [0] : vector<16xi32>, vector<16xi32> -> vector<16xi32>
    %add3A_721 = arith.addi %add3A_671, %gather3A_720 : vector<16xi32>
    %add3A_722 = arith.constant 20 : i32
    %add3A_723 = arith.addi %mul3A_58, %add3A_722 : i32
    %add3A_724 = arith.constant 1 : i32
    %add3A_725 = arith.addi %add3A_723, %add3A_724 : i32
    %mul3A_726 = arith.constant 16 : i32
    %mul3A_727 = arith.muli %add3A_725, %mul3A_726 : i32
    %get3A_728 = arith.index_cast %mul3A_727 : i32 to index
    %get3A_729 = tpu.vector_load %arg6[%get3A_728] {strides = array<i32>} : memref<2048xi32, #tpu.memory_space<vmem>>, vector<16xi32>,
    %cumsum3A_730 = arith.constant true
    %cumsum3A_731 = vector.broadcast %cumsum3A_730 : i1 to vector<16xi1>
    %cumsum3A_732 = tpu.scan <sum>, %get3A_729 masked %cumsum3A_731 : vector<16xi32>, vector<16xi1> -> vector<16xi32>
    %add3A_733 = arith.addi %cumsum3A_732, %add3A_721 : vector<16xi32>
    %sub3A_734 = arith.constant 1 : i32
    %sub3A_735 = vector.broadcast %sub3A_734 : i32 to vector<16xi32>
    %sub3A_736 = arith.subi %add3A_733, %sub3A_735 : vector<16xi32>
    %add3A_737 = vector.broadcast %mul3A_56 : i32 to vector<16xi32>
    %add3A_738 = arith.addi %sub3A_736, %add3A_737 : vector<16xi32>
    %swap3A_739 = arith.constant 5 : i32
    %swap3A_740 = arith.index_cast %swap3A_739 : i32 to index
    %swap3A_741 = arith.constant 16 : index
    %swap3A_742 = tpu.vector_load %arg7[%swap3A_740, %swap3A_741] {strides = array<i32>} : memref<16x64xi32, #tpu.memory_space<vmem>>, vector<16xi32>,
    tpu.vector_store %arg7[%swap3A_740, %swap3A_741], %add3A_738 {strides = array<i32>} : memref<16x64xi32, #tpu.memory_space<vmem>>, vector<16xi32>,
    %broadcast_in_dim3A_743 = arith.constant 15 : i32
    %broadcast_in_dim3A_744 = vector.broadcast %broadcast_in_dim3A_743 : i32 to vector<16x1xi32>
    %gather3A_745 = vector.shape_cast %broadcast_in_dim3A_744 : vector<16x1xi32> to vector<16xi32>
    %gather3A_746 = tpu.dynamic_gather %cumsum3A_732[%gather3A_745] in [0] : vector<16xi32>, vector<16xi32> -> vector<16xi32>
    %add3A_747 = arith.addi %add3A_721, %gather3A_746 : vector<16xi32>
    %add3A_748 = arith.constant 20 : i32
    %add3A_749 = arith.addi %mul3A_58, %add3A_748 : i32
    %add3A_750 = arith.constant 2 : i32
    %add3A_751 = arith.addi %add3A_749, %add3A_750 : i32
    %mul3A_752 = arith.constant 16 : i32
    %mul3A_753 = arith.muli %add3A_751, %mul3A_752 : i32
    %get3A_754 = arith.index_cast %mul3A_753 : i32 to index
    %get3A_755 = tpu.vector_load %arg6[%get3A_754] {strides = array<i32>} : memref<2048xi32, #tpu.memory_space<vmem>>, vector<16xi32>,
    %cumsum3A_756 = arith.constant true
    %cumsum3A_757 = vector.broadcast %cumsum3A_756 : i1 to vector<16xi1>
    %cumsum3A_758 = tpu.scan <sum>, %get3A_755 masked %cumsum3A_757 : vector<16xi32>, vector<16xi1> -> vector<16xi32>
    %add3A_759 = arith.addi %cumsum3A_758, %add3A_747 : vector<16xi32>
    %sub3A_760 = arith.constant 1 : i32
    %sub3A_761 = vector.broadcast %sub3A_760 : i32 to vector<16xi32>
    %sub3A_762 = arith.subi %add3A_759, %sub3A_761 : vector<16xi32>
    %add3A_763 = vector.broadcast %mul3A_56 : i32 to vector<16xi32>
    %add3A_764 = arith.addi %sub3A_762, %add3A_763 : vector<16xi32>
    %swap3A_765 = arith.constant 5 : i32
    %swap3A_766 = arith.index_cast %swap3A_765 : i32 to index
    %swap3A_767 = arith.constant 32 : index
    %swap3A_768 = tpu.vector_load %arg7[%swap3A_766, %swap3A_767] {strides = array<i32>} : memref<16x64xi32, #tpu.memory_space<vmem>>, vector<16xi32>,
    tpu.vector_store %arg7[%swap3A_766, %swap3A_767], %add3A_764 {strides = array<i32>} : memref<16x64xi32, #tpu.memory_space<vmem>>, vector<16xi32>,
    %broadcast_in_dim3A_769 = arith.constant 15 : i32
    %broadcast_in_dim3A_770 = vector.broadcast %broadcast_in_dim3A_769 : i32 to vector<16x1xi32>
    %gather3A_771 = vector.shape_cast %broadcast_in_dim3A_770 : vector<16x1xi32> to vector<16xi32>
    %gather3A_772 = tpu.dynamic_gather %cumsum3A_758[%gather3A_771] in [0] : vector<16xi32>, vector<16xi32> -> vector<16xi32>
    %add3A_773 = arith.addi %add3A_747, %gather3A_772 : vector<16xi32>
    %add3A_774 = arith.constant 20 : i32
    %add3A_775 = arith.addi %mul3A_58, %add3A_774 : i32
    %add3A_776 = arith.constant 3 : i32
    %add3A_777 = arith.addi %add3A_775, %add3A_776 : i32
    %mul3A_778 = arith.constant 16 : i32
    %mul3A_779 = arith.muli %add3A_777, %mul3A_778 : i32
    %get3A_780 = arith.index_cast %mul3A_779 : i32 to index
    %get3A_781 = tpu.vector_load %arg6[%get3A_780] {strides = array<i32>} : memref<2048xi32, #tpu.memory_space<vmem>>, vector<16xi32>,
    %cumsum3A_782 = arith.constant true
    %cumsum3A_783 = vector.broadcast %cumsum3A_782 : i1 to vector<16xi1>
    %cumsum3A_784 = tpu.scan <sum>, %get3A_781 masked %cumsum3A_783 : vector<16xi32>, vector<16xi1> -> vector<16xi32>
    %add3A_785 = arith.addi %cumsum3A_784, %add3A_773 : vector<16xi32>
    %sub3A_786 = arith.constant 1 : i32
    %sub3A_787 = vector.broadcast %sub3A_786 : i32 to vector<16xi32>
    %sub3A_788 = arith.subi %add3A_785, %sub3A_787 : vector<16xi32>
    %add3A_789 = vector.broadcast %mul3A_56 : i32 to vector<16xi32>
    %add3A_790 = arith.addi %sub3A_788, %add3A_789 : vector<16xi32>
    %swap3A_791 = arith.constant 5 : i32
    %swap3A_792 = arith.index_cast %swap3A_791 : i32 to index
    %swap3A_793 = arith.constant 48 : index
    %swap3A_794 = tpu.vector_load %arg7[%swap3A_792, %swap3A_793] {strides = array<i32>} : memref<16x64xi32, #tpu.memory_space<vmem>>, vector<16xi32>,
    tpu.vector_store %arg7[%swap3A_792, %swap3A_793], %add3A_790 {strides = array<i32>} : memref<16x64xi32, #tpu.memory_space<vmem>>, vector<16xi32>,
    %broadcast_in_dim3A_795 = arith.constant 15 : i32
    %broadcast_in_dim3A_796 = vector.broadcast %broadcast_in_dim3A_795 : i32 to vector<16x1xi32>
    %gather3A_797 = vector.shape_cast %broadcast_in_dim3A_796 : vector<16x1xi32> to vector<16xi32>
    %gather3A_798 = tpu.dynamic_gather %cumsum3A_784[%gather3A_797] in [0] : vector<16xi32>, vector<16xi32> -> vector<16xi32>
    %add3A_799 = arith.addi %add3A_773, %gather3A_798 : vector<16xi32>
    %dma_start3A_800 = arith.constant 5 : i32
    %dma_start3A_801 = arith.constant 0 : i32
    %dma_start3A_802 = tpu.memref_slice %arg7[%dma_start3A_800, %dma_start3A_801] : memref<16x64xi32, #tpu.memory_space<vmem>> -> memref<1x64xi32, #tpu.memory_space<vmem>>
    %dma_start3A_803 = tpu.memref_squeeze %dma_start3A_802 : memref<1x64xi32, #tpu.memory_space<vmem>> -> memref<64xi32, #tpu.memory_space<vmem>>
    %dma_start3A_804 = arith.constant 0 : i32
    %dma_start3A_805 = arith.constant 0 : i32
    %dma_start3A_806 = tpu.memref_slice %arg2[%dma_start3A_804, %dma_start3A_805] : memref<32768x512xf32, #tpu.memory_space<hbm>> -> memref<32768x512xf32, #tpu.memory_space<hbm>>
    tpu.enqueue_indirect_dma source(%dma_start3A_806 : memref<32768x512xf32, #tpu.memory_space<hbm>>) target(%arg9 : memref<64x512xf32, #tpu.memory_space<vmem>>) offsets(%dma_start3A_803 : memref<64xi32, #tpu.memory_space<vmem>>) semaphore(%arg11 : memref<!tpu.dma_semaphore, #tpu.memory_space<semaphore_mem>>)
    %dma_wait3A_807 = arith.constant 4 : i32
    %dma_wait3A_808 = arith.constant 0 : i32
    %dma_wait3A_809 = tpu.memref_slice %arg7[%dma_wait3A_807, %dma_wait3A_808] : memref<16x64xi32, #tpu.memory_space<vmem>> -> memref<1x64xi32, #tpu.memory_space<vmem>>
    %dma_wait3A_810 = tpu.memref_squeeze %dma_wait3A_809 : memref<1x64xi32, #tpu.memory_space<vmem>> -> memref<64xi32, #tpu.memory_space<vmem>>
    %dma_wait3A_811 = arith.constant 0 : i32
    %dma_wait3A_812 = arith.constant 0 : i32
    %dma_wait3A_813 = tpu.memref_slice %arg2[%dma_wait3A_811, %dma_wait3A_812] : memref<32768x512xf32, #tpu.memory_space<hbm>> -> memref<32768x512xf32, #tpu.memory_space<hbm>>
    tpu.wait_indirect_dma semaphore(%arg10 : memref<!tpu.dma_semaphore, #tpu.memory_space<semaphore_mem>>) src(%dma_wait3A_813 : memref<32768x512xf32, #tpu.memory_space<hbm>>) dst(%arg8 : memref<64x512xf32, #tpu.memory_space<vmem>>)
    %add3A_814 = arith.constant 256 : i32
    %add3A_815 = arith.addi %add3A_61, %add3A_814 : i32
    %dma_start3A_816 = arith.constant 0 : i32
    %dma_start3A_817 = tpu.memref_slice %arg4[%add3A_815, %dma_start3A_816] : memref<32768x512xf32, #tpu.memory_space<hbm>> -> memref<64x512xf32, #tpu.memory_space<hbm>>
    %dma_start3A_818 = arith.constant 0 : i32
    %dma_start3A_819 = tpu.memref_slice %arg4[%add3A_815, %dma_start3A_818] : memref<32768x512xf32, #tpu.memory_space<hbm>> -> memref<64x512xf32, #tpu.memory_space<hbm>>
    tpu.enqueue_dma source(%arg8 : memref<64x512xf32, #tpu.memory_space<vmem>>) target(%dma_start3A_819 : memref<64x512xf32, #tpu.memory_space<hbm>>) target_semaphore(%arg12 : memref<!tpu.dma_semaphore, #tpu.memory_space<semaphore_mem>>)
    %dma_wait3A_820 = arith.constant 0 : i32
    %dma_wait3A_821 = tpu.memref_slice %arg4[%add3A_815, %dma_wait3A_820] : memref<32768x512xf32, #tpu.memory_space<hbm>> -> memref<64x512xf32, #tpu.memory_space<hbm>>
    %dma_wait3A_822 = arith.constant 0 : i32
    %dma_wait3A_823 = tpu.memref_slice %arg4[%add3A_815, %dma_wait3A_822] : memref<32768x512xf32, #tpu.memory_space<hbm>> -> memref<64x512xf32, #tpu.memory_space<hbm>>
    tpu.wait_dma2 semaphore(%arg12 : memref<!tpu.dma_semaphore, #tpu.memory_space<semaphore_mem>>) src(%arg8 : memref<64x512xf32, #tpu.memory_space<vmem>>) dst(%dma_wait3A_823 : memref<64x512xf32, #tpu.memory_space<hbm>>)
    %add3A_824 = arith.constant 24 : i32
    %add3A_825 = arith.addi %mul3A_58, %add3A_824 : i32
    %add3A_826 = arith.constant 0 : i32
    %add3A_827 = arith.addi %add3A_825, %add3A_826 : i32
    %mul3A_828 = arith.constant 16 : i32
    %mul3A_829 = arith.muli %add3A_827, %mul3A_828 : i32
    %get3A_830 = arith.index_cast %mul3A_829 : i32 to index
    %get3A_831 = tpu.vector_load %arg6[%get3A_830] {strides = array<i32>} : memref<2048xi32, #tpu.memory_space<vmem>>, vector<16xi32>,
    %cumsum3A_832 = arith.constant true
    %cumsum3A_833 = vector.broadcast %cumsum3A_832 : i1 to vector<16xi1>
    %cumsum3A_834 = tpu.scan <sum>, %get3A_831 masked %cumsum3A_833 : vector<16xi32>, vector<16xi1> -> vector<16xi32>
    %add3A_835 = arith.addi %cumsum3A_834, %add3A_799 : vector<16xi32>
    %sub3A_836 = arith.constant 1 : i32
    %sub3A_837 = vector.broadcast %sub3A_836 : i32 to vector<16xi32>
    %sub3A_838 = arith.subi %add3A_835, %sub3A_837 : vector<16xi32>
    %add3A_839 = vector.broadcast %mul3A_56 : i32 to vector<16xi32>
    %add3A_840 = arith.addi %sub3A_838, %add3A_839 : vector<16xi32>
    %swap3A_841 = arith.constant 6 : i32
    %swap3A_842 = arith.index_cast %swap3A_841 : i32 to index
    %swap3A_843 = arith.constant 0 : index
    %swap3A_844 = tpu.vector_load %arg7[%swap3A_842, %swap3A_843] {strides = array<i32>} : memref<16x64xi32, #tpu.memory_space<vmem>>, vector<16xi32>,
    tpu.vector_store %arg7[%swap3A_842, %swap3A_843], %add3A_840 {strides = array<i32>} : memref<16x64xi32, #tpu.memory_space<vmem>>, vector<16xi32>,
    %broadcast_in_dim3A_845 = arith.constant 15 : i32
    %broadcast_in_dim3A_846 = vector.broadcast %broadcast_in_dim3A_845 : i32 to vector<16x1xi32>
    %gather3A_847 = vector.shape_cast %broadcast_in_dim3A_846 : vector<16x1xi32> to vector<16xi32>
    %gather3A_848 = tpu.dynamic_gather %cumsum3A_834[%gather3A_847] in [0] : vector<16xi32>, vector<16xi32> -> vector<16xi32>
    %add3A_849 = arith.addi %add3A_799, %gather3A_848 : vector<16xi32>
    %add3A_850 = arith.constant 24 : i32
    %add3A_851 = arith.addi %mul3A_58, %add3A_850 : i32
    %add3A_852 = arith.constant 1 : i32
    %add3A_853 = arith.addi %add3A_851, %add3A_852 : i32
    %mul3A_854 = arith.constant 16 : i32
    %mul3A_855 = arith.muli %add3A_853, %mul3A_854 : i32
    %get3A_856 = arith.index_cast %mul3A_855 : i32 to index
    %get3A_857 = tpu.vector_load %arg6[%get3A_856] {strides = array<i32>} : memref<2048xi32, #tpu.memory_space<vmem>>, vector<16xi32>,
    %cumsum3A_858 = arith.constant true
    %cumsum3A_859 = vector.broadcast %cumsum3A_858 : i1 to vector<16xi1>
    %cumsum3A_860 = tpu.scan <sum>, %get3A_857 masked %cumsum3A_859 : vector<16xi32>, vector<16xi1> -> vector<16xi32>
    %add3A_861 = arith.addi %cumsum3A_860, %add3A_849 : vector<16xi32>
    %sub3A_862 = arith.constant 1 : i32
    %sub3A_863 = vector.broadcast %sub3A_862 : i32 to vector<16xi32>
    %sub3A_864 = arith.subi %add3A_861, %sub3A_863 : vector<16xi32>
    %add3A_865 = vector.broadcast %mul3A_56 : i32 to vector<16xi32>
    %add3A_866 = arith.addi %sub3A_864, %add3A_865 : vector<16xi32>
    %swap3A_867 = arith.constant 6 : i32
    %swap3A_868 = arith.index_cast %swap3A_867 : i32 to index
    %swap3A_869 = arith.constant 16 : index
    %swap3A_870 = tpu.vector_load %arg7[%swap3A_868, %swap3A_869] {strides = array<i32>} : memref<16x64xi32, #tpu.memory_space<vmem>>, vector<16xi32>,
    tpu.vector_store %arg7[%swap3A_868, %swap3A_869], %add3A_866 {strides = array<i32>} : memref<16x64xi32, #tpu.memory_space<vmem>>, vector<16xi32>,
    %broadcast_in_dim3A_871 = arith.constant 15 : i32
    %broadcast_in_dim3A_872 = vector.broadcast %broadcast_in_dim3A_871 : i32 to vector<16x1xi32>
    %gather3A_873 = vector.shape_cast %broadcast_in_dim3A_872 : vector<16x1xi32> to vector<16xi32>
    %gather3A_874 = tpu.dynamic_gather %cumsum3A_860[%gather3A_873] in [0] : vector<16xi32>, vector<16xi32> -> vector<16xi32>
    %add3A_875 = arith.addi %add3A_849, %gather3A_874 : vector<16xi32>
    %add3A_876 = arith.constant 24 : i32
    %add3A_877 = arith.addi %mul3A_58, %add3A_876 : i32
    %add3A_878 = arith.constant 2 : i32
    %add3A_879 = arith.addi %add3A_877, %add3A_878 : i32
    %mul3A_880 = arith.constant 16 : i32
    %mul3A_881 = arith.muli %add3A_879, %mul3A_880 : i32
    %get3A_882 = arith.index_cast %mul3A_881 : i32 to index
    %get3A_883 = tpu.vector_load %arg6[%get3A_882] {strides = array<i32>} : memref<2048xi32, #tpu.memory_space<vmem>>, vector<16xi32>,
    %cumsum3A_884 = arith.constant true
    %cumsum3A_885 = vector.broadcast %cumsum3A_884 : i1 to vector<16xi1>
    %cumsum3A_886 = tpu.scan <sum>, %get3A_883 masked %cumsum3A_885 : vector<16xi32>, vector<16xi1> -> vector<16xi32>
    %add3A_887 = arith.addi %cumsum3A_886, %add3A_875 : vector<16xi32>
    %sub3A_888 = arith.constant 1 : i32
    %sub3A_889 = vector.broadcast %sub3A_888 : i32 to vector<16xi32>
    %sub3A_890 = arith.subi %add3A_887, %sub3A_889 : vector<16xi32>
    %add3A_891 = vector.broadcast %mul3A_56 : i32 to vector<16xi32>
    %add3A_892 = arith.addi %sub3A_890, %add3A_891 : vector<16xi32>
    %swap3A_893 = arith.constant 6 : i32
    %swap3A_894 = arith.index_cast %swap3A_893 : i32 to index
    %swap3A_895 = arith.constant 32 : index
    %swap3A_896 = tpu.vector_load %arg7[%swap3A_894, %swap3A_895] {strides = array<i32>} : memref<16x64xi32, #tpu.memory_space<vmem>>, vector<16xi32>,
    tpu.vector_store %arg7[%swap3A_894, %swap3A_895], %add3A_892 {strides = array<i32>} : memref<16x64xi32, #tpu.memory_space<vmem>>, vector<16xi32>,
    %broadcast_in_dim3A_897 = arith.constant 15 : i32
    %broadcast_in_dim3A_898 = vector.broadcast %broadcast_in_dim3A_897 : i32 to vector<16x1xi32>
    %gather3A_899 = vector.shape_cast %broadcast_in_dim3A_898 : vector<16x1xi32> to vector<16xi32>
    %gather3A_900 = tpu.dynamic_gather %cumsum3A_886[%gather3A_899] in [0] : vector<16xi32>, vector<16xi32> -> vector<16xi32>
    %add3A_901 = arith.addi %add3A_875, %gather3A_900 : vector<16xi32>
    %add3A_902 = arith.constant 24 : i32
    %add3A_903 = arith.addi %mul3A_58, %add3A_902 : i32
    %add3A_904 = arith.constant 3 : i32
    %add3A_905 = arith.addi %add3A_903, %add3A_904 : i32
    %mul3A_906 = arith.constant 16 : i32
    %mul3A_907 = arith.muli %add3A_905, %mul3A_906 : i32
    %get3A_908 = arith.index_cast %mul3A_907 : i32 to index
    %get3A_909 = tpu.vector_load %arg6[%get3A_908] {strides = array<i32>} : memref<2048xi32, #tpu.memory_space<vmem>>, vector<16xi32>,
    %cumsum3A_910 = arith.constant true
    %cumsum3A_911 = vector.broadcast %cumsum3A_910 : i1 to vector<16xi1>
    %cumsum3A_912 = tpu.scan <sum>, %get3A_909 masked %cumsum3A_911 : vector<16xi32>, vector<16xi1> -> vector<16xi32>
    %add3A_913 = arith.addi %cumsum3A_912, %add3A_901 : vector<16xi32>
    %sub3A_914 = arith.constant 1 : i32
    %sub3A_915 = vector.broadcast %sub3A_914 : i32 to vector<16xi32>
    %sub3A_916 = arith.subi %add3A_913, %sub3A_915 : vector<16xi32>
    %add3A_917 = vector.broadcast %mul3A_56 : i32 to vector<16xi32>
    %add3A_918 = arith.addi %sub3A_916, %add3A_917 : vector<16xi32>
    %swap3A_919 = arith.constant 6 : i32
    %swap3A_920 = arith.index_cast %swap3A_919 : i32 to index
    %swap3A_921 = arith.constant 48 : index
    %swap3A_922 = tpu.vector_load %arg7[%swap3A_920, %swap3A_921] {strides = array<i32>} : memref<16x64xi32, #tpu.memory_space<vmem>>, vector<16xi32>,
    tpu.vector_store %arg7[%swap3A_920, %swap3A_921], %add3A_918 {strides = array<i32>} : memref<16x64xi32, #tpu.memory_space<vmem>>, vector<16xi32>,
    %broadcast_in_dim3A_923 = arith.constant 15 : i32
    %broadcast_in_dim3A_924 = vector.broadcast %broadcast_in_dim3A_923 : i32 to vector<16x1xi32>
    %gather3A_925 = vector.shape_cast %broadcast_in_dim3A_924 : vector<16x1xi32> to vector<16xi32>
    %gather3A_926 = tpu.dynamic_gather %cumsum3A_912[%gather3A_925] in [0] : vector<16xi32>, vector<16xi32> -> vector<16xi32>
    %add3A_927 = arith.addi %add3A_901, %gather3A_926 : vector<16xi32>
    %dma_start3A_928 = arith.constant 6 : i32
    %dma_start3A_929 = arith.constant 0 : i32
    %dma_start3A_930 = tpu.memref_slice %arg7[%dma_start3A_928, %dma_start3A_929] : memref<16x64xi32, #tpu.memory_space<vmem>> -> memref<1x64xi32, #tpu.memory_space<vmem>>
    %dma_start3A_931 = tpu.memref_squeeze %dma_start3A_930 : memref<1x64xi32, #tpu.memory_space<vmem>> -> memref<64xi32, #tpu.memory_space<vmem>>
    %dma_start3A_932 = arith.constant 0 : i32
    %dma_start3A_933 = arith.constant 0 : i32
    %dma_start3A_934 = tpu.memref_slice %arg2[%dma_start3A_932, %dma_start3A_933] : memref<32768x512xf32, #tpu.memory_space<hbm>> -> memref<32768x512xf32, #tpu.memory_space<hbm>>
    tpu.enqueue_indirect_dma source(%dma_start3A_934 : memref<32768x512xf32, #tpu.memory_space<hbm>>) target(%arg8 : memref<64x512xf32, #tpu.memory_space<vmem>>) offsets(%dma_start3A_931 : memref<64xi32, #tpu.memory_space<vmem>>) semaphore(%arg10 : memref<!tpu.dma_semaphore, #tpu.memory_space<semaphore_mem>>)
    %dma_wait3A_935 = arith.constant 5 : i32
    %dma_wait3A_936 = arith.constant 0 : i32
    %dma_wait3A_937 = tpu.memref_slice %arg7[%dma_wait3A_935, %dma_wait3A_936] : memref<16x64xi32, #tpu.memory_space<vmem>> -> memref<1x64xi32, #tpu.memory_space<vmem>>
    %dma_wait3A_938 = tpu.memref_squeeze %dma_wait3A_937 : memref<1x64xi32, #tpu.memory_space<vmem>> -> memref<64xi32, #tpu.memory_space<vmem>>
    %dma_wait3A_939 = arith.constant 0 : i32
    %dma_wait3A_940 = arith.constant 0 : i32
    %dma_wait3A_941 = tpu.memref_slice %arg2[%dma_wait3A_939, %dma_wait3A_940] : memref<32768x512xf32, #tpu.memory_space<hbm>> -> memref<32768x512xf32, #tpu.memory_space<hbm>>
    tpu.wait_indirect_dma semaphore(%arg11 : memref<!tpu.dma_semaphore, #tpu.memory_space<semaphore_mem>>) src(%dma_wait3A_941 : memref<32768x512xf32, #tpu.memory_space<hbm>>) dst(%arg9 : memref<64x512xf32, #tpu.memory_space<vmem>>)
    %add3A_942 = arith.constant 320 : i32
    %add3A_943 = arith.addi %add3A_61, %add3A_942 : i32
    %dma_start3A_944 = arith.constant 0 : i32
    %dma_start3A_945 = tpu.memref_slice %arg4[%add3A_943, %dma_start3A_944] : memref<32768x512xf32, #tpu.memory_space<hbm>> -> memref<64x512xf32, #tpu.memory_space<hbm>>
    %dma_start3A_946 = arith.constant 0 : i32
    %dma_start3A_947 = tpu.memref_slice %arg4[%add3A_943, %dma_start3A_946] : memref<32768x512xf32, #tpu.memory_space<hbm>> -> memref<64x512xf32, #tpu.memory_space<hbm>>
    tpu.enqueue_dma source(%arg9 : memref<64x512xf32, #tpu.memory_space<vmem>>) target(%dma_start3A_947 : memref<64x512xf32, #tpu.memory_space<hbm>>) target_semaphore(%arg13 : memref<!tpu.dma_semaphore, #tpu.memory_space<semaphore_mem>>)
    %dma_wait3A_948 = arith.constant 0 : i32
    %dma_wait3A_949 = tpu.memref_slice %arg4[%add3A_943, %dma_wait3A_948] : memref<32768x512xf32, #tpu.memory_space<hbm>> -> memref<64x512xf32, #tpu.memory_space<hbm>>
    %dma_wait3A_950 = arith.constant 0 : i32
    %dma_wait3A_951 = tpu.memref_slice %arg4[%add3A_943, %dma_wait3A_950] : memref<32768x512xf32, #tpu.memory_space<hbm>> -> memref<64x512xf32, #tpu.memory_space<hbm>>
    tpu.wait_dma2 semaphore(%arg13 : memref<!tpu.dma_semaphore, #tpu.memory_space<semaphore_mem>>) src(%arg9 : memref<64x512xf32, #tpu.memory_space<vmem>>) dst(%dma_wait3A_951 : memref<64x512xf32, #tpu.memory_space<hbm>>)
    %add3A_952 = arith.constant 28 : i32
    %add3A_953 = arith.addi %mul3A_58, %add3A_952 : i32
    %add3A_954 = arith.constant 0 : i32
    %add3A_955 = arith.addi %add3A_953, %add3A_954 : i32
    %mul3A_956 = arith.constant 16 : i32
    %mul3A_957 = arith.muli %add3A_955, %mul3A_956 : i32
    %get3A_958 = arith.index_cast %mul3A_957 : i32 to index
    %get3A_959 = tpu.vector_load %arg6[%get3A_958] {strides = array<i32>} : memref<2048xi32, #tpu.memory_space<vmem>>, vector<16xi32>,
    %cumsum3A_960 = arith.constant true
    %cumsum3A_961 = vector.broadcast %cumsum3A_960 : i1 to vector<16xi1>
    %cumsum3A_962 = tpu.scan <sum>, %get3A_959 masked %cumsum3A_961 : vector<16xi32>, vector<16xi1> -> vector<16xi32>
    %add3A_963 = arith.addi %cumsum3A_962, %add3A_927 : vector<16xi32>
    %sub3A_964 = arith.constant 1 : i32
    %sub3A_965 = vector.broadcast %sub3A_964 : i32 to vector<16xi32>
    %sub3A_966 = arith.subi %add3A_963, %sub3A_965 : vector<16xi32>
    %add3A_967 = vector.broadcast %mul3A_56 : i32 to vector<16xi32>
    %add3A_968 = arith.addi %sub3A_966, %add3A_967 : vector<16xi32>
    %swap3A_969 = arith.constant 7 : i32
    %swap3A_970 = arith.index_cast %swap3A_969 : i32 to index
    %swap3A_971 = arith.constant 0 : index
    %swap3A_972 = tpu.vector_load %arg7[%swap3A_970, %swap3A_971] {strides = array<i32>} : memref<16x64xi32, #tpu.memory_space<vmem>>, vector<16xi32>,
    tpu.vector_store %arg7[%swap3A_970, %swap3A_971], %add3A_968 {strides = array<i32>} : memref<16x64xi32, #tpu.memory_space<vmem>>, vector<16xi32>,
    %broadcast_in_dim3A_973 = arith.constant 15 : i32
    %broadcast_in_dim3A_974 = vector.broadcast %broadcast_in_dim3A_973 : i32 to vector<16x1xi32>
    %gather3A_975 = vector.shape_cast %broadcast_in_dim3A_974 : vector<16x1xi32> to vector<16xi32>
    %gather3A_976 = tpu.dynamic_gather %cumsum3A_962[%gather3A_975] in [0] : vector<16xi32>, vector<16xi32> -> vector<16xi32>
    %add3A_977 = arith.addi %add3A_927, %gather3A_976 : vector<16xi32>
    %add3A_978 = arith.constant 28 : i32
    %add3A_979 = arith.addi %mul3A_58, %add3A_978 : i32
    %add3A_980 = arith.constant 1 : i32
    %add3A_981 = arith.addi %add3A_979, %add3A_980 : i32
    %mul3A_982 = arith.constant 16 : i32
    %mul3A_983 = arith.muli %add3A_981, %mul3A_982 : i32
    %get3A_984 = arith.index_cast %mul3A_983 : i32 to index
    %get3A_985 = tpu.vector_load %arg6[%get3A_984] {strides = array<i32>} : memref<2048xi32, #tpu.memory_space<vmem>>, vector<16xi32>,
    %cumsum3A_986 = arith.constant true
    %cumsum3A_987 = vector.broadcast %cumsum3A_986 : i1 to vector<16xi1>
    %cumsum3A_988 = tpu.scan <sum>, %get3A_985 masked %cumsum3A_987 : vector<16xi32>, vector<16xi1> -> vector<16xi32>
    %add3A_989 = arith.addi %cumsum3A_988, %add3A_977 : vector<16xi32>
    %sub3A_990 = arith.constant 1 : i32
    %sub3A_991 = vector.broadcast %sub3A_990 : i32 to vector<16xi32>
    %sub3A_992 = arith.subi %add3A_989, %sub3A_991 : vector<16xi32>
    %add3A_993 = vector.broadcast %mul3A_56 : i32 to vector<16xi32>
    %add3A_994 = arith.addi %sub3A_992, %add3A_993 : vector<16xi32>
    %swap3A_995 = arith.constant 7 : i32
    %swap3A_996 = arith.index_cast %swap3A_995 : i32 to index
    %swap3A_997 = arith.constant 16 : index
    %swap3A_998 = tpu.vector_load %arg7[%swap3A_996, %swap3A_997] {strides = array<i32>} : memref<16x64xi32, #tpu.memory_space<vmem>>, vector<16xi32>,
    tpu.vector_store %arg7[%swap3A_996, %swap3A_997], %add3A_994 {strides = array<i32>} : memref<16x64xi32, #tpu.memory_space<vmem>>, vector<16xi32>,
    %broadcast_in_dim3A_999 = arith.constant 15 : i32
    %broadcast_in_dim3A_1000 = vector.broadcast %broadcast_in_dim3A_999 : i32 to vector<16x1xi32>
    %gather3A_1001 = vector.shape_cast %broadcast_in_dim3A_1000 : vector<16x1xi32> to vector<16xi32>
    %gather3A_1002 = tpu.dynamic_gather %cumsum3A_988[%gather3A_1001] in [0] : vector<16xi32>, vector<16xi32> -> vector<16xi32>
    %add3A_1003 = arith.addi %add3A_977, %gather3A_1002 : vector<16xi32>
    %add3A_1004 = arith.constant 28 : i32
    %add3A_1005 = arith.addi %mul3A_58, %add3A_1004 : i32
    %add3A_1006 = arith.constant 2 : i32
    %add3A_1007 = arith.addi %add3A_1005, %add3A_1006 : i32
    %mul3A_1008 = arith.constant 16 : i32
    %mul3A_1009 = arith.muli %add3A_1007, %mul3A_1008 : i32
    %get3A_1010 = arith.index_cast %mul3A_1009 : i32 to index
    %get3A_1011 = tpu.vector_load %arg6[%get3A_1010] {strides = array<i32>} : memref<2048xi32, #tpu.memory_space<vmem>>, vector<16xi32>,
    %cumsum3A_1012 = arith.constant true
    %cumsum3A_1013 = vector.broadcast %cumsum3A_1012 : i1 to vector<16xi1>
    %cumsum3A_1014 = tpu.scan <sum>, %get3A_1011 masked %cumsum3A_1013 : vector<16xi32>, vector<16xi1> -> vector<16xi32>
    %add3A_1015 = arith.addi %cumsum3A_1014, %add3A_1003 : vector<16xi32>
    %sub3A_1016 = arith.constant 1 : i32
    %sub3A_1017 = vector.broadcast %sub3A_1016 : i32 to vector<16xi32>
    %sub3A_1018 = arith.subi %add3A_1015, %sub3A_1017 : vector<16xi32>
    %add3A_1019 = vector.broadcast %mul3A_56 : i32 to vector<16xi32>
    %add3A_1020 = arith.addi %sub3A_1018, %add3A_1019 : vector<16xi32>
    %swap3A_1021 = arith.constant 7 : i32
    %swap3A_1022 = arith.index_cast %swap3A_1021 : i32 to index
    %swap3A_1023 = arith.constant 32 : index
    %swap3A_1024 = tpu.vector_load %arg7[%swap3A_1022, %swap3A_1023] {strides = array<i32>} : memref<16x64xi32, #tpu.memory_space<vmem>>, vector<16xi32>,
    tpu.vector_store %arg7[%swap3A_1022, %swap3A_1023], %add3A_1020 {strides = array<i32>} : memref<16x64xi32, #tpu.memory_space<vmem>>, vector<16xi32>,
    %broadcast_in_dim3A_1025 = arith.constant 15 : i32
    %broadcast_in_dim3A_1026 = vector.broadcast %broadcast_in_dim3A_1025 : i32 to vector<16x1xi32>
    %gather3A_1027 = vector.shape_cast %broadcast_in_dim3A_1026 : vector<16x1xi32> to vector<16xi32>
    %gather3A_1028 = tpu.dynamic_gather %cumsum3A_1014[%gather3A_1027] in [0] : vector<16xi32>, vector<16xi32> -> vector<16xi32>
    %add3A_1029 = arith.addi %add3A_1003, %gather3A_1028 : vector<16xi32>
    %add3A_1030 = arith.constant 28 : i32
    %add3A_1031 = arith.addi %mul3A_58, %add3A_1030 : i32
    %add3A_1032 = arith.constant 3 : i32
    %add3A_1033 = arith.addi %add3A_1031, %add3A_1032 : i32
    %mul3A_1034 = arith.constant 16 : i32
    %mul3A_1035 = arith.muli %add3A_1033, %mul3A_1034 : i32
    %get3A_1036 = arith.index_cast %mul3A_1035 : i32 to index
    %get3A_1037 = tpu.vector_load %arg6[%get3A_1036] {strides = array<i32>} : memref<2048xi32, #tpu.memory_space<vmem>>, vector<16xi32>,
    %cumsum3A_1038 = arith.constant true
    %cumsum3A_1039 = vector.broadcast %cumsum3A_1038 : i1 to vector<16xi1>
    %cumsum3A_1040 = tpu.scan <sum>, %get3A_1037 masked %cumsum3A_1039 : vector<16xi32>, vector<16xi1> -> vector<16xi32>
    %add3A_1041 = arith.addi %cumsum3A_1040, %add3A_1029 : vector<16xi32>
    %sub3A_1042 = arith.constant 1 : i32
    %sub3A_1043 = vector.broadcast %sub3A_1042 : i32 to vector<16xi32>
    %sub3A_1044 = arith.subi %add3A_1041, %sub3A_1043 : vector<16xi32>
    %add3A_1045 = vector.broadcast %mul3A_56 : i32 to vector<16xi32>
    %add3A_1046 = arith.addi %sub3A_1044, %add3A_1045 : vector<16xi32>
    %swap3A_1047 = arith.constant 7 : i32
    %swap3A_1048 = arith.index_cast %swap3A_1047 : i32 to index
    %swap3A_1049 = arith.constant 48 : index
    %swap3A_1050 = tpu.vector_load %arg7[%swap3A_1048, %swap3A_1049] {strides = array<i32>} : memref<16x64xi32, #tpu.memory_space<vmem>>, vector<16xi32>,
    tpu.vector_store %arg7[%swap3A_1048, %swap3A_1049], %add3A_1046 {strides = array<i32>} : memref<16x64xi32, #tpu.memory_space<vmem>>, vector<16xi32>,
    %broadcast_in_dim3A_1051 = arith.constant 15 : i32
    %broadcast_in_dim3A_1052 = vector.broadcast %broadcast_in_dim3A_1051 : i32 to vector<16x1xi32>
    %gather3A_1053 = vector.shape_cast %broadcast_in_dim3A_1052 : vector<16x1xi32> to vector<16xi32>
    %gather3A_1054 = tpu.dynamic_gather %cumsum3A_1040[%gather3A_1053] in [0] : vector<16xi32>, vector<16xi32> -> vector<16xi32>
    %add3A_1055 = arith.addi %add3A_1029, %gather3A_1054 : vector<16xi32>
    %dma_start3A_1056 = arith.constant 7 : i32
    %dma_start3A_1057 = arith.constant 0 : i32
    %dma_start3A_1058 = tpu.memref_slice %arg7[%dma_start3A_1056, %dma_start3A_1057] : memref<16x64xi32, #tpu.memory_space<vmem>> -> memref<1x64xi32, #tpu.memory_space<vmem>>
    %dma_start3A_1059 = tpu.memref_squeeze %dma_start3A_1058 : memref<1x64xi32, #tpu.memory_space<vmem>> -> memref<64xi32, #tpu.memory_space<vmem>>
    %dma_start3A_1060 = arith.constant 0 : i32
    %dma_start3A_1061 = arith.constant 0 : i32
    %dma_start3A_1062 = tpu.memref_slice %arg2[%dma_start3A_1060, %dma_start3A_1061] : memref<32768x512xf32, #tpu.memory_space<hbm>> -> memref<32768x512xf32, #tpu.memory_space<hbm>>
    tpu.enqueue_indirect_dma source(%dma_start3A_1062 : memref<32768x512xf32, #tpu.memory_space<hbm>>) target(%arg9 : memref<64x512xf32, #tpu.memory_space<vmem>>) offsets(%dma_start3A_1059 : memref<64xi32, #tpu.memory_space<vmem>>) semaphore(%arg11 : memref<!tpu.dma_semaphore, #tpu.memory_space<semaphore_mem>>)
    %dma_wait3A_1063 = arith.constant 6 : i32
    %dma_wait3A_1064 = arith.constant 0 : i32
    %dma_wait3A_1065 = tpu.memref_slice %arg7[%dma_wait3A_1063, %dma_wait3A_1064] : memref<16x64xi32, #tpu.memory_space<vmem>> -> memref<1x64xi32, #tpu.memory_space<vmem>>
    %dma_wait3A_1066 = tpu.memref_squeeze %dma_wait3A_1065 : memref<1x64xi32, #tpu.memory_space<vmem>> -> memref<64xi32, #tpu.memory_space<vmem>>
    %dma_wait3A_1067 = arith.constant 0 : i32
    %dma_wait3A_1068 = arith.constant 0 : i32
    %dma_wait3A_1069 = tpu.memref_slice %arg2[%dma_wait3A_1067, %dma_wait3A_1068] : memref<32768x512xf32, #tpu.memory_space<hbm>> -> memref<32768x512xf32, #tpu.memory_space<hbm>>
    tpu.wait_indirect_dma semaphore(%arg10 : memref<!tpu.dma_semaphore, #tpu.memory_space<semaphore_mem>>) src(%dma_wait3A_1069 : memref<32768x512xf32, #tpu.memory_space<hbm>>) dst(%arg8 : memref<64x512xf32, #tpu.memory_space<vmem>>)
    %add3A_1070 = arith.constant 384 : i32
    %add3A_1071 = arith.addi %add3A_61, %add3A_1070 : i32
    %dma_start3A_1072 = arith.constant 0 : i32
    %dma_start3A_1073 = tpu.memref_slice %arg4[%add3A_1071, %dma_start3A_1072] : memref<32768x512xf32, #tpu.memory_space<hbm>> -> memref<64x512xf32, #tpu.memory_space<hbm>>
    %dma_start3A_1074 = arith.constant 0 : i32
    %dma_start3A_1075 = tpu.memref_slice %arg4[%add3A_1071, %dma_start3A_1074] : memref<32768x512xf32, #tpu.memory_space<hbm>> -> memref<64x512xf32, #tpu.memory_space<hbm>>
    tpu.enqueue_dma source(%arg8 : memref<64x512xf32, #tpu.memory_space<vmem>>) target(%dma_start3A_1075 : memref<64x512xf32, #tpu.memory_space<hbm>>) target_semaphore(%arg12 : memref<!tpu.dma_semaphore, #tpu.memory_space<semaphore_mem>>)
    %dma_wait3A_1076 = arith.constant 0 : i32
    %dma_wait3A_1077 = tpu.memref_slice %arg4[%add3A_1071, %dma_wait3A_1076] : memref<32768x512xf32, #tpu.memory_space<hbm>> -> memref<64x512xf32, #tpu.memory_space<hbm>>
    %dma_wait3A_1078 = arith.constant 0 : i32
    %dma_wait3A_1079 = tpu.memref_slice %arg4[%add3A_1071, %dma_wait3A_1078] : memref<32768x512xf32, #tpu.memory_space<hbm>> -> memref<64x512xf32, #tpu.memory_space<hbm>>
    tpu.wait_dma2 semaphore(%arg12 : memref<!tpu.dma_semaphore, #tpu.memory_space<semaphore_mem>>) src(%arg8 : memref<64x512xf32, #tpu.memory_space<vmem>>) dst(%dma_wait3A_1079 : memref<64x512xf32, #tpu.memory_space<hbm>>)
    %add3A_1080 = arith.constant 32 : i32
    %add3A_1081 = arith.addi %mul3A_58, %add3A_1080 : i32
    %add3A_1082 = arith.constant 0 : i32
    %add3A_1083 = arith.addi %add3A_1081, %add3A_1082 : i32
    %mul3A_1084 = arith.constant 16 : i32
    %mul3A_1085 = arith.muli %add3A_1083, %mul3A_1084 : i32
    %get3A_1086 = arith.index_cast %mul3A_1085 : i32 to index
    %get3A_1087 = tpu.vector_load %arg6[%get3A_1086] {strides = array<i32>} : memref<2048xi32, #tpu.memory_space<vmem>>, vector<16xi32>,
    %cumsum3A_1088 = arith.constant true
    %cumsum3A_1089 = vector.broadcast %cumsum3A_1088 : i1 to vector<16xi1>
    %cumsum3A_1090 = tpu.scan <sum>, %get3A_1087 masked %cumsum3A_1089 : vector<16xi32>, vector<16xi1> -> vector<16xi32>
    %add3A_1091 = arith.addi %cumsum3A_1090, %add3A_1055 : vector<16xi32>
    %sub3A_1092 = arith.constant 1 : i32
    %sub3A_1093 = vector.broadcast %sub3A_1092 : i32 to vector<16xi32>
    %sub3A_1094 = arith.subi %add3A_1091, %sub3A_1093 : vector<16xi32>
    %add3A_1095 = vector.broadcast %mul3A_56 : i32 to vector<16xi32>
    %add3A_1096 = arith.addi %sub3A_1094, %add3A_1095 : vector<16xi32>
    %swap3A_1097 = arith.constant 8 : i32
    %swap3A_1098 = arith.index_cast %swap3A_1097 : i32 to index
    %swap3A_1099 = arith.constant 0 : index
    %swap3A_1100 = tpu.vector_load %arg7[%swap3A_1098, %swap3A_1099] {strides = array<i32>} : memref<16x64xi32, #tpu.memory_space<vmem>>, vector<16xi32>,
    tpu.vector_store %arg7[%swap3A_1098, %swap3A_1099], %add3A_1096 {strides = array<i32>} : memref<16x64xi32, #tpu.memory_space<vmem>>, vector<16xi32>,
    %broadcast_in_dim3A_1101 = arith.constant 15 : i32
    %broadcast_in_dim3A_1102 = vector.broadcast %broadcast_in_dim3A_1101 : i32 to vector<16x1xi32>
    %gather3A_1103 = vector.shape_cast %broadcast_in_dim3A_1102 : vector<16x1xi32> to vector<16xi32>
    %gather3A_1104 = tpu.dynamic_gather %cumsum3A_1090[%gather3A_1103] in [0] : vector<16xi32>, vector<16xi32> -> vector<16xi32>
    %add3A_1105 = arith.addi %add3A_1055, %gather3A_1104 : vector<16xi32>
    %add3A_1106 = arith.constant 32 : i32
    %add3A_1107 = arith.addi %mul3A_58, %add3A_1106 : i32
    %add3A_1108 = arith.constant 1 : i32
    %add3A_1109 = arith.addi %add3A_1107, %add3A_1108 : i32
    %mul3A_1110 = arith.constant 16 : i32
    %mul3A_1111 = arith.muli %add3A_1109, %mul3A_1110 : i32
    %get3A_1112 = arith.index_cast %mul3A_1111 : i32 to index
    %get3A_1113 = tpu.vector_load %arg6[%get3A_1112] {strides = array<i32>} : memref<2048xi32, #tpu.memory_space<vmem>>, vector<16xi32>,
    %cumsum3A_1114 = arith.constant true
    %cumsum3A_1115 = vector.broadcast %cumsum3A_1114 : i1 to vector<16xi1>
    %cumsum3A_1116 = tpu.scan <sum>, %get3A_1113 masked %cumsum3A_1115 : vector<16xi32>, vector<16xi1> -> vector<16xi32>
    %add3A_1117 = arith.addi %cumsum3A_1116, %add3A_1105 : vector<16xi32>
    %sub3A_1118 = arith.constant 1 : i32
    %sub3A_1119 = vector.broadcast %sub3A_1118 : i32 to vector<16xi32>
    %sub3A_1120 = arith.subi %add3A_1117, %sub3A_1119 : vector<16xi32>
    %add3A_1121 = vector.broadcast %mul3A_56 : i32 to vector<16xi32>
    %add3A_1122 = arith.addi %sub3A_1120, %add3A_1121 : vector<16xi32>
    %swap3A_1123 = arith.constant 8 : i32
    %swap3A_1124 = arith.index_cast %swap3A_1123 : i32 to index
    %swap3A_1125 = arith.constant 16 : index
    %swap3A_1126 = tpu.vector_load %arg7[%swap3A_1124, %swap3A_1125] {strides = array<i32>} : memref<16x64xi32, #tpu.memory_space<vmem>>, vector<16xi32>,
    tpu.vector_store %arg7[%swap3A_1124, %swap3A_1125], %add3A_1122 {strides = array<i32>} : memref<16x64xi32, #tpu.memory_space<vmem>>, vector<16xi32>,
    %broadcast_in_dim3A_1127 = arith.constant 15 : i32
    %broadcast_in_dim3A_1128 = vector.broadcast %broadcast_in_dim3A_1127 : i32 to vector<16x1xi32>
    %gather3A_1129 = vector.shape_cast %broadcast_in_dim3A_1128 : vector<16x1xi32> to vector<16xi32>
    %gather3A_1130 = tpu.dynamic_gather %cumsum3A_1116[%gather3A_1129] in [0] : vector<16xi32>, vector<16xi32> -> vector<16xi32>
    %add3A_1131 = arith.addi %add3A_1105, %gather3A_1130 : vector<16xi32>
    %add3A_1132 = arith.constant 32 : i32
    %add3A_1133 = arith.addi %mul3A_58, %add3A_1132 : i32
    %add3A_1134 = arith.constant 2 : i32
    %add3A_1135 = arith.addi %add3A_1133, %add3A_1134 : i32
    %mul3A_1136 = arith.constant 16 : i32
    %mul3A_1137 = arith.muli %add3A_1135, %mul3A_1136 : i32
    %get3A_1138 = arith.index_cast %mul3A_1137 : i32 to index
    %get3A_1139 = tpu.vector_load %arg6[%get3A_1138] {strides = array<i32>} : memref<2048xi32, #tpu.memory_space<vmem>>, vector<16xi32>,
    %cumsum3A_1140 = arith.constant true
    %cumsum3A_1141 = vector.broadcast %cumsum3A_1140 : i1 to vector<16xi1>
    %cumsum3A_1142 = tpu.scan <sum>, %get3A_1139 masked %cumsum3A_1141 : vector<16xi32>, vector<16xi1> -> vector<16xi32>
    %add3A_1143 = arith.addi %cumsum3A_1142, %add3A_1131 : vector<16xi32>
    %sub3A_1144 = arith.constant 1 : i32
    %sub3A_1145 = vector.broadcast %sub3A_1144 : i32 to vector<16xi32>
    %sub3A_1146 = arith.subi %add3A_1143, %sub3A_1145 : vector<16xi32>
    %add3A_1147 = vector.broadcast %mul3A_56 : i32 to vector<16xi32>
    %add3A_1148 = arith.addi %sub3A_1146, %add3A_1147 : vector<16xi32>
    %swap3A_1149 = arith.constant 8 : i32
    %swap3A_1150 = arith.index_cast %swap3A_1149 : i32 to index
    %swap3A_1151 = arith.constant 32 : index
    %swap3A_1152 = tpu.vector_load %arg7[%swap3A_1150, %swap3A_1151] {strides = array<i32>} : memref<16x64xi32, #tpu.memory_space<vmem>>, vector<16xi32>,
    tpu.vector_store %arg7[%swap3A_1150, %swap3A_1151], %add3A_1148 {strides = array<i32>} : memref<16x64xi32, #tpu.memory_space<vmem>>, vector<16xi32>,
    %broadcast_in_dim3A_1153 = arith.constant 15 : i32
    %broadcast_in_dim3A_1154 = vector.broadcast %broadcast_in_dim3A_1153 : i32 to vector<16x1xi32>
    %gather3A_1155 = vector.shape_cast %broadcast_in_dim3A_1154 : vector<16x1xi32> to vector<16xi32>
    %gather3A_1156 = tpu.dynamic_gather %cumsum3A_1142[%gather3A_1155] in [0] : vector<16xi32>, vector<16xi32> -> vector<16xi32>
    %add3A_1157 = arith.addi %add3A_1131, %gather3A_1156 : vector<16xi32>
    %add3A_1158 = arith.constant 32 : i32
    %add3A_1159 = arith.addi %mul3A_58, %add3A_1158 : i32
    %add3A_1160 = arith.constant 3 : i32
    %add3A_1161 = arith.addi %add3A_1159, %add3A_1160 : i32
    %mul3A_1162 = arith.constant 16 : i32
    %mul3A_1163 = arith.muli %add3A_1161, %mul3A_1162 : i32
    %get3A_1164 = arith.index_cast %mul3A_1163 : i32 to index
    %get3A_1165 = tpu.vector_load %arg6[%get3A_1164] {strides = array<i32>} : memref<2048xi32, #tpu.memory_space<vmem>>, vector<16xi32>,
    %cumsum3A_1166 = arith.constant true
    %cumsum3A_1167 = vector.broadcast %cumsum3A_1166 : i1 to vector<16xi1>
    %cumsum3A_1168 = tpu.scan <sum>, %get3A_1165 masked %cumsum3A_1167 : vector<16xi32>, vector<16xi1> -> vector<16xi32>
    %add3A_1169 = arith.addi %cumsum3A_1168, %add3A_1157 : vector<16xi32>
    %sub3A_1170 = arith.constant 1 : i32
    %sub3A_1171 = vector.broadcast %sub3A_1170 : i32 to vector<16xi32>
    %sub3A_1172 = arith.subi %add3A_1169, %sub3A_1171 : vector<16xi32>
    %add3A_1173 = vector.broadcast %mul3A_56 : i32 to vector<16xi32>
    %add3A_1174 = arith.addi %sub3A_1172, %add3A_1173 : vector<16xi32>
    %swap3A_1175 = arith.constant 8 : i32
    %swap3A_1176 = arith.index_cast %swap3A_1175 : i32 to index
    %swap3A_1177 = arith.constant 48 : index
    %swap3A_1178 = tpu.vector_load %arg7[%swap3A_1176, %swap3A_1177] {strides = array<i32>} : memref<16x64xi32, #tpu.memory_space<vmem>>, vector<16xi32>,
    tpu.vector_store %arg7[%swap3A_1176, %swap3A_1177], %add3A_1174 {strides = array<i32>} : memref<16x64xi32, #tpu.memory_space<vmem>>, vector<16xi32>,
    %broadcast_in_dim3A_1179 = arith.constant 15 : i32
    %broadcast_in_dim3A_1180 = vector.broadcast %broadcast_in_dim3A_1179 : i32 to vector<16x1xi32>
    %gather3A_1181 = vector.shape_cast %broadcast_in_dim3A_1180 : vector<16x1xi32> to vector<16xi32>
    %gather3A_1182 = tpu.dynamic_gather %cumsum3A_1168[%gather3A_1181] in [0] : vector<16xi32>, vector<16xi32> -> vector<16xi32>
    %add3A_1183 = arith.addi %add3A_1157, %gather3A_1182 : vector<16xi32>
    %dma_start3A_1184 = arith.constant 8 : i32
    %dma_start3A_1185 = arith.constant 0 : i32
    %dma_start3A_1186 = tpu.memref_slice %arg7[%dma_start3A_1184, %dma_start3A_1185] : memref<16x64xi32, #tpu.memory_space<vmem>> -> memref<1x64xi32, #tpu.memory_space<vmem>>
    %dma_start3A_1187 = tpu.memref_squeeze %dma_start3A_1186 : memref<1x64xi32, #tpu.memory_space<vmem>> -> memref<64xi32, #tpu.memory_space<vmem>>
    %dma_start3A_1188 = arith.constant 0 : i32
    %dma_start3A_1189 = arith.constant 0 : i32
    %dma_start3A_1190 = tpu.memref_slice %arg2[%dma_start3A_1188, %dma_start3A_1189] : memref<32768x512xf32, #tpu.memory_space<hbm>> -> memref<32768x512xf32, #tpu.memory_space<hbm>>
    tpu.enqueue_indirect_dma source(%dma_start3A_1190 : memref<32768x512xf32, #tpu.memory_space<hbm>>) target(%arg8 : memref<64x512xf32, #tpu.memory_space<vmem>>) offsets(%dma_start3A_1187 : memref<64xi32, #tpu.memory_space<vmem>>) semaphore(%arg10 : memref<!tpu.dma_semaphore, #tpu.memory_space<semaphore_mem>>)
    %dma_wait3A_1191 = arith.constant 7 : i32
    %dma_wait3A_1192 = arith.constant 0 : i32
    %dma_wait3A_1193 = tpu.memref_slice %arg7[%dma_wait3A_1191, %dma_wait3A_1192] : memref<16x64xi32, #tpu.memory_space<vmem>> -> memref<1x64xi32, #tpu.memory_space<vmem>>
    %dma_wait3A_1194 = tpu.memref_squeeze %dma_wait3A_1193 : memref<1x64xi32, #tpu.memory_space<vmem>> -> memref<64xi32, #tpu.memory_space<vmem>>
    %dma_wait3A_1195 = arith.constant 0 : i32
    %dma_wait3A_1196 = arith.constant 0 : i32
    %dma_wait3A_1197 = tpu.memref_slice %arg2[%dma_wait3A_1195, %dma_wait3A_1196] : memref<32768x512xf32, #tpu.memory_space<hbm>> -> memref<32768x512xf32, #tpu.memory_space<hbm>>
    tpu.wait_indirect_dma semaphore(%arg11 : memref<!tpu.dma_semaphore, #tpu.memory_space<semaphore_mem>>) src(%dma_wait3A_1197 : memref<32768x512xf32, #tpu.memory_space<hbm>>) dst(%arg9 : memref<64x512xf32, #tpu.memory_space<vmem>>)
    %add3A_1198 = arith.constant 448 : i32
    %add3A_1199 = arith.addi %add3A_61, %add3A_1198 : i32
    %dma_start3A_1200 = arith.constant 0 : i32
    %dma_start3A_1201 = tpu.memref_slice %arg4[%add3A_1199, %dma_start3A_1200] : memref<32768x512xf32, #tpu.memory_space<hbm>> -> memref<64x512xf32, #tpu.memory_space<hbm>>
    %dma_start3A_1202 = arith.constant 0 : i32
    %dma_start3A_1203 = tpu.memref_slice %arg4[%add3A_1199, %dma_start3A_1202] : memref<32768x512xf32, #tpu.memory_space<hbm>> -> memref<64x512xf32, #tpu.memory_space<hbm>>
    tpu.enqueue_dma source(%arg9 : memref<64x512xf32, #tpu.memory_space<vmem>>) target(%dma_start3A_1203 : memref<64x512xf32, #tpu.memory_space<hbm>>) target_semaphore(%arg13 : memref<!tpu.dma_semaphore, #tpu.memory_space<semaphore_mem>>)
    %dma_wait3A_1204 = arith.constant 0 : i32
    %dma_wait3A_1205 = tpu.memref_slice %arg4[%add3A_1199, %dma_wait3A_1204] : memref<32768x512xf32, #tpu.memory_space<hbm>> -> memref<64x512xf32, #tpu.memory_space<hbm>>
    %dma_wait3A_1206 = arith.constant 0 : i32
    %dma_wait3A_1207 = tpu.memref_slice %arg4[%add3A_1199, %dma_wait3A_1206] : memref<32768x512xf32, #tpu.memory_space<hbm>> -> memref<64x512xf32, #tpu.memory_space<hbm>>
    tpu.wait_dma2 semaphore(%arg13 : memref<!tpu.dma_semaphore, #tpu.memory_space<semaphore_mem>>) src(%arg9 : memref<64x512xf32, #tpu.memory_space<vmem>>) dst(%dma_wait3A_1207 : memref<64x512xf32, #tpu.memory_space<hbm>>)
    %add3A_1208 = arith.constant 36 : i32
    %add3A_1209 = arith.addi %mul3A_58, %add3A_1208 : i32
    %add3A_1210 = arith.constant 0 : i32
    %add3A_1211 = arith.addi %add3A_1209, %add3A_1210 : i32
    %mul3A_1212 = arith.constant 16 : i32
    %mul3A_1213 = arith.muli %add3A_1211, %mul3A_1212 : i32
    %get3A_1214 = arith.index_cast %mul3A_1213 : i32 to index
    %get3A_1215 = tpu.vector_load %arg6[%get3A_1214] {strides = array<i32>} : memref<2048xi32, #tpu.memory_space<vmem>>, vector<16xi32>,
    %cumsum3A_1216 = arith.constant true
    %cumsum3A_1217 = vector.broadcast %cumsum3A_1216 : i1 to vector<16xi1>
    %cumsum3A_1218 = tpu.scan <sum>, %get3A_1215 masked %cumsum3A_1217 : vector<16xi32>, vector<16xi1> -> vector<16xi32>
    %add3A_1219 = arith.addi %cumsum3A_1218, %add3A_1183 : vector<16xi32>
    %sub3A_1220 = arith.constant 1 : i32
    %sub3A_1221 = vector.broadcast %sub3A_1220 : i32 to vector<16xi32>
    %sub3A_1222 = arith.subi %add3A_1219, %sub3A_1221 : vector<16xi32>
    %add3A_1223 = vector.broadcast %mul3A_56 : i32 to vector<16xi32>
    %add3A_1224 = arith.addi %sub3A_1222, %add3A_1223 : vector<16xi32>
    %swap3A_1225 = arith.constant 9 : i32
    %swap3A_1226 = arith.index_cast %swap3A_1225 : i32 to index
    %swap3A_1227 = arith.constant 0 : index
    %swap3A_1228 = tpu.vector_load %arg7[%swap3A_1226, %swap3A_1227] {strides = array<i32>} : memref<16x64xi32, #tpu.memory_space<vmem>>, vector<16xi32>,
    tpu.vector_store %arg7[%swap3A_1226, %swap3A_1227], %add3A_1224 {strides = array<i32>} : memref<16x64xi32, #tpu.memory_space<vmem>>, vector<16xi32>,
    %broadcast_in_dim3A_1229 = arith.constant 15 : i32
    %broadcast_in_dim3A_1230 = vector.broadcast %broadcast_in_dim3A_1229 : i32 to vector<16x1xi32>
    %gather3A_1231 = vector.shape_cast %broadcast_in_dim3A_1230 : vector<16x1xi32> to vector<16xi32>
    %gather3A_1232 = tpu.dynamic_gather %cumsum3A_1218[%gather3A_1231] in [0] : vector<16xi32>, vector<16xi32> -> vector<16xi32>
    %add3A_1233 = arith.addi %add3A_1183, %gather3A_1232 : vector<16xi32>
    %add3A_1234 = arith.constant 36 : i32
    %add3A_1235 = arith.addi %mul3A_58, %add3A_1234 : i32
    %add3A_1236 = arith.constant 1 : i32
    %add3A_1237 = arith.addi %add3A_1235, %add3A_1236 : i32
    %mul3A_1238 = arith.constant 16 : i32
    %mul3A_1239 = arith.muli %add3A_1237, %mul3A_1238 : i32
    %get3A_1240 = arith.index_cast %mul3A_1239 : i32 to index
    %get3A_1241 = tpu.vector_load %arg6[%get3A_1240] {strides = array<i32>} : memref<2048xi32, #tpu.memory_space<vmem>>, vector<16xi32>,
    %cumsum3A_1242 = arith.constant true
    %cumsum3A_1243 = vector.broadcast %cumsum3A_1242 : i1 to vector<16xi1>
    %cumsum3A_1244 = tpu.scan <sum>, %get3A_1241 masked %cumsum3A_1243 : vector<16xi32>, vector<16xi1> -> vector<16xi32>
    %add3A_1245 = arith.addi %cumsum3A_1244, %add3A_1233 : vector<16xi32>
    %sub3A_1246 = arith.constant 1 : i32
    %sub3A_1247 = vector.broadcast %sub3A_1246 : i32 to vector<16xi32>
    %sub3A_1248 = arith.subi %add3A_1245, %sub3A_1247 : vector<16xi32>
    %add3A_1249 = vector.broadcast %mul3A_56 : i32 to vector<16xi32>
    %add3A_1250 = arith.addi %sub3A_1248, %add3A_1249 : vector<16xi32>
    %swap3A_1251 = arith.constant 9 : i32
    %swap3A_1252 = arith.index_cast %swap3A_1251 : i32 to index
    %swap3A_1253 = arith.constant 16 : index
    %swap3A_1254 = tpu.vector_load %arg7[%swap3A_1252, %swap3A_1253] {strides = array<i32>} : memref<16x64xi32, #tpu.memory_space<vmem>>, vector<16xi32>,
    tpu.vector_store %arg7[%swap3A_1252, %swap3A_1253], %add3A_1250 {strides = array<i32>} : memref<16x64xi32, #tpu.memory_space<vmem>>, vector<16xi32>,
    %broadcast_in_dim3A_1255 = arith.constant 15 : i32
    %broadcast_in_dim3A_1256 = vector.broadcast %broadcast_in_dim3A_1255 : i32 to vector<16x1xi32>
    %gather3A_1257 = vector.shape_cast %broadcast_in_dim3A_1256 : vector<16x1xi32> to vector<16xi32>
    %gather3A_1258 = tpu.dynamic_gather %cumsum3A_1244[%gather3A_1257] in [0] : vector<16xi32>, vector<16xi32> -> vector<16xi32>
    %add3A_1259 = arith.addi %add3A_1233, %gather3A_1258 : vector<16xi32>
    %add3A_1260 = arith.constant 36 : i32
    %add3A_1261 = arith.addi %mul3A_58, %add3A_1260 : i32
    %add3A_1262 = arith.constant 2 : i32
    %add3A_1263 = arith.addi %add3A_1261, %add3A_1262 : i32
    %mul3A_1264 = arith.constant 16 : i32
    %mul3A_1265 = arith.muli %add3A_1263, %mul3A_1264 : i32
    %get3A_1266 = arith.index_cast %mul3A_1265 : i32 to index
    %get3A_1267 = tpu.vector_load %arg6[%get3A_1266] {strides = array<i32>} : memref<2048xi32, #tpu.memory_space<vmem>>, vector<16xi32>,
    %cumsum3A_1268 = arith.constant true
    %cumsum3A_1269 = vector.broadcast %cumsum3A_1268 : i1 to vector<16xi1>
    %cumsum3A_1270 = tpu.scan <sum>, %get3A_1267 masked %cumsum3A_1269 : vector<16xi32>, vector<16xi1> -> vector<16xi32>
    %add3A_1271 = arith.addi %cumsum3A_1270, %add3A_1259 : vector<16xi32>
    %sub3A_1272 = arith.constant 1 : i32
    %sub3A_1273 = vector.broadcast %sub3A_1272 : i32 to vector<16xi32>
    %sub3A_1274 = arith.subi %add3A_1271, %sub3A_1273 : vector<16xi32>
    %add3A_1275 = vector.broadcast %mul3A_56 : i32 to vector<16xi32>
    %add3A_1276 = arith.addi %sub3A_1274, %add3A_1275 : vector<16xi32>
    %swap3A_1277 = arith.constant 9 : i32
    %swap3A_1278 = arith.index_cast %swap3A_1277 : i32 to index
    %swap3A_1279 = arith.constant 32 : index
    %swap3A_1280 = tpu.vector_load %arg7[%swap3A_1278, %swap3A_1279] {strides = array<i32>} : memref<16x64xi32, #tpu.memory_space<vmem>>, vector<16xi32>,
    tpu.vector_store %arg7[%swap3A_1278, %swap3A_1279], %add3A_1276 {strides = array<i32>} : memref<16x64xi32, #tpu.memory_space<vmem>>, vector<16xi32>,
    %broadcast_in_dim3A_1281 = arith.constant 15 : i32
    %broadcast_in_dim3A_1282 = vector.broadcast %broadcast_in_dim3A_1281 : i32 to vector<16x1xi32>
    %gather3A_1283 = vector.shape_cast %broadcast_in_dim3A_1282 : vector<16x1xi32> to vector<16xi32>
    %gather3A_1284 = tpu.dynamic_gather %cumsum3A_1270[%gather3A_1283] in [0] : vector<16xi32>, vector<16xi32> -> vector<16xi32>
    %add3A_1285 = arith.addi %add3A_1259, %gather3A_1284 : vector<16xi32>
    %add3A_1286 = arith.constant 36 : i32
    %add3A_1287 = arith.addi %mul3A_58, %add3A_1286 : i32
    %add3A_1288 = arith.constant 3 : i32
    %add3A_1289 = arith.addi %add3A_1287, %add3A_1288 : i32
    %mul3A_1290 = arith.constant 16 : i32
    %mul3A_1291 = arith.muli %add3A_1289, %mul3A_1290 : i32
    %get3A_1292 = arith.index_cast %mul3A_1291 : i32 to index
    %get3A_1293 = tpu.vector_load %arg6[%get3A_1292] {strides = array<i32>} : memref<2048xi32, #tpu.memory_space<vmem>>, vector<16xi32>,
    %cumsum3A_1294 = arith.constant true
    %cumsum3A_1295 = vector.broadcast %cumsum3A_1294 : i1 to vector<16xi1>
    %cumsum3A_1296 = tpu.scan <sum>, %get3A_1293 masked %cumsum3A_1295 : vector<16xi32>, vector<16xi1> -> vector<16xi32>
    %add3A_1297 = arith.addi %cumsum3A_1296, %add3A_1285 : vector<16xi32>
    %sub3A_1298 = arith.constant 1 : i32
    %sub3A_1299 = vector.broadcast %sub3A_1298 : i32 to vector<16xi32>
    %sub3A_1300 = arith.subi %add3A_1297, %sub3A_1299 : vector<16xi32>
    %add3A_1301 = vector.broadcast %mul3A_56 : i32 to vector<16xi32>
    %add3A_1302 = arith.addi %sub3A_1300, %add3A_1301 : vector<16xi32>
    %swap3A_1303 = arith.constant 9 : i32
    %swap3A_1304 = arith.index_cast %swap3A_1303 : i32 to index
    %swap3A_1305 = arith.constant 48 : index
    %swap3A_1306 = tpu.vector_load %arg7[%swap3A_1304, %swap3A_1305] {strides = array<i32>} : memref<16x64xi32, #tpu.memory_space<vmem>>, vector<16xi32>,
    tpu.vector_store %arg7[%swap3A_1304, %swap3A_1305], %add3A_1302 {strides = array<i32>} : memref<16x64xi32, #tpu.memory_space<vmem>>, vector<16xi32>,
    %broadcast_in_dim3A_1307 = arith.constant 15 : i32
    %broadcast_in_dim3A_1308 = vector.broadcast %broadcast_in_dim3A_1307 : i32 to vector<16x1xi32>
    %gather3A_1309 = vector.shape_cast %broadcast_in_dim3A_1308 : vector<16x1xi32> to vector<16xi32>
    %gather3A_1310 = tpu.dynamic_gather %cumsum3A_1296[%gather3A_1309] in [0] : vector<16xi32>, vector<16xi32> -> vector<16xi32>
    %add3A_1311 = arith.addi %add3A_1285, %gather3A_1310 : vector<16xi32>
    %dma_start3A_1312 = arith.constant 9 : i32
    %dma_start3A_1313 = arith.constant 0 : i32
    %dma_start3A_1314 = tpu.memref_slice %arg7[%dma_start3A_1312, %dma_start3A_1313] : memref<16x64xi32, #tpu.memory_space<vmem>> -> memref<1x64xi32, #tpu.memory_space<vmem>>
    %dma_start3A_1315 = tpu.memref_squeeze %dma_start3A_1314 : memref<1x64xi32, #tpu.memory_space<vmem>> -> memref<64xi32, #tpu.memory_space<vmem>>
    %dma_start3A_1316 = arith.constant 0 : i32
    %dma_start3A_1317 = arith.constant 0 : i32
    %dma_start3A_1318 = tpu.memref_slice %arg2[%dma_start3A_1316, %dma_start3A_1317] : memref<32768x512xf32, #tpu.memory_space<hbm>> -> memref<32768x512xf32, #tpu.memory_space<hbm>>
    tpu.enqueue_indirect_dma source(%dma_start3A_1318 : memref<32768x512xf32, #tpu.memory_space<hbm>>) target(%arg9 : memref<64x512xf32, #tpu.memory_space<vmem>>) offsets(%dma_start3A_1315 : memref<64xi32, #tpu.memory_space<vmem>>) semaphore(%arg11 : memref<!tpu.dma_semaphore, #tpu.memory_space<semaphore_mem>>)
    %dma_wait3A_1319 = arith.constant 8 : i32
    %dma_wait3A_1320 = arith.constant 0 : i32
    %dma_wait3A_1321 = tpu.memref_slice %arg7[%dma_wait3A_1319, %dma_wait3A_1320] : memref<16x64xi32, #tpu.memory_space<vmem>> -> memref<1x64xi32, #tpu.memory_space<vmem>>
    %dma_wait3A_1322 = tpu.memref_squeeze %dma_wait3A_1321 : memref<1x64xi32, #tpu.memory_space<vmem>> -> memref<64xi32, #tpu.memory_space<vmem>>
    %dma_wait3A_1323 = arith.constant 0 : i32
    %dma_wait3A_1324 = arith.constant 0 : i32
    %dma_wait3A_1325 = tpu.memref_slice %arg2[%dma_wait3A_1323, %dma_wait3A_1324] : memref<32768x512xf32, #tpu.memory_space<hbm>> -> memref<32768x512xf32, #tpu.memory_space<hbm>>
    tpu.wait_indirect_dma semaphore(%arg10 : memref<!tpu.dma_semaphore, #tpu.memory_space<semaphore_mem>>) src(%dma_wait3A_1325 : memref<32768x512xf32, #tpu.memory_space<hbm>>) dst(%arg8 : memref<64x512xf32, #tpu.memory_space<vmem>>)
    %add3A_1326 = arith.constant 512 : i32
    %add3A_1327 = arith.addi %add3A_61, %add3A_1326 : i32
    %dma_start3A_1328 = arith.constant 0 : i32
    %dma_start3A_1329 = tpu.memref_slice %arg4[%add3A_1327, %dma_start3A_1328] : memref<32768x512xf32, #tpu.memory_space<hbm>> -> memref<64x512xf32, #tpu.memory_space<hbm>>
    %dma_start3A_1330 = arith.constant 0 : i32
    %dma_start3A_1331 = tpu.memref_slice %arg4[%add3A_1327, %dma_start3A_1330] : memref<32768x512xf32, #tpu.memory_space<hbm>> -> memref<64x512xf32, #tpu.memory_space<hbm>>
    tpu.enqueue_dma source(%arg8 : memref<64x512xf32, #tpu.memory_space<vmem>>) target(%dma_start3A_1331 : memref<64x512xf32, #tpu.memory_space<hbm>>) target_semaphore(%arg12 : memref<!tpu.dma_semaphore, #tpu.memory_space<semaphore_mem>>)
    %dma_wait3A_1332 = arith.constant 0 : i32
    %dma_wait3A_1333 = tpu.memref_slice %arg4[%add3A_1327, %dma_wait3A_1332] : memref<32768x512xf32, #tpu.memory_space<hbm>> -> memref<64x512xf32, #tpu.memory_space<hbm>>
    %dma_wait3A_1334 = arith.constant 0 : i32
    %dma_wait3A_1335 = tpu.memref_slice %arg4[%add3A_1327, %dma_wait3A_1334] : memref<32768x512xf32, #tpu.memory_space<hbm>> -> memref<64x512xf32, #tpu.memory_space<hbm>>
    tpu.wait_dma2 semaphore(%arg12 : memref<!tpu.dma_semaphore, #tpu.memory_space<semaphore_mem>>) src(%arg8 : memref<64x512xf32, #tpu.memory_space<vmem>>) dst(%dma_wait3A_1335 : memref<64x512xf32, #tpu.memory_space<hbm>>)
    %add3A_1336 = arith.constant 40 : i32
    %add3A_1337 = arith.addi %mul3A_58, %add3A_1336 : i32
    %add3A_1338 = arith.constant 0 : i32
    %add3A_1339 = arith.addi %add3A_1337, %add3A_1338 : i32
    %mul3A_1340 = arith.constant 16 : i32
    %mul3A_1341 = arith.muli %add3A_1339, %mul3A_1340 : i32
    %get3A_1342 = arith.index_cast %mul3A_1341 : i32 to index
    %get3A_1343 = tpu.vector_load %arg6[%get3A_1342] {strides = array<i32>} : memref<2048xi32, #tpu.memory_space<vmem>>, vector<16xi32>,
    %cumsum3A_1344 = arith.constant true
    %cumsum3A_1345 = vector.broadcast %cumsum3A_1344 : i1 to vector<16xi1>
    %cumsum3A_1346 = tpu.scan <sum>, %get3A_1343 masked %cumsum3A_1345 : vector<16xi32>, vector<16xi1> -> vector<16xi32>
    %add3A_1347 = arith.addi %cumsum3A_1346, %add3A_1311 : vector<16xi32>
    %sub3A_1348 = arith.constant 1 : i32
    %sub3A_1349 = vector.broadcast %sub3A_1348 : i32 to vector<16xi32>
    %sub3A_1350 = arith.subi %add3A_1347, %sub3A_1349 : vector<16xi32>
    %add3A_1351 = vector.broadcast %mul3A_56 : i32 to vector<16xi32>
    %add3A_1352 = arith.addi %sub3A_1350, %add3A_1351 : vector<16xi32>
    %swap3A_1353 = arith.constant 10 : i32
    %swap3A_1354 = arith.index_cast %swap3A_1353 : i32 to index
    %swap3A_1355 = arith.constant 0 : index
    %swap3A_1356 = tpu.vector_load %arg7[%swap3A_1354, %swap3A_1355] {strides = array<i32>} : memref<16x64xi32, #tpu.memory_space<vmem>>, vector<16xi32>,
    tpu.vector_store %arg7[%swap3A_1354, %swap3A_1355], %add3A_1352 {strides = array<i32>} : memref<16x64xi32, #tpu.memory_space<vmem>>, vector<16xi32>,
    %broadcast_in_dim3A_1357 = arith.constant 15 : i32
    %broadcast_in_dim3A_1358 = vector.broadcast %broadcast_in_dim3A_1357 : i32 to vector<16x1xi32>
    %gather3A_1359 = vector.shape_cast %broadcast_in_dim3A_1358 : vector<16x1xi32> to vector<16xi32>
    %gather3A_1360 = tpu.dynamic_gather %cumsum3A_1346[%gather3A_1359] in [0] : vector<16xi32>, vector<16xi32> -> vector<16xi32>
    %add3A_1361 = arith.addi %add3A_1311, %gather3A_1360 : vector<16xi32>
    %add3A_1362 = arith.constant 40 : i32
    %add3A_1363 = arith.addi %mul3A_58, %add3A_1362 : i32
    %add3A_1364 = arith.constant 1 : i32
    %add3A_1365 = arith.addi %add3A_1363, %add3A_1364 : i32
    %mul3A_1366 = arith.constant 16 : i32
    %mul3A_1367 = arith.muli %add3A_1365, %mul3A_1366 : i32
    %get3A_1368 = arith.index_cast %mul3A_1367 : i32 to index
    %get3A_1369 = tpu.vector_load %arg6[%get3A_1368] {strides = array<i32>} : memref<2048xi32, #tpu.memory_space<vmem>>, vector<16xi32>,
    %cumsum3A_1370 = arith.constant true
    %cumsum3A_1371 = vector.broadcast %cumsum3A_1370 : i1 to vector<16xi1>
    %cumsum3A_1372 = tpu.scan <sum>, %get3A_1369 masked %cumsum3A_1371 : vector<16xi32>, vector<16xi1> -> vector<16xi32>
    %add3A_1373 = arith.addi %cumsum3A_1372, %add3A_1361 : vector<16xi32>
    %sub3A_1374 = arith.constant 1 : i32
    %sub3A_1375 = vector.broadcast %sub3A_1374 : i32 to vector<16xi32>
    %sub3A_1376 = arith.subi %add3A_1373, %sub3A_1375 : vector<16xi32>
    %add3A_1377 = vector.broadcast %mul3A_56 : i32 to vector<16xi32>
    %add3A_1378 = arith.addi %sub3A_1376, %add3A_1377 : vector<16xi32>
    %swap3A_1379 = arith.constant 10 : i32
    %swap3A_1380 = arith.index_cast %swap3A_1379 : i32 to index
    %swap3A_1381 = arith.constant 16 : index
    %swap3A_1382 = tpu.vector_load %arg7[%swap3A_1380, %swap3A_1381] {strides = array<i32>} : memref<16x64xi32, #tpu.memory_space<vmem>>, vector<16xi32>,
    tpu.vector_store %arg7[%swap3A_1380, %swap3A_1381], %add3A_1378 {strides = array<i32>} : memref<16x64xi32, #tpu.memory_space<vmem>>, vector<16xi32>,
    %broadcast_in_dim3A_1383 = arith.constant 15 : i32
    %broadcast_in_dim3A_1384 = vector.broadcast %broadcast_in_dim3A_1383 : i32 to vector<16x1xi32>
    %gather3A_1385 = vector.shape_cast %broadcast_in_dim3A_1384 : vector<16x1xi32> to vector<16xi32>
    %gather3A_1386 = tpu.dynamic_gather %cumsum3A_1372[%gather3A_1385] in [0] : vector<16xi32>, vector<16xi32> -> vector<16xi32>
    %add3A_1387 = arith.addi %add3A_1361, %gather3A_1386 : vector<16xi32>
    %add3A_1388 = arith.constant 40 : i32
    %add3A_1389 = arith.addi %mul3A_58, %add3A_1388 : i32
    %add3A_1390 = arith.constant 2 : i32
    %add3A_1391 = arith.addi %add3A_1389, %add3A_1390 : i32
    %mul3A_1392 = arith.constant 16 : i32
    %mul3A_1393 = arith.muli %add3A_1391, %mul3A_1392 : i32
    %get3A_1394 = arith.index_cast %mul3A_1393 : i32 to index
    %get3A_1395 = tpu.vector_load %arg6[%get3A_1394] {strides = array<i32>} : memref<2048xi32, #tpu.memory_space<vmem>>, vector<16xi32>,
    %cumsum3A_1396 = arith.constant true
    %cumsum3A_1397 = vector.broadcast %cumsum3A_1396 : i1 to vector<16xi1>
    %cumsum3A_1398 = tpu.scan <sum>, %get3A_1395 masked %cumsum3A_1397 : vector<16xi32>, vector<16xi1> -> vector<16xi32>
    %add3A_1399 = arith.addi %cumsum3A_1398, %add3A_1387 : vector<16xi32>
    %sub3A_1400 = arith.constant 1 : i32
    %sub3A_1401 = vector.broadcast %sub3A_1400 : i32 to vector<16xi32>
    %sub3A_1402 = arith.subi %add3A_1399, %sub3A_1401 : vector<16xi32>
    %add3A_1403 = vector.broadcast %mul3A_56 : i32 to vector<16xi32>
    %add3A_1404 = arith.addi %sub3A_1402, %add3A_1403 : vector<16xi32>
    %swap3A_1405 = arith.constant 10 : i32
    %swap3A_1406 = arith.index_cast %swap3A_1405 : i32 to index
    %swap3A_1407 = arith.constant 32 : index
    %swap3A_1408 = tpu.vector_load %arg7[%swap3A_1406, %swap3A_1407] {strides = array<i32>} : memref<16x64xi32, #tpu.memory_space<vmem>>, vector<16xi32>,
    tpu.vector_store %arg7[%swap3A_1406, %swap3A_1407], %add3A_1404 {strides = array<i32>} : memref<16x64xi32, #tpu.memory_space<vmem>>, vector<16xi32>,
    %broadcast_in_dim3A_1409 = arith.constant 15 : i32
    %broadcast_in_dim3A_1410 = vector.broadcast %broadcast_in_dim3A_1409 : i32 to vector<16x1xi32>
    %gather3A_1411 = vector.shape_cast %broadcast_in_dim3A_1410 : vector<16x1xi32> to vector<16xi32>
    %gather3A_1412 = tpu.dynamic_gather %cumsum3A_1398[%gather3A_1411] in [0] : vector<16xi32>, vector<16xi32> -> vector<16xi32>
    %add3A_1413 = arith.addi %add3A_1387, %gather3A_1412 : vector<16xi32>
    %add3A_1414 = arith.constant 40 : i32
    %add3A_1415 = arith.addi %mul3A_58, %add3A_1414 : i32
    %add3A_1416 = arith.constant 3 : i32
    %add3A_1417 = arith.addi %add3A_1415, %add3A_1416 : i32
    %mul3A_1418 = arith.constant 16 : i32
    %mul3A_1419 = arith.muli %add3A_1417, %mul3A_1418 : i32
    %get3A_1420 = arith.index_cast %mul3A_1419 : i32 to index
    %get3A_1421 = tpu.vector_load %arg6[%get3A_1420] {strides = array<i32>} : memref<2048xi32, #tpu.memory_space<vmem>>, vector<16xi32>,
    %cumsum3A_1422 = arith.constant true
    %cumsum3A_1423 = vector.broadcast %cumsum3A_1422 : i1 to vector<16xi1>
    %cumsum3A_1424 = tpu.scan <sum>, %get3A_1421 masked %cumsum3A_1423 : vector<16xi32>, vector<16xi1> -> vector<16xi32>
    %add3A_1425 = arith.addi %cumsum3A_1424, %add3A_1413 : vector<16xi32>
    %sub3A_1426 = arith.constant 1 : i32
    %sub3A_1427 = vector.broadcast %sub3A_1426 : i32 to vector<16xi32>
    %sub3A_1428 = arith.subi %add3A_1425, %sub3A_1427 : vector<16xi32>
    %add3A_1429 = vector.broadcast %mul3A_56 : i32 to vector<16xi32>
    %add3A_1430 = arith.addi %sub3A_1428, %add3A_1429 : vector<16xi32>
    %swap3A_1431 = arith.constant 10 : i32
    %swap3A_1432 = arith.index_cast %swap3A_1431 : i32 to index
    %swap3A_1433 = arith.constant 48 : index
    %swap3A_1434 = tpu.vector_load %arg7[%swap3A_1432, %swap3A_1433] {strides = array<i32>} : memref<16x64xi32, #tpu.memory_space<vmem>>, vector<16xi32>,
    tpu.vector_store %arg7[%swap3A_1432, %swap3A_1433], %add3A_1430 {strides = array<i32>} : memref<16x64xi32, #tpu.memory_space<vmem>>, vector<16xi32>,
    %broadcast_in_dim3A_1435 = arith.constant 15 : i32
    %broadcast_in_dim3A_1436 = vector.broadcast %broadcast_in_dim3A_1435 : i32 to vector<16x1xi32>
    %gather3A_1437 = vector.shape_cast %broadcast_in_dim3A_1436 : vector<16x1xi32> to vector<16xi32>
    %gather3A_1438 = tpu.dynamic_gather %cumsum3A_1424[%gather3A_1437] in [0] : vector<16xi32>, vector<16xi32> -> vector<16xi32>
    %add3A_1439 = arith.addi %add3A_1413, %gather3A_1438 : vector<16xi32>
    %dma_start3A_1440 = arith.constant 10 : i32
    %dma_start3A_1441 = arith.constant 0 : i32
    %dma_start3A_1442 = tpu.memref_slice %arg7[%dma_start3A_1440, %dma_start3A_1441] : memref<16x64xi32, #tpu.memory_space<vmem>> -> memref<1x64xi32, #tpu.memory_space<vmem>>
    %dma_start3A_1443 = tpu.memref_squeeze %dma_start3A_1442 : memref<1x64xi32, #tpu.memory_space<vmem>> -> memref<64xi32, #tpu.memory_space<vmem>>
    %dma_start3A_1444 = arith.constant 0 : i32
    %dma_start3A_1445 = arith.constant 0 : i32
    %dma_start3A_1446 = tpu.memref_slice %arg2[%dma_start3A_1444, %dma_start3A_1445] : memref<32768x512xf32, #tpu.memory_space<hbm>> -> memref<32768x512xf32, #tpu.memory_space<hbm>>
    tpu.enqueue_indirect_dma source(%dma_start3A_1446 : memref<32768x512xf32, #tpu.memory_space<hbm>>) target(%arg8 : memref<64x512xf32, #tpu.memory_space<vmem>>) offsets(%dma_start3A_1443 : memref<64xi32, #tpu.memory_space<vmem>>) semaphore(%arg10 : memref<!tpu.dma_semaphore, #tpu.memory_space<semaphore_mem>>)
    %dma_wait3A_1447 = arith.constant 9 : i32
    %dma_wait3A_1448 = arith.constant 0 : i32
    %dma_wait3A_1449 = tpu.memref_slice %arg7[%dma_wait3A_1447, %dma_wait3A_1448] : memref<16x64xi32, #tpu.memory_space<vmem>> -> memref<1x64xi32, #tpu.memory_space<vmem>>
    %dma_wait3A_1450 = tpu.memref_squeeze %dma_wait3A_1449 : memref<1x64xi32, #tpu.memory_space<vmem>> -> memref<64xi32, #tpu.memory_space<vmem>>
    %dma_wait3A_1451 = arith.constant 0 : i32
    %dma_wait3A_1452 = arith.constant 0 : i32
    %dma_wait3A_1453 = tpu.memref_slice %arg2[%dma_wait3A_1451, %dma_wait3A_1452] : memref<32768x512xf32, #tpu.memory_space<hbm>> -> memref<32768x512xf32, #tpu.memory_space<hbm>>
    tpu.wait_indirect_dma semaphore(%arg11 : memref<!tpu.dma_semaphore, #tpu.memory_space<semaphore_mem>>) src(%dma_wait3A_1453 : memref<32768x512xf32, #tpu.memory_space<hbm>>) dst(%arg9 : memref<64x512xf32, #tpu.memory_space<vmem>>)
    %add3A_1454 = arith.constant 576 : i32
    %add3A_1455 = arith.addi %add3A_61, %add3A_1454 : i32
    %dma_start3A_1456 = arith.constant 0 : i32
    %dma_start3A_1457 = tpu.memref_slice %arg4[%add3A_1455, %dma_start3A_1456] : memref<32768x512xf32, #tpu.memory_space<hbm>> -> memref<64x512xf32, #tpu.memory_space<hbm>>
    %dma_start3A_1458 = arith.constant 0 : i32
    %dma_start3A_1459 = tpu.memref_slice %arg4[%add3A_1455, %dma_start3A_1458] : memref<32768x512xf32, #tpu.memory_space<hbm>> -> memref<64x512xf32, #tpu.memory_space<hbm>>
    tpu.enqueue_dma source(%arg9 : memref<64x512xf32, #tpu.memory_space<vmem>>) target(%dma_start3A_1459 : memref<64x512xf32, #tpu.memory_space<hbm>>) target_semaphore(%arg13 : memref<!tpu.dma_semaphore, #tpu.memory_space<semaphore_mem>>)
    %dma_wait3A_1460 = arith.constant 0 : i32
    %dma_wait3A_1461 = tpu.memref_slice %arg4[%add3A_1455, %dma_wait3A_1460] : memref<32768x512xf32, #tpu.memory_space<hbm>> -> memref<64x512xf32, #tpu.memory_space<hbm>>
    %dma_wait3A_1462 = arith.constant 0 : i32
    %dma_wait3A_1463 = tpu.memref_slice %arg4[%add3A_1455, %dma_wait3A_1462] : memref<32768x512xf32, #tpu.memory_space<hbm>> -> memref<64x512xf32, #tpu.memory_space<hbm>>
    tpu.wait_dma2 semaphore(%arg13 : memref<!tpu.dma_semaphore, #tpu.memory_space<semaphore_mem>>) src(%arg9 : memref<64x512xf32, #tpu.memory_space<vmem>>) dst(%dma_wait3A_1463 : memref<64x512xf32, #tpu.memory_space<hbm>>)
    %add3A_1464 = arith.constant 44 : i32
    %add3A_1465 = arith.addi %mul3A_58, %add3A_1464 : i32
    %add3A_1466 = arith.constant 0 : i32
    %add3A_1467 = arith.addi %add3A_1465, %add3A_1466 : i32
    %mul3A_1468 = arith.constant 16 : i32
    %mul3A_1469 = arith.muli %add3A_1467, %mul3A_1468 : i32
    %get3A_1470 = arith.index_cast %mul3A_1469 : i32 to index
    %get3A_1471 = tpu.vector_load %arg6[%get3A_1470] {strides = array<i32>} : memref<2048xi32, #tpu.memory_space<vmem>>, vector<16xi32>,
    %cumsum3A_1472 = arith.constant true
    %cumsum3A_1473 = vector.broadcast %cumsum3A_1472 : i1 to vector<16xi1>
    %cumsum3A_1474 = tpu.scan <sum>, %get3A_1471 masked %cumsum3A_1473 : vector<16xi32>, vector<16xi1> -> vector<16xi32>
    %add3A_1475 = arith.addi %cumsum3A_1474, %add3A_1439 : vector<16xi32>
    %sub3A_1476 = arith.constant 1 : i32
    %sub3A_1477 = vector.broadcast %sub3A_1476 : i32 to vector<16xi32>
    %sub3A_1478 = arith.subi %add3A_1475, %sub3A_1477 : vector<16xi32>
    %add3A_1479 = vector.broadcast %mul3A_56 : i32 to vector<16xi32>
    %add3A_1480 = arith.addi %sub3A_1478, %add3A_1479 : vector<16xi32>
    %swap3A_1481 = arith.constant 11 : i32
    %swap3A_1482 = arith.index_cast %swap3A_1481 : i32 to index
    %swap3A_1483 = arith.constant 0 : index
    %swap3A_1484 = tpu.vector_load %arg7[%swap3A_1482, %swap3A_1483] {strides = array<i32>} : memref<16x64xi32, #tpu.memory_space<vmem>>, vector<16xi32>,
    tpu.vector_store %arg7[%swap3A_1482, %swap3A_1483], %add3A_1480 {strides = array<i32>} : memref<16x64xi32, #tpu.memory_space<vmem>>, vector<16xi32>,
    %broadcast_in_dim3A_1485 = arith.constant 15 : i32
    %broadcast_in_dim3A_1486 = vector.broadcast %broadcast_in_dim3A_1485 : i32 to vector<16x1xi32>
    %gather3A_1487 = vector.shape_cast %broadcast_in_dim3A_1486 : vector<16x1xi32> to vector<16xi32>
    %gather3A_1488 = tpu.dynamic_gather %cumsum3A_1474[%gather3A_1487] in [0] : vector<16xi32>, vector<16xi32> -> vector<16xi32>
    %add3A_1489 = arith.addi %add3A_1439, %gather3A_1488 : vector<16xi32>
    %add3A_1490 = arith.constant 44 : i32
    %add3A_1491 = arith.addi %mul3A_58, %add3A_1490 : i32
    %add3A_1492 = arith.constant 1 : i32
    %add3A_1493 = arith.addi %add3A_1491, %add3A_1492 : i32
    %mul3A_1494 = arith.constant 16 : i32
    %mul3A_1495 = arith.muli %add3A_1493, %mul3A_1494 : i32
    %get3A_1496 = arith.index_cast %mul3A_1495 : i32 to index
    %get3A_1497 = tpu.vector_load %arg6[%get3A_1496] {strides = array<i32>} : memref<2048xi32, #tpu.memory_space<vmem>>, vector<16xi32>,
    %cumsum3A_1498 = arith.constant true
    %cumsum3A_1499 = vector.broadcast %cumsum3A_1498 : i1 to vector<16xi1>
    %cumsum3A_1500 = tpu.scan <sum>, %get3A_1497 masked %cumsum3A_1499 : vector<16xi32>, vector<16xi1> -> vector<16xi32>
    %add3A_1501 = arith.addi %cumsum3A_1500, %add3A_1489 : vector<16xi32>
    %sub3A_1502 = arith.constant 1 : i32
    %sub3A_1503 = vector.broadcast %sub3A_1502 : i32 to vector<16xi32>
    %sub3A_1504 = arith.subi %add3A_1501, %sub3A_1503 : vector<16xi32>
    %add3A_1505 = vector.broadcast %mul3A_56 : i32 to vector<16xi32>
    %add3A_1506 = arith.addi %sub3A_1504, %add3A_1505 : vector<16xi32>
    %swap3A_1507 = arith.constant 11 : i32
    %swap3A_1508 = arith.index_cast %swap3A_1507 : i32 to index
    %swap3A_1509 = arith.constant 16 : index
    %swap3A_1510 = tpu.vector_load %arg7[%swap3A_1508, %swap3A_1509] {strides = array<i32>} : memref<16x64xi32, #tpu.memory_space<vmem>>, vector<16xi32>,
    tpu.vector_store %arg7[%swap3A_1508, %swap3A_1509], %add3A_1506 {strides = array<i32>} : memref<16x64xi32, #tpu.memory_space<vmem>>, vector<16xi32>,
    %broadcast_in_dim3A_1511 = arith.constant 15 : i32
    %broadcast_in_dim3A_1512 = vector.broadcast %broadcast_in_dim3A_1511 : i32 to vector<16x1xi32>
    %gather3A_1513 = vector.shape_cast %broadcast_in_dim3A_1512 : vector<16x1xi32> to vector<16xi32>
    %gather3A_1514 = tpu.dynamic_gather %cumsum3A_1500[%gather3A_1513] in [0] : vector<16xi32>, vector<16xi32> -> vector<16xi32>
    %add3A_1515 = arith.addi %add3A_1489, %gather3A_1514 : vector<16xi32>
    %add3A_1516 = arith.constant 44 : i32
    %add3A_1517 = arith.addi %mul3A_58, %add3A_1516 : i32
    %add3A_1518 = arith.constant 2 : i32
    %add3A_1519 = arith.addi %add3A_1517, %add3A_1518 : i32
    %mul3A_1520 = arith.constant 16 : i32
    %mul3A_1521 = arith.muli %add3A_1519, %mul3A_1520 : i32
    %get3A_1522 = arith.index_cast %mul3A_1521 : i32 to index
    %get3A_1523 = tpu.vector_load %arg6[%get3A_1522] {strides = array<i32>} : memref<2048xi32, #tpu.memory_space<vmem>>, vector<16xi32>,
    %cumsum3A_1524 = arith.constant true
    %cumsum3A_1525 = vector.broadcast %cumsum3A_1524 : i1 to vector<16xi1>
    %cumsum3A_1526 = tpu.scan <sum>, %get3A_1523 masked %cumsum3A_1525 : vector<16xi32>, vector<16xi1> -> vector<16xi32>
    %add3A_1527 = arith.addi %cumsum3A_1526, %add3A_1515 : vector<16xi32>
    %sub3A_1528 = arith.constant 1 : i32
    %sub3A_1529 = vector.broadcast %sub3A_1528 : i32 to vector<16xi32>
    %sub3A_1530 = arith.subi %add3A_1527, %sub3A_1529 : vector<16xi32>
    %add3A_1531 = vector.broadcast %mul3A_56 : i32 to vector<16xi32>
    %add3A_1532 = arith.addi %sub3A_1530, %add3A_1531 : vector<16xi32>
    %swap3A_1533 = arith.constant 11 : i32
    %swap3A_1534 = arith.index_cast %swap3A_1533 : i32 to index
    %swap3A_1535 = arith.constant 32 : index
    %swap3A_1536 = tpu.vector_load %arg7[%swap3A_1534, %swap3A_1535] {strides = array<i32>} : memref<16x64xi32, #tpu.memory_space<vmem>>, vector<16xi32>,
    tpu.vector_store %arg7[%swap3A_1534, %swap3A_1535], %add3A_1532 {strides = array<i32>} : memref<16x64xi32, #tpu.memory_space<vmem>>, vector<16xi32>,
    %broadcast_in_dim3A_1537 = arith.constant 15 : i32
    %broadcast_in_dim3A_1538 = vector.broadcast %broadcast_in_dim3A_1537 : i32 to vector<16x1xi32>
    %gather3A_1539 = vector.shape_cast %broadcast_in_dim3A_1538 : vector<16x1xi32> to vector<16xi32>
    %gather3A_1540 = tpu.dynamic_gather %cumsum3A_1526[%gather3A_1539] in [0] : vector<16xi32>, vector<16xi32> -> vector<16xi32>
    %add3A_1541 = arith.addi %add3A_1515, %gather3A_1540 : vector<16xi32>
    %add3A_1542 = arith.constant 44 : i32
    %add3A_1543 = arith.addi %mul3A_58, %add3A_1542 : i32
    %add3A_1544 = arith.constant 3 : i32
    %add3A_1545 = arith.addi %add3A_1543, %add3A_1544 : i32
    %mul3A_1546 = arith.constant 16 : i32
    %mul3A_1547 = arith.muli %add3A_1545, %mul3A_1546 : i32
    %get3A_1548 = arith.index_cast %mul3A_1547 : i32 to index
    %get3A_1549 = tpu.vector_load %arg6[%get3A_1548] {strides = array<i32>} : memref<2048xi32, #tpu.memory_space<vmem>>, vector<16xi32>,
    %cumsum3A_1550 = arith.constant true
    %cumsum3A_1551 = vector.broadcast %cumsum3A_1550 : i1 to vector<16xi1>
    %cumsum3A_1552 = tpu.scan <sum>, %get3A_1549 masked %cumsum3A_1551 : vector<16xi32>, vector<16xi1> -> vector<16xi32>
    %add3A_1553 = arith.addi %cumsum3A_1552, %add3A_1541 : vector<16xi32>
    %sub3A_1554 = arith.constant 1 : i32
    %sub3A_1555 = vector.broadcast %sub3A_1554 : i32 to vector<16xi32>
    %sub3A_1556 = arith.subi %add3A_1553, %sub3A_1555 : vector<16xi32>
    %add3A_1557 = vector.broadcast %mul3A_56 : i32 to vector<16xi32>
    %add3A_1558 = arith.addi %sub3A_1556, %add3A_1557 : vector<16xi32>
    %swap3A_1559 = arith.constant 11 : i32
    %swap3A_1560 = arith.index_cast %swap3A_1559 : i32 to index
    %swap3A_1561 = arith.constant 48 : index
    %swap3A_1562 = tpu.vector_load %arg7[%swap3A_1560, %swap3A_1561] {strides = array<i32>} : memref<16x64xi32, #tpu.memory_space<vmem>>, vector<16xi32>,
    tpu.vector_store %arg7[%swap3A_1560, %swap3A_1561], %add3A_1558 {strides = array<i32>} : memref<16x64xi32, #tpu.memory_space<vmem>>, vector<16xi32>,
    %broadcast_in_dim3A_1563 = arith.constant 15 : i32
    %broadcast_in_dim3A_1564 = vector.broadcast %broadcast_in_dim3A_1563 : i32 to vector<16x1xi32>
    %gather3A_1565 = vector.shape_cast %broadcast_in_dim3A_1564 : vector<16x1xi32> to vector<16xi32>
    %gather3A_1566 = tpu.dynamic_gather %cumsum3A_1552[%gather3A_1565] in [0] : vector<16xi32>, vector<16xi32> -> vector<16xi32>
    %add3A_1567 = arith.addi %add3A_1541, %gather3A_1566 : vector<16xi32>
    %dma_start3A_1568 = arith.constant 11 : i32
    %dma_start3A_1569 = arith.constant 0 : i32
    %dma_start3A_1570 = tpu.memref_slice %arg7[%dma_start3A_1568, %dma_start3A_1569] : memref<16x64xi32, #tpu.memory_space<vmem>> -> memref<1x64xi32, #tpu.memory_space<vmem>>
    %dma_start3A_1571 = tpu.memref_squeeze %dma_start3A_1570 : memref<1x64xi32, #tpu.memory_space<vmem>> -> memref<64xi32, #tpu.memory_space<vmem>>
    %dma_start3A_1572 = arith.constant 0 : i32
    %dma_start3A_1573 = arith.constant 0 : i32
    %dma_start3A_1574 = tpu.memref_slice %arg2[%dma_start3A_1572, %dma_start3A_1573] : memref<32768x512xf32, #tpu.memory_space<hbm>> -> memref<32768x512xf32, #tpu.memory_space<hbm>>
    tpu.enqueue_indirect_dma source(%dma_start3A_1574 : memref<32768x512xf32, #tpu.memory_space<hbm>>) target(%arg9 : memref<64x512xf32, #tpu.memory_space<vmem>>) offsets(%dma_start3A_1571 : memref<64xi32, #tpu.memory_space<vmem>>) semaphore(%arg11 : memref<!tpu.dma_semaphore, #tpu.memory_space<semaphore_mem>>)
    %dma_wait3A_1575 = arith.constant 10 : i32
    %dma_wait3A_1576 = arith.constant 0 : i32
    %dma_wait3A_1577 = tpu.memref_slice %arg7[%dma_wait3A_1575, %dma_wait3A_1576] : memref<16x64xi32, #tpu.memory_space<vmem>> -> memref<1x64xi32, #tpu.memory_space<vmem>>
    %dma_wait3A_1578 = tpu.memref_squeeze %dma_wait3A_1577 : memref<1x64xi32, #tpu.memory_space<vmem>> -> memref<64xi32, #tpu.memory_space<vmem>>
    %dma_wait3A_1579 = arith.constant 0 : i32
    %dma_wait3A_1580 = arith.constant 0 : i32
    %dma_wait3A_1581 = tpu.memref_slice %arg2[%dma_wait3A_1579, %dma_wait3A_1580] : memref<32768x512xf32, #tpu.memory_space<hbm>> -> memref<32768x512xf32, #tpu.memory_space<hbm>>
    tpu.wait_indirect_dma semaphore(%arg10 : memref<!tpu.dma_semaphore, #tpu.memory_space<semaphore_mem>>) src(%dma_wait3A_1581 : memref<32768x512xf32, #tpu.memory_space<hbm>>) dst(%arg8 : memref<64x512xf32, #tpu.memory_space<vmem>>)
    %add3A_1582 = arith.constant 640 : i32
    %add3A_1583 = arith.addi %add3A_61, %add3A_1582 : i32
    %dma_start3A_1584 = arith.constant 0 : i32
    %dma_start3A_1585 = tpu.memref_slice %arg4[%add3A_1583, %dma_start3A_1584] : memref<32768x512xf32, #tpu.memory_space<hbm>> -> memref<64x512xf32, #tpu.memory_space<hbm>>
    %dma_start3A_1586 = arith.constant 0 : i32
    %dma_start3A_1587 = tpu.memref_slice %arg4[%add3A_1583, %dma_start3A_1586] : memref<32768x512xf32, #tpu.memory_space<hbm>> -> memref<64x512xf32, #tpu.memory_space<hbm>>
    tpu.enqueue_dma source(%arg8 : memref<64x512xf32, #tpu.memory_space<vmem>>) target(%dma_start3A_1587 : memref<64x512xf32, #tpu.memory_space<hbm>>) target_semaphore(%arg12 : memref<!tpu.dma_semaphore, #tpu.memory_space<semaphore_mem>>)
    %dma_wait3A_1588 = arith.constant 0 : i32
    %dma_wait3A_1589 = tpu.memref_slice %arg4[%add3A_1583, %dma_wait3A_1588] : memref<32768x512xf32, #tpu.memory_space<hbm>> -> memref<64x512xf32, #tpu.memory_space<hbm>>
    %dma_wait3A_1590 = arith.constant 0 : i32
    %dma_wait3A_1591 = tpu.memref_slice %arg4[%add3A_1583, %dma_wait3A_1590] : memref<32768x512xf32, #tpu.memory_space<hbm>> -> memref<64x512xf32, #tpu.memory_space<hbm>>
    tpu.wait_dma2 semaphore(%arg12 : memref<!tpu.dma_semaphore, #tpu.memory_space<semaphore_mem>>) src(%arg8 : memref<64x512xf32, #tpu.memory_space<vmem>>) dst(%dma_wait3A_1591 : memref<64x512xf32, #tpu.memory_space<hbm>>)
    %add3A_1592 = arith.constant 48 : i32
    %add3A_1593 = arith.addi %mul3A_58, %add3A_1592 : i32
    %add3A_1594 = arith.constant 0 : i32
    %add3A_1595 = arith.addi %add3A_1593, %add3A_1594 : i32
    %mul3A_1596 = arith.constant 16 : i32
    %mul3A_1597 = arith.muli %add3A_1595, %mul3A_1596 : i32
    %get3A_1598 = arith.index_cast %mul3A_1597 : i32 to index
    %get3A_1599 = tpu.vector_load %arg6[%get3A_1598] {strides = array<i32>} : memref<2048xi32, #tpu.memory_space<vmem>>, vector<16xi32>,
    %cumsum3A_1600 = arith.constant true
    %cumsum3A_1601 = vector.broadcast %cumsum3A_1600 : i1 to vector<16xi1>
    %cumsum3A_1602 = tpu.scan <sum>, %get3A_1599 masked %cumsum3A_1601 : vector<16xi32>, vector<16xi1> -> vector<16xi32>
    %add3A_1603 = arith.addi %cumsum3A_1602, %add3A_1567 : vector<16xi32>
    %sub3A_1604 = arith.constant 1 : i32
    %sub3A_1605 = vector.broadcast %sub3A_1604 : i32 to vector<16xi32>
    %sub3A_1606 = arith.subi %add3A_1603, %sub3A_1605 : vector<16xi32>
    %add3A_1607 = vector.broadcast %mul3A_56 : i32 to vector<16xi32>
    %add3A_1608 = arith.addi %sub3A_1606, %add3A_1607 : vector<16xi32>
    %swap3A_1609 = arith.constant 12 : i32
    %swap3A_1610 = arith.index_cast %swap3A_1609 : i32 to index
    %swap3A_1611 = arith.constant 0 : index
    %swap3A_1612 = tpu.vector_load %arg7[%swap3A_1610, %swap3A_1611] {strides = array<i32>} : memref<16x64xi32, #tpu.memory_space<vmem>>, vector<16xi32>,
    tpu.vector_store %arg7[%swap3A_1610, %swap3A_1611], %add3A_1608 {strides = array<i32>} : memref<16x64xi32, #tpu.memory_space<vmem>>, vector<16xi32>,
    %broadcast_in_dim3A_1613 = arith.constant 15 : i32
    %broadcast_in_dim3A_1614 = vector.broadcast %broadcast_in_dim3A_1613 : i32 to vector<16x1xi32>
    %gather3A_1615 = vector.shape_cast %broadcast_in_dim3A_1614 : vector<16x1xi32> to vector<16xi32>
    %gather3A_1616 = tpu.dynamic_gather %cumsum3A_1602[%gather3A_1615] in [0] : vector<16xi32>, vector<16xi32> -> vector<16xi32>
    %add3A_1617 = arith.addi %add3A_1567, %gather3A_1616 : vector<16xi32>
    %add3A_1618 = arith.constant 48 : i32
    %add3A_1619 = arith.addi %mul3A_58, %add3A_1618 : i32
    %add3A_1620 = arith.constant 1 : i32
    %add3A_1621 = arith.addi %add3A_1619, %add3A_1620 : i32
    %mul3A_1622 = arith.constant 16 : i32
    %mul3A_1623 = arith.muli %add3A_1621, %mul3A_1622 : i32
    %get3A_1624 = arith.index_cast %mul3A_1623 : i32 to index
    %get3A_1625 = tpu.vector_load %arg6[%get3A_1624] {strides = array<i32>} : memref<2048xi32, #tpu.memory_space<vmem>>, vector<16xi32>,
    %cumsum3A_1626 = arith.constant true
    %cumsum3A_1627 = vector.broadcast %cumsum3A_1626 : i1 to vector<16xi1>
    %cumsum3A_1628 = tpu.scan <sum>, %get3A_1625 masked %cumsum3A_1627 : vector<16xi32>, vector<16xi1> -> vector<16xi32>
    %add3A_1629 = arith.addi %cumsum3A_1628, %add3A_1617 : vector<16xi32>
    %sub3A_1630 = arith.constant 1 : i32
    %sub3A_1631 = vector.broadcast %sub3A_1630 : i32 to vector<16xi32>
    %sub3A_1632 = arith.subi %add3A_1629, %sub3A_1631 : vector<16xi32>
    %add3A_1633 = vector.broadcast %mul3A_56 : i32 to vector<16xi32>
    %add3A_1634 = arith.addi %sub3A_1632, %add3A_1633 : vector<16xi32>
    %swap3A_1635 = arith.constant 12 : i32
    %swap3A_1636 = arith.index_cast %swap3A_1635 : i32 to index
    %swap3A_1637 = arith.constant 16 : index
    %swap3A_1638 = tpu.vector_load %arg7[%swap3A_1636, %swap3A_1637] {strides = array<i32>} : memref<16x64xi32, #tpu.memory_space<vmem>>, vector<16xi32>,
    tpu.vector_store %arg7[%swap3A_1636, %swap3A_1637], %add3A_1634 {strides = array<i32>} : memref<16x64xi32, #tpu.memory_space<vmem>>, vector<16xi32>,
    %broadcast_in_dim3A_1639 = arith.constant 15 : i32
    %broadcast_in_dim3A_1640 = vector.broadcast %broadcast_in_dim3A_1639 : i32 to vector<16x1xi32>
    %gather3A_1641 = vector.shape_cast %broadcast_in_dim3A_1640 : vector<16x1xi32> to vector<16xi32>
    %gather3A_1642 = tpu.dynamic_gather %cumsum3A_1628[%gather3A_1641] in [0] : vector<16xi32>, vector<16xi32> -> vector<16xi32>
    %add3A_1643 = arith.addi %add3A_1617, %gather3A_1642 : vector<16xi32>
    %add3A_1644 = arith.constant 48 : i32
    %add3A_1645 = arith.addi %mul3A_58, %add3A_1644 : i32
    %add3A_1646 = arith.constant 2 : i32
    %add3A_1647 = arith.addi %add3A_1645, %add3A_1646 : i32
    %mul3A_1648 = arith.constant 16 : i32
    %mul3A_1649 = arith.muli %add3A_1647, %mul3A_1648 : i32
    %get3A_1650 = arith.index_cast %mul3A_1649 : i32 to index
    %get3A_1651 = tpu.vector_load %arg6[%get3A_1650] {strides = array<i32>} : memref<2048xi32, #tpu.memory_space<vmem>>, vector<16xi32>,
    %cumsum3A_1652 = arith.constant true
    %cumsum3A_1653 = vector.broadcast %cumsum3A_1652 : i1 to vector<16xi1>
    %cumsum3A_1654 = tpu.scan <sum>, %get3A_1651 masked %cumsum3A_1653 : vector<16xi32>, vector<16xi1> -> vector<16xi32>
    %add3A_1655 = arith.addi %cumsum3A_1654, %add3A_1643 : vector<16xi32>
    %sub3A_1656 = arith.constant 1 : i32
    %sub3A_1657 = vector.broadcast %sub3A_1656 : i32 to vector<16xi32>
    %sub3A_1658 = arith.subi %add3A_1655, %sub3A_1657 : vector<16xi32>
    %add3A_1659 = vector.broadcast %mul3A_56 : i32 to vector<16xi32>
    %add3A_1660 = arith.addi %sub3A_1658, %add3A_1659 : vector<16xi32>
    %swap3A_1661 = arith.constant 12 : i32
    %swap3A_1662 = arith.index_cast %swap3A_1661 : i32 to index
    %swap3A_1663 = arith.constant 32 : index
    %swap3A_1664 = tpu.vector_load %arg7[%swap3A_1662, %swap3A_1663] {strides = array<i32>} : memref<16x64xi32, #tpu.memory_space<vmem>>, vector<16xi32>,
    tpu.vector_store %arg7[%swap3A_1662, %swap3A_1663], %add3A_1660 {strides = array<i32>} : memref<16x64xi32, #tpu.memory_space<vmem>>, vector<16xi32>,
    %broadcast_in_dim3A_1665 = arith.constant 15 : i32
    %broadcast_in_dim3A_1666 = vector.broadcast %broadcast_in_dim3A_1665 : i32 to vector<16x1xi32>
    %gather3A_1667 = vector.shape_cast %broadcast_in_dim3A_1666 : vector<16x1xi32> to vector<16xi32>
    %gather3A_1668 = tpu.dynamic_gather %cumsum3A_1654[%gather3A_1667] in [0] : vector<16xi32>, vector<16xi32> -> vector<16xi32>
    %add3A_1669 = arith.addi %add3A_1643, %gather3A_1668 : vector<16xi32>
    %add3A_1670 = arith.constant 48 : i32
    %add3A_1671 = arith.addi %mul3A_58, %add3A_1670 : i32
    %add3A_1672 = arith.constant 3 : i32
    %add3A_1673 = arith.addi %add3A_1671, %add3A_1672 : i32
    %mul3A_1674 = arith.constant 16 : i32
    %mul3A_1675 = arith.muli %add3A_1673, %mul3A_1674 : i32
    %get3A_1676 = arith.index_cast %mul3A_1675 : i32 to index
    %get3A_1677 = tpu.vector_load %arg6[%get3A_1676] {strides = array<i32>} : memref<2048xi32, #tpu.memory_space<vmem>>, vector<16xi32>,
    %cumsum3A_1678 = arith.constant true
    %cumsum3A_1679 = vector.broadcast %cumsum3A_1678 : i1 to vector<16xi1>
    %cumsum3A_1680 = tpu.scan <sum>, %get3A_1677 masked %cumsum3A_1679 : vector<16xi32>, vector<16xi1> -> vector<16xi32>
    %add3A_1681 = arith.addi %cumsum3A_1680, %add3A_1669 : vector<16xi32>
    %sub3A_1682 = arith.constant 1 : i32
    %sub3A_1683 = vector.broadcast %sub3A_1682 : i32 to vector<16xi32>
    %sub3A_1684 = arith.subi %add3A_1681, %sub3A_1683 : vector<16xi32>
    %add3A_1685 = vector.broadcast %mul3A_56 : i32 to vector<16xi32>
    %add3A_1686 = arith.addi %sub3A_1684, %add3A_1685 : vector<16xi32>
    %swap3A_1687 = arith.constant 12 : i32
    %swap3A_1688 = arith.index_cast %swap3A_1687 : i32 to index
    %swap3A_1689 = arith.constant 48 : index
    %swap3A_1690 = tpu.vector_load %arg7[%swap3A_1688, %swap3A_1689] {strides = array<i32>} : memref<16x64xi32, #tpu.memory_space<vmem>>, vector<16xi32>,
    tpu.vector_store %arg7[%swap3A_1688, %swap3A_1689], %add3A_1686 {strides = array<i32>} : memref<16x64xi32, #tpu.memory_space<vmem>>, vector<16xi32>,
    %broadcast_in_dim3A_1691 = arith.constant 15 : i32
    %broadcast_in_dim3A_1692 = vector.broadcast %broadcast_in_dim3A_1691 : i32 to vector<16x1xi32>
    %gather3A_1693 = vector.shape_cast %broadcast_in_dim3A_1692 : vector<16x1xi32> to vector<16xi32>
    %gather3A_1694 = tpu.dynamic_gather %cumsum3A_1680[%gather3A_1693] in [0] : vector<16xi32>, vector<16xi32> -> vector<16xi32>
    %add3A_1695 = arith.addi %add3A_1669, %gather3A_1694 : vector<16xi32>
    %dma_start3A_1696 = arith.constant 12 : i32
    %dma_start3A_1697 = arith.constant 0 : i32
    %dma_start3A_1698 = tpu.memref_slice %arg7[%dma_start3A_1696, %dma_start3A_1697] : memref<16x64xi32, #tpu.memory_space<vmem>> -> memref<1x64xi32, #tpu.memory_space<vmem>>
    %dma_start3A_1699 = tpu.memref_squeeze %dma_start3A_1698 : memref<1x64xi32, #tpu.memory_space<vmem>> -> memref<64xi32, #tpu.memory_space<vmem>>
    %dma_start3A_1700 = arith.constant 0 : i32
    %dma_start3A_1701 = arith.constant 0 : i32
    %dma_start3A_1702 = tpu.memref_slice %arg2[%dma_start3A_1700, %dma_start3A_1701] : memref<32768x512xf32, #tpu.memory_space<hbm>> -> memref<32768x512xf32, #tpu.memory_space<hbm>>
    tpu.enqueue_indirect_dma source(%dma_start3A_1702 : memref<32768x512xf32, #tpu.memory_space<hbm>>) target(%arg8 : memref<64x512xf32, #tpu.memory_space<vmem>>) offsets(%dma_start3A_1699 : memref<64xi32, #tpu.memory_space<vmem>>) semaphore(%arg10 : memref<!tpu.dma_semaphore, #tpu.memory_space<semaphore_mem>>)
    %dma_wait3A_1703 = arith.constant 11 : i32
    %dma_wait3A_1704 = arith.constant 0 : i32
    %dma_wait3A_1705 = tpu.memref_slice %arg7[%dma_wait3A_1703, %dma_wait3A_1704] : memref<16x64xi32, #tpu.memory_space<vmem>> -> memref<1x64xi32, #tpu.memory_space<vmem>>
    %dma_wait3A_1706 = tpu.memref_squeeze %dma_wait3A_1705 : memref<1x64xi32, #tpu.memory_space<vmem>> -> memref<64xi32, #tpu.memory_space<vmem>>
    %dma_wait3A_1707 = arith.constant 0 : i32
    %dma_wait3A_1708 = arith.constant 0 : i32
    %dma_wait3A_1709 = tpu.memref_slice %arg2[%dma_wait3A_1707, %dma_wait3A_1708] : memref<32768x512xf32, #tpu.memory_space<hbm>> -> memref<32768x512xf32, #tpu.memory_space<hbm>>
    tpu.wait_indirect_dma semaphore(%arg11 : memref<!tpu.dma_semaphore, #tpu.memory_space<semaphore_mem>>) src(%dma_wait3A_1709 : memref<32768x512xf32, #tpu.memory_space<hbm>>) dst(%arg9 : memref<64x512xf32, #tpu.memory_space<vmem>>)
    %add3A_1710 = arith.constant 704 : i32
    %add3A_1711 = arith.addi %add3A_61, %add3A_1710 : i32
    %dma_start3A_1712 = arith.constant 0 : i32
    %dma_start3A_1713 = tpu.memref_slice %arg4[%add3A_1711, %dma_start3A_1712] : memref<32768x512xf32, #tpu.memory_space<hbm>> -> memref<64x512xf32, #tpu.memory_space<hbm>>
    %dma_start3A_1714 = arith.constant 0 : i32
    %dma_start3A_1715 = tpu.memref_slice %arg4[%add3A_1711, %dma_start3A_1714] : memref<32768x512xf32, #tpu.memory_space<hbm>> -> memref<64x512xf32, #tpu.memory_space<hbm>>
    tpu.enqueue_dma source(%arg9 : memref<64x512xf32, #tpu.memory_space<vmem>>) target(%dma_start3A_1715 : memref<64x512xf32, #tpu.memory_space<hbm>>) target_semaphore(%arg13 : memref<!tpu.dma_semaphore, #tpu.memory_space<semaphore_mem>>)
    %dma_wait3A_1716 = arith.constant 0 : i32
    %dma_wait3A_1717 = tpu.memref_slice %arg4[%add3A_1711, %dma_wait3A_1716] : memref<32768x512xf32, #tpu.memory_space<hbm>> -> memref<64x512xf32, #tpu.memory_space<hbm>>
    %dma_wait3A_1718 = arith.constant 0 : i32
    %dma_wait3A_1719 = tpu.memref_slice %arg4[%add3A_1711, %dma_wait3A_1718] : memref<32768x512xf32, #tpu.memory_space<hbm>> -> memref<64x512xf32, #tpu.memory_space<hbm>>
    tpu.wait_dma2 semaphore(%arg13 : memref<!tpu.dma_semaphore, #tpu.memory_space<semaphore_mem>>) src(%arg9 : memref<64x512xf32, #tpu.memory_space<vmem>>) dst(%dma_wait3A_1719 : memref<64x512xf32, #tpu.memory_space<hbm>>)
    %add3A_1720 = arith.constant 52 : i32
    %add3A_1721 = arith.addi %mul3A_58, %add3A_1720 : i32
    %add3A_1722 = arith.constant 0 : i32
    %add3A_1723 = arith.addi %add3A_1721, %add3A_1722 : i32
    %mul3A_1724 = arith.constant 16 : i32
    %mul3A_1725 = arith.muli %add3A_1723, %mul3A_1724 : i32
    %get3A_1726 = arith.index_cast %mul3A_1725 : i32 to index
    %get3A_1727 = tpu.vector_load %arg6[%get3A_1726] {strides = array<i32>} : memref<2048xi32, #tpu.memory_space<vmem>>, vector<16xi32>,
    %cumsum3A_1728 = arith.constant true
    %cumsum3A_1729 = vector.broadcast %cumsum3A_1728 : i1 to vector<16xi1>
    %cumsum3A_1730 = tpu.scan <sum>, %get3A_1727 masked %cumsum3A_1729 : vector<16xi32>, vector<16xi1> -> vector<16xi32>
    %add3A_1731 = arith.addi %cumsum3A_1730, %add3A_1695 : vector<16xi32>
    %sub3A_1732 = arith.constant 1 : i32
    %sub3A_1733 = vector.broadcast %sub3A_1732 : i32 to vector<16xi32>
    %sub3A_1734 = arith.subi %add3A_1731, %sub3A_1733 : vector<16xi32>
    %add3A_1735 = vector.broadcast %mul3A_56 : i32 to vector<16xi32>
    %add3A_1736 = arith.addi %sub3A_1734, %add3A_1735 : vector<16xi32>
    %swap3A_1737 = arith.constant 13 : i32
    %swap3A_1738 = arith.index_cast %swap3A_1737 : i32 to index
    %swap3A_1739 = arith.constant 0 : index
    %swap3A_1740 = tpu.vector_load %arg7[%swap3A_1738, %swap3A_1739] {strides = array<i32>} : memref<16x64xi32, #tpu.memory_space<vmem>>, vector<16xi32>,
    tpu.vector_store %arg7[%swap3A_1738, %swap3A_1739], %add3A_1736 {strides = array<i32>} : memref<16x64xi32, #tpu.memory_space<vmem>>, vector<16xi32>,
    %broadcast_in_dim3A_1741 = arith.constant 15 : i32
    %broadcast_in_dim3A_1742 = vector.broadcast %broadcast_in_dim3A_1741 : i32 to vector<16x1xi32>
    %gather3A_1743 = vector.shape_cast %broadcast_in_dim3A_1742 : vector<16x1xi32> to vector<16xi32>
    %gather3A_1744 = tpu.dynamic_gather %cumsum3A_1730[%gather3A_1743] in [0] : vector<16xi32>, vector<16xi32> -> vector<16xi32>
    %add3A_1745 = arith.addi %add3A_1695, %gather3A_1744 : vector<16xi32>
    %add3A_1746 = arith.constant 52 : i32
    %add3A_1747 = arith.addi %mul3A_58, %add3A_1746 : i32
    %add3A_1748 = arith.constant 1 : i32
    %add3A_1749 = arith.addi %add3A_1747, %add3A_1748 : i32
    %mul3A_1750 = arith.constant 16 : i32
    %mul3A_1751 = arith.muli %add3A_1749, %mul3A_1750 : i32
    %get3A_1752 = arith.index_cast %mul3A_1751 : i32 to index
    %get3A_1753 = tpu.vector_load %arg6[%get3A_1752] {strides = array<i32>} : memref<2048xi32, #tpu.memory_space<vmem>>, vector<16xi32>,
    %cumsum3A_1754 = arith.constant true
    %cumsum3A_1755 = vector.broadcast %cumsum3A_1754 : i1 to vector<16xi1>
    %cumsum3A_1756 = tpu.scan <sum>, %get3A_1753 masked %cumsum3A_1755 : vector<16xi32>, vector<16xi1> -> vector<16xi32>
    %add3A_1757 = arith.addi %cumsum3A_1756, %add3A_1745 : vector<16xi32>
    %sub3A_1758 = arith.constant 1 : i32
    %sub3A_1759 = vector.broadcast %sub3A_1758 : i32 to vector<16xi32>
    %sub3A_1760 = arith.subi %add3A_1757, %sub3A_1759 : vector<16xi32>
    %add3A_1761 = vector.broadcast %mul3A_56 : i32 to vector<16xi32>
    %add3A_1762 = arith.addi %sub3A_1760, %add3A_1761 : vector<16xi32>
    %swap3A_1763 = arith.constant 13 : i32
    %swap3A_1764 = arith.index_cast %swap3A_1763 : i32 to index
    %swap3A_1765 = arith.constant 16 : index
    %swap3A_1766 = tpu.vector_load %arg7[%swap3A_1764, %swap3A_1765] {strides = array<i32>} : memref<16x64xi32, #tpu.memory_space<vmem>>, vector<16xi32>,
    tpu.vector_store %arg7[%swap3A_1764, %swap3A_1765], %add3A_1762 {strides = array<i32>} : memref<16x64xi32, #tpu.memory_space<vmem>>, vector<16xi32>,
    %broadcast_in_dim3A_1767 = arith.constant 15 : i32
    %broadcast_in_dim3A_1768 = vector.broadcast %broadcast_in_dim3A_1767 : i32 to vector<16x1xi32>
    %gather3A_1769 = vector.shape_cast %broadcast_in_dim3A_1768 : vector<16x1xi32> to vector<16xi32>
    %gather3A_1770 = tpu.dynamic_gather %cumsum3A_1756[%gather3A_1769] in [0] : vector<16xi32>, vector<16xi32> -> vector<16xi32>
    %add3A_1771 = arith.addi %add3A_1745, %gather3A_1770 : vector<16xi32>
    %add3A_1772 = arith.constant 52 : i32
    %add3A_1773 = arith.addi %mul3A_58, %add3A_1772 : i32
    %add3A_1774 = arith.constant 2 : i32
    %add3A_1775 = arith.addi %add3A_1773, %add3A_1774 : i32
    %mul3A_1776 = arith.constant 16 : i32
    %mul3A_1777 = arith.muli %add3A_1775, %mul3A_1776 : i32
    %get3A_1778 = arith.index_cast %mul3A_1777 : i32 to index
    %get3A_1779 = tpu.vector_load %arg6[%get3A_1778] {strides = array<i32>} : memref<2048xi32, #tpu.memory_space<vmem>>, vector<16xi32>,
    %cumsum3A_1780 = arith.constant true
    %cumsum3A_1781 = vector.broadcast %cumsum3A_1780 : i1 to vector<16xi1>
    %cumsum3A_1782 = tpu.scan <sum>, %get3A_1779 masked %cumsum3A_1781 : vector<16xi32>, vector<16xi1> -> vector<16xi32>
    %add3A_1783 = arith.addi %cumsum3A_1782, %add3A_1771 : vector<16xi32>
    %sub3A_1784 = arith.constant 1 : i32
    %sub3A_1785 = vector.broadcast %sub3A_1784 : i32 to vector<16xi32>
    %sub3A_1786 = arith.subi %add3A_1783, %sub3A_1785 : vector<16xi32>
    %add3A_1787 = vector.broadcast %mul3A_56 : i32 to vector<16xi32>
    %add3A_1788 = arith.addi %sub3A_1786, %add3A_1787 : vector<16xi32>
    %swap3A_1789 = arith.constant 13 : i32
    %swap3A_1790 = arith.index_cast %swap3A_1789 : i32 to index
    %swap3A_1791 = arith.constant 32 : index
    %swap3A_1792 = tpu.vector_load %arg7[%swap3A_1790, %swap3A_1791] {strides = array<i32>} : memref<16x64xi32, #tpu.memory_space<vmem>>, vector<16xi32>,
    tpu.vector_store %arg7[%swap3A_1790, %swap3A_1791], %add3A_1788 {strides = array<i32>} : memref<16x64xi32, #tpu.memory_space<vmem>>, vector<16xi32>,
    %broadcast_in_dim3A_1793 = arith.constant 15 : i32
    %broadcast_in_dim3A_1794 = vector.broadcast %broadcast_in_dim3A_1793 : i32 to vector<16x1xi32>
    %gather3A_1795 = vector.shape_cast %broadcast_in_dim3A_1794 : vector<16x1xi32> to vector<16xi32>
    %gather3A_1796 = tpu.dynamic_gather %cumsum3A_1782[%gather3A_1795] in [0] : vector<16xi32>, vector<16xi32> -> vector<16xi32>
    %add3A_1797 = arith.addi %add3A_1771, %gather3A_1796 : vector<16xi32>
    %add3A_1798 = arith.constant 52 : i32
    %add3A_1799 = arith.addi %mul3A_58, %add3A_1798 : i32
    %add3A_1800 = arith.constant 3 : i32
    %add3A_1801 = arith.addi %add3A_1799, %add3A_1800 : i32
    %mul3A_1802 = arith.constant 16 : i32
    %mul3A_1803 = arith.muli %add3A_1801, %mul3A_1802 : i32
    %get3A_1804 = arith.index_cast %mul3A_1803 : i32 to index
    %get3A_1805 = tpu.vector_load %arg6[%get3A_1804] {strides = array<i32>} : memref<2048xi32, #tpu.memory_space<vmem>>, vector<16xi32>,
    %cumsum3A_1806 = arith.constant true
    %cumsum3A_1807 = vector.broadcast %cumsum3A_1806 : i1 to vector<16xi1>
    %cumsum3A_1808 = tpu.scan <sum>, %get3A_1805 masked %cumsum3A_1807 : vector<16xi32>, vector<16xi1> -> vector<16xi32>
    %add3A_1809 = arith.addi %cumsum3A_1808, %add3A_1797 : vector<16xi32>
    %sub3A_1810 = arith.constant 1 : i32
    %sub3A_1811 = vector.broadcast %sub3A_1810 : i32 to vector<16xi32>
    %sub3A_1812 = arith.subi %add3A_1809, %sub3A_1811 : vector<16xi32>
    %add3A_1813 = vector.broadcast %mul3A_56 : i32 to vector<16xi32>
    %add3A_1814 = arith.addi %sub3A_1812, %add3A_1813 : vector<16xi32>
    %swap3A_1815 = arith.constant 13 : i32
    %swap3A_1816 = arith.index_cast %swap3A_1815 : i32 to index
    %swap3A_1817 = arith.constant 48 : index
    %swap3A_1818 = tpu.vector_load %arg7[%swap3A_1816, %swap3A_1817] {strides = array<i32>} : memref<16x64xi32, #tpu.memory_space<vmem>>, vector<16xi32>,
    tpu.vector_store %arg7[%swap3A_1816, %swap3A_1817], %add3A_1814 {strides = array<i32>} : memref<16x64xi32, #tpu.memory_space<vmem>>, vector<16xi32>,
    %broadcast_in_dim3A_1819 = arith.constant 15 : i32
    %broadcast_in_dim3A_1820 = vector.broadcast %broadcast_in_dim3A_1819 : i32 to vector<16x1xi32>
    %gather3A_1821 = vector.shape_cast %broadcast_in_dim3A_1820 : vector<16x1xi32> to vector<16xi32>
    %gather3A_1822 = tpu.dynamic_gather %cumsum3A_1808[%gather3A_1821] in [0] : vector<16xi32>, vector<16xi32> -> vector<16xi32>
    %add3A_1823 = arith.addi %add3A_1797, %gather3A_1822 : vector<16xi32>
    %dma_start3A_1824 = arith.constant 13 : i32
    %dma_start3A_1825 = arith.constant 0 : i32
    %dma_start3A_1826 = tpu.memref_slice %arg7[%dma_start3A_1824, %dma_start3A_1825] : memref<16x64xi32, #tpu.memory_space<vmem>> -> memref<1x64xi32, #tpu.memory_space<vmem>>
    %dma_start3A_1827 = tpu.memref_squeeze %dma_start3A_1826 : memref<1x64xi32, #tpu.memory_space<vmem>> -> memref<64xi32, #tpu.memory_space<vmem>>
    %dma_start3A_1828 = arith.constant 0 : i32
    %dma_start3A_1829 = arith.constant 0 : i32
    %dma_start3A_1830 = tpu.memref_slice %arg2[%dma_start3A_1828, %dma_start3A_1829] : memref<32768x512xf32, #tpu.memory_space<hbm>> -> memref<32768x512xf32, #tpu.memory_space<hbm>>
    tpu.enqueue_indirect_dma source(%dma_start3A_1830 : memref<32768x512xf32, #tpu.memory_space<hbm>>) target(%arg9 : memref<64x512xf32, #tpu.memory_space<vmem>>) offsets(%dma_start3A_1827 : memref<64xi32, #tpu.memory_space<vmem>>) semaphore(%arg11 : memref<!tpu.dma_semaphore, #tpu.memory_space<semaphore_mem>>)
    %dma_wait3A_1831 = arith.constant 12 : i32
    %dma_wait3A_1832 = arith.constant 0 : i32
    %dma_wait3A_1833 = tpu.memref_slice %arg7[%dma_wait3A_1831, %dma_wait3A_1832] : memref<16x64xi32, #tpu.memory_space<vmem>> -> memref<1x64xi32, #tpu.memory_space<vmem>>
    %dma_wait3A_1834 = tpu.memref_squeeze %dma_wait3A_1833 : memref<1x64xi32, #tpu.memory_space<vmem>> -> memref<64xi32, #tpu.memory_space<vmem>>
    %dma_wait3A_1835 = arith.constant 0 : i32
    %dma_wait3A_1836 = arith.constant 0 : i32
    %dma_wait3A_1837 = tpu.memref_slice %arg2[%dma_wait3A_1835, %dma_wait3A_1836] : memref<32768x512xf32, #tpu.memory_space<hbm>> -> memref<32768x512xf32, #tpu.memory_space<hbm>>
    tpu.wait_indirect_dma semaphore(%arg10 : memref<!tpu.dma_semaphore, #tpu.memory_space<semaphore_mem>>) src(%dma_wait3A_1837 : memref<32768x512xf32, #tpu.memory_space<hbm>>) dst(%arg8 : memref<64x512xf32, #tpu.memory_space<vmem>>)
    %add3A_1838 = arith.constant 768 : i32
    %add3A_1839 = arith.addi %add3A_61, %add3A_1838 : i32
    %dma_start3A_1840 = arith.constant 0 : i32
    %dma_start3A_1841 = tpu.memref_slice %arg4[%add3A_1839, %dma_start3A_1840] : memref<32768x512xf32, #tpu.memory_space<hbm>> -> memref<64x512xf32, #tpu.memory_space<hbm>>
    %dma_start3A_1842 = arith.constant 0 : i32
    %dma_start3A_1843 = tpu.memref_slice %arg4[%add3A_1839, %dma_start3A_1842] : memref<32768x512xf32, #tpu.memory_space<hbm>> -> memref<64x512xf32, #tpu.memory_space<hbm>>
    tpu.enqueue_dma source(%arg8 : memref<64x512xf32, #tpu.memory_space<vmem>>) target(%dma_start3A_1843 : memref<64x512xf32, #tpu.memory_space<hbm>>) target_semaphore(%arg12 : memref<!tpu.dma_semaphore, #tpu.memory_space<semaphore_mem>>)
    %dma_wait3A_1844 = arith.constant 0 : i32
    %dma_wait3A_1845 = tpu.memref_slice %arg4[%add3A_1839, %dma_wait3A_1844] : memref<32768x512xf32, #tpu.memory_space<hbm>> -> memref<64x512xf32, #tpu.memory_space<hbm>>
    %dma_wait3A_1846 = arith.constant 0 : i32
    %dma_wait3A_1847 = tpu.memref_slice %arg4[%add3A_1839, %dma_wait3A_1846] : memref<32768x512xf32, #tpu.memory_space<hbm>> -> memref<64x512xf32, #tpu.memory_space<hbm>>
    tpu.wait_dma2 semaphore(%arg12 : memref<!tpu.dma_semaphore, #tpu.memory_space<semaphore_mem>>) src(%arg8 : memref<64x512xf32, #tpu.memory_space<vmem>>) dst(%dma_wait3A_1847 : memref<64x512xf32, #tpu.memory_space<hbm>>)
    %add3A_1848 = arith.constant 56 : i32
    %add3A_1849 = arith.addi %mul3A_58, %add3A_1848 : i32
    %add3A_1850 = arith.constant 0 : i32
    %add3A_1851 = arith.addi %add3A_1849, %add3A_1850 : i32
    %mul3A_1852 = arith.constant 16 : i32
    %mul3A_1853 = arith.muli %add3A_1851, %mul3A_1852 : i32
    %get3A_1854 = arith.index_cast %mul3A_1853 : i32 to index
    %get3A_1855 = tpu.vector_load %arg6[%get3A_1854] {strides = array<i32>} : memref<2048xi32, #tpu.memory_space<vmem>>, vector<16xi32>,
    %cumsum3A_1856 = arith.constant true
    %cumsum3A_1857 = vector.broadcast %cumsum3A_1856 : i1 to vector<16xi1>
    %cumsum3A_1858 = tpu.scan <sum>, %get3A_1855 masked %cumsum3A_1857 : vector<16xi32>, vector<16xi1> -> vector<16xi32>
    %add3A_1859 = arith.addi %cumsum3A_1858, %add3A_1823 : vector<16xi32>
    %sub3A_1860 = arith.constant 1 : i32
    %sub3A_1861 = vector.broadcast %sub3A_1860 : i32 to vector<16xi32>
    %sub3A_1862 = arith.subi %add3A_1859, %sub3A_1861 : vector<16xi32>
    %add3A_1863 = vector.broadcast %mul3A_56 : i32 to vector<16xi32>
    %add3A_1864 = arith.addi %sub3A_1862, %add3A_1863 : vector<16xi32>
    %swap3A_1865 = arith.constant 14 : i32
    %swap3A_1866 = arith.index_cast %swap3A_1865 : i32 to index
    %swap3A_1867 = arith.constant 0 : index
    %swap3A_1868 = tpu.vector_load %arg7[%swap3A_1866, %swap3A_1867] {strides = array<i32>} : memref<16x64xi32, #tpu.memory_space<vmem>>, vector<16xi32>,
    tpu.vector_store %arg7[%swap3A_1866, %swap3A_1867], %add3A_1864 {strides = array<i32>} : memref<16x64xi32, #tpu.memory_space<vmem>>, vector<16xi32>,
    %broadcast_in_dim3A_1869 = arith.constant 15 : i32
    %broadcast_in_dim3A_1870 = vector.broadcast %broadcast_in_dim3A_1869 : i32 to vector<16x1xi32>
    %gather3A_1871 = vector.shape_cast %broadcast_in_dim3A_1870 : vector<16x1xi32> to vector<16xi32>
    %gather3A_1872 = tpu.dynamic_gather %cumsum3A_1858[%gather3A_1871] in [0] : vector<16xi32>, vector<16xi32> -> vector<16xi32>
    %add3A_1873 = arith.addi %add3A_1823, %gather3A_1872 : vector<16xi32>
    %add3A_1874 = arith.constant 56 : i32
    %add3A_1875 = arith.addi %mul3A_58, %add3A_1874 : i32
    %add3A_1876 = arith.constant 1 : i32
    %add3A_1877 = arith.addi %add3A_1875, %add3A_1876 : i32
    %mul3A_1878 = arith.constant 16 : i32
    %mul3A_1879 = arith.muli %add3A_1877, %mul3A_1878 : i32
    %get3A_1880 = arith.index_cast %mul3A_1879 : i32 to index
    %get3A_1881 = tpu.vector_load %arg6[%get3A_1880] {strides = array<i32>} : memref<2048xi32, #tpu.memory_space<vmem>>, vector<16xi32>,
    %cumsum3A_1882 = arith.constant true
    %cumsum3A_1883 = vector.broadcast %cumsum3A_1882 : i1 to vector<16xi1>
    %cumsum3A_1884 = tpu.scan <sum>, %get3A_1881 masked %cumsum3A_1883 : vector<16xi32>, vector<16xi1> -> vector<16xi32>
    %add3A_1885 = arith.addi %cumsum3A_1884, %add3A_1873 : vector<16xi32>
    %sub3A_1886 = arith.constant 1 : i32
    %sub3A_1887 = vector.broadcast %sub3A_1886 : i32 to vector<16xi32>
    %sub3A_1888 = arith.subi %add3A_1885, %sub3A_1887 : vector<16xi32>
    %add3A_1889 = vector.broadcast %mul3A_56 : i32 to vector<16xi32>
    %add3A_1890 = arith.addi %sub3A_1888, %add3A_1889 : vector<16xi32>
    %swap3A_1891 = arith.constant 14 : i32
    %swap3A_1892 = arith.index_cast %swap3A_1891 : i32 to index
    %swap3A_1893 = arith.constant 16 : index
    %swap3A_1894 = tpu.vector_load %arg7[%swap3A_1892, %swap3A_1893] {strides = array<i32>} : memref<16x64xi32, #tpu.memory_space<vmem>>, vector<16xi32>,
    tpu.vector_store %arg7[%swap3A_1892, %swap3A_1893], %add3A_1890 {strides = array<i32>} : memref<16x64xi32, #tpu.memory_space<vmem>>, vector<16xi32>,
    %broadcast_in_dim3A_1895 = arith.constant 15 : i32
    %broadcast_in_dim3A_1896 = vector.broadcast %broadcast_in_dim3A_1895 : i32 to vector<16x1xi32>
    %gather3A_1897 = vector.shape_cast %broadcast_in_dim3A_1896 : vector<16x1xi32> to vector<16xi32>
    %gather3A_1898 = tpu.dynamic_gather %cumsum3A_1884[%gather3A_1897] in [0] : vector<16xi32>, vector<16xi32> -> vector<16xi32>
    %add3A_1899 = arith.addi %add3A_1873, %gather3A_1898 : vector<16xi32>
    %add3A_1900 = arith.constant 56 : i32
    %add3A_1901 = arith.addi %mul3A_58, %add3A_1900 : i32
    %add3A_1902 = arith.constant 2 : i32
    %add3A_1903 = arith.addi %add3A_1901, %add3A_1902 : i32
    %mul3A_1904 = arith.constant 16 : i32
    %mul3A_1905 = arith.muli %add3A_1903, %mul3A_1904 : i32
    %get3A_1906 = arith.index_cast %mul3A_1905 : i32 to index
    %get3A_1907 = tpu.vector_load %arg6[%get3A_1906] {strides = array<i32>} : memref<2048xi32, #tpu.memory_space<vmem>>, vector<16xi32>,
    %cumsum3A_1908 = arith.constant true
    %cumsum3A_1909 = vector.broadcast %cumsum3A_1908 : i1 to vector<16xi1>
    %cumsum3A_1910 = tpu.scan <sum>, %get3A_1907 masked %cumsum3A_1909 : vector<16xi32>, vector<16xi1> -> vector<16xi32>
    %add3A_1911 = arith.addi %cumsum3A_1910, %add3A_1899 : vector<16xi32>
    %sub3A_1912 = arith.constant 1 : i32
    %sub3A_1913 = vector.broadcast %sub3A_1912 : i32 to vector<16xi32>
    %sub3A_1914 = arith.subi %add3A_1911, %sub3A_1913 : vector<16xi32>
    %add3A_1915 = vector.broadcast %mul3A_56 : i32 to vector<16xi32>
    %add3A_1916 = arith.addi %sub3A_1914, %add3A_1915 : vector<16xi32>
    %swap3A_1917 = arith.constant 14 : i32
    %swap3A_1918 = arith.index_cast %swap3A_1917 : i32 to index
    %swap3A_1919 = arith.constant 32 : index
    %swap3A_1920 = tpu.vector_load %arg7[%swap3A_1918, %swap3A_1919] {strides = array<i32>} : memref<16x64xi32, #tpu.memory_space<vmem>>, vector<16xi32>,
    tpu.vector_store %arg7[%swap3A_1918, %swap3A_1919], %add3A_1916 {strides = array<i32>} : memref<16x64xi32, #tpu.memory_space<vmem>>, vector<16xi32>,
    %broadcast_in_dim3A_1921 = arith.constant 15 : i32
    %broadcast_in_dim3A_1922 = vector.broadcast %broadcast_in_dim3A_1921 : i32 to vector<16x1xi32>
    %gather3A_1923 = vector.shape_cast %broadcast_in_dim3A_1922 : vector<16x1xi32> to vector<16xi32>
    %gather3A_1924 = tpu.dynamic_gather %cumsum3A_1910[%gather3A_1923] in [0] : vector<16xi32>, vector<16xi32> -> vector<16xi32>
    %add3A_1925 = arith.addi %add3A_1899, %gather3A_1924 : vector<16xi32>
    %add3A_1926 = arith.constant 56 : i32
    %add3A_1927 = arith.addi %mul3A_58, %add3A_1926 : i32
    %add3A_1928 = arith.constant 3 : i32
    %add3A_1929 = arith.addi %add3A_1927, %add3A_1928 : i32
    %mul3A_1930 = arith.constant 16 : i32
    %mul3A_1931 = arith.muli %add3A_1929, %mul3A_1930 : i32
    %get3A_1932 = arith.index_cast %mul3A_1931 : i32 to index
    %get3A_1933 = tpu.vector_load %arg6[%get3A_1932] {strides = array<i32>} : memref<2048xi32, #tpu.memory_space<vmem>>, vector<16xi32>,
    %cumsum3A_1934 = arith.constant true
    %cumsum3A_1935 = vector.broadcast %cumsum3A_1934 : i1 to vector<16xi1>
    %cumsum3A_1936 = tpu.scan <sum>, %get3A_1933 masked %cumsum3A_1935 : vector<16xi32>, vector<16xi1> -> vector<16xi32>
    %add3A_1937 = arith.addi %cumsum3A_1936, %add3A_1925 : vector<16xi32>
    %sub3A_1938 = arith.constant 1 : i32
    %sub3A_1939 = vector.broadcast %sub3A_1938 : i32 to vector<16xi32>
    %sub3A_1940 = arith.subi %add3A_1937, %sub3A_1939 : vector<16xi32>
    %add3A_1941 = vector.broadcast %mul3A_56 : i32 to vector<16xi32>
    %add3A_1942 = arith.addi %sub3A_1940, %add3A_1941 : vector<16xi32>
    %swap3A_1943 = arith.constant 14 : i32
    %swap3A_1944 = arith.index_cast %swap3A_1943 : i32 to index
    %swap3A_1945 = arith.constant 48 : index
    %swap3A_1946 = tpu.vector_load %arg7[%swap3A_1944, %swap3A_1945] {strides = array<i32>} : memref<16x64xi32, #tpu.memory_space<vmem>>, vector<16xi32>,
    tpu.vector_store %arg7[%swap3A_1944, %swap3A_1945], %add3A_1942 {strides = array<i32>} : memref<16x64xi32, #tpu.memory_space<vmem>>, vector<16xi32>,
    %broadcast_in_dim3A_1947 = arith.constant 15 : i32
    %broadcast_in_dim3A_1948 = vector.broadcast %broadcast_in_dim3A_1947 : i32 to vector<16x1xi32>
    %gather3A_1949 = vector.shape_cast %broadcast_in_dim3A_1948 : vector<16x1xi32> to vector<16xi32>
    %gather3A_1950 = tpu.dynamic_gather %cumsum3A_1936[%gather3A_1949] in [0] : vector<16xi32>, vector<16xi32> -> vector<16xi32>
    %add3A_1951 = arith.addi %add3A_1925, %gather3A_1950 : vector<16xi32>
    %dma_start3A_1952 = arith.constant 14 : i32
    %dma_start3A_1953 = arith.constant 0 : i32
    %dma_start3A_1954 = tpu.memref_slice %arg7[%dma_start3A_1952, %dma_start3A_1953] : memref<16x64xi32, #tpu.memory_space<vmem>> -> memref<1x64xi32, #tpu.memory_space<vmem>>
    %dma_start3A_1955 = tpu.memref_squeeze %dma_start3A_1954 : memref<1x64xi32, #tpu.memory_space<vmem>> -> memref<64xi32, #tpu.memory_space<vmem>>
    %dma_start3A_1956 = arith.constant 0 : i32
    %dma_start3A_1957 = arith.constant 0 : i32
    %dma_start3A_1958 = tpu.memref_slice %arg2[%dma_start3A_1956, %dma_start3A_1957] : memref<32768x512xf32, #tpu.memory_space<hbm>> -> memref<32768x512xf32, #tpu.memory_space<hbm>>
    tpu.enqueue_indirect_dma source(%dma_start3A_1958 : memref<32768x512xf32, #tpu.memory_space<hbm>>) target(%arg8 : memref<64x512xf32, #tpu.memory_space<vmem>>) offsets(%dma_start3A_1955 : memref<64xi32, #tpu.memory_space<vmem>>) semaphore(%arg10 : memref<!tpu.dma_semaphore, #tpu.memory_space<semaphore_mem>>)
    %dma_wait3A_1959 = arith.constant 13 : i32
    %dma_wait3A_1960 = arith.constant 0 : i32
    %dma_wait3A_1961 = tpu.memref_slice %arg7[%dma_wait3A_1959, %dma_wait3A_1960] : memref<16x64xi32, #tpu.memory_space<vmem>> -> memref<1x64xi32, #tpu.memory_space<vmem>>
    %dma_wait3A_1962 = tpu.memref_squeeze %dma_wait3A_1961 : memref<1x64xi32, #tpu.memory_space<vmem>> -> memref<64xi32, #tpu.memory_space<vmem>>
    %dma_wait3A_1963 = arith.constant 0 : i32
    %dma_wait3A_1964 = arith.constant 0 : i32
    %dma_wait3A_1965 = tpu.memref_slice %arg2[%dma_wait3A_1963, %dma_wait3A_1964] : memref<32768x512xf32, #tpu.memory_space<hbm>> -> memref<32768x512xf32, #tpu.memory_space<hbm>>
    tpu.wait_indirect_dma semaphore(%arg11 : memref<!tpu.dma_semaphore, #tpu.memory_space<semaphore_mem>>) src(%dma_wait3A_1965 : memref<32768x512xf32, #tpu.memory_space<hbm>>) dst(%arg9 : memref<64x512xf32, #tpu.memory_space<vmem>>)
    %add3A_1966 = arith.constant 832 : i32
    %add3A_1967 = arith.addi %add3A_61, %add3A_1966 : i32
    %dma_start3A_1968 = arith.constant 0 : i32
    %dma_start3A_1969 = tpu.memref_slice %arg4[%add3A_1967, %dma_start3A_1968] : memref<32768x512xf32, #tpu.memory_space<hbm>> -> memref<64x512xf32, #tpu.memory_space<hbm>>
    %dma_start3A_1970 = arith.constant 0 : i32
    %dma_start3A_1971 = tpu.memref_slice %arg4[%add3A_1967, %dma_start3A_1970] : memref<32768x512xf32, #tpu.memory_space<hbm>> -> memref<64x512xf32, #tpu.memory_space<hbm>>
    tpu.enqueue_dma source(%arg9 : memref<64x512xf32, #tpu.memory_space<vmem>>) target(%dma_start3A_1971 : memref<64x512xf32, #tpu.memory_space<hbm>>) target_semaphore(%arg13 : memref<!tpu.dma_semaphore, #tpu.memory_space<semaphore_mem>>)
    %dma_wait3A_1972 = arith.constant 0 : i32
    %dma_wait3A_1973 = tpu.memref_slice %arg4[%add3A_1967, %dma_wait3A_1972] : memref<32768x512xf32, #tpu.memory_space<hbm>> -> memref<64x512xf32, #tpu.memory_space<hbm>>
    %dma_wait3A_1974 = arith.constant 0 : i32
    %dma_wait3A_1975 = tpu.memref_slice %arg4[%add3A_1967, %dma_wait3A_1974] : memref<32768x512xf32, #tpu.memory_space<hbm>> -> memref<64x512xf32, #tpu.memory_space<hbm>>
    tpu.wait_dma2 semaphore(%arg13 : memref<!tpu.dma_semaphore, #tpu.memory_space<semaphore_mem>>) src(%arg9 : memref<64x512xf32, #tpu.memory_space<vmem>>) dst(%dma_wait3A_1975 : memref<64x512xf32, #tpu.memory_space<hbm>>)
    %add3A_1976 = arith.constant 60 : i32
    %add3A_1977 = arith.addi %mul3A_58, %add3A_1976 : i32
    %add3A_1978 = arith.constant 0 : i32
    %add3A_1979 = arith.addi %add3A_1977, %add3A_1978 : i32
    %mul3A_1980 = arith.constant 16 : i32
    %mul3A_1981 = arith.muli %add3A_1979, %mul3A_1980 : i32
    %get3A_1982 = arith.index_cast %mul3A_1981 : i32 to index
    %get3A_1983 = tpu.vector_load %arg6[%get3A_1982] {strides = array<i32>} : memref<2048xi32, #tpu.memory_space<vmem>>, vector<16xi32>,
    %cumsum3A_1984 = arith.constant true
    %cumsum3A_1985 = vector.broadcast %cumsum3A_1984 : i1 to vector<16xi1>
    %cumsum3A_1986 = tpu.scan <sum>, %get3A_1983 masked %cumsum3A_1985 : vector<16xi32>, vector<16xi1> -> vector<16xi32>
    %add3A_1987 = arith.addi %cumsum3A_1986, %add3A_1951 : vector<16xi32>
    %sub3A_1988 = arith.constant 1 : i32
    %sub3A_1989 = vector.broadcast %sub3A_1988 : i32 to vector<16xi32>
    %sub3A_1990 = arith.subi %add3A_1987, %sub3A_1989 : vector<16xi32>
    %add3A_1991 = vector.broadcast %mul3A_56 : i32 to vector<16xi32>
    %add3A_1992 = arith.addi %sub3A_1990, %add3A_1991 : vector<16xi32>
    %swap3A_1993 = arith.constant 15 : i32
    %swap3A_1994 = arith.index_cast %swap3A_1993 : i32 to index
    %swap3A_1995 = arith.constant 0 : index
    %swap3A_1996 = tpu.vector_load %arg7[%swap3A_1994, %swap3A_1995] {strides = array<i32>} : memref<16x64xi32, #tpu.memory_space<vmem>>, vector<16xi32>,
    tpu.vector_store %arg7[%swap3A_1994, %swap3A_1995], %add3A_1992 {strides = array<i32>} : memref<16x64xi32, #tpu.memory_space<vmem>>, vector<16xi32>,
    %broadcast_in_dim3A_1997 = arith.constant 15 : i32
    %broadcast_in_dim3A_1998 = vector.broadcast %broadcast_in_dim3A_1997 : i32 to vector<16x1xi32>
    %gather3A_1999 = vector.shape_cast %broadcast_in_dim3A_1998 : vector<16x1xi32> to vector<16xi32>
    %gather3A_2000 = tpu.dynamic_gather %cumsum3A_1986[%gather3A_1999] in [0] : vector<16xi32>, vector<16xi32> -> vector<16xi32>
    %add3A_2001 = arith.addi %add3A_1951, %gather3A_2000 : vector<16xi32>
    %add3A_2002 = arith.constant 60 : i32
    %add3A_2003 = arith.addi %mul3A_58, %add3A_2002 : i32
    %add3A_2004 = arith.constant 1 : i32
    %add3A_2005 = arith.addi %add3A_2003, %add3A_2004 : i32
    %mul3A_2006 = arith.constant 16 : i32
    %mul3A_2007 = arith.muli %add3A_2005, %mul3A_2006 : i32
    %get3A_2008 = arith.index_cast %mul3A_2007 : i32 to index
    %get3A_2009 = tpu.vector_load %arg6[%get3A_2008] {strides = array<i32>} : memref<2048xi32, #tpu.memory_space<vmem>>, vector<16xi32>,
    %cumsum3A_2010 = arith.constant true
    %cumsum3A_2011 = vector.broadcast %cumsum3A_2010 : i1 to vector<16xi1>
    %cumsum3A_2012 = tpu.scan <sum>, %get3A_2009 masked %cumsum3A_2011 : vector<16xi32>, vector<16xi1> -> vector<16xi32>
    %add3A_2013 = arith.addi %cumsum3A_2012, %add3A_2001 : vector<16xi32>
    %sub3A_2014 = arith.constant 1 : i32
    %sub3A_2015 = vector.broadcast %sub3A_2014 : i32 to vector<16xi32>
    %sub3A_2016 = arith.subi %add3A_2013, %sub3A_2015 : vector<16xi32>
    %add3A_2017 = vector.broadcast %mul3A_56 : i32 to vector<16xi32>
    %add3A_2018 = arith.addi %sub3A_2016, %add3A_2017 : vector<16xi32>
    %swap3A_2019 = arith.constant 15 : i32
    %swap3A_2020 = arith.index_cast %swap3A_2019 : i32 to index
    %swap3A_2021 = arith.constant 16 : index
    %swap3A_2022 = tpu.vector_load %arg7[%swap3A_2020, %swap3A_2021] {strides = array<i32>} : memref<16x64xi32, #tpu.memory_space<vmem>>, vector<16xi32>,
    tpu.vector_store %arg7[%swap3A_2020, %swap3A_2021], %add3A_2018 {strides = array<i32>} : memref<16x64xi32, #tpu.memory_space<vmem>>, vector<16xi32>,
    %broadcast_in_dim3A_2023 = arith.constant 15 : i32
    %broadcast_in_dim3A_2024 = vector.broadcast %broadcast_in_dim3A_2023 : i32 to vector<16x1xi32>
    %gather3A_2025 = vector.shape_cast %broadcast_in_dim3A_2024 : vector<16x1xi32> to vector<16xi32>
    %gather3A_2026 = tpu.dynamic_gather %cumsum3A_2012[%gather3A_2025] in [0] : vector<16xi32>, vector<16xi32> -> vector<16xi32>
    %add3A_2027 = arith.addi %add3A_2001, %gather3A_2026 : vector<16xi32>
    %add3A_2028 = arith.constant 60 : i32
    %add3A_2029 = arith.addi %mul3A_58, %add3A_2028 : i32
    %add3A_2030 = arith.constant 2 : i32
    %add3A_2031 = arith.addi %add3A_2029, %add3A_2030 : i32
    %mul3A_2032 = arith.constant 16 : i32
    %mul3A_2033 = arith.muli %add3A_2031, %mul3A_2032 : i32
    %get3A_2034 = arith.index_cast %mul3A_2033 : i32 to index
    %get3A_2035 = tpu.vector_load %arg6[%get3A_2034] {strides = array<i32>} : memref<2048xi32, #tpu.memory_space<vmem>>, vector<16xi32>,
    %cumsum3A_2036 = arith.constant true
    %cumsum3A_2037 = vector.broadcast %cumsum3A_2036 : i1 to vector<16xi1>
    %cumsum3A_2038 = tpu.scan <sum>, %get3A_2035 masked %cumsum3A_2037 : vector<16xi32>, vector<16xi1> -> vector<16xi32>
    %add3A_2039 = arith.addi %cumsum3A_2038, %add3A_2027 : vector<16xi32>
    %sub3A_2040 = arith.constant 1 : i32
    %sub3A_2041 = vector.broadcast %sub3A_2040 : i32 to vector<16xi32>
    %sub3A_2042 = arith.subi %add3A_2039, %sub3A_2041 : vector<16xi32>
    %add3A_2043 = vector.broadcast %mul3A_56 : i32 to vector<16xi32>
    %add3A_2044 = arith.addi %sub3A_2042, %add3A_2043 : vector<16xi32>
    %swap3A_2045 = arith.constant 15 : i32
    %swap3A_2046 = arith.index_cast %swap3A_2045 : i32 to index
    %swap3A_2047 = arith.constant 32 : index
    %swap3A_2048 = tpu.vector_load %arg7[%swap3A_2046, %swap3A_2047] {strides = array<i32>} : memref<16x64xi32, #tpu.memory_space<vmem>>, vector<16xi32>,
    tpu.vector_store %arg7[%swap3A_2046, %swap3A_2047], %add3A_2044 {strides = array<i32>} : memref<16x64xi32, #tpu.memory_space<vmem>>, vector<16xi32>,
    %broadcast_in_dim3A_2049 = arith.constant 15 : i32
    %broadcast_in_dim3A_2050 = vector.broadcast %broadcast_in_dim3A_2049 : i32 to vector<16x1xi32>
    %gather3A_2051 = vector.shape_cast %broadcast_in_dim3A_2050 : vector<16x1xi32> to vector<16xi32>
    %gather3A_2052 = tpu.dynamic_gather %cumsum3A_2038[%gather3A_2051] in [0] : vector<16xi32>, vector<16xi32> -> vector<16xi32>
    %add3A_2053 = arith.addi %add3A_2027, %gather3A_2052 : vector<16xi32>
    %add3A_2054 = arith.constant 60 : i32
    %add3A_2055 = arith.addi %mul3A_58, %add3A_2054 : i32
    %add3A_2056 = arith.constant 3 : i32
    %add3A_2057 = arith.addi %add3A_2055, %add3A_2056 : i32
    %mul3A_2058 = arith.constant 16 : i32
    %mul3A_2059 = arith.muli %add3A_2057, %mul3A_2058 : i32
    %get3A_2060 = arith.index_cast %mul3A_2059 : i32 to index
    %get3A_2061 = tpu.vector_load %arg6[%get3A_2060] {strides = array<i32>} : memref<2048xi32, #tpu.memory_space<vmem>>, vector<16xi32>,
    %cumsum3A_2062 = arith.constant true
    %cumsum3A_2063 = vector.broadcast %cumsum3A_2062 : i1 to vector<16xi1>
    %cumsum3A_2064 = tpu.scan <sum>, %get3A_2061 masked %cumsum3A_2063 : vector<16xi32>, vector<16xi1> -> vector<16xi32>
    %add3A_2065 = arith.addi %cumsum3A_2064, %add3A_2053 : vector<16xi32>
    %sub3A_2066 = arith.constant 1 : i32
    %sub3A_2067 = vector.broadcast %sub3A_2066 : i32 to vector<16xi32>
    %sub3A_2068 = arith.subi %add3A_2065, %sub3A_2067 : vector<16xi32>
    %add3A_2069 = vector.broadcast %mul3A_56 : i32 to vector<16xi32>
    %add3A_2070 = arith.addi %sub3A_2068, %add3A_2069 : vector<16xi32>
    %swap3A_2071 = arith.constant 15 : i32
    %swap3A_2072 = arith.index_cast %swap3A_2071 : i32 to index
    %swap3A_2073 = arith.constant 48 : index
    %swap3A_2074 = tpu.vector_load %arg7[%swap3A_2072, %swap3A_2073] {strides = array<i32>} : memref<16x64xi32, #tpu.memory_space<vmem>>, vector<16xi32>,
    tpu.vector_store %arg7[%swap3A_2072, %swap3A_2073], %add3A_2070 {strides = array<i32>} : memref<16x64xi32, #tpu.memory_space<vmem>>, vector<16xi32>,
    %broadcast_in_dim3A_2075 = arith.constant 15 : i32
    %broadcast_in_dim3A_2076 = vector.broadcast %broadcast_in_dim3A_2075 : i32 to vector<16x1xi32>
    %gather3A_2077 = vector.shape_cast %broadcast_in_dim3A_2076 : vector<16x1xi32> to vector<16xi32>
    %gather3A_2078 = tpu.dynamic_gather %cumsum3A_2064[%gather3A_2077] in [0] : vector<16xi32>, vector<16xi32> -> vector<16xi32>
    %add3A_2079 = arith.addi %add3A_2053, %gather3A_2078 : vector<16xi32>
    %dma_start3A_2080 = arith.constant 15 : i32
    %dma_start3A_2081 = arith.constant 0 : i32
    %dma_start3A_2082 = tpu.memref_slice %arg7[%dma_start3A_2080, %dma_start3A_2081] : memref<16x64xi32, #tpu.memory_space<vmem>> -> memref<1x64xi32, #tpu.memory_space<vmem>>
    %dma_start3A_2083 = tpu.memref_squeeze %dma_start3A_2082 : memref<1x64xi32, #tpu.memory_space<vmem>> -> memref<64xi32, #tpu.memory_space<vmem>>
    %dma_start3A_2084 = arith.constant 0 : i32
    %dma_start3A_2085 = arith.constant 0 : i32
    %dma_start3A_2086 = tpu.memref_slice %arg2[%dma_start3A_2084, %dma_start3A_2085] : memref<32768x512xf32, #tpu.memory_space<hbm>> -> memref<32768x512xf32, #tpu.memory_space<hbm>>
    tpu.enqueue_indirect_dma source(%dma_start3A_2086 : memref<32768x512xf32, #tpu.memory_space<hbm>>) target(%arg9 : memref<64x512xf32, #tpu.memory_space<vmem>>) offsets(%dma_start3A_2083 : memref<64xi32, #tpu.memory_space<vmem>>) semaphore(%arg11 : memref<!tpu.dma_semaphore, #tpu.memory_space<semaphore_mem>>)
    %dma_wait3A_2087 = arith.constant 14 : i32
    %dma_wait3A_2088 = arith.constant 0 : i32
    %dma_wait3A_2089 = tpu.memref_slice %arg7[%dma_wait3A_2087, %dma_wait3A_2088] : memref<16x64xi32, #tpu.memory_space<vmem>> -> memref<1x64xi32, #tpu.memory_space<vmem>>
    %dma_wait3A_2090 = tpu.memref_squeeze %dma_wait3A_2089 : memref<1x64xi32, #tpu.memory_space<vmem>> -> memref<64xi32, #tpu.memory_space<vmem>>
    %dma_wait3A_2091 = arith.constant 0 : i32
    %dma_wait3A_2092 = arith.constant 0 : i32
    %dma_wait3A_2093 = tpu.memref_slice %arg2[%dma_wait3A_2091, %dma_wait3A_2092] : memref<32768x512xf32, #tpu.memory_space<hbm>> -> memref<32768x512xf32, #tpu.memory_space<hbm>>
    tpu.wait_indirect_dma semaphore(%arg10 : memref<!tpu.dma_semaphore, #tpu.memory_space<semaphore_mem>>) src(%dma_wait3A_2093 : memref<32768x512xf32, #tpu.memory_space<hbm>>) dst(%arg8 : memref<64x512xf32, #tpu.memory_space<vmem>>)
    %add3A_2094 = arith.constant 896 : i32
    %add3A_2095 = arith.addi %add3A_61, %add3A_2094 : i32
    %dma_start3A_2096 = arith.constant 0 : i32
    %dma_start3A_2097 = tpu.memref_slice %arg4[%add3A_2095, %dma_start3A_2096] : memref<32768x512xf32, #tpu.memory_space<hbm>> -> memref<64x512xf32, #tpu.memory_space<hbm>>
    %dma_start3A_2098 = arith.constant 0 : i32
    %dma_start3A_2099 = tpu.memref_slice %arg4[%add3A_2095, %dma_start3A_2098] : memref<32768x512xf32, #tpu.memory_space<hbm>> -> memref<64x512xf32, #tpu.memory_space<hbm>>
    tpu.enqueue_dma source(%arg8 : memref<64x512xf32, #tpu.memory_space<vmem>>) target(%dma_start3A_2099 : memref<64x512xf32, #tpu.memory_space<hbm>>) target_semaphore(%arg12 : memref<!tpu.dma_semaphore, #tpu.memory_space<semaphore_mem>>)
    %dma_wait3A_2100 = arith.constant 15 : i32
    %dma_wait3A_2101 = arith.constant 0 : i32
    %dma_wait3A_2102 = tpu.memref_slice %arg7[%dma_wait3A_2100, %dma_wait3A_2101] : memref<16x64xi32, #tpu.memory_space<vmem>> -> memref<1x64xi32, #tpu.memory_space<vmem>>
    %dma_wait3A_2103 = tpu.memref_squeeze %dma_wait3A_2102 : memref<1x64xi32, #tpu.memory_space<vmem>> -> memref<64xi32, #tpu.memory_space<vmem>>
    %dma_wait3A_2104 = arith.constant 0 : i32
    %dma_wait3A_2105 = arith.constant 0 : i32
    %dma_wait3A_2106 = tpu.memref_slice %arg2[%dma_wait3A_2104, %dma_wait3A_2105] : memref<32768x512xf32, #tpu.memory_space<hbm>> -> memref<32768x512xf32, #tpu.memory_space<hbm>>
    tpu.wait_indirect_dma semaphore(%arg11 : memref<!tpu.dma_semaphore, #tpu.memory_space<semaphore_mem>>) src(%dma_wait3A_2106 : memref<32768x512xf32, #tpu.memory_space<hbm>>) dst(%arg9 : memref<64x512xf32, #tpu.memory_space<vmem>>)
    %add3A_2107 = arith.constant 960 : i32
    %add3A_2108 = arith.addi %add3A_61, %add3A_2107 : i32
    %dma_start3A_2109 = arith.constant 0 : i32
    %dma_start3A_2110 = tpu.memref_slice %arg4[%add3A_2108, %dma_start3A_2109] : memref<32768x512xf32, #tpu.memory_space<hbm>> -> memref<64x512xf32, #tpu.memory_space<hbm>>
    %dma_start3A_2111 = arith.constant 0 : i32
    %dma_start3A_2112 = tpu.memref_slice %arg4[%add3A_2108, %dma_start3A_2111] : memref<32768x512xf32, #tpu.memory_space<hbm>> -> memref<64x512xf32, #tpu.memory_space<hbm>>
    tpu.enqueue_dma source(%arg9 : memref<64x512xf32, #tpu.memory_space<vmem>>) target(%dma_start3A_2112 : memref<64x512xf32, #tpu.memory_space<hbm>>) target_semaphore(%arg13 : memref<!tpu.dma_semaphore, #tpu.memory_space<semaphore_mem>>)
    %dma_wait3A_2113 = arith.constant 0 : i32
    %dma_wait3A_2114 = tpu.memref_slice %arg4[%add3A_2095, %dma_wait3A_2113] : memref<32768x512xf32, #tpu.memory_space<hbm>> -> memref<64x512xf32, #tpu.memory_space<hbm>>
    %dma_wait3A_2115 = arith.constant 0 : i32
    %dma_wait3A_2116 = tpu.memref_slice %arg4[%add3A_2095, %dma_wait3A_2115] : memref<32768x512xf32, #tpu.memory_space<hbm>> -> memref<64x512xf32, #tpu.memory_space<hbm>>
    tpu.wait_dma2 semaphore(%arg12 : memref<!tpu.dma_semaphore, #tpu.memory_space<semaphore_mem>>) src(%arg8 : memref<64x512xf32, #tpu.memory_space<vmem>>) dst(%dma_wait3A_2116 : memref<64x512xf32, #tpu.memory_space<hbm>>)
    %dma_wait3A_2117 = arith.constant 0 : i32
    %dma_wait3A_2118 = tpu.memref_slice %arg4[%add3A_2108, %dma_wait3A_2117] : memref<32768x512xf32, #tpu.memory_space<hbm>> -> memref<64x512xf32, #tpu.memory_space<hbm>>
    %dma_wait3A_2119 = arith.constant 0 : i32
    %dma_wait3A_2120 = tpu.memref_slice %arg4[%add3A_2108, %dma_wait3A_2119] : memref<32768x512xf32, #tpu.memory_space<hbm>> -> memref<64x512xf32, #tpu.memory_space<hbm>>
    tpu.wait_dma2 semaphore(%arg13 : memref<!tpu.dma_semaphore, #tpu.memory_space<semaphore_mem>>) src(%arg9 : memref<64x512xf32, #tpu.memory_space<vmem>>) dst(%dma_wait3A_2120 : memref<64x512xf32, #tpu.memory_space<hbm>>)
    return
  }
}

</mosaic_0001>

<sc_bundles>
// kernel: kernel.3.cloned.1.call-start
scs
__scs_entry_jumppad:
0x0: {  	(pc) =	sbr.rel $0x88, $3  }
0x1: {  	(tag) =	ssettag $0x0;
	lr =	simm.s32 $0x1  }
0x2: {  	[smem:$0x3F9F] =	sst lr;
	_ =	strace $0xD0000000  }
0x3: {  	_ = 	snop  }
0x4: {  	_ = 	snop  }
0x5: {  	_ = 	snop  }
0x6: {  	_ = 	snop  }
0x7: {  	_ = 	snop  }
__scs_overlays_trampoline_lowered:
0x8: {  	[smem:$0x3FAE] =	sst s0  }
0x9: {  	[smem:$0x3FAF] =	sst s1  }
0xa: {  	[smem:$0x3FB0] =	sst s2  }
0xb: {  	[smem:$0x3FB1] =	sst s3  }
0xc: {  	[smem:$0x3FB2] =	sst s4  }
0xd: {  	[smem:$0x3FB3] =	sst s5  }
0xe: {  	[smem:$0x3FB4] =	sst s6  }
0xf: {  	[smem:$0x3FB5] =	sst s7  }
0x10: {  	[smem:$0x3FB6] =	sst s8  }
0x11: {  	[smem:$0x3FB7] =	sst s9;
	s0 =	simm.s32 @!p0 $0x0  }
0x12: {  	s1 =	sld [smem:$0x3F9D];
	s0 =	simm.s32 @p0 $0x1  }
0x13: {  	[smem:$0x3FB8] =	sst s0;
	s0 =	simm.s32 @!p1 $0x0  }
0x14: {  	s2 =	sld [smem:$0x3F9C];
	s0 =	simm.s32 @p1 $0x1  }
0x15: {  	[smem:$0x3FB9] =	sst s0;
	s0 =	simm.s32 @!p2 $0x0  }
0x16: {  	s3 =	sld [smem:$0x3FDB];
	s0 =	simm.s32 @p2 $0x1  }
0x17: {  	s4 =	simm.s32 $0x1BF5;
	[smem:$0x3FBB] =	sst s0  }
0x18: {  	s0 =	sld [smem:$0x3F9E];
	_ =	swait.ge [sflag:s4], $0x0  }
0x19: {  	s7 =	sld [smem:$0x3F9F]  }
0x1a: {  	s8 =	sadd.s32 $0xFFFFE003, lr  }
0x1b: {  	s9 =	sadd.s32 $0xFFFFFEF7, lr;
	s5 =	simm.s32 $0xFFFFFFFF;
	p2 =	slt.u32 s8, $0xFFFFF086  }
0x1c: {  	p1 =	slt.u32 s9, $0xF7A;
	s5 =	simm.s32 @!p2 $0x0  }
0x1d: {  	s5 =	simm.s32 @p1 $0x1;
	p0 =	seq.s32 s7, s2  }
0x1e: {  	s7 =	smul.u32 @!p0 $0xF7A, s2;
	p2 =	seq.s32 @!p0 s5, $0x0  }
0x1f: {  	s9 =	smul.u32 $0xF7A, s1;
	s8 =	simm.s32 @!p0 $0x1BF5;
	p2 =	por !p2, p0  }
0x20: {  	[sflag:s8] =	ssyncset.s32 @!p0 $0xFFFFF086;
	s6 =	sadd.s32 @!p0 s3, s7;
	s7 =	simm.s32 @!p0 $0x108  }
0x21: {  	s3 =	sadd.s32 s3, s9;
	s6 =	sadd.s32 @!p0 $0x88, s6;
	s7 =	simm.s32 @p2 $0x1082  }
0x22: {  	[simem:s7], [sflag:s8] =	dma.local @!p0 [hbm:s6], $0xF7A  }
0x23: {  	s9 =	sor.u32 $0xD0000000, s2;
	s6 =	simm.s32 $0x108;
	_ =	swait.ge @!p0 [sflag:s8], $0x0  }
0x24: {  	s3 =	sadd.s32 $0x88, s3;
	s6 =	simm.s32 @!p1 $0x1082;
	[sflag:s4] =	ssyncset.s32 $0xFFFFF086  }
0x25: {  	[simem:s6], [sflag:s4] =	dma.local [hbm:s3], $0xF7A  }
0x26: {  	[smem:$0x3F9F] =	sst s1;
	(tag) =	ssettag s2;
	_ =	strace s9  }
0x27: {  	s1 =	sld [smem:$0x3FAF]  }
0x28: {  	s2 =	sld [smem:$0x3FB0]  }
0x29: {  	s4 =	sld [smem:$0x3FB2]  }
0x2a: {  	p0 =	seq.s32 s5, $0x0;
	s5 =	sld [smem:$0x3FB3]  }
0x2b: {  	s6 =	sld [smem:$0x3FB4]  }
0x2c: {  	s7 =	sld [smem:$0x3FB5]  }
0x2d: {  	s3 =	simm.s32 $0x108;
	s8 =	sld [smem:$0x3FB6]  }
0x2e: {  	s3 =	simm.s32 @!p0 $0x1082;
	s9 =	sld [smem:$0x3FB7]  }
0x2f: {  	lr =	sadd.s32 s0, s3;
	s0 =	sld [smem:$0x3FAE]  }
0x30: {  	s3 =	sld [smem:$0x3FB1]  }
0x31: {  	[smem:$0x3FBA] =	sst s10  }
0x32: {  	s10 =	sld [smem:$0x3FB8];
	_ =	sdelay $0x3  }
0x33: {  	p0 =	seq.s32 s10, $0x1;
	s10 =	sld [smem:$0x3FBA];
	_ =	sdelay $0x3  }
0x34: {  	[smem:$0x3FBA] =	sst s10  }
0x35: {  	s10 =	sld [smem:$0x3FB9];
	_ =	sdelay $0x3  }
0x36: {  	p1 =	seq.s32 s10, $0x1;
	s10 =	sld [smem:$0x3FBA];
	_ =	sdelay $0x3  }
0x37: {  	[smem:$0x3FBA] =	sst s10  }
0x38: {  	s10 =	sld [smem:$0x3FBB]  }
0x39: {  	_ = 	snop;
	(pc) =	sbr.ind lr, $3  }
0x3a: {  	_ = 	snop  }
0x3b: {  	_ = 	snop  }
0x3c: {  	p2 =	seq.s32 s10, $0x1;
	s10 =	sld [smem:$0x3FBA]  }
0x3d: {  	_ =	shalt  }
0x3e: {  	_ =	shalt  }
0x3f: {  	_ =	shalt  }
0x40: {  	_ =	shalt  }
0x41: {  	_ =	shalt  }
0x42: {  	_ =	shalt  }
0x43: {  	_ =	shalt  }
0x44: {  	_ =	shalt  }
0x45: {  	_ =	shalt  }
0x46: {  	_ =	shalt  }
0x47: {  	_ =	shalt  }
0x48: {  	_ =	shalt  }
0x49: {  	_ =	shalt  }
0x4a: {  	_ =	shalt  }
0x4b: {  	_ =	shalt  }
0x4c: {  	_ =	shalt  }
0x4d: {  	_ =	shalt  }
0x4e: {  	_ =	shalt  }
0x4f: {  	_ =	shalt  }
0x50: {  	_ =	shalt  }
0x51: {  	_ =	shalt  }
0x52: {  	_ =	shalt  }
0x53: {  	_ =	shalt  }
0x54: {  	_ =	shalt  }
0x55: {  	_ =	shalt  }
0x56: {  	_ =	shalt  }
0x57: {  	_ =	shalt  }
0x58: {  	_ =	shalt  }
0x59: {  	_ =	shalt  }
0x5a: {  	_ =	shalt  }
0x5b: {  	_ =	shalt  }
0x5c: {  	_ =	shalt  }
0x5d: {  	_ =	shalt  }
0x5e: {  	_ =	shalt  }
0x5f: {  	_ =	shalt  }
0x60: {  	_ =	shalt  }
0x61: {  	_ =	shalt  }
0x62: {  	_ =	shalt  }
0x63: {  	_ =	shalt  }
0x64: {  	_ =	shalt  }
0x65: {  	_ =	shalt  }
0x66: {  	_ =	shalt  }
0x67: {  	_ =	shalt  }
0x68: {  	_ =	shalt  }
0x69: {  	_ =	shalt  }
0x6a: {  	_ =	shalt  }
0x6b: {  	_ =	shalt  }
0x6c: {  	_ =	shalt  }
0x6d: {  	_ =	shalt  }
0x6e: {  	_ =	shalt  }
0x6f: {  	_ =	shalt  }
0x70: {  	_ =	shalt  }
0x71: {  	_ =	shalt  }
0x72: {  	_ =	shalt  }
0x73: {  	_ =	shalt  }
0x74: {  	_ =	shalt  }
0x75: {  	_ =	shalt  }
0x76: {  	_ =	shalt  }
0x77: {  	_ =	shalt  }
0x78: {  	_ =	shalt  }
0x79: {  	_ =	shalt  }
0x7a: {  	_ =	shalt  }
0x7b: {  	_ =	shalt  }
0x7c: {  	_ =	shalt  }
0x7d: {  	_ =	shalt  }
0x7e: {  	_ =	shalt  }
0x7f: {  	_ =	shalt  }
0x80: {  	_ =	shalt  }
0x81: {  	_ =	shalt  }
0x82: {  	_ =	shalt  }
0x83: {  	_ =	shalt  }
0x84: {  	_ =	shalt  }
0x85: {  	_ =	shalt  }
0x86: {  	_ =	shalt  }
0x87: {  	_ =	shalt  }
.Lfunc_end0:
.L_simem_size_0:
called_computation_lowered:
.L_overlay_start_0:
0x88: {  	s2 =	sld [smem:$0x3FD9]  }
0x89: {  	s3 =	sld [smem:$0x3FFE];
	_ =	sdelay $0x1  }
0x8a: {  	s1 =	srdreg.scid  }
0x8b: {  	s0 =	sand.u32 $0x1, s1  }
0x8c: {  	s18 =	sshll.u32 s0, $0xA;
	s2 =	sadd.s32 s3, s2  }
0x8d: {  	s2 =	sadd.s32 s2, s18  }
0x8e: {  	[smem:$0x3FC6] =	sst s2  }
0x8f: {  	_ = 	snop  }
0x90: {  	s2 =	sld [smem:$0x3FC9]  }
0x91: {  	s19 =	sld [smem:$0x3FC8]  }
0x92: {  	s4 =	sld [smem:$0x3FD0];
	(tm) =	ssettm $0x1  }
0x93: {  	s5 =	sld [smem:$0x3FFB];
	_ =	sdelay $0x3  }
0x94: {  	_ =	strace s5  }
0x95: {  	s5 =	sld [smem:$0x3FFC];
	_ =	sdelay $0x3  }
0x96: {  	_ =	strace s5  }
0x97: {  	s5 =	sld [smem:$0x3FFD];
	_ =	sdelay $0x3  }
0x98: {  	_ =	strace s5  }
0x99: {  	_ =	strace $0x8FFFFFFF  }
0x9a: {  	s20 =	sld [smem:$0x3FDB];
	_ =	sdelay $0x1  }
0x9b: {  	s6 =	simm.s32 $_scs_section_size  }
0x9c: {  	s7 =	simm.s32 $_size__tile_overlayer_lowered;
	s8 =	simm.s32 $_tile_overlayer_lowered  }
0x9d: {  	s23 =	simm.s32 $0x1BFF;
	s22 =	sshll.u32 s8, $0x1;
	s5 =	sadd.s32 s6, s20  }
0x9e: {  	s9 =	simm.s32 $0x0;
	s21 =	sshll.u32 s7, $0x1;
	s7 =	sadd.s32 s22, s5  }
0x9f: {  	[timem:s9], [sflag:s23] =	dma.local [hbm:s7], s21  }
0xa0: {  	_ =	swait.ge [sflag:s23], s21  }
0xa1: {  	s6 =	ssub.s32 $0x0, s21;
	[sflag:s23] =	ssyncset.done $0x0  }
0xa2: {  	[sflag:s23] =	ssyncadd.s32 s6;
	_ =	sdelay $0x1  }
0xa3: {  	s24 =	simm.s32 $0x1B8B  }
0xa4: {  	_ =	swait.ge [sflag:s24], $0x1  }
0xa5: {  	[sflag:s24] =	ssyncset.done $0x0  }
0xa6: {  	s25 =	simm.s32 $0x1B8E;
	[sflag:s24] =	ssyncadd.s32 $0xFFFFFFFF  }
0xa7: {  	s26 =	simm.s32 $execute0_lowered;
	[smem:$0x3FD2] =	sst s25  }
0xa8: {  	s6 =	sshll.u32 s26, $0x1;
	_ =	strace $0x80000046;
	[dreg:$0x1] =	wrdreg $0xFFFFFFFF  }
0xa9: {  	s28 =	simm.s32 $_size_execute0_lowered;
	s5 =	sadd.s32 s5, s6;
	[dreg:$0x0] =	wrdreg $0x0  }
0xaa: {  	s6 =	sshll.u32 s28, $0x1;
	[dreg:$0x2] =	wrdreg s5  }
0xab: {  	[dreg:$0x3] =	wrdreg s6  }
0xac: {  	[dreg:$0x4] =	wrdreg $0xC0  }
0xad: {  	_ =	task [dreg:s9], $0x5FFFF  }
0xae: {  	[dreg:$0x1] =	wrdreg $0xFFFFFFFF  }
0xaf: {  	[dreg:$0x0] =	wrdreg $0x60  }
0xb0: {  	[dreg:$0x2] =	wrdreg s2  }
0xb1: {  	[dreg:$0x3] =	wrdreg s19  }
0xb2: {  	[dreg:$0x4] =	wrdreg s4  }
0xb3: {  	[dreg:$0x5] =	wrdreg $0x9  }
0xb4: {  	_ =	task.clear_ibuf [dreg:s9], $0x6FFFF;
	_ =	strace $0x90000046  }
0xb5: {  	s29 =	simm.s32 $0x9;
	_ =	strace $0x80000048  }
0xb6: {  	_ =	swait.ge [sflag:s29], $0x1  }
0xb7: {  	[sflag:s29] =	ssyncadd.s32 $0xFFFFFFFF  }
0xb8: {  	_ =	strace $0x90000048  }
0xb9: {  	_ =	sfence  }
0xba: {  	s30 =	sld [smem:$0x0];
	_ =	sdelay $0x2  }
0xbb: {  	s31 =	sshll.u32 s1, $0xD;
	s1 =	sshrl.u32 s1, $0x2  }
0xbc: {  	s3 =	sand.u32 $0x4000, s31;
	s1 =	sadd.s32 s1, s30  }
0xbd: {  	s0 =	sor.u32 s3, s0;
	s1 =	sshll.u32 s1, $0x11  }
0xbe: {  	s0 =	sor.u32 s1, s0  }
0xbf: {  	s0 =	sadd.s32 $0x8F2B, s0  }
0xc0: {  	[sflag:s0] =	ssyncadd.remote.s32 $0x1  }
0xc1: {  	_ =	sfence.sel $0xFFFF  }
0xc2: {  	[dreg:$0x0] =	wrdreg $0xFFFFFFFF;
	(pc) =	sbr.abs _section_cstart, $3  }
0xc3: {  	[dreg:$0x1] =	wrdreg $0xFFFFFFFF  }
0xc4: {  	_ =	task.clear_ibuf [dreg:s9], $0x2FFFF;
	_ =	strace $0x9FFFFFFF  }
0xc5: {  	(tm) =	ssettm $0x7FFFFFFF  }
tec
execute0_lowered:
.L_overlay_start_1:
0x0: {  	(tag) =	ssettag $0x1  }
0x1: {  	s0 =	srdreg.scid;
	s1 =	rddreg [dreg:$0x0]  }
0x2: {  	s6 =	stileid.u32;
	s26 =	rddreg [dreg:$0x1];
	s0 =	sand.u32 $0x1, s0  }
0x3: {  	s5 =	rddreg [dreg:$0x2];
	s2 =	sor.u32 s0, s6  }
0x4: {  	s3 =	simm.s32 $0x0;
	p1 =	seq.s32 s0, $0x1;
	p0 =	seq.s32 s2, $0x0  }
0x5: {  	[smem:$0x7FF] =	sst s3;
	p0 =	por !p0, !p1  }
0x6: {  	s4 =	simm.s32 $0x1;
	_ =	strace $0x80000047;
	p0 =	por !p0, !p0  }
0x7: {  	s28 =	ssub.s32 $0x2, s0;
	s11 =	sshll.u32 s0, $0x10;
	s4 =	simm.s32 @!p0 $0x0  }
0x8: {  	s12 =	sshll.u32 s0, $0x6;
	s7 =	sshrl.u32 s28, $0x1;
	s4 =	ssub.s32 s6, s4  }
0x9: {  	s8 =	sshll.u32 s4, $0xB;
	s10 =	sshll.u32 s4, $0x7;
	s4 =	sshll.u32 s4, $0x11  }
0xa: {  	[dreg:$0x5] =	wrdreg s12;
	s6 =	ssub.s32 s28, s7;
	s31 =	sor.u32 s11, s4  }
0xb: {  	s9 =	sand.u32 $0xFFFFC000, s8;
	s10 =	sand.u32 $0x380, s10;
	s11 =	sand.u32 $0x1FFF0000, s31  }
0xc: {  	s29 =	sor.u32 s10, s9;
	s13 =	sadd.s32 s11, s5;
	s5 =	sadd.s32 s5, s31  }
0xd: {  	s7 =	sshrl.u32 s29, $0x3;
	s31 =	smax.u32 s6, $0x1;
	[dreg:$0x6] =	wrdreg s5  }
0xe: {  	s2 =	sadd.s32 s26, s7;
	[dreg:$0x16] =	wrdreg s31  }
0xf: {  	s14 =	sadd.s32 $0x1000, s13;
	[dreg:$0x4] =	wrdreg s2  }
0x10: {  	s15 =	sadd.s32 $0x2000, s13;
	[dreg:$0x7] =	wrdreg s14  }
0x11: {  	s16 =	sadd.s32 $0x3000, s13;
	[dreg:$0x8] =	wrdreg s15  }
0x12: {  	s17 =	sadd.s32 $0x4000, s13;
	[dreg:$0x9] =	wrdreg s16  }
0x13: {  	s18 =	sadd.s32 $0x5000, s13;
	[dreg:$0xa] =	wrdreg s17  }
0x14: {  	s30 =	simm.s32 $0x800;
	s19 =	sadd.s32 $0x6000, s13;
	[dreg:$0xb] =	wrdreg s18  }
0x15: {  	s12 =	simm.s32 $0x9800;
	s20 =	sadd.s32 $0x7000, s13;
	[dreg:$0xc] =	wrdreg s19  }
0x16: {  	p0 =	seq.s32 s0, $0x0;
	s21 =	sadd.s32 $0x8000, s13;
	[dreg:$0xd] =	wrdreg s20  }
0x17: {  	s4 =	simm.s32 $0x1;
	s22 =	sadd.s32 $0x9000, s13;
	[dreg:$0xe] =	wrdreg s21  }
0x18: {  	s9 =	simm.s32 $0x3;
	s23 =	sadd.s32 $0xA000, s13;
	[dreg:$0xf] =	wrdreg s22  }
0x19: {  	s10 =	simm.s32 $0x2;
	s24 =	sadd.s32 $0xB000, s13;
	[dreg:$0x10] =	wrdreg s23  }
.Ltmp0:
0x1a: {  	s25 =	sadd.s32 $0xC000, s13;
	[dreg:$0x11] =	wrdreg s24;
	(pc) =	sbr.rel .LBB2_1-.Ltmp0, $4  }
0x1b: {  	v2 =	vimm.s32 $0x0;
	v3 =	vimm.s32 $0x1;
	s11 =	simm.s32 $0x4;
	s26 =	sadd.s32 $0xD000, s13;
	[dreg:$0x12] =	wrdreg s25  }
0x1c: {  	v7 =	vlaneseq.u32;
	v4 =	vimm.s32 $0xF;
	vm0 =	vmmov $0xffff;
	s7 =	sshll.u32 s0, $0xA;
	s28 =	sadd.s32 $0xE000, s13;
	[dreg:$0x13] =	wrdreg s26  }
0x1d: {  	v6 =	vshrl.u32 v7, $0x3;
	v5 =	vand.u32 $0x7, v7;
	v0 =	vmov s8;
	s29 =	sadd.s32 $0xF000, s13;
	s0 =	simm.s32 $0x0;
	[dreg:$0x14] =	wrdreg s28  }
0x1e: {  	v7 =	vor.u32 $0x8, v7;
	v6 =	vmul.u32 $0x8, v6;
	v1 =	vadd.s32 $0xFFFFFFFF, v0;
	[dreg:$0x15] =	wrdreg s29;
	s25 =	sadd.s32 $0x100, s1;
	s2 =	simm.s32 $0x1800  }
.LBB2_8:
0x1f: {  	v8 =	vadd.s32 v8, v9  }
.LBB2_9:
0x20: {  	v9 =	vld [tilespmem:s7+$0x800];
	_ =	sdelay $0x2  }
0x21: {  	(xrf0) =	vadd.scan.msk.s32 $0xffff, v8;
	_ =	sdelay $0x1  }
0x22: {  	(xrf0) =	vadd.scan.msk.s32 $0xffff, v9;
	_ =	sdelay $0x3  }
0x23: {  	v8, _, _ =	vpop (xrf0)  }
0x24: {  	v8 =	vbroadcast v8, $0xF  }
0x25: {  	v9, _, _ =	vpop (xrf0)  }
0x26: {  	v10 =	vadd.s32 v9, v8  }
0x27: {  	v10 =	vadd.s32 $0xFFFFFFFF, v10  }
0x28: {  	v11 =	vadd.s32 v0, v10  }
0x29: {  	[tilespmem:$0x1000] =	vst v11  }
0x2a: {  	v12 =	vld [tilespmem:s7+$0x810];
	_ =	sdelay $0x4  }
0x2b: {  	(xrf0) =	vadd.scan.msk.s32 $0xffff, v12;
	_ =	sdelay $0x2  }
0x2c: {  	v9 =	vperm.xlane v9, v4;
	_ =	sdelay $0x1  }
0x2d: {  	v8 =	vadd.s32 v8, v9  }
0x2e: {  	v47 =	vadd.s32 v8, v1;
	v46, _, _ =	vpop (xrf0)  }
0x2f: {  	v12 =	vadd.s32 v46, v47  }
0x30: {  	[tilespmem:$0x1010] =	vst v12  }
0x31: {  	v12 =	vld [tilespmem:s7+$0x820];
	_ =	sdelay $0x4  }
0x32: {  	(xrf0) =	vadd.scan.msk.s32 $0xffff, v12;
	_ =	sdelay $0x2  }
0x33: {  	v9 =	vperm.xlane v46, v4;
	_ =	sdelay $0x1  }
0x34: {  	v8 =	vadd.s32 v8, v9  }
0x35: {  	v49 =	vadd.s32 v8, v1;
	v48, _, _ =	vpop (xrf0)  }
0x36: {  	v12 =	vadd.s32 v48, v49  }
0x37: {  	[tilespmem:$0x1020] =	vst v12  }
0x38: {  	v12 =	vld [tilespmem:s7+$0x830];
	_ =	sdelay $0x3  }
0x39: {  	v11 =	vshll.u32 v11, $0x2  }
0x3a: {  	v10 =	vand.u32 $0x7, v10;
	v11 =	vand.u32 $0xFFFFFFE0, v11;
	(xrf0) =	vadd.scan.msk.s32 $0xffff, v12  }
0x3b: {  	v10 =	vor.u32 v10, v11  }
0x3c: {  	v11 =	vperm.xlane v10, v5  }
0x3d: {  	v9 =	vperm.xlane v48, v4  }
0x3e: {  	v11 =	vadd.s32 v6, v11  }
0x3f: {  	v8 =	vadd.s32 v8, v9  }
0x40: {  	v10 =	vperm.xlane v10, v7;
	v51 =	vadd.s32 v8, v1;
	v50, _, _ =	vpop (xrf0)  }
0x41: {  	v12 =	vadd.s32 v50, v51  }
0x42: {  	v10 =	vadd.s32 v6, v10;
	[tilespmem:$0x1030] =	vst v12  }
0x43: {  	[tilespmem:s2], [sflag:$0x1] =	stream.indirect_vreg.gather [hbm4b:s1+s3], $0x80, v11, vm0, $0xb8;
	[tilespmem:$0x11800] =	vst v63  }
0x44: {  	s0 =	simm.s32 $0x2000  }
0x45: {  	[tilespmem:s0], [sflag:$0x1] =	stream.indirect_vreg.gather [hbm4b:s25+s3], $0x80, v11, vm0, $0xb8;
	[tilespmem:$0x11800] =	vst v63  }
0x46: {  	s16 =	simm.s32 $0x2800  }
0x47: {  	[tilespmem:s16], [sflag:$0x1] =	stream.indirect_vreg.gather [hbm4b:s1+s3], $0x80, v10, vm0, $0xb8;
	[tilespmem:$0x11800] =	vst v63  }
0x48: {  	s17 =	simm.s32 $0x3000  }
0x49: {  	[tilespmem:s17], [sflag:$0x1] =	stream.indirect_vreg.gather [hbm4b:s25+s3], $0x80, v10, vm0, $0xb8;
	[tilespmem:$0x11800] =	vst v63  }
0x4a: {  	v10 =	vld [tilespmem:$0x1010];
	_ =	sdelay $0x4  }
0x4b: {  	v52 =	vshll.u32 v10, $0x2  }
0x4c: {  	v10 =	vand.u32 $0x7, v10;
	v11 =	vand.u32 $0xFFFFFFE0, v52  }
0x4d: {  	v10 =	vor.u32 v10, v11  }
0x4e: {  	v11 =	vperm.xlane v10, v5;
	_ =	sdelay $0x1  }
0x4f: {  	v11 =	vadd.s32 v6, v11;
	_ =	sdelay $0x1  }
0x50: {  	v10 =	vperm.xlane v10, v7;
	_ =	sdelay $0x1  }
0x51: {  	s20 =	simm.s32 $0x3800;
	v10 =	vadd.s32 v6, v10  }
0x52: {  	[tilespmem:s20], [sflag:$0x1] =	stream.indirect_vreg.gather [hbm4b:s1+s3], $0x80, v11, vm0, $0xb8;
	[tilespmem:$0x11800] =	vst v63  }
0x53: {  	s21 =	simm.s32 $0x4000  }
0x54: {  	[tilespmem:s21], [sflag:$0x1] =	stream.indirect_vreg.gather [hbm4b:s25+s3], $0x80, v11, vm0, $0xb8;
	[tilespmem:$0x11800] =	vst v63  }
0x55: {  	s22 =	simm.s32 $0x4800  }
0x56: {  	[tilespmem:s22], [sflag:$0x1] =	stream.indirect_vreg.gather [hbm4b:s1+s3], $0x80, v10, vm0, $0xb8;
	[tilespmem:$0x11800] =	vst v63  }
0x57: {  	s23 =	simm.s32 $0x5000  }
0x58: {  	[tilespmem:s23], [sflag:$0x1] =	stream.indirect_vreg.gather [hbm4b:s25+s3], $0x80, v10, vm0, $0xb8;
	[tilespmem:$0x11800] =	vst v63  }
0x59: {  	v10 =	vld [tilespmem:$0x1020];
	_ =	sdelay $0x4  }
0x5a: {  	v53 =	vshll.u32 v10, $0x2  }
0x5b: {  	v10 =	vand.u32 $0x7, v10;
	v11 =	vand.u32 $0xFFFFFFE0, v53  }
0x5c: {  	v10 =	vor.u32 v10, v11  }
0x5d: {  	v11 =	vperm.xlane v10, v5;
	_ =	sdelay $0x1  }
0x5e: {  	v11 =	vadd.s32 v6, v11;
	_ =	sdelay $0x1  }
0x5f: {  	v10 =	vperm.xlane v10, v7;
	_ =	sdelay $0x1  }
0x60: {  	s24 =	simm.s32 $0x5800;
	v10 =	vadd.s32 v6, v10  }
0x61: {  	[tilespmem:s24], [sflag:$0x1] =	stream.indirect_vreg.gather [hbm4b:s1+s3], $0x80, v11, vm0, $0xb8;
	[tilespmem:$0x11800] =	vst v63  }
0x62: {  	s26 =	simm.s32 $0x6000  }
0x63: {  	[tilespmem:s26], [sflag:$0x1] =	stream.indirect_vreg.gather [hbm4b:s25+s3], $0x80, v11, vm0, $0xb8;
	[tilespmem:$0x11800] =	vst v63  }
0x64: {  	s28 =	simm.s32 $0x6800  }
0x65: {  	[tilespmem:s28], [sflag:$0x1] =	stream.indirect_vreg.gather [hbm4b:s1+s3], $0x80, v10, vm0, $0xb8;
	[tilespmem:$0x11800] =	vst v63  }
0x66: {  	s29 =	simm.s32 $0x7000  }
0x67: {  	[tilespmem:s29], [sflag:$0x1] =	stream.indirect_vreg.gather [hbm4b:s25+s3], $0x80, v10, vm0, $0xb8;
	[tilespmem:$0x11800] =	vst v63  }
0x68: {  	v10 =	vld [tilespmem:$0x1030];
	_ =	sdelay $0x4  }
0x69: {  	v54 =	vshll.u32 v10, $0x2  }
0x6a: {  	v10 =	vand.u32 $0x7, v10;
	v11 =	vand.u32 $0xFFFFFFE0, v54  }
0x6b: {  	v10 =	vor.u32 v10, v11  }
0x6c: {  	v11 =	vperm.xlane v10, v5;
	_ =	sdelay $0x1  }
0x6d: {  	v11 =	vadd.s32 v6, v11;
	_ =	sdelay $0x1  }
0x6e: {  	v10 =	vperm.xlane v10, v7;
	_ =	sdelay $0x1  }
0x6f: {  	s31 =	simm.s32 $0x7800;
	v10 =	vadd.s32 v6, v10  }
0x70: {  	[tilespmem:s31], [sflag:$0x1] =	stream.indirect_vreg.gather [hbm4b:s1+s3], $0x80, v11, vm0, $0xb8;
	[tilespmem:$0x11800] =	vst v63  }
0x71: {  	s13 =	simm.s32 $0x8000  }
0x72: {  	[tilespmem:s13], [sflag:$0x1] =	stream.indirect_vreg.gather [hbm4b:s25+s3], $0x80, v11, vm0, $0xb8;
	[tilespmem:$0x11800] =	vst v63  }
0x73: {  	s14 =	simm.s32 $0x8800  }
0x74: {  	[tilespmem:s14], [sflag:$0x1] =	stream.indirect_vreg.gather [hbm4b:s1+s3], $0x80, v10, vm0, $0xb8;
	[tilespmem:$0x11800] =	vst v63  }
0x75: {  	s15 =	simm.s32 $0x9000  }
0x76: {  	[tilespmem:s15], [sflag:$0x1] =	stream.indirect_vreg.gather [hbm4b:s25+s3], $0x80, v10, vm0, $0xb8;
	[tilespmem:$0x11800] =	vst v63  }
0x77: {  	v10 =	vld [tilespmem:s7+$0x840];
	_ =	sdelay $0x4  }
0x78: {  	(xrf0) =	vadd.scan.msk.s32 $0xffff, v10;
	_ =	sdelay $0x3  }
0x79: {  	v9 =	vperm.xlane v50, v4;
	_ =	sdelay $0x1  }
0x7a: {  	v8 =	vadd.s32 v8, v9;
	v55, _, _ =	vpop (xrf0)  }
0x7b: {  	v56 =	vadd.s32 v55, v8  }
0x7c: {  	v10 =	vadd.s32 $0xFFFFFFFF, v56  }
0x7d: {  	v57 =	vadd.s32 v0, v10  }
0x7e: {  	[tilespmem:$0x1080] =	vst v57  }
0x7f: {  	v12 =	vld [tilespmem:s7+$0x850];
	_ =	sdelay $0x4  }
0x80: {  	(xrf0) =	vadd.scan.msk.s32 $0xffff, v12;
	_ =	sdelay $0x2  }
0x81: {  	v9 =	vperm.xlane v55, v4;
	_ =	sdelay $0x1  }
0x82: {  	v8 =	vadd.s32 v8, v9  }
0x83: {  	v59 =	vadd.s32 v8, v1;
	v58, _, _ =	vpop (xrf0)  }
0x84: {  	v12 =	vadd.s32 v58, v59  }
0x85: {  	[tilespmem:$0x1090] =	vst v12  }
0x86: {  	v12 =	vld [tilespmem:s7+$0x860];
	_ =	sdelay $0x4  }
0x87: {  	(xrf0) =	vadd.scan.msk.s32 $0xffff, v12;
	_ =	sdelay $0x2  }
0x88: {  	v9 =	vperm.xlane v58, v4;
	_ =	sdelay $0x1  }
0x89: {  	v8 =	vadd.s32 v8, v9  }
0x8a: {  	v61 =	vadd.s32 v8, v1;
	v60, _, _ =	vpop (xrf0)  }
0x8b: {  	v12 =	vadd.s32 v60, v61  }
0x8c: {  	[tilespmem:$0x10A0] =	vst v12  }
0x8d: {  	v12 =	vld [tilespmem:s7+$0x870];
	_ =	sdelay $0x3  }
0x8e: {  	v11 =	vshll.u32 v57, $0x2  }
0x8f: {  	v10 =	vand.u32 $0x7, v10;
	v11 =	vand.u32 $0xFFFFFFE0, v11;
	(xrf0) =	vadd.scan.msk.s32 $0xffff, v12  }
0x90: {  	v10 =	vor.u32 v10, v11  }
0x91: {  	v11 =	vperm.xlane v10, v5  }
0x92: {  	v9 =	vperm.xlane v60, v4  }
0x93: {  	v11 =	vadd.s32 v6, v11  }
0x94: {  	v8 =	vadd.s32 v8, v9  }
0x95: {  	v10 =	vperm.xlane v10, v7;
	v63 =	vadd.s32 v8, v1;
	v62, _, _ =	vpop (xrf0)  }
0x96: {  	v12 =	vadd.s32 v62, v63  }
0x97: {  	v10 =	vadd.s32 v6, v10;
	[tilespmem:$0x10B0] =	vst v12  }
0x98: {  	[tilespmem:s12], [sflag:$0x2] =	stream.indirect_vreg.gather [hbm4b:s1+s3], $0x80, v11, vm0, $0xb8;
	[tilespmem:$0x11800] =	vst v63  }
0x99: {  	s16 =	simm.s32 $0xA000  }
0x9a: {  	[tilespmem:s16], [sflag:$0x2] =	stream.indirect_vreg.gather [hbm4b:s25+s3], $0x80, v11, vm0, $0xb8;
	[tilespmem:$0x11800] =	vst v63  }
0x9b: {  	s17 =	simm.s32 $0xA800  }
0x9c: {  	[tilespmem:s17], [sflag:$0x2] =	stream.indirect_vreg.gather [hbm4b:s1+s3], $0x80, v10, vm0, $0xb8;
	[tilespmem:$0x11800] =	vst v63  }
0x9d: {  	s20 =	simm.s32 $0xB000  }
0x9e: {  	[tilespmem:s20], [sflag:$0x2] =	stream.indirect_vreg.gather [hbm4b:s25+s3], $0x80, v10, vm0, $0xb8;
	[tilespmem:$0x11800] =	vst v63  }
0x9f: {  	v10 =	vld [tilespmem:$0x1090];
	_ =	sdelay $0x4  }
0xa0: {  	v14 =	vshll.u32 v10, $0x2  }
0xa1: {  	v10 =	vand.u32 $0x7, v10;
	v11 =	vand.u32 $0xFFFFFFE0, v14  }
0xa2: {  	v10 =	vor.u32 v10, v11  }
0xa3: {  	v11 =	vperm.xlane v10, v5;
	_ =	sdelay $0x1  }
0xa4: {  	v11 =	vadd.s32 v6, v11;
	_ =	sdelay $0x1  }
0xa5: {  	v10 =	vperm.xlane v10, v7;
	_ =	sdelay $0x1  }
0xa6: {  	s13 =	simm.s32 $0xB800;
	v10 =	vadd.s32 v6, v10  }
0xa7: {  	[tilespmem:s13], [sflag:$0x2] =	stream.indirect_vreg.gather [hbm4b:s1+s3], $0x80, v11, vm0, $0xb8;
	[tilespmem:$0x11800] =	vst v63  }
0xa8: {  	s21 =	simm.s32 $0xC000  }
0xa9: {  	[tilespmem:s21], [sflag:$0x2] =	stream.indirect_vreg.gather [hbm4b:s25+s3], $0x80, v11, vm0, $0xb8;
	[tilespmem:$0x11800] =	vst v63  }
0xaa: {  	s22 =	simm.s32 $0xC800  }
0xab: {  	[tilespmem:s22], [sflag:$0x2] =	stream.indirect_vreg.gather [hbm4b:s1+s3], $0x80, v10, vm0, $0xb8;
	[tilespmem:$0x11800] =	vst v63  }
0xac: {  	s24 =	simm.s32 $0xD000  }
0xad: {  	[tilespmem:s24], [sflag:$0x2] =	stream.indirect_vreg.gather [hbm4b:s25+s3], $0x80, v10, vm0, $0xb8;
	[tilespmem:$0x11800] =	vst v63  }
0xae: {  	v10 =	vld [tilespmem:$0x10A0];
	_ =	sdelay $0x4  }
0xaf: {  	v15 =	vshll.u32 v10, $0x2  }
0xb0: {  	v10 =	vand.u32 $0x7, v10;
	v11 =	vand.u32 $0xFFFFFFE0, v15  }
0xb1: {  	v10 =	vor.u32 v10, v11  }
0xb2: {  	v11 =	vperm.xlane v10, v5;
	_ =	sdelay $0x1  }
0xb3: {  	v11 =	vadd.s32 v6, v11;
	_ =	sdelay $0x1  }
0xb4: {  	v10 =	vperm.xlane v10, v7;
	_ =	sdelay $0x1  }
0xb5: {  	s26 =	simm.s32 $0xD800;
	v10 =	vadd.s32 v6, v10  }
0xb6: {  	[tilespmem:s26], [sflag:$0x2] =	stream.indirect_vreg.gather [hbm4b:s1+s3], $0x80, v11, vm0, $0xb8;
	[tilespmem:$0x11800] =	vst v63  }
0xb7: {  	s28 =	simm.s32 $0xE000  }
0xb8: {  	[tilespmem:s28], [sflag:$0x2] =	stream.indirect_vreg.gather [hbm4b:s25+s3], $0x80, v11, vm0, $0xb8;
	[tilespmem:$0x11800] =	vst v63  }
0xb9: {  	s29 =	simm.s32 $0xE800  }
0xba: {  	[tilespmem:s29], [sflag:$0x2] =	stream.indirect_vreg.gather [hbm4b:s1+s3], $0x80, v10, vm0, $0xb8;
	[tilespmem:$0x11800] =	vst v63  }
0xbb: {  	s31 =	simm.s32 $0xF000  }
0xbc: {  	[tilespmem:s31], [sflag:$0x2] =	stream.indirect_vreg.gather [hbm4b:s25+s3], $0x80, v10, vm0, $0xb8;
	[tilespmem:$0x11800] =	vst v63  }
0xbd: {  	v10 =	vld [tilespmem:$0x10B0];
	_ =	sdelay $0x4  }
0xbe: {  	v16 =	vshll.u32 v10, $0x2  }
0xbf: {  	v10 =	vand.u32 $0x7, v10;
	v11 =	vand.u32 $0xFFFFFFE0, v16  }
0xc0: {  	v10 =	vor.u32 v10, v11  }
0xc1: {  	v11 =	vperm.xlane v10, v5;
	_ =	sdelay $0x1  }
0xc2: {  	v11 =	vadd.s32 v6, v11;
	_ =	sdelay $0x1  }
0xc3: {  	v10 =	vperm.xlane v10, v7;
	_ =	sdelay $0x1  }
0xc4: {  	s0 =	simm.s32 $0xF800;
	v10 =	vadd.s32 v6, v10  }
0xc5: {  	[tilespmem:s0], [sflag:$0x2] =	stream.indirect_vreg.gather [hbm4b:s1+s3], $0x80, v11, vm0, $0xb8;
	[tilespmem:$0x11800] =	vst v63  }
0xc6: {  	s14 =	simm.s32 $0x10000  }
0xc7: {  	[tilespmem:s14], [sflag:$0x2] =	stream.indirect_vreg.gather [hbm4b:s25+s3], $0x80, v11, vm0, $0xb8;
	[tilespmem:$0x11800] =	vst v63  }
0xc8: {  	s15 =	simm.s32 $0x10800  }
0xc9: {  	[tilespmem:s15], [sflag:$0x2] =	stream.indirect_vreg.gather [hbm4b:s1+s3], $0x80, v10, vm0, $0xb8;
	[tilespmem:$0x11800] =	vst v63  }
0xca: {  	s16 =	simm.s32 $0x11000  }
0xcb: {  	[tilespmem:s16], [sflag:$0x2] =	stream.indirect_vreg.gather [hbm4b:s25+s3], $0x80, v10, vm0, $0xb8;
	[tilespmem:$0x11800] =	vst v63  }
0xcc: {  	_ =	swait.ge [sflag:s4], $0x8000  }
0xcd: {  	[sflag:s4] =	ssyncset.done $0x0  }
0xce: {  	s17 =	rddreg [dreg:$0x6];
	[sflag:s4] =	ssyncadd.s32 $0xFFFF8000  }
0xcf: {  	[hbm4b:s17+s3] =	stream.linear.scatter [tilespmem:s2], [sflag:$0x3], $0x8000, $0x38;
	[tilespmem:$0x11800] =	vst v63  }
0xd0: {  	_ =	swait.ge [sflag:s9], $0x8000  }
0xd1: {  	[sflag:s9] =	ssyncset.done $0x0  }
0xd2: {  	[sflag:s9] =	ssyncadd.s32 $0xFFFF8000  }
0xd3: {  	v17 =	vld [tilespmem:s7+$0x880];
	_ =	sdelay $0x4  }
0xd4: {  	(xrf0) =	vadd.scan.msk.s32 $0xffff, v17;
	_ =	sdelay $0x3  }
0xd5: {  	v9 =	vperm.xlane v62, v4;
	_ =	sdelay $0x1  }
0xd6: {  	v8 =	vadd.s32 v8, v9;
	v18, _, _ =	vpop (xrf0)  }
0xd7: {  	v19 =	vadd.s32 v18, v8  }
0xd8: {  	v10 =	vadd.s32 $0xFFFFFFFF, v19  }
0xd9: {  	v20 =	vadd.s32 v0, v10  }
0xda: {  	[tilespmem:$0x1100] =	vst v20  }
0xdb: {  	v21 =	vld [tilespmem:s7+$0x890];
	_ =	sdelay $0x4  }
0xdc: {  	(xrf0) =	vadd.scan.msk.s32 $0xffff, v21;
	_ =	sdelay $0x2  }
0xdd: {  	v9 =	vperm.xlane v18, v4;
	_ =	sdelay $0x1  }
0xde: {  	v8 =	vadd.s32 v8, v9  }
0xdf: {  	v23 =	vadd.s32 v8, v1;
	v22, _, _ =	vpop (xrf0)  }
0xe0: {  	v12 =	vadd.s32 v22, v23  }
0xe1: {  	[tilespmem:$0x1110] =	vst v12  }
0xe2: {  	v12 =	vld [tilespmem:s7+$0x8A0];
	_ =	sdelay $0x4  }
0xe3: {  	(xrf0) =	vadd.scan.msk.s32 $0xffff, v12;
	_ =	sdelay $0x2  }
0xe4: {  	v9 =	vperm.xlane v22, v4;
	_ =	sdelay $0x1  }
0xe5: {  	v8 =	vadd.s32 v8, v9  }
0xe6: {  	v25 =	vadd.s32 v8, v1;
	v24, _, _ =	vpop (xrf0)  }
0xe7: {  	v12 =	vadd.s32 v24, v25  }
0xe8: {  	[tilespmem:$0x1120] =	vst v12  }
0xe9: {  	v12 =	vld [tilespmem:s7+$0x8B0];
	_ =	sdelay $0x3  }
0xea: {  	v11 =	vshll.u32 v20, $0x2  }
0xeb: {  	v10 =	vand.u32 $0x7, v10;
	v11 =	vand.u32 $0xFFFFFFE0, v11;
	(xrf0) =	vadd.scan.msk.s32 $0xffff, v12  }
0xec: {  	v10 =	vor.u32 v10, v11  }
0xed: {  	v11 =	vperm.xlane v10, v5  }
0xee: {  	v9 =	vperm.xlane v24, v4  }
0xef: {  	v11 =	vadd.s32 v6, v11  }
0xf0: {  	v8 =	vadd.s32 v8, v9  }
0xf1: {  	v10 =	vperm.xlane v10, v7;
	v27 =	vadd.s32 v8, v1;
	v26, _, _ =	vpop (xrf0)  }
0xf2: {  	v12 =	vadd.s32 v26, v27  }
0xf3: {  	v10 =	vadd.s32 v6, v10;
	[tilespmem:$0x1130] =	vst v12  }
0xf4: {  	[tilespmem:s2], [sflag:$0x1] =	stream.indirect_vreg.gather [hbm4b:s1+s3], $0x80, v11, vm0, $0xb8;
	[tilespmem:$0x11800] =	vst v63  }
0xf5: {  	s18 =	simm.s32 $0x2000  }
0xf6: {  	[tilespmem:s18], [sflag:$0x1] =	stream.indirect_vreg.gather [hbm4b:s25+s3], $0x80, v11, vm0, $0xb8;
	[tilespmem:$0x11800] =	vst v63  }
0xf7: {  	s19 =	simm.s32 $0x2800  }
0xf8: {  	[tilespmem:s19], [sflag:$0x1] =	stream.indirect_vreg.gather [hbm4b:s1+s3], $0x80, v10, vm0, $0xb8;
	[tilespmem:$0x11800] =	vst v63  }
0xf9: {  	s5 =	simm.s32 $0x3000  }
0xfa: {  	[tilespmem:s5], [sflag:$0x1] =	stream.indirect_vreg.gather [hbm4b:s25+s3], $0x80, v10, vm0, $0xb8;
	[tilespmem:$0x11800] =	vst v63  }
0xfb: {  	v10 =	vld [tilespmem:$0x1110];
	_ =	sdelay $0x4  }
0xfc: {  	v28 =	vshll.u32 v10, $0x2  }
0xfd: {  	v10 =	vand.u32 $0x7, v10;
	v11 =	vand.u32 $0xFFFFFFE0, v28  }
0xfe: {  	v10 =	vor.u32 v10, v11  }
0xff: {  	v11 =	vperm.xlane v10, v5;
	_ =	sdelay $0x1  }
0x100: {  	v11 =	vadd.s32 v6, v11;
	_ =	sdelay $0x1  }
0x101: {  	v10 =	vperm.xlane v10, v7;
	_ =	sdelay $0x1  }
0x102: {  	s24 =	simm.s32 $0x3800;
	v10 =	vadd.s32 v6, v10  }
0x103: {  	[tilespmem:s24], [sflag:$0x1] =	stream.indirect_vreg.gather [hbm4b:s1+s3], $0x80, v11, vm0, $0xb8;
	[tilespmem:$0x11800] =	vst v63  }
0x104: {  	s26 =	simm.s32 $0x4000  }
0x105: {  	[tilespmem:s26], [sflag:$0x1] =	stream.indirect_vreg.gather [hbm4b:s25+s3], $0x80, v11, vm0, $0xb8;
	[tilespmem:$0x11800] =	vst v63  }
0x106: {  	s28 =	simm.s32 $0x4800  }
0x107: {  	[tilespmem:s28], [sflag:$0x1] =	stream.indirect_vreg.gather [hbm4b:s1+s3], $0x80, v10, vm0, $0xb8;
	[tilespmem:$0x11800] =	vst v63  }
0x108: {  	s6 =	simm.s32 $0x5000  }
0x109: {  	[tilespmem:s6], [sflag:$0x1] =	stream.indirect_vreg.gather [hbm4b:s25+s3], $0x80, v10, vm0, $0xb8;
	[tilespmem:$0x11800] =	vst v63  }
0x10a: {  	v10 =	vld [tilespmem:$0x1120];
	_ =	sdelay $0x4  }
0x10b: {  	v29 =	vshll.u32 v10, $0x2  }
0x10c: {  	v10 =	vand.u32 $0x7, v10;
	v11 =	vand.u32 $0xFFFFFFE0, v29  }
0x10d: {  	v10 =	vor.u32 v10, v11  }
0x10e: {  	v11 =	vperm.xlane v10, v5;
	_ =	sdelay $0x1  }
0x10f: {  	v11 =	vadd.s32 v6, v11;
	_ =	sdelay $0x1  }
0x110: {  	v10 =	vperm.xlane v10, v7;
	_ =	sdelay $0x1  }
0x111: {  	s29 =	simm.s32 $0x5800;
	v10 =	vadd.s32 v6, v10  }
0x112: {  	[tilespmem:s29], [sflag:$0x1] =	stream.indirect_vreg.gather [hbm4b:s1+s3], $0x80, v11, vm0, $0xb8;
	[tilespmem:$0x11800] =	vst v63  }
0x113: {  	s31 =	simm.s32 $0x6000  }
0x114: {  	[tilespmem:s31], [sflag:$0x1] =	stream.indirect_vreg.gather [hbm4b:s25+s3], $0x80, v11, vm0, $0xb8;
	[tilespmem:$0x11800] =	vst v63  }
0x115: {  	s0 =	simm.s32 $0x6800  }
0x116: {  	[tilespmem:s0], [sflag:$0x1] =	stream.indirect_vreg.gather [hbm4b:s1+s3], $0x80, v10, vm0, $0xb8;
	[tilespmem:$0x11800] =	vst v63  }
0x117: {  	s8 =	simm.s32 $0x7000  }
0x118: {  	[tilespmem:s8], [sflag:$0x1] =	stream.indirect_vreg.gather [hbm4b:s25+s3], $0x80, v10, vm0, $0xb8;
	[tilespmem:$0x11800] =	vst v63  }
0x119: {  	v10 =	vld [tilespmem:$0x1130];
	_ =	sdelay $0x4  }
0x11a: {  	v30 =	vshll.u32 v10, $0x2  }
0x11b: {  	v10 =	vand.u32 $0x7, v10;
	v11 =	vand.u32 $0xFFFFFFE0, v30  }
0x11c: {  	v10 =	vor.u32 v10, v11  }
0x11d: {  	v11 =	vperm.xlane v10, v5;
	_ =	sdelay $0x1  }
0x11e: {  	v11 =	vadd.s32 v6, v11;
	_ =	sdelay $0x1  }
0x11f: {  	v10 =	vperm.xlane v10, v7;
	_ =	sdelay $0x1  }
0x120: {  	s17 =	simm.s32 $0x7800;
	v10 =	vadd.s32 v6, v10  }
0x121: {  	[tilespmem:s17], [sflag:$0x1] =	stream.indirect_vreg.gather [hbm4b:s1+s3], $0x80, v11, vm0, $0xb8;
	[tilespmem:$0x11800] =	vst v63  }
0x122: {  	s5 =	simm.s32 $0x8000  }
0x123: {  	[tilespmem:s5], [sflag:$0x1] =	stream.indirect_vreg.gather [hbm4b:s25+s3], $0x80, v11, vm0, $0xb8;
	[tilespmem:$0x11800] =	vst v63  }
0x124: {  	s6 =	simm.s32 $0x8800  }
0x125: {  	[tilespmem:s6], [sflag:$0x1] =	stream.indirect_vreg.gather [hbm4b:s1+s3], $0x80, v10, vm0, $0xb8;
	[tilespmem:$0x11800] =	vst v63  }
0x126: {  	s8 =	simm.s32 $0x9000  }
0x127: {  	[tilespmem:s8], [sflag:$0x1] =	stream.indirect_vreg.gather [hbm4b:s25+s3], $0x80, v10, vm0, $0xb8;
	[tilespmem:$0x11800] =	vst v63  }
0x128: {  	_ =	swait.ge [sflag:s10], $0x8000  }
0x129: {  	[sflag:s10] =	ssyncset.done $0x0  }
0x12a: {  	s19 =	rddreg [dreg:$0x7];
	[sflag:s10] =	ssyncadd.s32 $0xFFFF8000  }
0x12b: {  	[hbm4b:s19+s3] =	stream.linear.scatter [tilespmem:s12], [sflag:$0x4], $0x8000, $0x38;
	[tilespmem:$0x11800] =	vst v63  }
0x12c: {  	_ =	swait.ge [sflag:s11], $0x8000  }
0x12d: {  	[sflag:s11] =	ssyncset.done $0x0  }
0x12e: {  	[sflag:s11] =	ssyncadd.s32 $0xFFFF8000  }
0x12f: {  	v31 =	vld [tilespmem:s7+$0x8C0];
	_ =	sdelay $0x4  }
0x130: {  	(xrf0) =	vadd.scan.msk.s32 $0xffff, v31;
	_ =	sdelay $0x3  }
0x131: {  	v9 =	vperm.xlane v26, v4;
	_ =	sdelay $0x1  }
0x132: {  	v8 =	vadd.s32 v8, v9;
	v32, _, _ =	vpop (xrf0)  }
0x133: {  	v33 =	vadd.s32 v32, v8  }
0x134: {  	v10 =	vadd.s32 $0xFFFFFFFF, v33  }
0x135: {  	v34 =	vadd.s32 v0, v10  }
0x136: {  	[tilespmem:$0x1180] =	vst v34  }
0x137: {  	v35 =	vld [tilespmem:s7+$0x8D0];
	_ =	sdelay $0x4  }
0x138: {  	(xrf0) =	vadd.scan.msk.s32 $0xffff, v35;
	_ =	sdelay $0x2  }
0x139: {  	v9 =	vperm.xlane v32, v4;
	_ =	sdelay $0x1  }
0x13a: {  	v8 =	vadd.s32 v8, v9  }
0x13b: {  	v37 =	vadd.s32 v8, v1;
	v36, _, _ =	vpop (xrf0)  }
0x13c: {  	v12 =	vadd.s32 v36, v37  }
0x13d: {  	[tilespmem:$0x1190] =	vst v12  }
0x13e: {  	v12 =	vld [tilespmem:s7+$0x8E0];
	_ =	sdelay $0x4  }
0x13f: {  	(xrf0) =	vadd.scan.msk.s32 $0xffff, v12;
	_ =	sdelay $0x2  }
0x140: {  	v9 =	vperm.xlane v36, v4;
	_ =	sdelay $0x1  }
0x141: {  	v8 =	vadd.s32 v8, v9  }
0x142: {  	v39 =	vadd.s32 v8, v1;
	v38, _, _ =	vpop (xrf0)  }
0x143: {  	v12 =	vadd.s32 v38, v39  }
0x144: {  	[tilespmem:$0x11A0] =	vst v12  }
0x145: {  	v12 =	vld [tilespmem:s7+$0x8F0];
	_ =	sdelay $0x3  }
0x146: {  	v11 =	vshll.u32 v34, $0x2  }
0x147: {  	v10 =	vand.u32 $0x7, v10;
	v11 =	vand.u32 $0xFFFFFFE0, v11;
	(xrf0) =	vadd.scan.msk.s32 $0xffff, v12  }
0x148: {  	v10 =	vor.u32 v10, v11  }
0x149: {  	v11 =	vperm.xlane v10, v5  }
0x14a: {  	v9 =	vperm.xlane v38, v4  }
0x14b: {  	v11 =	vadd.s32 v6, v11  }
0x14c: {  	v8 =	vadd.s32 v8, v9  }
0x14d: {  	v10 =	vperm.xlane v10, v7;
	v41 =	vadd.s32 v8, v1;
	v40, _, _ =	vpop (xrf0)  }
0x14e: {  	v12 =	vadd.s32 v40, v41  }
0x14f: {  	v10 =	vadd.s32 v6, v10;
	[tilespmem:$0x11B0] =	vst v12  }
0x150: {  	[tilespmem:s12], [sflag:$0x2] =	stream.indirect_vreg.gather [hbm4b:s1+s3], $0x80, v11, vm0, $0xb8;
	[tilespmem:$0x11800] =	vst v63  }
0x151: {  	s18 =	simm.s32 $0xA000  }
0x152: {  	[tilespmem:s18], [sflag:$0x2] =	stream.indirect_vreg.gather [hbm4b:s25+s3], $0x80, v11, vm0, $0xb8;
	[tilespmem:$0x11800] =	vst v63  }
0x153: {  	s19 =	simm.s32 $0xA800  }
0x154: {  	[tilespmem:s19], [sflag:$0x2] =	stream.indirect_vreg.gather [hbm4b:s1+s3], $0x80, v10, vm0, $0xb8;
	[tilespmem:$0x11800] =	vst v63  }
0x155: {  	s23 =	simm.s32 $0xB000  }
0x156: {  	[tilespmem:s23], [sflag:$0x2] =	stream.indirect_vreg.gather [hbm4b:s25+s3], $0x80, v10, vm0, $0xb8;
	[tilespmem:$0x11800] =	vst v63  }
0x157: {  	v10 =	vld [tilespmem:$0x1190];
	_ =	sdelay $0x4  }
0x158: {  	v42 =	vshll.u32 v10, $0x2  }
0x159: {  	v10 =	vand.u32 $0x7, v10;
	v11 =	vand.u32 $0xFFFFFFE0, v42  }
0x15a: {  	v10 =	vor.u32 v10, v11  }
0x15b: {  	v11 =	vperm.xlane v10, v5;
	_ =	sdelay $0x1  }
0x15c: {  	v11 =	vadd.s32 v6, v11;
	_ =	sdelay $0x1  }
0x15d: {  	v10 =	vperm.xlane v10, v7;
	_ =	sdelay $0x1  }
0x15e: {  	s23 =	simm.s32 $0xB800;
	v10 =	vadd.s32 v6, v10  }
0x15f: {  	[tilespmem:s23], [sflag:$0x2] =	stream.indirect_vreg.gather [hbm4b:s1+s3], $0x80, v11, vm0, $0xb8;
	[tilespmem:$0x11800] =	vst v63  }
0x160: {  	s13 =	simm.s32 $0xC000  }
0x161: {  	[tilespmem:s13], [sflag:$0x2] =	stream.indirect_vreg.gather [hbm4b:s25+s3], $0x80, v11, vm0, $0xb8;
	[tilespmem:$0x11800] =	vst v63  }
0x162: {  	s13 =	simm.s32 $0xC800  }
0x163: {  	[tilespmem:s13], [sflag:$0x2] =	stream.indirect_vreg.gather [hbm4b:s1+s3], $0x80, v10, vm0, $0xb8;
	[tilespmem:$0x11800] =	vst v63  }
0x164: {  	s20 =	simm.s32 $0xD000  }
0x165: {  	[tilespmem:s20], [sflag:$0x2] =	stream.indirect_vreg.gather [hbm4b:s25+s3], $0x80, v10, vm0, $0xb8;
	[tilespmem:$0x11800] =	vst v63  }
0x166: {  	v10 =	vld [tilespmem:$0x11A0];
	_ =	sdelay $0x4  }
0x167: {  	v43 =	vshll.u32 v10, $0x2  }
0x168: {  	v10 =	vand.u32 $0x7, v10;
	v11 =	vand.u32 $0xFFFFFFE0, v43  }
0x169: {  	v10 =	vor.u32 v10, v11  }
0x16a: {  	v11 =	vperm.xlane v10, v5;
	_ =	sdelay $0x1  }
0x16b: {  	v11 =	vadd.s32 v6, v11;
	_ =	sdelay $0x1  }
0x16c: {  	v10 =	vperm.xlane v10, v7;
	_ =	sdelay $0x1  }
0x16d: {  	s20 =	simm.s32 $0xD800;
	v10 =	vadd.s32 v6, v10  }
0x16e: {  	[tilespmem:s20], [sflag:$0x2] =	stream.indirect_vreg.gather [hbm4b:s1+s3], $0x80, v11, vm0, $0xb8;
	[tilespmem:$0x11800] =	vst v63  }
0x16f: {  	s13 =	simm.s32 $0xE000  }
0x170: {  	[tilespmem:s13], [sflag:$0x2] =	stream.indirect_vreg.gather [hbm4b:s25+s3], $0x80, v11, vm0, $0xb8;
	[tilespmem:$0x11800] =	vst v63  }
0x171: {  	s13 =	simm.s32 $0xE800  }
0x172: {  	[tilespmem:s13], [sflag:$0x2] =	stream.indirect_vreg.gather [hbm4b:s1+s3], $0x80, v10, vm0, $0xb8;
	[tilespmem:$0x11800] =	vst v63  }
0x173: {  	s21 =	simm.s32 $0xF000  }
0x174: {  	[tilespmem:s21], [sflag:$0x2] =	stream.indirect_vreg.gather [hbm4b:s25+s3], $0x80, v10, vm0, $0xb8;
	[tilespmem:$0x11800] =	vst v63  }
0x175: {  	v10 =	vld [tilespmem:$0x11B0];
	_ =	sdelay $0x4  }
0x176: {  	v44 =	vshll.u32 v10, $0x2  }
0x177: {  	v10 =	vand.u32 $0x7, v10;
	v11 =	vand.u32 $0xFFFFFFE0, v44  }
0x178: {  	v10 =	vor.u32 v10, v11  }
0x179: {  	v11 =	vperm.xlane v10, v5;
	_ =	sdelay $0x1  }
0x17a: {  	v11 =	vadd.s32 v6, v11;
	_ =	sdelay $0x1  }
0x17b: {  	v10 =	vperm.xlane v10, v7;
	_ =	sdelay $0x1  }
0x17c: {  	s21 =	simm.s32 $0xF800;
	v10 =	vadd.s32 v6, v10  }
0x17d: {  	[tilespmem:s21], [sflag:$0x2] =	stream.indirect_vreg.gather [hbm4b:s1+s3], $0x80, v11, vm0, $0xb8;
	[tilespmem:$0x11800] =	vst v63  }
0x17e: {  	s13 =	simm.s32 $0x10000  }
0x17f: {  	[tilespmem:s13], [sflag:$0x2] =	stream.indirect_vreg.gather [hbm4b:s25+s3], $0x80, v11, vm0, $0xb8;
	[tilespmem:$0x11800] =	vst v63  }
0x180: {  	s13 =	simm.s32 $0x10800  }
0x181: {  	[tilespmem:s13], [sflag:$0x2] =	stream.indirect_vreg.gather [hbm4b:s1+s3], $0x80, v10, vm0, $0xb8;
	[tilespmem:$0x11800] =	vst v63  }
0x182: {  	s22 =	simm.s32 $0x11000  }
0x183: {  	[tilespmem:s22], [sflag:$0x2] =	stream.indirect_vreg.gather [hbm4b:s25+s3], $0x80, v10, vm0, $0xb8;
	[tilespmem:$0x11800] =	vst v63  }
0x184: {  	_ =	swait.ge [sflag:s4], $0x8000  }
0x185: {  	[sflag:s4] =	ssyncset.done $0x0  }
0x186: {  	s13 =	rddreg [dreg:$0x8];
	[sflag:s4] =	ssyncadd.s32 $0xFFFF8000  }
0x187: {  	[hbm4b:s13+s3] =	stream.linear.scatter [tilespmem:s2], [sflag:$0x3], $0x8000, $0x38;
	[tilespmem:$0x11800] =	vst v63  }
0x188: {  	_ =	swait.ge [sflag:s9], $0x8000  }
0x189: {  	[sflag:s9] =	ssyncset.done $0x0  }
0x18a: {  	[sflag:s9] =	ssyncadd.s32 $0xFFFF8000  }
0x18b: {  	v45 =	vld [tilespmem:s7+$0x900];
	_ =	sdelay $0x4  }
0x18c: {  	(xrf0) =	vadd.scan.msk.s32 $0xffff, v45;
	_ =	sdelay $0x3  }
0x18d: {  	v9 =	vperm.xlane v40, v4;
	_ =	sdelay $0x1  }
0x18e: {  	v8 =	vadd.s32 v8, v9;
	v46, _, _ =	vpop (xrf0)  }
0x18f: {  	v47 =	vadd.s32 v46, v8  }
0x190: {  	v10 =	vadd.s32 $0xFFFFFFFF, v47  }
0x191: {  	v48 =	vadd.s32 v0, v10  }
0x192: {  	[tilespmem:$0x1200] =	vst v48  }
0x193: {  	v49 =	vld [tilespmem:s7+$0x910];
	_ =	sdelay $0x4  }
0x194: {  	(xrf0) =	vadd.scan.msk.s32 $0xffff, v49;
	_ =	sdelay $0x2  }
0x195: {  	v9 =	vperm.xlane v46, v4;
	_ =	sdelay $0x1  }
0x196: {  	v8 =	vadd.s32 v8, v9  }
0x197: {  	v51 =	vadd.s32 v8, v1;
	v50, _, _ =	vpop (xrf0)  }
0x198: {  	v12 =	vadd.s32 v50, v51  }
0x199: {  	[tilespmem:$0x1210] =	vst v12  }
0x19a: {  	v12 =	vld [tilespmem:s7+$0x920];
	_ =	sdelay $0x4  }
0x19b: {  	(xrf0) =	vadd.scan.msk.s32 $0xffff, v12;
	_ =	sdelay $0x2  }
0x19c: {  	v9 =	vperm.xlane v50, v4;
	_ =	sdelay $0x1  }
0x19d: {  	v8 =	vadd.s32 v8, v9  }
0x19e: {  	v53 =	vadd.s32 v8, v1;
	v52, _, _ =	vpop (xrf0)  }
0x19f: {  	v12 =	vadd.s32 v52, v53  }
0x1a0: {  	[tilespmem:$0x1220] =	vst v12  }
0x1a1: {  	v12 =	vld [tilespmem:s7+$0x930];
	_ =	sdelay $0x3  }
0x1a2: {  	v11 =	vshll.u32 v48, $0x2  }
0x1a3: {  	v10 =	vand.u32 $0x7, v10;
	v11 =	vand.u32 $0xFFFFFFE0, v11;
	(xrf0) =	vadd.scan.msk.s32 $0xffff, v12  }
0x1a4: {  	v10 =	vor.u32 v10, v11  }
0x1a5: {  	v11 =	vperm.xlane v10, v5  }
0x1a6: {  	v9 =	vperm.xlane v52, v4  }
0x1a7: {  	v11 =	vadd.s32 v6, v11  }
0x1a8: {  	v8 =	vadd.s32 v8, v9  }
0x1a9: {  	v10 =	vperm.xlane v10, v7;
	v55 =	vadd.s32 v8, v1;
	v54, _, _ =	vpop (xrf0)  }
0x1aa: {  	v12 =	vadd.s32 v54, v55  }
0x1ab: {  	v10 =	vadd.s32 v6, v10;
	[tilespmem:$0x1230] =	vst v12  }
0x1ac: {  	[tilespmem:s2], [sflag:$0x1] =	stream.indirect_vreg.gather [hbm4b:s1+s3], $0x80, v11, vm0, $0xb8;
	[tilespmem:$0x11800] =	vst v63  }
0x1ad: {  	s14 =	simm.s32 $0x2000  }
0x1ae: {  	[tilespmem:s14], [sflag:$0x1] =	stream.indirect_vreg.gather [hbm4b:s25+s3], $0x80, v11, vm0, $0xb8;
	[tilespmem:$0x11800] =	vst v63  }
0x1af: {  	s15 =	simm.s32 $0x2800  }
0x1b0: {  	[tilespmem:s15], [sflag:$0x1] =	stream.indirect_vreg.gather [hbm4b:s1+s3], $0x80, v10, vm0, $0xb8;
	[tilespmem:$0x11800] =	vst v63  }
0x1b1: {  	s16 =	simm.s32 $0x3000  }
0x1b2: {  	[tilespmem:s16], [sflag:$0x1] =	stream.indirect_vreg.gather [hbm4b:s25+s3], $0x80, v10, vm0, $0xb8;
	[tilespmem:$0x11800] =	vst v63  }
0x1b3: {  	v10 =	vld [tilespmem:$0x1210];
	_ =	sdelay $0x4  }
0x1b4: {  	v56 =	vshll.u32 v10, $0x2  }
0x1b5: {  	v10 =	vand.u32 $0x7, v10;
	v11 =	vand.u32 $0xFFFFFFE0, v56  }
0x1b6: {  	v10 =	vor.u32 v10, v11  }
0x1b7: {  	v11 =	vperm.xlane v10, v5;
	_ =	sdelay $0x1  }
0x1b8: {  	v11 =	vadd.s32 v6, v11;
	_ =	sdelay $0x1  }
0x1b9: {  	v10 =	vperm.xlane v10, v7;
	_ =	sdelay $0x1  }
0x1ba: {  	v10 =	vadd.s32 v6, v10  }
0x1bb: {  	[tilespmem:s24], [sflag:$0x1] =	stream.indirect_vreg.gather [hbm4b:s1+s3], $0x80, v11, vm0, $0xb8;
	[tilespmem:$0x11800] =	vst v63  }
0x1bc: {  	_ = 	snop  }
0x1bd: {  	[tilespmem:s26], [sflag:$0x1] =	stream.indirect_vreg.gather [hbm4b:s25+s3], $0x80, v11, vm0, $0xb8;
	[tilespmem:$0x11800] =	vst v63  }
0x1be: {  	_ = 	snop  }
0x1bf: {  	[tilespmem:s28], [sflag:$0x1] =	stream.indirect_vreg.gather [hbm4b:s1+s3], $0x80, v10, vm0, $0xb8;
	[tilespmem:$0x11800] =	vst v63  }
0x1c0: {  	s28 =	simm.s32 $0x5000  }
0x1c1: {  	[tilespmem:s28], [sflag:$0x1] =	stream.indirect_vreg.gather [hbm4b:s25+s3], $0x80, v10, vm0, $0xb8;
	[tilespmem:$0x11800] =	vst v63  }
0x1c2: {  	v10 =	vld [tilespmem:$0x1220];
	_ =	sdelay $0x4  }
0x1c3: {  	v57 =	vshll.u32 v10, $0x2  }
0x1c4: {  	v10 =	vand.u32 $0x7, v10;
	v11 =	vand.u32 $0xFFFFFFE0, v57  }
0x1c5: {  	v10 =	vor.u32 v10, v11  }
0x1c6: {  	v11 =	vperm.xlane v10, v5;
	_ =	sdelay $0x1  }
0x1c7: {  	v11 =	vadd.s32 v6, v11;
	_ =	sdelay $0x1  }
0x1c8: {  	v10 =	vperm.xlane v10, v7;
	_ =	sdelay $0x1  }
0x1c9: {  	v10 =	vadd.s32 v6, v10  }
0x1ca: {  	[tilespmem:s29], [sflag:$0x1] =	stream.indirect_vreg.gather [hbm4b:s1+s3], $0x80, v11, vm0, $0xb8;
	[tilespmem:$0x11800] =	vst v63  }
0x1cb: {  	_ = 	snop  }
0x1cc: {  	[tilespmem:s31], [sflag:$0x1] =	stream.indirect_vreg.gather [hbm4b:s25+s3], $0x80, v11, vm0, $0xb8;
	[tilespmem:$0x11800] =	vst v63  }
0x1cd: {  	_ = 	snop  }
0x1ce: {  	[tilespmem:s0], [sflag:$0x1] =	stream.indirect_vreg.gather [hbm4b:s1+s3], $0x80, v10, vm0, $0xb8;
	[tilespmem:$0x11800] =	vst v63  }
0x1cf: {  	s29 =	simm.s32 $0x7000  }
0x1d0: {  	[tilespmem:s29], [sflag:$0x1] =	stream.indirect_vreg.gather [hbm4b:s25+s3], $0x80, v10, vm0, $0xb8;
	[tilespmem:$0x11800] =	vst v63  }
0x1d1: {  	v10 =	vld [tilespmem:$0x1230];
	_ =	sdelay $0x4  }
0x1d2: {  	v58 =	vshll.u32 v10, $0x2  }
0x1d3: {  	v10 =	vand.u32 $0x7, v10;
	v11 =	vand.u32 $0xFFFFFFE0, v58  }
0x1d4: {  	v10 =	vor.u32 v10, v11  }
0x1d5: {  	v11 =	vperm.xlane v10, v5;
	_ =	sdelay $0x1  }
0x1d6: {  	v11 =	vadd.s32 v6, v11;
	_ =	sdelay $0x1  }
0x1d7: {  	v10 =	vperm.xlane v10, v7;
	_ =	sdelay $0x1  }
0x1d8: {  	v10 =	vadd.s32 v6, v10  }
0x1d9: {  	[tilespmem:s17], [sflag:$0x1] =	stream.indirect_vreg.gather [hbm4b:s1+s3], $0x80, v11, vm0, $0xb8;
	[tilespmem:$0x11800] =	vst v63  }
0x1da: {  	_ = 	snop  }
0x1db: {  	[tilespmem:s5], [sflag:$0x1] =	stream.indirect_vreg.gather [hbm4b:s25+s3], $0x80, v11, vm0, $0xb8;
	[tilespmem:$0x11800] =	vst v63  }
0x1dc: {  	_ = 	snop  }
0x1dd: {  	[tilespmem:s6], [sflag:$0x1] =	stream.indirect_vreg.gather [hbm4b:s1+s3], $0x80, v10, vm0, $0xb8;
	[tilespmem:$0x11800] =	vst v63  }
0x1de: {  	_ = 	snop  }
0x1df: {  	[tilespmem:s8], [sflag:$0x1] =	stream.indirect_vreg.gather [hbm4b:s25+s3], $0x80, v10, vm0, $0xb8;
	[tilespmem:$0x11800] =	vst v63  }
0x1e0: {  	_ =	swait.ge [sflag:s10], $0x8000  }
0x1e1: {  	[sflag:s10] =	ssyncset.done $0x0  }
0x1e2: {  	s31 =	rddreg [dreg:$0x9];
	[sflag:s10] =	ssyncadd.s32 $0xFFFF8000  }
0x1e3: {  	[hbm4b:s31+s3] =	stream.linear.scatter [tilespmem:s12], [sflag:$0x4], $0x8000, $0x38;
	[tilespmem:$0x11800] =	vst v63  }
0x1e4: {  	_ =	swait.ge [sflag:s11], $0x8000  }
0x1e5: {  	[sflag:s11] =	ssyncset.done $0x0  }
0x1e6: {  	[sflag:s11] =	ssyncadd.s32 $0xFFFF8000  }
0x1e7: {  	v59 =	vld [tilespmem:s7+$0x940];
	_ =	sdelay $0x4  }
0x1e8: {  	(xrf0) =	vadd.scan.msk.s32 $0xffff, v59;
	_ =	sdelay $0x3  }
0x1e9: {  	v9 =	vperm.xlane v54, v4;
	_ =	sdelay $0x1  }
0x1ea: {  	v8 =	vadd.s32 v8, v9;
	v60, _, _ =	vpop (xrf0)  }
0x1eb: {  	v61 =	vadd.s32 v60, v8  }
0x1ec: {  	v10 =	vadd.s32 $0xFFFFFFFF, v61  }
0x1ed: {  	v62 =	vadd.s32 v0, v10  }
0x1ee: {  	[tilespmem:$0x1280] =	vst v62  }
0x1ef: {  	v63 =	vld [tilespmem:s7+$0x950];
	_ =	sdelay $0x4  }
0x1f0: {  	(xrf0) =	vadd.scan.msk.s32 $0xffff, v63;
	_ =	sdelay $0x2  }
0x1f1: {  	v9 =	vperm.xlane v60, v4;
	_ =	sdelay $0x1  }
0x1f2: {  	v8 =	vadd.s32 v8, v9  }
0x1f3: {  	v17 =	vadd.s32 v8, v1;
	v16, _, _ =	vpop (xrf0)  }
0x1f4: {  	v12 =	vadd.s32 v16, v17  }
0x1f5: {  	[tilespmem:$0x1290] =	vst v12  }
0x1f6: {  	v12 =	vld [tilespmem:s7+$0x960];
	_ =	sdelay $0x4  }
0x1f7: {  	(xrf0) =	vadd.scan.msk.s32 $0xffff, v12;
	_ =	sdelay $0x2  }
0x1f8: {  	v9 =	vperm.xlane v16, v4;
	_ =	sdelay $0x1  }
0x1f9: {  	v8 =	vadd.s32 v8, v9  }
0x1fa: {  	v19 =	vadd.s32 v8, v1;
	v18, _, _ =	vpop (xrf0)  }
0x1fb: {  	v12 =	vadd.s32 v18, v19  }
0x1fc: {  	[tilespmem:$0x12A0] =	vst v12  }
0x1fd: {  	v12 =	vld [tilespmem:s7+$0x970];
	_ =	sdelay $0x3  }
0x1fe: {  	v11 =	vshll.u32 v62, $0x2  }
0x1ff: {  	v10 =	vand.u32 $0x7, v10;
	v11 =	vand.u32 $0xFFFFFFE0, v11;
	(xrf0) =	vadd.scan.msk.s32 $0xffff, v12  }
0x200: {  	v10 =	vor.u32 v10, v11  }
0x201: {  	v11 =	vperm.xlane v10, v5  }
0x202: {  	v9 =	vperm.xlane v18, v4  }
0x203: {  	v11 =	vadd.s32 v6, v11  }
0x204: {  	v8 =	vadd.s32 v8, v9  }
0x205: {  	v10 =	vperm.xlane v10, v7;
	v21 =	vadd.s32 v8, v1;
	v20, _, _ =	vpop (xrf0)  }
0x206: {  	v12 =	vadd.s32 v20, v21  }
0x207: {  	v10 =	vadd.s32 v6, v10;
	[tilespmem:$0x12B0] =	vst v12  }
0x208: {  	[tilespmem:s12], [sflag:$0x2] =	stream.indirect_vreg.gather [hbm4b:s1+s3], $0x80, v11, vm0, $0xb8;
	[tilespmem:$0x11800] =	vst v63  }
0x209: {  	_ = 	snop  }
0x20a: {  	[tilespmem:s18], [sflag:$0x2] =	stream.indirect_vreg.gather [hbm4b:s25+s3], $0x80, v11, vm0, $0xb8;
	[tilespmem:$0x11800] =	vst v63  }
0x20b: {  	_ = 	snop  }
0x20c: {  	[tilespmem:s19], [sflag:$0x2] =	stream.indirect_vreg.gather [hbm4b:s1+s3], $0x80, v10, vm0, $0xb8;
	[tilespmem:$0x11800] =	vst v63  }
0x20d: {  	s19 =	simm.s32 $0xB000  }
0x20e: {  	[tilespmem:s19], [sflag:$0x2] =	stream.indirect_vreg.gather [hbm4b:s25+s3], $0x80, v10, vm0, $0xb8;
	[tilespmem:$0x11800] =	vst v63  }
0x20f: {  	v10 =	vld [tilespmem:$0x1290];
	_ =	sdelay $0x4  }
0x210: {  	v22 =	vshll.u32 v10, $0x2  }
0x211: {  	v10 =	vand.u32 $0x7, v10;
	v11 =	vand.u32 $0xFFFFFFE0, v22  }
0x212: {  	v10 =	vor.u32 v10, v11  }
0x213: {  	v11 =	vperm.xlane v10, v5;
	_ =	sdelay $0x1  }
0x214: {  	v11 =	vadd.s32 v6, v11;
	_ =	sdelay $0x1  }
0x215: {  	v10 =	vperm.xlane v10, v7;
	_ =	sdelay $0x1  }
0x216: {  	s23 =	simm.s32 $0xB800;
	v10 =	vadd.s32 v6, v10  }
0x217: {  	[tilespmem:s23], [sflag:$0x2] =	stream.indirect_vreg.gather [hbm4b:s1+s3], $0x80, v11, vm0, $0xb8;
	[tilespmem:$0x11800] =	vst v63  }
0x218: {  	s23 =	simm.s32 $0xC000  }
0x219: {  	[tilespmem:s23], [sflag:$0x2] =	stream.indirect_vreg.gather [hbm4b:s25+s3], $0x80, v11, vm0, $0xb8;
	[tilespmem:$0x11800] =	vst v63  }
0x21a: {  	s13 =	simm.s32 $0xC800  }
0x21b: {  	[tilespmem:s13], [sflag:$0x2] =	stream.indirect_vreg.gather [hbm4b:s1+s3], $0x80, v10, vm0, $0xb8;
	[tilespmem:$0x11800] =	vst v63  }
0x21c: {  	s13 =	simm.s32 $0xD000  }
0x21d: {  	[tilespmem:s13], [sflag:$0x2] =	stream.indirect_vreg.gather [hbm4b:s25+s3], $0x80, v10, vm0, $0xb8;
	[tilespmem:$0x11800] =	vst v63  }
0x21e: {  	v10 =	vld [tilespmem:$0x12A0];
	_ =	sdelay $0x4  }
0x21f: {  	v23 =	vshll.u32 v10, $0x2  }
0x220: {  	v10 =	vand.u32 $0x7, v10;
	v11 =	vand.u32 $0xFFFFFFE0, v23  }
0x221: {  	v10 =	vor.u32 v10, v11  }
0x222: {  	v11 =	vperm.xlane v10, v5;
	_ =	sdelay $0x1  }
0x223: {  	v11 =	vadd.s32 v6, v11;
	_ =	sdelay $0x1  }
0x224: {  	v10 =	vperm.xlane v10, v7;
	_ =	sdelay $0x1  }
0x225: {  	s20 =	simm.s32 $0xD800;
	v10 =	vadd.s32 v6, v10  }
0x226: {  	[tilespmem:s20], [sflag:$0x2] =	stream.indirect_vreg.gather [hbm4b:s1+s3], $0x80, v11, vm0, $0xb8;
	[tilespmem:$0x11800] =	vst v63  }
0x227: {  	s13 =	simm.s32 $0xE000  }
0x228: {  	[tilespmem:s13], [sflag:$0x2] =	stream.indirect_vreg.gather [hbm4b:s25+s3], $0x80, v11, vm0, $0xb8;
	[tilespmem:$0x11800] =	vst v63  }
0x229: {  	s13 =	simm.s32 $0xE800  }
0x22a: {  	[tilespmem:s13], [sflag:$0x2] =	stream.indirect_vreg.gather [hbm4b:s1+s3], $0x80, v10, vm0, $0xb8;
	[tilespmem:$0x11800] =	vst v63  }
0x22b: {  	s13 =	simm.s32 $0xF000  }
0x22c: {  	[tilespmem:s13], [sflag:$0x2] =	stream.indirect_vreg.gather [hbm4b:s25+s3], $0x80, v10, vm0, $0xb8;
	[tilespmem:$0x11800] =	vst v63  }
0x22d: {  	v10 =	vld [tilespmem:$0x12B0];
	_ =	sdelay $0x4  }
0x22e: {  	v24 =	vshll.u32 v10, $0x2  }
0x22f: {  	v10 =	vand.u32 $0x7, v10;
	v11 =	vand.u32 $0xFFFFFFE0, v24  }
0x230: {  	v10 =	vor.u32 v10, v11  }
0x231: {  	v11 =	vperm.xlane v10, v5;
	_ =	sdelay $0x1  }
0x232: {  	v11 =	vadd.s32 v6, v11;
	_ =	sdelay $0x1  }
0x233: {  	v10 =	vperm.xlane v10, v7;
	_ =	sdelay $0x1  }
0x234: {  	s21 =	simm.s32 $0xF800;
	v10 =	vadd.s32 v6, v10  }
0x235: {  	[tilespmem:s21], [sflag:$0x2] =	stream.indirect_vreg.gather [hbm4b:s1+s3], $0x80, v11, vm0, $0xb8;
	[tilespmem:$0x11800] =	vst v63  }
0x236: {  	s13 =	simm.s32 $0x10000  }
0x237: {  	[tilespmem:s13], [sflag:$0x2] =	stream.indirect_vreg.gather [hbm4b:s25+s3], $0x80, v11, vm0, $0xb8;
	[tilespmem:$0x11800] =	vst v63  }
0x238: {  	s13 =	simm.s32 $0x10800  }
0x239: {  	[tilespmem:s13], [sflag:$0x2] =	stream.indirect_vreg.gather [hbm4b:s1+s3], $0x80, v10, vm0, $0xb8;
	[tilespmem:$0x11800] =	vst v63  }
0x23a: {  	s22 =	simm.s32 $0x11000  }
0x23b: {  	[tilespmem:s22], [sflag:$0x2] =	stream.indirect_vreg.gather [hbm4b:s25+s3], $0x80, v10, vm0, $0xb8;
	[tilespmem:$0x11800] =	vst v63  }
0x23c: {  	_ =	swait.ge [sflag:s4], $0x8000  }
0x23d: {  	[sflag:s4] =	ssyncset.done $0x0  }
0x23e: {  	s13 =	rddreg [dreg:$0xa];
	[sflag:s4] =	ssyncadd.s32 $0xFFFF8000  }
0x23f: {  	[hbm4b:s13+s3] =	stream.linear.scatter [tilespmem:s2], [sflag:$0x3], $0x8000, $0x38;
	[tilespmem:$0x11800] =	vst v63  }
0x240: {  	_ =	swait.ge [sflag:s9], $0x8000  }
0x241: {  	[sflag:s9] =	ssyncset.done $0x0  }
0x242: {  	[sflag:s9] =	ssyncadd.s32 $0xFFFF8000  }
0x243: {  	v25 =	vld [tilespmem:s7+$0x980];
	_ =	sdelay $0x4  }
0x244: {  	(xrf0) =	vadd.scan.msk.s32 $0xffff, v25;
	_ =	sdelay $0x3  }
0x245: {  	v9 =	vperm.xlane v20, v4;
	_ =	sdelay $0x1  }
0x246: {  	v8 =	vadd.s32 v8, v9;
	v26, _, _ =	vpop (xrf0)  }
0x247: {  	v27 =	vadd.s32 v26, v8  }
0x248: {  	v10 =	vadd.s32 $0xFFFFFFFF, v27  }
0x249: {  	v28 =	vadd.s32 v0, v10  }
0x24a: {  	[tilespmem:$0x1300] =	vst v28  }
0x24b: {  	v29 =	vld [tilespmem:s7+$0x990];
	_ =	sdelay $0x4  }
0x24c: {  	(xrf0) =	vadd.scan.msk.s32 $0xffff, v29;
	_ =	sdelay $0x2  }
0x24d: {  	v9 =	vperm.xlane v26, v4;
	_ =	sdelay $0x1  }
0x24e: {  	v8 =	vadd.s32 v8, v9  }
0x24f: {  	v31 =	vadd.s32 v8, v1;
	v30, _, _ =	vpop (xrf0)  }
0x250: {  	v12 =	vadd.s32 v30, v31  }
0x251: {  	[tilespmem:$0x1310] =	vst v12  }
0x252: {  	v12 =	vld [tilespmem:s7+$0x9A0];
	_ =	sdelay $0x4  }
0x253: {  	(xrf0) =	vadd.scan.msk.s32 $0xffff, v12;
	_ =	sdelay $0x2  }
0x254: {  	v9 =	vperm.xlane v30, v4;
	_ =	sdelay $0x1  }
0x255: {  	v8 =	vadd.s32 v8, v9  }
0x256: {  	v33 =	vadd.s32 v8, v1;
	v32, _, _ =	vpop (xrf0)  }
0x257: {  	v12 =	vadd.s32 v32, v33  }
0x258: {  	[tilespmem:$0x1320] =	vst v12  }
0x259: {  	v12 =	vld [tilespmem:s7+$0x9B0];
	_ =	sdelay $0x3  }
0x25a: {  	v11 =	vshll.u32 v28, $0x2  }
0x25b: {  	v10 =	vand.u32 $0x7, v10;
	v11 =	vand.u32 $0xFFFFFFE0, v11;
	(xrf0) =	vadd.scan.msk.s32 $0xffff, v12  }
0x25c: {  	v10 =	vor.u32 v10, v11  }
0x25d: {  	v11 =	vperm.xlane v10, v5  }
0x25e: {  	v9 =	vperm.xlane v32, v4  }
0x25f: {  	v11 =	vadd.s32 v6, v11  }
0x260: {  	v8 =	vadd.s32 v8, v9  }
0x261: {  	v10 =	vperm.xlane v10, v7;
	v35 =	vadd.s32 v8, v1;
	v34, _, _ =	vpop (xrf0)  }
0x262: {  	v12 =	vadd.s32 v34, v35  }
0x263: {  	v10 =	vadd.s32 v6, v10;
	[tilespmem:$0x1330] =	vst v12  }
0x264: {  	[tilespmem:s2], [sflag:$0x1] =	stream.indirect_vreg.gather [hbm4b:s1+s3], $0x80, v11, vm0, $0xb8;
	[tilespmem:$0x11800] =	vst v63  }
0x265: {  	s13 =	simm.s32 $0x2000  }
0x266: {  	[tilespmem:s13], [sflag:$0x1] =	stream.indirect_vreg.gather [hbm4b:s25+s3], $0x80, v11, vm0, $0xb8;
	[tilespmem:$0x11800] =	vst v63  }
0x267: {  	s13 =	simm.s32 $0x2800  }
0x268: {  	[tilespmem:s13], [sflag:$0x1] =	stream.indirect_vreg.gather [hbm4b:s1+s3], $0x80, v10, vm0, $0xb8;
	[tilespmem:$0x11800] =	vst v63  }
0x269: {  	s13 =	simm.s32 $0x3000  }
0x26a: {  	[tilespmem:s13], [sflag:$0x1] =	stream.indirect_vreg.gather [hbm4b:s25+s3], $0x80, v10, vm0, $0xb8;
	[tilespmem:$0x11800] =	vst v63  }
0x26b: {  	v10 =	vld [tilespmem:$0x1310];
	_ =	sdelay $0x4  }
0x26c: {  	v36 =	vshll.u32 v10, $0x2  }
0x26d: {  	v10 =	vand.u32 $0x7, v10;
	v11 =	vand.u32 $0xFFFFFFE0, v36  }
0x26e: {  	v10 =	vor.u32 v10, v11  }
0x26f: {  	v11 =	vperm.xlane v10, v5;
	_ =	sdelay $0x1  }
0x270: {  	v11 =	vadd.s32 v6, v11;
	_ =	sdelay $0x1  }
0x271: {  	v10 =	vperm.xlane v10, v7;
	_ =	sdelay $0x1  }
0x272: {  	s14 =	simm.s32 $0x3800;
	v10 =	vadd.s32 v6, v10  }
0x273: {  	[tilespmem:s14], [sflag:$0x1] =	stream.indirect_vreg.gather [hbm4b:s1+s3], $0x80, v11, vm0, $0xb8;
	[tilespmem:$0x11800] =	vst v63  }
0x274: {  	s15 =	simm.s32 $0x4000  }
0x275: {  	[tilespmem:s15], [sflag:$0x1] =	stream.indirect_vreg.gather [hbm4b:s25+s3], $0x80, v11, vm0, $0xb8;
	[tilespmem:$0x11800] =	vst v63  }
0x276: {  	s16 =	simm.s32 $0x4800  }
0x277: {  	[tilespmem:s16], [sflag:$0x1] =	stream.indirect_vreg.gather [hbm4b:s1+s3], $0x80, v10, vm0, $0xb8;
	[tilespmem:$0x11800] =	vst v63  }
0x278: {  	s28 =	simm.s32 $0x5000  }
0x279: {  	[tilespmem:s28], [sflag:$0x1] =	stream.indirect_vreg.gather [hbm4b:s25+s3], $0x80, v10, vm0, $0xb8;
	[tilespmem:$0x11800] =	vst v63  }
0x27a: {  	v10 =	vld [tilespmem:$0x1320];
	_ =	sdelay $0x4  }
0x27b: {  	v37 =	vshll.u32 v10, $0x2  }
0x27c: {  	v10 =	vand.u32 $0x7, v10;
	v11 =	vand.u32 $0xFFFFFFE0, v37  }
0x27d: {  	v10 =	vor.u32 v10, v11  }
0x27e: {  	v11 =	vperm.xlane v10, v5;
	_ =	sdelay $0x1  }
0x27f: {  	v11 =	vadd.s32 v6, v11;
	_ =	sdelay $0x1  }
0x280: {  	v10 =	vperm.xlane v10, v7;
	_ =	sdelay $0x1  }
0x281: {  	s24 =	simm.s32 $0x5800;
	v10 =	vadd.s32 v6, v10  }
0x282: {  	[tilespmem:s24], [sflag:$0x1] =	stream.indirect_vreg.gather [hbm4b:s1+s3], $0x80, v11, vm0, $0xb8;
	[tilespmem:$0x11800] =	vst v63  }
0x283: {  	s26 =	simm.s32 $0x6000  }
0x284: {  	[tilespmem:s26], [sflag:$0x1] =	stream.indirect_vreg.gather [hbm4b:s25+s3], $0x80, v11, vm0, $0xb8;
	[tilespmem:$0x11800] =	vst v63  }
0x285: {  	s0 =	simm.s32 $0x6800  }
0x286: {  	[tilespmem:s0], [sflag:$0x1] =	stream.indirect_vreg.gather [hbm4b:s1+s3], $0x80, v10, vm0, $0xb8;
	[tilespmem:$0x11800] =	vst v63  }
0x287: {  	s29 =	simm.s32 $0x7000  }
0x288: {  	[tilespmem:s29], [sflag:$0x1] =	stream.indirect_vreg.gather [hbm4b:s25+s3], $0x80, v10, vm0, $0xb8;
	[tilespmem:$0x11800] =	vst v63  }
0x289: {  	v10 =	vld [tilespmem:$0x1330];
	_ =	sdelay $0x4  }
0x28a: {  	v38 =	vshll.u32 v10, $0x2  }
0x28b: {  	v10 =	vand.u32 $0x7, v10;
	v11 =	vand.u32 $0xFFFFFFE0, v38  }
0x28c: {  	v10 =	vor.u32 v10, v11  }
0x28d: {  	v11 =	vperm.xlane v10, v5;
	_ =	sdelay $0x1  }
0x28e: {  	v11 =	vadd.s32 v6, v11;
	_ =	sdelay $0x1  }
0x28f: {  	v10 =	vperm.xlane v10, v7;
	_ =	sdelay $0x1  }
0x290: {  	s17 =	simm.s32 $0x7800;
	v10 =	vadd.s32 v6, v10  }
0x291: {  	[tilespmem:s17], [sflag:$0x1] =	stream.indirect_vreg.gather [hbm4b:s1+s3], $0x80, v11, vm0, $0xb8;
	[tilespmem:$0x11800] =	vst v63  }
0x292: {  	s5 =	simm.s32 $0x8000  }
0x293: {  	[tilespmem:s5], [sflag:$0x1] =	stream.indirect_vreg.gather [hbm4b:s25+s3], $0x80, v11, vm0, $0xb8;
	[tilespmem:$0x11800] =	vst v63  }
0x294: {  	s6 =	simm.s32 $0x8800  }
0x295: {  	[tilespmem:s6], [sflag:$0x1] =	stream.indirect_vreg.gather [hbm4b:s1+s3], $0x80, v10, vm0, $0xb8;
	[tilespmem:$0x11800] =	vst v63  }
0x296: {  	s8 =	simm.s32 $0x9000  }
0x297: {  	[tilespmem:s8], [sflag:$0x1] =	stream.indirect_vreg.gather [hbm4b:s25+s3], $0x80, v10, vm0, $0xb8;
	[tilespmem:$0x11800] =	vst v63  }
0x298: {  	_ =	swait.ge [sflag:s10], $0x8000  }
0x299: {  	[sflag:s10] =	ssyncset.done $0x0  }
0x29a: {  	s13 =	rddreg [dreg:$0xb];
	[sflag:s10] =	ssyncadd.s32 $0xFFFF8000  }
0x29b: {  	[hbm4b:s13+s3] =	stream.linear.scatter [tilespmem:s12], [sflag:$0x4], $0x8000, $0x38;
	[tilespmem:$0x11800] =	vst v63  }
0x29c: {  	_ =	swait.ge [sflag:s11], $0x8000  }
0x29d: {  	[sflag:s11] =	ssyncset.done $0x0  }
0x29e: {  	[sflag:s11] =	ssyncadd.s32 $0xFFFF8000  }
0x29f: {  	v39 =	vld [tilespmem:s7+$0x9C0];
	_ =	sdelay $0x4  }
0x2a0: {  	(xrf0) =	vadd.scan.msk.s32 $0xffff, v39;
	_ =	sdelay $0x3  }
0x2a1: {  	v9 =	vperm.xlane v34, v4;
	_ =	sdelay $0x1  }
0x2a2: {  	v8 =	vadd.s32 v8, v9;
	v40, _, _ =	vpop (xrf0)  }
0x2a3: {  	v41 =	vadd.s32 v40, v8  }
0x2a4: {  	v10 =	vadd.s32 $0xFFFFFFFF, v41  }
0x2a5: {  	v42 =	vadd.s32 v0, v10  }
0x2a6: {  	[tilespmem:$0x1380] =	vst v42  }
0x2a7: {  	v43 =	vld [tilespmem:s7+$0x9D0];
	_ =	sdelay $0x4  }
0x2a8: {  	(xrf0) =	vadd.scan.msk.s32 $0xffff, v43;
	_ =	sdelay $0x2  }
0x2a9: {  	v9 =	vperm.xlane v40, v4;
	_ =	sdelay $0x1  }
0x2aa: {  	v8 =	vadd.s32 v8, v9  }
0x2ab: {  	v45 =	vadd.s32 v8, v1;
	v44, _, _ =	vpop (xrf0)  }
0x2ac: {  	v12 =	vadd.s32 v44, v45  }
0x2ad: {  	[tilespmem:$0x1390] =	vst v12  }
0x2ae: {  	v12 =	vld [tilespmem:s7+$0x9E0];
	_ =	sdelay $0x4  }
0x2af: {  	(xrf0) =	vadd.scan.msk.s32 $0xffff, v12;
	_ =	sdelay $0x2  }
0x2b0: {  	v9 =	vperm.xlane v44, v4;
	_ =	sdelay $0x1  }
0x2b1: {  	v8 =	vadd.s32 v8, v9  }
0x2b2: {  	v47 =	vadd.s32 v8, v1;
	v46, _, _ =	vpop (xrf0)  }
0x2b3: {  	v12 =	vadd.s32 v46, v47  }
0x2b4: {  	[tilespmem:$0x13A0] =	vst v12  }
0x2b5: {  	v12 =	vld [tilespmem:s7+$0x9F0];
	_ =	sdelay $0x3  }
0x2b6: {  	v11 =	vshll.u32 v42, $0x2  }
0x2b7: {  	v10 =	vand.u32 $0x7, v10;
	v11 =	vand.u32 $0xFFFFFFE0, v11;
	(xrf0) =	vadd.scan.msk.s32 $0xffff, v12  }
0x2b8: {  	v10 =	vor.u32 v10, v11  }
0x2b9: {  	v11 =	vperm.xlane v10, v5  }
0x2ba: {  	v9 =	vperm.xlane v46, v4  }
0x2bb: {  	v11 =	vadd.s32 v6, v11  }
0x2bc: {  	v8 =	vadd.s32 v8, v9  }
0x2bd: {  	v10 =	vperm.xlane v10, v7;
	v49 =	vadd.s32 v8, v1;
	v48, _, _ =	vpop (xrf0)  }
0x2be: {  	v12 =	vadd.s32 v48, v49  }
0x2bf: {  	v10 =	vadd.s32 v6, v10;
	[tilespmem:$0x13B0] =	vst v12  }
0x2c0: {  	[tilespmem:s12], [sflag:$0x2] =	stream.indirect_vreg.gather [hbm4b:s1+s3], $0x80, v11, vm0, $0xb8;
	[tilespmem:$0x11800] =	vst v63  }
0x2c1: {  	s31 =	simm.s32 $0xA000  }
0x2c2: {  	[tilespmem:s31], [sflag:$0x2] =	stream.indirect_vreg.gather [hbm4b:s25+s3], $0x80, v11, vm0, $0xb8;
	[tilespmem:$0x11800] =	vst v63  }
0x2c3: {  	s18 =	simm.s32 $0xA800  }
0x2c4: {  	[tilespmem:s18], [sflag:$0x2] =	stream.indirect_vreg.gather [hbm4b:s1+s3], $0x80, v10, vm0, $0xb8;
	[tilespmem:$0x11800] =	vst v63  }
0x2c5: {  	s13 =	simm.s32 $0xB000  }
0x2c6: {  	[tilespmem:s13], [sflag:$0x2] =	stream.indirect_vreg.gather [hbm4b:s25+s3], $0x80, v10, vm0, $0xb8;
	[tilespmem:$0x11800] =	vst v63  }
0x2c7: {  	v10 =	vld [tilespmem:$0x1390];
	_ =	sdelay $0x4  }
0x2c8: {  	v50 =	vshll.u32 v10, $0x2  }
0x2c9: {  	v10 =	vand.u32 $0x7, v10;
	v11 =	vand.u32 $0xFFFFFFE0, v50  }
0x2ca: {  	v10 =	vor.u32 v10, v11  }
0x2cb: {  	v11 =	vperm.xlane v10, v5;
	_ =	sdelay $0x1  }
0x2cc: {  	v11 =	vadd.s32 v6, v11;
	_ =	sdelay $0x1  }
0x2cd: {  	v10 =	vperm.xlane v10, v7;
	_ =	sdelay $0x1  }
0x2ce: {  	s19 =	simm.s32 $0xB800;
	v10 =	vadd.s32 v6, v10  }
0x2cf: {  	[tilespmem:s19], [sflag:$0x2] =	stream.indirect_vreg.gather [hbm4b:s1+s3], $0x80, v11, vm0, $0xb8;
	[tilespmem:$0x11800] =	vst v63  }
0x2d0: {  	s23 =	simm.s32 $0xC000  }
0x2d1: {  	[tilespmem:s23], [sflag:$0x2] =	stream.indirect_vreg.gather [hbm4b:s25+s3], $0x80, v11, vm0, $0xb8;
	[tilespmem:$0x11800] =	vst v63  }
0x2d2: {  	s13 =	simm.s32 $0xC800  }
0x2d3: {  	[tilespmem:s13], [sflag:$0x2] =	stream.indirect_vreg.gather [hbm4b:s1+s3], $0x80, v10, vm0, $0xb8;
	[tilespmem:$0x11800] =	vst v63  }
0x2d4: {  	s13 =	simm.s32 $0xD000  }
0x2d5: {  	[tilespmem:s13], [sflag:$0x2] =	stream.indirect_vreg.gather [hbm4b:s25+s3], $0x80, v10, vm0, $0xb8;
	[tilespmem:$0x11800] =	vst v63  }
0x2d6: {  	v10 =	vld [tilespmem:$0x13A0];
	_ =	sdelay $0x4  }
0x2d7: {  	v51 =	vshll.u32 v10, $0x2  }
0x2d8: {  	v10 =	vand.u32 $0x7, v10;
	v11 =	vand.u32 $0xFFFFFFE0, v51  }
0x2d9: {  	v10 =	vor.u32 v10, v11  }
0x2da: {  	v11 =	vperm.xlane v10, v5;
	_ =	sdelay $0x1  }
0x2db: {  	v11 =	vadd.s32 v6, v11;
	_ =	sdelay $0x1  }
0x2dc: {  	v10 =	vperm.xlane v10, v7;
	_ =	sdelay $0x1  }
0x2dd: {  	s20 =	simm.s32 $0xD800;
	v10 =	vadd.s32 v6, v10  }
0x2de: {  	[tilespmem:s20], [sflag:$0x2] =	stream.indirect_vreg.gather [hbm4b:s1+s3], $0x80, v11, vm0, $0xb8;
	[tilespmem:$0x11800] =	vst v63  }
0x2df: {  	s13 =	simm.s32 $0xE000  }
0x2e0: {  	[tilespmem:s13], [sflag:$0x2] =	stream.indirect_vreg.gather [hbm4b:s25+s3], $0x80, v11, vm0, $0xb8;
	[tilespmem:$0x11800] =	vst v63  }
0x2e1: {  	s13 =	simm.s32 $0xE800  }
0x2e2: {  	[tilespmem:s13], [sflag:$0x2] =	stream.indirect_vreg.gather [hbm4b:s1+s3], $0x80, v10, vm0, $0xb8;
	[tilespmem:$0x11800] =	vst v63  }
0x2e3: {  	s13 =	simm.s32 $0xF000  }
0x2e4: {  	[tilespmem:s13], [sflag:$0x2] =	stream.indirect_vreg.gather [hbm4b:s25+s3], $0x80, v10, vm0, $0xb8;
	[tilespmem:$0x11800] =	vst v63  }
0x2e5: {  	v10 =	vld [tilespmem:$0x13B0];
	_ =	sdelay $0x4  }
0x2e6: {  	v52 =	vshll.u32 v10, $0x2  }
0x2e7: {  	v10 =	vand.u32 $0x7, v10;
	v11 =	vand.u32 $0xFFFFFFE0, v52  }
0x2e8: {  	v10 =	vor.u32 v10, v11  }
0x2e9: {  	v11 =	vperm.xlane v10, v5;
	_ =	sdelay $0x1  }
0x2ea: {  	v11 =	vadd.s32 v6, v11;
	_ =	sdelay $0x1  }
0x2eb: {  	v10 =	vperm.xlane v10, v7;
	_ =	sdelay $0x1  }
0x2ec: {  	s21 =	simm.s32 $0xF800;
	v10 =	vadd.s32 v6, v10  }
0x2ed: {  	[tilespmem:s21], [sflag:$0x2] =	stream.indirect_vreg.gather [hbm4b:s1+s3], $0x80, v11, vm0, $0xb8;
	[tilespmem:$0x11800] =	vst v63  }
0x2ee: {  	s13 =	simm.s32 $0x10000  }
0x2ef: {  	[tilespmem:s13], [sflag:$0x2] =	stream.indirect_vreg.gather [hbm4b:s25+s3], $0x80, v11, vm0, $0xb8;
	[tilespmem:$0x11800] =	vst v63  }
0x2f0: {  	s13 =	simm.s32 $0x10800  }
0x2f1: {  	[tilespmem:s13], [sflag:$0x2] =	stream.indirect_vreg.gather [hbm4b:s1+s3], $0x80, v10, vm0, $0xb8;
	[tilespmem:$0x11800] =	vst v63  }
0x2f2: {  	s22 =	simm.s32 $0x11000  }
0x2f3: {  	[tilespmem:s22], [sflag:$0x2] =	stream.indirect_vreg.gather [hbm4b:s25+s3], $0x80, v10, vm0, $0xb8;
	[tilespmem:$0x11800] =	vst v63  }
0x2f4: {  	_ =	swait.ge [sflag:s4], $0x8000  }
0x2f5: {  	[sflag:s4] =	ssyncset.done $0x0  }
0x2f6: {  	s13 =	rddreg [dreg:$0xc];
	[sflag:s4] =	ssyncadd.s32 $0xFFFF8000  }
0x2f7: {  	[hbm4b:s13+s3] =	stream.linear.scatter [tilespmem:s2], [sflag:$0x3], $0x8000, $0x38;
	[tilespmem:$0x11800] =	vst v63  }
0x2f8: {  	_ =	swait.ge [sflag:s9], $0x8000  }
0x2f9: {  	[sflag:s9] =	ssyncset.done $0x0  }
0x2fa: {  	[sflag:s9] =	ssyncadd.s32 $0xFFFF8000  }
0x2fb: {  	v53 =	vld [tilespmem:s7+$0xA00];
	_ =	sdelay $0x4  }
0x2fc: {  	(xrf0) =	vadd.scan.msk.s32 $0xffff, v53;
	_ =	sdelay $0x3  }
0x2fd: {  	v9 =	vperm.xlane v48, v4;
	_ =	sdelay $0x1  }
0x2fe: {  	v8 =	vadd.s32 v8, v9;
	v54, _, _ =	vpop (xrf0)  }
0x2ff: {  	v55 =	vadd.s32 v54, v8  }
0x300: {  	v10 =	vadd.s32 $0xFFFFFFFF, v55  }
0x301: {  	v56 =	vadd.s32 v0, v10  }
0x302: {  	[tilespmem:$0x1400] =	vst v56  }
0x303: {  	v57 =	vld [tilespmem:s7+$0xA10];
	_ =	sdelay $0x4  }
0x304: {  	(xrf0) =	vadd.scan.msk.s32 $0xffff, v57;
	_ =	sdelay $0x2  }
0x305: {  	v9 =	vperm.xlane v54, v4;
	_ =	sdelay $0x1  }
0x306: {  	v8 =	vadd.s32 v8, v9  }
0x307: {  	v59 =	vadd.s32 v8, v1;
	v58, _, _ =	vpop (xrf0)  }
0x308: {  	v12 =	vadd.s32 v58, v59  }
0x309: {  	[tilespmem:$0x1410] =	vst v12  }
0x30a: {  	v12 =	vld [tilespmem:s7+$0xA20];
	_ =	sdelay $0x4  }
0x30b: {  	(xrf0) =	vadd.scan.msk.s32 $0xffff, v12;
	_ =	sdelay $0x2  }
0x30c: {  	v9 =	vperm.xlane v58, v4;
	_ =	sdelay $0x1  }
0x30d: {  	v8 =	vadd.s32 v8, v9  }
0x30e: {  	v61 =	vadd.s32 v8, v1;
	v60, _, _ =	vpop (xrf0)  }
0x30f: {  	v12 =	vadd.s32 v60, v61  }
0x310: {  	[tilespmem:$0x1420] =	vst v12  }
0x311: {  	v12 =	vld [tilespmem:s7+$0xA30];
	_ =	sdelay $0x3  }
0x312: {  	v11 =	vshll.u32 v56, $0x2  }
0x313: {  	v10 =	vand.u32 $0x7, v10;
	v11 =	vand.u32 $0xFFFFFFE0, v11;
	(xrf0) =	vadd.scan.msk.s32 $0xffff, v12  }
0x314: {  	v10 =	vor.u32 v10, v11  }
0x315: {  	v11 =	vperm.xlane v10, v5  }
0x316: {  	v9 =	vperm.xlane v60, v4  }
0x317: {  	v11 =	vadd.s32 v6, v11  }
0x318: {  	v8 =	vadd.s32 v8, v9  }
0x319: {  	v10 =	vperm.xlane v10, v7;
	v63 =	vadd.s32 v8, v1;
	v62, _, _ =	vpop (xrf0)  }
0x31a: {  	v12 =	vadd.s32 v62, v63  }
0x31b: {  	v10 =	vadd.s32 v6, v10;
	[tilespmem:$0x1430] =	vst v12  }
0x31c: {  	[tilespmem:s2], [sflag:$0x1] =	stream.indirect_vreg.gather [hbm4b:s1+s3], $0x80, v11, vm0, $0xb8;
	[tilespmem:$0x11800] =	vst v63  }
0x31d: {  	s13 =	simm.s32 $0x2000  }
0x31e: {  	[tilespmem:s13], [sflag:$0x1] =	stream.indirect_vreg.gather [hbm4b:s25+s3], $0x80, v11, vm0, $0xb8;
	[tilespmem:$0x11800] =	vst v63  }
0x31f: {  	s13 =	simm.s32 $0x2800  }
0x320: {  	[tilespmem:s13], [sflag:$0x1] =	stream.indirect_vreg.gather [hbm4b:s1+s3], $0x80, v10, vm0, $0xb8;
	[tilespmem:$0x11800] =	vst v63  }
0x321: {  	s13 =	simm.s32 $0x3000  }
0x322: {  	[tilespmem:s13], [sflag:$0x1] =	stream.indirect_vreg.gather [hbm4b:s25+s3], $0x80, v10, vm0, $0xb8;
	[tilespmem:$0x11800] =	vst v63  }
0x323: {  	v10 =	vld [tilespmem:$0x1410];
	_ =	sdelay $0x4  }
0x324: {  	v12 =	vshll.u32 v10, $0x2  }
0x325: {  	v10 =	vand.u32 $0x7, v10;
	v11 =	vand.u32 $0xFFFFFFE0, v12  }
0x326: {  	v10 =	vor.u32 v10, v11  }
0x327: {  	v11 =	vperm.xlane v10, v5;
	_ =	sdelay $0x1  }
0x328: {  	v11 =	vadd.s32 v6, v11;
	_ =	sdelay $0x1  }
0x329: {  	v10 =	vperm.xlane v10, v7;
	_ =	sdelay $0x1  }
0x32a: {  	s14 =	simm.s32 $0x3800;
	v10 =	vadd.s32 v6, v10  }
0x32b: {  	[tilespmem:s14], [sflag:$0x1] =	stream.indirect_vreg.gather [hbm4b:s1+s3], $0x80, v11, vm0, $0xb8;
	[tilespmem:$0x11800] =	vst v63  }
0x32c: {  	s15 =	simm.s32 $0x4000  }
0x32d: {  	[tilespmem:s15], [sflag:$0x1] =	stream.indirect_vreg.gather [hbm4b:s25+s3], $0x80, v11, vm0, $0xb8;
	[tilespmem:$0x11800] =	vst v63  }
0x32e: {  	s16 =	simm.s32 $0x4800  }
0x32f: {  	[tilespmem:s16], [sflag:$0x1] =	stream.indirect_vreg.gather [hbm4b:s1+s3], $0x80, v10, vm0, $0xb8;
	[tilespmem:$0x11800] =	vst v63  }
0x330: {  	s28 =	simm.s32 $0x5000  }
0x331: {  	[tilespmem:s28], [sflag:$0x1] =	stream.indirect_vreg.gather [hbm4b:s25+s3], $0x80, v10, vm0, $0xb8;
	[tilespmem:$0x11800] =	vst v63  }
0x332: {  	v10 =	vld [tilespmem:$0x1420];
	_ =	sdelay $0x4  }
0x333: {  	v13 =	vshll.u32 v10, $0x2  }
0x334: {  	v10 =	vand.u32 $0x7, v10;
	v11 =	vand.u32 $0xFFFFFFE0, v13  }
0x335: {  	v10 =	vor.u32 v10, v11  }
0x336: {  	v11 =	vperm.xlane v10, v5;
	_ =	sdelay $0x1  }
0x337: {  	v11 =	vadd.s32 v6, v11;
	_ =	sdelay $0x1  }
0x338: {  	v10 =	vperm.xlane v10, v7;
	_ =	sdelay $0x1  }
0x339: {  	s24 =	simm.s32 $0x5800;
	v10 =	vadd.s32 v6, v10  }
0x33a: {  	[tilespmem:s24], [sflag:$0x1] =	stream.indirect_vreg.gather [hbm4b:s1+s3], $0x80, v11, vm0, $0xb8;
	[tilespmem:$0x11800] =	vst v63  }
0x33b: {  	s26 =	simm.s32 $0x6000  }
0x33c: {  	[tilespmem:s26], [sflag:$0x1] =	stream.indirect_vreg.gather [hbm4b:s25+s3], $0x80, v11, vm0, $0xb8;
	[tilespmem:$0x11800] =	vst v63  }
0x33d: {  	s0 =	simm.s32 $0x6800  }
0x33e: {  	[tilespmem:s0], [sflag:$0x1] =	stream.indirect_vreg.gather [hbm4b:s1+s3], $0x80, v10, vm0, $0xb8;
	[tilespmem:$0x11800] =	vst v63  }
0x33f: {  	s29 =	simm.s32 $0x7000  }
0x340: {  	[tilespmem:s29], [sflag:$0x1] =	stream.indirect_vreg.gather [hbm4b:s25+s3], $0x80, v10, vm0, $0xb8;
	[tilespmem:$0x11800] =	vst v63  }
0x341: {  	v10 =	vld [tilespmem:$0x1430];
	_ =	sdelay $0x4  }
0x342: {  	v14 =	vshll.u32 v10, $0x2  }
0x343: {  	v10 =	vand.u32 $0x7, v10;
	v11 =	vand.u32 $0xFFFFFFE0, v14  }
0x344: {  	v10 =	vor.u32 v10, v11  }
0x345: {  	v11 =	vperm.xlane v10, v5;
	_ =	sdelay $0x1  }
0x346: {  	v11 =	vadd.s32 v6, v11;
	_ =	sdelay $0x1  }
0x347: {  	v10 =	vperm.xlane v10, v7;
	_ =	sdelay $0x1  }
0x348: {  	s17 =	simm.s32 $0x7800;
	v10 =	vadd.s32 v6, v10  }
0x349: {  	[tilespmem:s17], [sflag:$0x1] =	stream.indirect_vreg.gather [hbm4b:s1+s3], $0x80, v11, vm0, $0xb8;
	[tilespmem:$0x11800] =	vst v63  }
0x34a: {  	s5 =	simm.s32 $0x8000  }
0x34b: {  	[tilespmem:s5], [sflag:$0x1] =	stream.indirect_vreg.gather [hbm4b:s25+s3], $0x80, v11, vm0, $0xb8;
	[tilespmem:$0x11800] =	vst v63  }
0x34c: {  	s6 =	simm.s32 $0x8800  }
0x34d: {  	[tilespmem:s6], [sflag:$0x1] =	stream.indirect_vreg.gather [hbm4b:s1+s3], $0x80, v10, vm0, $0xb8;
	[tilespmem:$0x11800] =	vst v63  }
0x34e: {  	s8 =	simm.s32 $0x9000  }
0x34f: {  	[tilespmem:s8], [sflag:$0x1] =	stream.indirect_vreg.gather [hbm4b:s25+s3], $0x80, v10, vm0, $0xb8;
	[tilespmem:$0x11800] =	vst v63  }
0x350: {  	_ =	swait.ge [sflag:s10], $0x8000  }
0x351: {  	[sflag:s10] =	ssyncset.done $0x0  }
0x352: {  	s13 =	rddreg [dreg:$0xd];
	[sflag:s10] =	ssyncadd.s32 $0xFFFF8000  }
0x353: {  	[hbm4b:s13+s3] =	stream.linear.scatter [tilespmem:s12], [sflag:$0x4], $0x8000, $0x38;
	[tilespmem:$0x11800] =	vst v63  }
0x354: {  	_ =	swait.ge [sflag:s11], $0x8000  }
0x355: {  	[sflag:s11] =	ssyncset.done $0x0  }
0x356: {  	[sflag:s11] =	ssyncadd.s32 $0xFFFF8000  }
0x357: {  	v15 =	vld [tilespmem:s7+$0xA40];
	_ =	sdelay $0x4  }
0x358: {  	(xrf0) =	vadd.scan.msk.s32 $0xffff, v15;
	_ =	sdelay $0x3  }
0x359: {  	v9 =	vperm.xlane v62, v4;
	_ =	sdelay $0x1  }
0x35a: {  	v8 =	vadd.s32 v8, v9;
	v16, _, _ =	vpop (xrf0)  }
0x35b: {  	v17 =	vadd.s32 v16, v8  }
0x35c: {  	v10 =	vadd.s32 $0xFFFFFFFF, v17  }
0x35d: {  	v18 =	vadd.s32 v0, v10  }
0x35e: {  	[tilespmem:$0x1480] =	vst v18  }
0x35f: {  	v19 =	vld [tilespmem:s7+$0xA50];
	_ =	sdelay $0x4  }
0x360: {  	(xrf0) =	vadd.scan.msk.s32 $0xffff, v19;
	_ =	sdelay $0x2  }
0x361: {  	v9 =	vperm.xlane v16, v4;
	_ =	sdelay $0x1  }
0x362: {  	v8 =	vadd.s32 v8, v9  }
0x363: {  	v21 =	vadd.s32 v8, v1;
	v20, _, _ =	vpop (xrf0)  }
0x364: {  	v12 =	vadd.s32 v20, v21  }
0x365: {  	[tilespmem:$0x1490] =	vst v12  }
0x366: {  	v12 =	vld [tilespmem:s7+$0xA60];
	_ =	sdelay $0x4  }
0x367: {  	(xrf0) =	vadd.scan.msk.s32 $0xffff, v12;
	_ =	sdelay $0x2  }
0x368: {  	v9 =	vperm.xlane v20, v4;
	_ =	sdelay $0x1  }
0x369: {  	v8 =	vadd.s32 v8, v9  }
0x36a: {  	v23 =	vadd.s32 v8, v1;
	v22, _, _ =	vpop (xrf0)  }
0x36b: {  	v12 =	vadd.s32 v22, v23  }
0x36c: {  	[tilespmem:$0x14A0] =	vst v12  }
0x36d: {  	v12 =	vld [tilespmem:s7+$0xA70];
	_ =	sdelay $0x3  }
0x36e: {  	v11 =	vshll.u32 v18, $0x2  }
0x36f: {  	v10 =	vand.u32 $0x7, v10;
	v11 =	vand.u32 $0xFFFFFFE0, v11;
	(xrf0) =	vadd.scan.msk.s32 $0xffff, v12  }
0x370: {  	v10 =	vor.u32 v10, v11  }
0x371: {  	v11 =	vperm.xlane v10, v5  }
0x372: {  	v9 =	vperm.xlane v22, v4  }
0x373: {  	v11 =	vadd.s32 v6, v11  }
0x374: {  	v8 =	vadd.s32 v8, v9  }
0x375: {  	v10 =	vperm.xlane v10, v7;
	v25 =	vadd.s32 v8, v1;
	v24, _, _ =	vpop (xrf0)  }
0x376: {  	v12 =	vadd.s32 v24, v25  }
0x377: {  	v10 =	vadd.s32 v6, v10;
	[tilespmem:$0x14B0] =	vst v12  }
0x378: {  	[tilespmem:s12], [sflag:$0x2] =	stream.indirect_vreg.gather [hbm4b:s1+s3], $0x80, v11, vm0, $0xb8;
	[tilespmem:$0x11800] =	vst v63  }
0x379: {  	s31 =	simm.s32 $0xA000  }
0x37a: {  	[tilespmem:s31], [sflag:$0x2] =	stream.indirect_vreg.gather [hbm4b:s25+s3], $0x80, v11, vm0, $0xb8;
	[tilespmem:$0x11800] =	vst v63  }
0x37b: {  	s18 =	simm.s32 $0xA800  }
0x37c: {  	[tilespmem:s18], [sflag:$0x2] =	stream.indirect_vreg.gather [hbm4b:s1+s3], $0x80, v10, vm0, $0xb8;
	[tilespmem:$0x11800] =	vst v63  }
0x37d: {  	s13 =	simm.s32 $0xB000  }
0x37e: {  	[tilespmem:s13], [sflag:$0x2] =	stream.indirect_vreg.gather [hbm4b:s25+s3], $0x80, v10, vm0, $0xb8;
	[tilespmem:$0x11800] =	vst v63  }
0x37f: {  	v10 =	vld [tilespmem:$0x1490];
	_ =	sdelay $0x4  }
0x380: {  	v26 =	vshll.u32 v10, $0x2  }
0x381: {  	v10 =	vand.u32 $0x7, v10;
	v11 =	vand.u32 $0xFFFFFFE0, v26  }
0x382: {  	v10 =	vor.u32 v10, v11  }
0x383: {  	v11 =	vperm.xlane v10, v5;
	_ =	sdelay $0x1  }
0x384: {  	v11 =	vadd.s32 v6, v11;
	_ =	sdelay $0x1  }
0x385: {  	v10 =	vperm.xlane v10, v7;
	_ =	sdelay $0x1  }
0x386: {  	s19 =	simm.s32 $0xB800;
	v10 =	vadd.s32 v6, v10  }
0x387: {  	[tilespmem:s19], [sflag:$0x2] =	stream.indirect_vreg.gather [hbm4b:s1+s3], $0x80, v11, vm0, $0xb8;
	[tilespmem:$0x11800] =	vst v63  }
0x388: {  	s23 =	simm.s32 $0xC000  }
0x389: {  	[tilespmem:s23], [sflag:$0x2] =	stream.indirect_vreg.gather [hbm4b:s25+s3], $0x80, v11, vm0, $0xb8;
	[tilespmem:$0x11800] =	vst v63  }
0x38a: {  	s13 =	simm.s32 $0xC800  }
0x38b: {  	[tilespmem:s13], [sflag:$0x2] =	stream.indirect_vreg.gather [hbm4b:s1+s3], $0x80, v10, vm0, $0xb8;
	[tilespmem:$0x11800] =	vst v63  }
0x38c: {  	s13 =	simm.s32 $0xD000  }
0x38d: {  	[tilespmem:s13], [sflag:$0x2] =	stream.indirect_vreg.gather [hbm4b:s25+s3], $0x80, v10, vm0, $0xb8;
	[tilespmem:$0x11800] =	vst v63  }
0x38e: {  	v10 =	vld [tilespmem:$0x14A0];
	_ =	sdelay $0x4  }
0x38f: {  	v27 =	vshll.u32 v10, $0x2  }
0x390: {  	v10 =	vand.u32 $0x7, v10;
	v11 =	vand.u32 $0xFFFFFFE0, v27  }
0x391: {  	v10 =	vor.u32 v10, v11  }
0x392: {  	v11 =	vperm.xlane v10, v5;
	_ =	sdelay $0x1  }
0x393: {  	v11 =	vadd.s32 v6, v11;
	_ =	sdelay $0x1  }
0x394: {  	v10 =	vperm.xlane v10, v7;
	_ =	sdelay $0x1  }
0x395: {  	s20 =	simm.s32 $0xD800;
	v10 =	vadd.s32 v6, v10  }
0x396: {  	[tilespmem:s20], [sflag:$0x2] =	stream.indirect_vreg.gather [hbm4b:s1+s3], $0x80, v11, vm0, $0xb8;
	[tilespmem:$0x11800] =	vst v63  }
0x397: {  	s13 =	simm.s32 $0xE000  }
0x398: {  	[tilespmem:s13], [sflag:$0x2] =	stream.indirect_vreg.gather [hbm4b:s25+s3], $0x80, v11, vm0, $0xb8;
	[tilespmem:$0x11800] =	vst v63  }
0x399: {  	s13 =	simm.s32 $0xE800  }
0x39a: {  	[tilespmem:s13], [sflag:$0x2] =	stream.indirect_vreg.gather [hbm4b:s1+s3], $0x80, v10, vm0, $0xb8;
	[tilespmem:$0x11800] =	vst v63  }
0x39b: {  	s13 =	simm.s32 $0xF000  }
0x39c: {  	[tilespmem:s13], [sflag:$0x2] =	stream.indirect_vreg.gather [hbm4b:s25+s3], $0x80, v10, vm0, $0xb8;
	[tilespmem:$0x11800] =	vst v63  }
0x39d: {  	v10 =	vld [tilespmem:$0x14B0];
	_ =	sdelay $0x4  }
0x39e: {  	v28 =	vshll.u32 v10, $0x2  }
0x39f: {  	v10 =	vand.u32 $0x7, v10;
	v11 =	vand.u32 $0xFFFFFFE0, v28  }
0x3a0: {  	v10 =	vor.u32 v10, v11  }
0x3a1: {  	v11 =	vperm.xlane v10, v5;
	_ =	sdelay $0x1  }
0x3a2: {  	v11 =	vadd.s32 v6, v11;
	_ =	sdelay $0x1  }
0x3a3: {  	v10 =	vperm.xlane v10, v7;
	_ =	sdelay $0x1  }
0x3a4: {  	s21 =	simm.s32 $0xF800;
	v10 =	vadd.s32 v6, v10  }
0x3a5: {  	[tilespmem:s21], [sflag:$0x2] =	stream.indirect_vreg.gather [hbm4b:s1+s3], $0x80, v11, vm0, $0xb8;
	[tilespmem:$0x11800] =	vst v63  }
0x3a6: {  	s13 =	simm.s32 $0x10000  }
0x3a7: {  	[tilespmem:s13], [sflag:$0x2] =	stream.indirect_vreg.gather [hbm4b:s25+s3], $0x80, v11, vm0, $0xb8;
	[tilespmem:$0x11800] =	vst v63  }
0x3a8: {  	s13 =	simm.s32 $0x10800  }
0x3a9: {  	[tilespmem:s13], [sflag:$0x2] =	stream.indirect_vreg.gather [hbm4b:s1+s3], $0x80, v10, vm0, $0xb8;
	[tilespmem:$0x11800] =	vst v63  }
0x3aa: {  	s22 =	simm.s32 $0x11000  }
0x3ab: {  	[tilespmem:s22], [sflag:$0x2] =	stream.indirect_vreg.gather [hbm4b:s25+s3], $0x80, v10, vm0, $0xb8;
	[tilespmem:$0x11800] =	vst v63  }
0x3ac: {  	_ =	swait.ge [sflag:s4], $0x8000  }
0x3ad: {  	[sflag:s4] =	ssyncset.done $0x0  }
0x3ae: {  	s13 =	rddreg [dreg:$0xe];
	[sflag:s4] =	ssyncadd.s32 $0xFFFF8000  }
0x3af: {  	[hbm4b:s13+s3] =	stream.linear.scatter [tilespmem:s2], [sflag:$0x3], $0x8000, $0x38;
	[tilespmem:$0x11800] =	vst v63  }
0x3b0: {  	_ =	swait.ge [sflag:s9], $0x8000  }
0x3b1: {  	[sflag:s9] =	ssyncset.done $0x0  }
0x3b2: {  	[sflag:s9] =	ssyncadd.s32 $0xFFFF8000  }
0x3b3: {  	v29 =	vld [tilespmem:s7+$0xA80];
	_ =	sdelay $0x4  }
0x3b4: {  	(xrf0) =	vadd.scan.msk.s32 $0xffff, v29;
	_ =	sdelay $0x3  }
0x3b5: {  	v9 =	vperm.xlane v24, v4;
	_ =	sdelay $0x1  }
0x3b6: {  	v8 =	vadd.s32 v8, v9;
	v30, _, _ =	vpop (xrf0)  }
0x3b7: {  	v31 =	vadd.s32 v30, v8  }
0x3b8: {  	v10 =	vadd.s32 $0xFFFFFFFF, v31  }
0x3b9: {  	v32 =	vadd.s32 v0, v10  }
0x3ba: {  	[tilespmem:$0x1500] =	vst v32  }
0x3bb: {  	v33 =	vld [tilespmem:s7+$0xA90];
	_ =	sdelay $0x4  }
0x3bc: {  	(xrf0) =	vadd.scan.msk.s32 $0xffff, v33;
	_ =	sdelay $0x2  }
0x3bd: {  	v9 =	vperm.xlane v30, v4;
	_ =	sdelay $0x1  }
0x3be: {  	v8 =	vadd.s32 v8, v9  }
0x3bf: {  	v35 =	vadd.s32 v8, v1;
	v34, _, _ =	vpop (xrf0)  }
0x3c0: {  	v12 =	vadd.s32 v34, v35  }
0x3c1: {  	[tilespmem:$0x1510] =	vst v12  }
0x3c2: {  	v12 =	vld [tilespmem:s7+$0xAA0];
	_ =	sdelay $0x4  }
0x3c3: {  	(xrf0) =	vadd.scan.msk.s32 $0xffff, v12;
	_ =	sdelay $0x2  }
0x3c4: {  	v9 =	vperm.xlane v34, v4;
	_ =	sdelay $0x1  }
0x3c5: {  	v8 =	vadd.s32 v8, v9  }
0x3c6: {  	v37 =	vadd.s32 v8, v1;
	v36, _, _ =	vpop (xrf0)  }
0x3c7: {  	v12 =	vadd.s32 v36, v37  }
0x3c8: {  	[tilespmem:$0x1520] =	vst v12  }
0x3c9: {  	v12 =	vld [tilespmem:s7+$0xAB0];
	_ =	sdelay $0x3  }
0x3ca: {  	v11 =	vshll.u32 v32, $0x2  }
0x3cb: {  	v10 =	vand.u32 $0x7, v10;
	v11 =	vand.u32 $0xFFFFFFE0, v11;
	(xrf0) =	vadd.scan.msk.s32 $0xffff, v12  }
0x3cc: {  	v10 =	vor.u32 v10, v11  }
0x3cd: {  	v11 =	vperm.xlane v10, v5  }
0x3ce: {  	v9 =	vperm.xlane v36, v4  }
0x3cf: {  	v11 =	vadd.s32 v6, v11  }
0x3d0: {  	v8 =	vadd.s32 v8, v9  }
0x3d1: {  	v10 =	vperm.xlane v10, v7;
	v39 =	vadd.s32 v8, v1;
	v38, _, _ =	vpop (xrf0)  }
0x3d2: {  	v12 =	vadd.s32 v38, v39  }
0x3d3: {  	v10 =	vadd.s32 v6, v10;
	[tilespmem:$0x1530] =	vst v12  }
0x3d4: {  	[tilespmem:s2], [sflag:$0x1] =	stream.indirect_vreg.gather [hbm4b:s1+s3], $0x80, v11, vm0, $0xb8;
	[tilespmem:$0x11800] =	vst v63  }
0x3d5: {  	s13 =	simm.s32 $0x2000  }
0x3d6: {  	[tilespmem:s13], [sflag:$0x1] =	stream.indirect_vreg.gather [hbm4b:s25+s3], $0x80, v11, vm0, $0xb8;
	[tilespmem:$0x11800] =	vst v63  }
0x3d7: {  	s13 =	simm.s32 $0x2800  }
0x3d8: {  	[tilespmem:s13], [sflag:$0x1] =	stream.indirect_vreg.gather [hbm4b:s1+s3], $0x80, v10, vm0, $0xb8;
	[tilespmem:$0x11800] =	vst v63  }
0x3d9: {  	s13 =	simm.s32 $0x3000  }
0x3da: {  	[tilespmem:s13], [sflag:$0x1] =	stream.indirect_vreg.gather [hbm4b:s25+s3], $0x80, v10, vm0, $0xb8;
	[tilespmem:$0x11800] =	vst v63  }
0x3db: {  	v10 =	vld [tilespmem:$0x1510];
	_ =	sdelay $0x4  }
0x3dc: {  	v40 =	vshll.u32 v10, $0x2  }
0x3dd: {  	v10 =	vand.u32 $0x7, v10;
	v11 =	vand.u32 $0xFFFFFFE0, v40  }
0x3de: {  	v10 =	vor.u32 v10, v11  }
0x3df: {  	v11 =	vperm.xlane v10, v5;
	_ =	sdelay $0x1  }
0x3e0: {  	v11 =	vadd.s32 v6, v11;
	_ =	sdelay $0x1  }
0x3e1: {  	v10 =	vperm.xlane v10, v7;
	_ =	sdelay $0x1  }
0x3e2: {  	s14 =	simm.s32 $0x3800;
	v10 =	vadd.s32 v6, v10  }
0x3e3: {  	[tilespmem:s14], [sflag:$0x1] =	stream.indirect_vreg.gather [hbm4b:s1+s3], $0x80, v11, vm0, $0xb8;
	[tilespmem:$0x11800] =	vst v63  }
0x3e4: {  	s15 =	simm.s32 $0x4000  }
0x3e5: {  	[tilespmem:s15], [sflag:$0x1] =	stream.indirect_vreg.gather [hbm4b:s25+s3], $0x80, v11, vm0, $0xb8;
	[tilespmem:$0x11800] =	vst v63  }
0x3e6: {  	s16 =	simm.s32 $0x4800  }
0x3e7: {  	[tilespmem:s16], [sflag:$0x1] =	stream.indirect_vreg.gather [hbm4b:s1+s3], $0x80, v10, vm0, $0xb8;
	[tilespmem:$0x11800] =	vst v63  }
0x3e8: {  	s28 =	simm.s32 $0x5000  }
0x3e9: {  	[tilespmem:s28], [sflag:$0x1] =	stream.indirect_vreg.gather [hbm4b:s25+s3], $0x80, v10, vm0, $0xb8;
	[tilespmem:$0x11800] =	vst v63  }
0x3ea: {  	v10 =	vld [tilespmem:$0x1520];
	_ =	sdelay $0x4  }
0x3eb: {  	v41 =	vshll.u32 v10, $0x2  }
0x3ec: {  	v10 =	vand.u32 $0x7, v10;
	v11 =	vand.u32 $0xFFFFFFE0, v41  }
0x3ed: {  	v10 =	vor.u32 v10, v11  }
0x3ee: {  	v11 =	vperm.xlane v10, v5;
	_ =	sdelay $0x1  }
0x3ef: {  	v11 =	vadd.s32 v6, v11;
	_ =	sdelay $0x1  }
0x3f0: {  	v10 =	vperm.xlane v10, v7;
	_ =	sdelay $0x1  }
0x3f1: {  	s24 =	simm.s32 $0x5800;
	v10 =	vadd.s32 v6, v10  }
0x3f2: {  	[tilespmem:s24], [sflag:$0x1] =	stream.indirect_vreg.gather [hbm4b:s1+s3], $0x80, v11, vm0, $0xb8;
	[tilespmem:$0x11800] =	vst v63  }
0x3f3: {  	s26 =	simm.s32 $0x6000  }
0x3f4: {  	[tilespmem:s26], [sflag:$0x1] =	stream.indirect_vreg.gather [hbm4b:s25+s3], $0x80, v11, vm0, $0xb8;
	[tilespmem:$0x11800] =	vst v63  }
0x3f5: {  	s0 =	simm.s32 $0x6800  }
0x3f6: {  	[tilespmem:s0], [sflag:$0x1] =	stream.indirect_vreg.gather [hbm4b:s1+s3], $0x80, v10, vm0, $0xb8;
	[tilespmem:$0x11800] =	vst v63  }
0x3f7: {  	s29 =	simm.s32 $0x7000  }
0x3f8: {  	[tilespmem:s29], [sflag:$0x1] =	stream.indirect_vreg.gather [hbm4b:s25+s3], $0x80, v10, vm0, $0xb8;
	[tilespmem:$0x11800] =	vst v63  }
0x3f9: {  	v10 =	vld [tilespmem:$0x1530];
	_ =	sdelay $0x4  }
0x3fa: {  	v42 =	vshll.u32 v10, $0x2  }
0x3fb: {  	v10 =	vand.u32 $0x7, v10;
	v11 =	vand.u32 $0xFFFFFFE0, v42  }
0x3fc: {  	v10 =	vor.u32 v10, v11  }
0x3fd: {  	v11 =	vperm.xlane v10, v5;
	_ =	sdelay $0x1  }
0x3fe: {  	v11 =	vadd.s32 v6, v11;
	_ =	sdelay $0x1  }
0x3ff: {  	v10 =	vperm.xlane v10, v7;
	_ =	sdelay $0x1  }
0x400: {  	s17 =	simm.s32 $0x7800;
	v10 =	vadd.s32 v6, v10  }
0x401: {  	[tilespmem:s17], [sflag:$0x1] =	stream.indirect_vreg.gather [hbm4b:s1+s3], $0x80, v11, vm0, $0xb8;
	[tilespmem:$0x11800] =	vst v63  }
0x402: {  	s5 =	simm.s32 $0x8000  }
0x403: {  	[tilespmem:s5], [sflag:$0x1] =	stream.indirect_vreg.gather [hbm4b:s25+s3], $0x80, v11, vm0, $0xb8;
	[tilespmem:$0x11800] =	vst v63  }
0x404: {  	s6 =	simm.s32 $0x8800  }
0x405: {  	[tilespmem:s6], [sflag:$0x1] =	stream.indirect_vreg.gather [hbm4b:s1+s3], $0x80, v10, vm0, $0xb8;
	[tilespmem:$0x11800] =	vst v63  }
0x406: {  	s8 =	simm.s32 $0x9000  }
0x407: {  	[tilespmem:s8], [sflag:$0x1] =	stream.indirect_vreg.gather [hbm4b:s25+s3], $0x80, v10, vm0, $0xb8;
	[tilespmem:$0x11800] =	vst v63  }
0x408: {  	_ =	swait.ge [sflag:s10], $0x8000  }
0x409: {  	[sflag:s10] =	ssyncset.done $0x0  }
0x40a: {  	s13 =	rddreg [dreg:$0xf];
	[sflag:s10] =	ssyncadd.s32 $0xFFFF8000  }
0x40b: {  	[hbm4b:s13+s3] =	stream.linear.scatter [tilespmem:s12], [sflag:$0x4], $0x8000, $0x38;
	[tilespmem:$0x11800] =	vst v63  }
0x40c: {  	_ =	swait.ge [sflag:s11], $0x8000  }
0x40d: {  	[sflag:s11] =	ssyncset.done $0x0  }
0x40e: {  	[sflag:s11] =	ssyncadd.s32 $0xFFFF8000  }
0x40f: {  	v43 =	vld [tilespmem:s7+$0xAC0];
	_ =	sdelay $0x4  }
0x410: {  	(xrf0) =	vadd.scan.msk.s32 $0xffff, v43;
	_ =	sdelay $0x3  }
0x411: {  	v9 =	vperm.xlane v38, v4;
	_ =	sdelay $0x1  }
0x412: {  	v8 =	vadd.s32 v8, v9;
	v44, _, _ =	vpop (xrf0)  }
0x413: {  	v45 =	vadd.s32 v44, v8  }
0x414: {  	v10 =	vadd.s32 $0xFFFFFFFF, v45  }
0x415: {  	v46 =	vadd.s32 v0, v10  }
0x416: {  	[tilespmem:$0x1580] =	vst v46  }
0x417: {  	v47 =	vld [tilespmem:s7+$0xAD0];
	_ =	sdelay $0x4  }
0x418: {  	(xrf0) =	vadd.scan.msk.s32 $0xffff, v47;
	_ =	sdelay $0x2  }
0x419: {  	v9 =	vperm.xlane v44, v4;
	_ =	sdelay $0x1  }
0x41a: {  	v8 =	vadd.s32 v8, v9  }
0x41b: {  	v49 =	vadd.s32 v8, v1;
	v48, _, _ =	vpop (xrf0)  }
0x41c: {  	v12 =	vadd.s32 v48, v49  }
0x41d: {  	[tilespmem:$0x1590] =	vst v12  }
0x41e: {  	v12 =	vld [tilespmem:s7+$0xAE0];
	_ =	sdelay $0x4  }
0x41f: {  	(xrf0) =	vadd.scan.msk.s32 $0xffff, v12;
	_ =	sdelay $0x2  }
0x420: {  	v9 =	vperm.xlane v48, v4;
	_ =	sdelay $0x1  }
0x421: {  	v8 =	vadd.s32 v8, v9  }
0x422: {  	v51 =	vadd.s32 v8, v1;
	v50, _, _ =	vpop (xrf0)  }
0x423: {  	v12 =	vadd.s32 v50, v51  }
0x424: {  	[tilespmem:$0x15A0] =	vst v12  }
0x425: {  	v12 =	vld [tilespmem:s7+$0xAF0];
	_ =	sdelay $0x3  }
0x426: {  	v11 =	vshll.u32 v46, $0x2  }
0x427: {  	v10 =	vand.u32 $0x7, v10;
	v11 =	vand.u32 $0xFFFFFFE0, v11;
	(xrf0) =	vadd.scan.msk.s32 $0xffff, v12  }
0x428: {  	v10 =	vor.u32 v10, v11  }
0x429: {  	v11 =	vperm.xlane v10, v5  }
0x42a: {  	v9 =	vperm.xlane v50, v4  }
0x42b: {  	v11 =	vadd.s32 v6, v11  }
0x42c: {  	v8 =	vadd.s32 v8, v9  }
0x42d: {  	v10 =	vperm.xlane v10, v7;
	v53 =	vadd.s32 v8, v1;
	v52, _, _ =	vpop (xrf0)  }
0x42e: {  	v12 =	vadd.s32 v52, v53  }
0x42f: {  	v10 =	vadd.s32 v6, v10;
	[tilespmem:$0x15B0] =	vst v12  }
0x430: {  	[tilespmem:s12], [sflag:$0x2] =	stream.indirect_vreg.gather [hbm4b:s1+s3], $0x80, v11, vm0, $0xb8;
	[tilespmem:$0x11800] =	vst v63  }
0x431: {  	s31 =	simm.s32 $0xA000  }
0x432: {  	[tilespmem:s31], [sflag:$0x2] =	stream.indirect_vreg.gather [hbm4b:s25+s3], $0x80, v11, vm0, $0xb8;
	[tilespmem:$0x11800] =	vst v63  }
0x433: {  	s18 =	simm.s32 $0xA800  }
0x434: {  	[tilespmem:s18], [sflag:$0x2] =	stream.indirect_vreg.gather [hbm4b:s1+s3], $0x80, v10, vm0, $0xb8;
	[tilespmem:$0x11800] =	vst v63  }
0x435: {  	s18 =	simm.s32 $0xB000  }
0x436: {  	[tilespmem:s18], [sflag:$0x2] =	stream.indirect_vreg.gather [hbm4b:s25+s3], $0x80, v10, vm0, $0xb8;
	[tilespmem:$0x11800] =	vst v63  }
0x437: {  	v10 =	vld [tilespmem:$0x1590];
	_ =	sdelay $0x4  }
0x438: {  	v54 =	vshll.u32 v10, $0x2  }
0x439: {  	v10 =	vand.u32 $0x7, v10;
	v11 =	vand.u32 $0xFFFFFFE0, v54  }
0x43a: {  	v10 =	vor.u32 v10, v11  }
0x43b: {  	v11 =	vperm.xlane v10, v5;
	_ =	sdelay $0x1  }
0x43c: {  	v11 =	vadd.s32 v6, v11;
	_ =	sdelay $0x1  }
0x43d: {  	v10 =	vperm.xlane v10, v7;
	_ =	sdelay $0x1  }
0x43e: {  	s19 =	simm.s32 $0xB800;
	v10 =	vadd.s32 v6, v10  }
0x43f: {  	[tilespmem:s19], [sflag:$0x2] =	stream.indirect_vreg.gather [hbm4b:s1+s3], $0x80, v11, vm0, $0xb8;
	[tilespmem:$0x11800] =	vst v63  }
0x440: {  	s23 =	simm.s32 $0xC000  }
0x441: {  	[tilespmem:s23], [sflag:$0x2] =	stream.indirect_vreg.gather [hbm4b:s25+s3], $0x80, v11, vm0, $0xb8;
	[tilespmem:$0x11800] =	vst v63  }
0x442: {  	s18 =	simm.s32 $0xC800  }
0x443: {  	[tilespmem:s18], [sflag:$0x2] =	stream.indirect_vreg.gather [hbm4b:s1+s3], $0x80, v10, vm0, $0xb8;
	[tilespmem:$0x11800] =	vst v63  }
0x444: {  	s19 =	simm.s32 $0xD000  }
0x445: {  	[tilespmem:s19], [sflag:$0x2] =	stream.indirect_vreg.gather [hbm4b:s25+s3], $0x80, v10, vm0, $0xb8;
	[tilespmem:$0x11800] =	vst v63  }
0x446: {  	v10 =	vld [tilespmem:$0x15A0];
	_ =	sdelay $0x4  }
0x447: {  	v55 =	vshll.u32 v10, $0x2  }
0x448: {  	v10 =	vand.u32 $0x7, v10;
	v11 =	vand.u32 $0xFFFFFFE0, v55  }
0x449: {  	v10 =	vor.u32 v10, v11  }
0x44a: {  	v11 =	vperm.xlane v10, v5;
	_ =	sdelay $0x1  }
0x44b: {  	v11 =	vadd.s32 v6, v11;
	_ =	sdelay $0x1  }
0x44c: {  	v10 =	vperm.xlane v10, v7;
	_ =	sdelay $0x1  }
0x44d: {  	s20 =	simm.s32 $0xD800;
	v10 =	vadd.s32 v6, v10  }
0x44e: {  	[tilespmem:s20], [sflag:$0x2] =	stream.indirect_vreg.gather [hbm4b:s1+s3], $0x80, v11, vm0, $0xb8;
	[tilespmem:$0x11800] =	vst v63  }
0x44f: {  	s23 =	simm.s32 $0xE000  }
0x450: {  	[tilespmem:s23], [sflag:$0x2] =	stream.indirect_vreg.gather [hbm4b:s25+s3], $0x80, v11, vm0, $0xb8;
	[tilespmem:$0x11800] =	vst v63  }
0x451: {  	s19 =	simm.s32 $0xE800  }
0x452: {  	[tilespmem:s19], [sflag:$0x2] =	stream.indirect_vreg.gather [hbm4b:s1+s3], $0x80, v10, vm0, $0xb8;
	[tilespmem:$0x11800] =	vst v63  }
0x453: {  	s20 =	simm.s32 $0xF000  }
0x454: {  	[tilespmem:s20], [sflag:$0x2] =	stream.indirect_vreg.gather [hbm4b:s25+s3], $0x80, v10, vm0, $0xb8;
	[tilespmem:$0x11800] =	vst v63  }
0x455: {  	v10 =	vld [tilespmem:$0x15B0];
	_ =	sdelay $0x4  }
0x456: {  	v56 =	vshll.u32 v10, $0x2  }
0x457: {  	v10 =	vand.u32 $0x7, v10;
	v11 =	vand.u32 $0xFFFFFFE0, v56  }
0x458: {  	v10 =	vor.u32 v10, v11  }
0x459: {  	v11 =	vperm.xlane v10, v5;
	_ =	sdelay $0x1  }
0x45a: {  	v11 =	vadd.s32 v6, v11;
	_ =	sdelay $0x1  }
0x45b: {  	v10 =	vperm.xlane v10, v7;
	_ =	sdelay $0x1  }
0x45c: {  	s21 =	simm.s32 $0xF800;
	v10 =	vadd.s32 v6, v10  }
0x45d: {  	[tilespmem:s21], [sflag:$0x2] =	stream.indirect_vreg.gather [hbm4b:s1+s3], $0x80, v11, vm0, $0xb8;
	[tilespmem:$0x11800] =	vst v63  }
0x45e: {  	s23 =	simm.s32 $0x10000  }
0x45f: {  	[tilespmem:s23], [sflag:$0x2] =	stream.indirect_vreg.gather [hbm4b:s25+s3], $0x80, v11, vm0, $0xb8;
	[tilespmem:$0x11800] =	vst v63  }
0x460: {  	s19 =	simm.s32 $0x10800  }
0x461: {  	[tilespmem:s19], [sflag:$0x2] =	stream.indirect_vreg.gather [hbm4b:s1+s3], $0x80, v10, vm0, $0xb8;
	[tilespmem:$0x11800] =	vst v63  }
0x462: {  	s22 =	simm.s32 $0x11000  }
0x463: {  	[tilespmem:s22], [sflag:$0x2] =	stream.indirect_vreg.gather [hbm4b:s25+s3], $0x80, v10, vm0, $0xb8;
	[tilespmem:$0x11800] =	vst v63  }
0x464: {  	_ =	swait.ge [sflag:s4], $0x8000  }
0x465: {  	[sflag:s4] =	ssyncset.done $0x0  }
0x466: {  	s20 =	rddreg [dreg:$0x10];
	[sflag:s4] =	ssyncadd.s32 $0xFFFF8000  }
0x467: {  	[hbm4b:s20+s3] =	stream.linear.scatter [tilespmem:s2], [sflag:$0x3], $0x8000, $0x38;
	[tilespmem:$0x11800] =	vst v63  }
0x468: {  	_ =	swait.ge [sflag:s9], $0x8000  }
0x469: {  	[sflag:s9] =	ssyncset.done $0x0  }
0x46a: {  	[sflag:s9] =	ssyncadd.s32 $0xFFFF8000  }
0x46b: {  	v57 =	vld [tilespmem:s7+$0xB00];
	_ =	sdelay $0x4  }
0x46c: {  	(xrf0) =	vadd.scan.msk.s32 $0xffff, v57;
	_ =	sdelay $0x3  }
0x46d: {  	v9 =	vperm.xlane v52, v4;
	_ =	sdelay $0x1  }
0x46e: {  	v8 =	vadd.s32 v8, v9;
	v58, _, _ =	vpop (xrf0)  }
0x46f: {  	v59 =	vadd.s32 v58, v8  }
0x470: {  	v10 =	vadd.s32 $0xFFFFFFFF, v59  }
0x471: {  	v60 =	vadd.s32 v0, v10  }
0x472: {  	[tilespmem:$0x1600] =	vst v60  }
0x473: {  	v61 =	vld [tilespmem:s7+$0xB10];
	_ =	sdelay $0x4  }
0x474: {  	(xrf0) =	vadd.scan.msk.s32 $0xffff, v61;
	_ =	sdelay $0x2  }
0x475: {  	v9 =	vperm.xlane v58, v4;
	_ =	sdelay $0x1  }
0x476: {  	v8 =	vadd.s32 v8, v9  }
0x477: {  	v63 =	vadd.s32 v8, v1;
	v62, _, _ =	vpop (xrf0)  }
0x478: {  	v12 =	vadd.s32 v62, v63  }
0x479: {  	[tilespmem:$0x1610] =	vst v12  }
0x47a: {  	v12 =	vld [tilespmem:s7+$0xB20];
	_ =	sdelay $0x4  }
0x47b: {  	(xrf0) =	vadd.scan.msk.s32 $0xffff, v12;
	_ =	sdelay $0x2  }
0x47c: {  	v9 =	vperm.xlane v62, v4;
	_ =	sdelay $0x1  }
0x47d: {  	v8 =	vadd.s32 v8, v9  }
0x47e: {  	v17 =	vadd.s32 v8, v1;
	v16, _, _ =	vpop (xrf0)  }
0x47f: {  	v12 =	vadd.s32 v16, v17  }
0x480: {  	[tilespmem:$0x1620] =	vst v12  }
0x481: {  	v12 =	vld [tilespmem:s7+$0xB30];
	_ =	sdelay $0x3  }
0x482: {  	v11 =	vshll.u32 v60, $0x2  }
0x483: {  	v10 =	vand.u32 $0x7, v10;
	v11 =	vand.u32 $0xFFFFFFE0, v11;
	(xrf0) =	vadd.scan.msk.s32 $0xffff, v12  }
0x484: {  	v10 =	vor.u32 v10, v11  }
0x485: {  	v11 =	vperm.xlane v10, v5  }
0x486: {  	v9 =	vperm.xlane v16, v4  }
0x487: {  	v11 =	vadd.s32 v6, v11  }
0x488: {  	v8 =	vadd.s32 v8, v9  }
0x489: {  	v10 =	vperm.xlane v10, v7;
	v19 =	vadd.s32 v8, v1;
	v18, _, _ =	vpop (xrf0)  }
0x48a: {  	v12 =	vadd.s32 v18, v19  }
0x48b: {  	v10 =	vadd.s32 v6, v10;
	[tilespmem:$0x1630] =	vst v12  }
0x48c: {  	[tilespmem:s2], [sflag:$0x1] =	stream.indirect_vreg.gather [hbm4b:s1+s3], $0x80, v11, vm0, $0xb8;
	[tilespmem:$0x11800] =	vst v63  }
0x48d: {  	s21 =	simm.s32 $0x2000  }
0x48e: {  	[tilespmem:s21], [sflag:$0x1] =	stream.indirect_vreg.gather [hbm4b:s25+s3], $0x80, v11, vm0, $0xb8;
	[tilespmem:$0x11800] =	vst v63  }
0x48f: {  	s22 =	simm.s32 $0x2800  }
0x490: {  	[tilespmem:s22], [sflag:$0x1] =	stream.indirect_vreg.gather [hbm4b:s1+s3], $0x80, v10, vm0, $0xb8;
	[tilespmem:$0x11800] =	vst v63  }
0x491: {  	s23 =	simm.s32 $0x3000  }
0x492: {  	[tilespmem:s23], [sflag:$0x1] =	stream.indirect_vreg.gather [hbm4b:s25+s3], $0x80, v10, vm0, $0xb8;
	[tilespmem:$0x11800] =	vst v63  }
0x493: {  	v10 =	vld [tilespmem:$0x1610];
	_ =	sdelay $0x4  }
0x494: {  	v20 =	vshll.u32 v10, $0x2  }
0x495: {  	v10 =	vand.u32 $0x7, v10;
	v11 =	vand.u32 $0xFFFFFFE0, v20  }
0x496: {  	v10 =	vor.u32 v10, v11  }
0x497: {  	v11 =	vperm.xlane v10, v5;
	_ =	sdelay $0x1  }
0x498: {  	v11 =	vadd.s32 v6, v11;
	_ =	sdelay $0x1  }
0x499: {  	v10 =	vperm.xlane v10, v7;
	_ =	sdelay $0x1  }
0x49a: {  	s14 =	simm.s32 $0x3800;
	v10 =	vadd.s32 v6, v10  }
0x49b: {  	[tilespmem:s14], [sflag:$0x1] =	stream.indirect_vreg.gather [hbm4b:s1+s3], $0x80, v11, vm0, $0xb8;
	[tilespmem:$0x11800] =	vst v63  }
0x49c: {  	s15 =	simm.s32 $0x4000  }
0x49d: {  	[tilespmem:s15], [sflag:$0x1] =	stream.indirect_vreg.gather [hbm4b:s25+s3], $0x80, v11, vm0, $0xb8;
	[tilespmem:$0x11800] =	vst v63  }
0x49e: {  	s16 =	simm.s32 $0x4800  }
0x49f: {  	[tilespmem:s16], [sflag:$0x1] =	stream.indirect_vreg.gather [hbm4b:s1+s3], $0x80, v10, vm0, $0xb8;
	[tilespmem:$0x11800] =	vst v63  }
0x4a0: {  	s28 =	simm.s32 $0x5000  }
0x4a1: {  	[tilespmem:s28], [sflag:$0x1] =	stream.indirect_vreg.gather [hbm4b:s25+s3], $0x80, v10, vm0, $0xb8;
	[tilespmem:$0x11800] =	vst v63  }
0x4a2: {  	v10 =	vld [tilespmem:$0x1620];
	_ =	sdelay $0x4  }
0x4a3: {  	v21 =	vshll.u32 v10, $0x2  }
0x4a4: {  	v10 =	vand.u32 $0x7, v10;
	v11 =	vand.u32 $0xFFFFFFE0, v21  }
0x4a5: {  	v10 =	vor.u32 v10, v11  }
0x4a6: {  	v11 =	vperm.xlane v10, v5;
	_ =	sdelay $0x1  }
0x4a7: {  	v11 =	vadd.s32 v6, v11;
	_ =	sdelay $0x1  }
0x4a8: {  	v10 =	vperm.xlane v10, v7;
	_ =	sdelay $0x1  }
0x4a9: {  	s24 =	simm.s32 $0x5800;
	v10 =	vadd.s32 v6, v10  }
0x4aa: {  	[tilespmem:s24], [sflag:$0x1] =	stream.indirect_vreg.gather [hbm4b:s1+s3], $0x80, v11, vm0, $0xb8;
	[tilespmem:$0x11800] =	vst v63  }
0x4ab: {  	s26 =	simm.s32 $0x6000  }
0x4ac: {  	[tilespmem:s26], [sflag:$0x1] =	stream.indirect_vreg.gather [hbm4b:s25+s3], $0x80, v11, vm0, $0xb8;
	[tilespmem:$0x11800] =	vst v63  }
0x4ad: {  	s0 =	simm.s32 $0x6800  }
0x4ae: {  	[tilespmem:s0], [sflag:$0x1] =	stream.indirect_vreg.gather [hbm4b:s1+s3], $0x80, v10, vm0, $0xb8;
	[tilespmem:$0x11800] =	vst v63  }
0x4af: {  	s29 =	simm.s32 $0x7000  }
0x4b0: {  	[tilespmem:s29], [sflag:$0x1] =	stream.indirect_vreg.gather [hbm4b:s25+s3], $0x80, v10, vm0, $0xb8;
	[tilespmem:$0x11800] =	vst v63  }
0x4b1: {  	v10 =	vld [tilespmem:$0x1630];
	_ =	sdelay $0x4  }
0x4b2: {  	v22 =	vshll.u32 v10, $0x2  }
0x4b3: {  	v10 =	vand.u32 $0x7, v10;
	v11 =	vand.u32 $0xFFFFFFE0, v22  }
0x4b4: {  	v10 =	vor.u32 v10, v11  }
0x4b5: {  	v11 =	vperm.xlane v10, v5;
	_ =	sdelay $0x1  }
0x4b6: {  	v11 =	vadd.s32 v6, v11;
	_ =	sdelay $0x1  }
0x4b7: {  	v10 =	vperm.xlane v10, v7;
	_ =	sdelay $0x1  }
0x4b8: {  	s17 =	simm.s32 $0x7800;
	v10 =	vadd.s32 v6, v10  }
0x4b9: {  	[tilespmem:s17], [sflag:$0x1] =	stream.indirect_vreg.gather [hbm4b:s1+s3], $0x80, v11, vm0, $0xb8;
	[tilespmem:$0x11800] =	vst v63  }
0x4ba: {  	s5 =	simm.s32 $0x8000  }
0x4bb: {  	[tilespmem:s5], [sflag:$0x1] =	stream.indirect_vreg.gather [hbm4b:s25+s3], $0x80, v11, vm0, $0xb8;
	[tilespmem:$0x11800] =	vst v63  }
0x4bc: {  	s6 =	simm.s32 $0x8800  }
0x4bd: {  	[tilespmem:s6], [sflag:$0x1] =	stream.indirect_vreg.gather [hbm4b:s1+s3], $0x80, v10, vm0, $0xb8;
	[tilespmem:$0x11800] =	vst v63  }
0x4be: {  	s8 =	simm.s32 $0x9000  }
0x4bf: {  	[tilespmem:s8], [sflag:$0x1] =	stream.indirect_vreg.gather [hbm4b:s25+s3], $0x80, v10, vm0, $0xb8;
	[tilespmem:$0x11800] =	vst v63  }
0x4c0: {  	_ =	swait.ge [sflag:s10], $0x8000  }
0x4c1: {  	[sflag:s10] =	ssyncset.done $0x0  }
0x4c2: {  	s6 =	rddreg [dreg:$0x11];
	[sflag:s10] =	ssyncadd.s32 $0xFFFF8000  }
0x4c3: {  	[hbm4b:s6+s3] =	stream.linear.scatter [tilespmem:s12], [sflag:$0x4], $0x8000, $0x38;
	[tilespmem:$0x11800] =	vst v63  }
0x4c4: {  	_ =	swait.ge [sflag:s11], $0x8000  }
0x4c5: {  	[sflag:s11] =	ssyncset.done $0x0  }
0x4c6: {  	[sflag:s11] =	ssyncadd.s32 $0xFFFF8000  }
0x4c7: {  	v23 =	vld [tilespmem:s7+$0xB40];
	_ =	sdelay $0x4  }
0x4c8: {  	(xrf0) =	vadd.scan.msk.s32 $0xffff, v23;
	_ =	sdelay $0x3  }
0x4c9: {  	v9 =	vperm.xlane v18, v4;
	_ =	sdelay $0x1  }
0x4ca: {  	v8 =	vadd.s32 v8, v9;
	v24, _, _ =	vpop (xrf0)  }
0x4cb: {  	v25 =	vadd.s32 v24, v8  }
0x4cc: {  	v10 =	vadd.s32 $0xFFFFFFFF, v25  }
0x4cd: {  	v26 =	vadd.s32 v0, v10  }
0x4ce: {  	[tilespmem:$0x1680] =	vst v26  }
0x4cf: {  	v27 =	vld [tilespmem:s7+$0xB50];
	_ =	sdelay $0x4  }
0x4d0: {  	(xrf0) =	vadd.scan.msk.s32 $0xffff, v27;
	_ =	sdelay $0x2  }
0x4d1: {  	v9 =	vperm.xlane v24, v4;
	_ =	sdelay $0x1  }
0x4d2: {  	v8 =	vadd.s32 v8, v9  }
0x4d3: {  	v29 =	vadd.s32 v8, v1;
	v28, _, _ =	vpop (xrf0)  }
0x4d4: {  	v12 =	vadd.s32 v28, v29  }
0x4d5: {  	[tilespmem:$0x1690] =	vst v12  }
0x4d6: {  	v12 =	vld [tilespmem:s7+$0xB60];
	_ =	sdelay $0x4  }
0x4d7: {  	(xrf0) =	vadd.scan.msk.s32 $0xffff, v12;
	_ =	sdelay $0x2  }
0x4d8: {  	v9 =	vperm.xlane v28, v4;
	_ =	sdelay $0x1  }
0x4d9: {  	v8 =	vadd.s32 v8, v9  }
0x4da: {  	v31 =	vadd.s32 v8, v1;
	v30, _, _ =	vpop (xrf0)  }
0x4db: {  	v12 =	vadd.s32 v30, v31  }
0x4dc: {  	[tilespmem:$0x16A0] =	vst v12  }
0x4dd: {  	v12 =	vld [tilespmem:s7+$0xB70];
	_ =	sdelay $0x3  }
0x4de: {  	v11 =	vshll.u32 v26, $0x2  }
0x4df: {  	v10 =	vand.u32 $0x7, v10;
	v11 =	vand.u32 $0xFFFFFFE0, v11;
	(xrf0) =	vadd.scan.msk.s32 $0xffff, v12  }
0x4e0: {  	v10 =	vor.u32 v10, v11  }
0x4e1: {  	v11 =	vperm.xlane v10, v5  }
0x4e2: {  	v9 =	vperm.xlane v30, v4  }
0x4e3: {  	v11 =	vadd.s32 v6, v11  }
0x4e4: {  	v8 =	vadd.s32 v8, v9  }
0x4e5: {  	v10 =	vperm.xlane v10, v7;
	v33 =	vadd.s32 v8, v1;
	v32, _, _ =	vpop (xrf0)  }
0x4e6: {  	v12 =	vadd.s32 v32, v33  }
0x4e7: {  	v10 =	vadd.s32 v6, v10;
	[tilespmem:$0x16B0] =	vst v12  }
0x4e8: {  	[tilespmem:s12], [sflag:$0x2] =	stream.indirect_vreg.gather [hbm4b:s1+s3], $0x80, v11, vm0, $0xb8;
	[tilespmem:$0x11800] =	vst v63  }
0x4e9: {  	s8 =	simm.s32 $0xA000  }
0x4ea: {  	[tilespmem:s8], [sflag:$0x2] =	stream.indirect_vreg.gather [hbm4b:s25+s3], $0x80, v11, vm0, $0xb8;
	[tilespmem:$0x11800] =	vst v63  }
0x4eb: {  	s31 =	simm.s32 $0xA800  }
0x4ec: {  	[tilespmem:s31], [sflag:$0x2] =	stream.indirect_vreg.gather [hbm4b:s1+s3], $0x80, v10, vm0, $0xb8;
	[tilespmem:$0x11800] =	vst v63  }
0x4ed: {  	s13 =	simm.s32 $0xB000  }
0x4ee: {  	[tilespmem:s13], [sflag:$0x2] =	stream.indirect_vreg.gather [hbm4b:s25+s3], $0x80, v10, vm0, $0xb8;
	[tilespmem:$0x11800] =	vst v63  }
0x4ef: {  	v10 =	vld [tilespmem:$0x1690];
	_ =	sdelay $0x4  }
0x4f0: {  	v34 =	vshll.u32 v10, $0x2  }
0x4f1: {  	v10 =	vand.u32 $0x7, v10;
	v11 =	vand.u32 $0xFFFFFFE0, v34  }
0x4f2: {  	v10 =	vor.u32 v10, v11  }
0x4f3: {  	v11 =	vperm.xlane v10, v5;
	_ =	sdelay $0x1  }
0x4f4: {  	v11 =	vadd.s32 v6, v11;
	_ =	sdelay $0x1  }
0x4f5: {  	v10 =	vperm.xlane v10, v7;
	_ =	sdelay $0x1  }
0x4f6: {  	s14 =	simm.s32 $0xB800;
	v10 =	vadd.s32 v6, v10  }
0x4f7: {  	[tilespmem:s14], [sflag:$0x2] =	stream.indirect_vreg.gather [hbm4b:s1+s3], $0x80, v11, vm0, $0xb8;
	[tilespmem:$0x11800] =	vst v63  }
0x4f8: {  	s15 =	simm.s32 $0xC000  }
0x4f9: {  	[tilespmem:s15], [sflag:$0x2] =	stream.indirect_vreg.gather [hbm4b:s25+s3], $0x80, v11, vm0, $0xb8;
	[tilespmem:$0x11800] =	vst v63  }
0x4fa: {  	s16 =	simm.s32 $0xC800  }
0x4fb: {  	[tilespmem:s16], [sflag:$0x2] =	stream.indirect_vreg.gather [hbm4b:s1+s3], $0x80, v10, vm0, $0xb8;
	[tilespmem:$0x11800] =	vst v63  }
0x4fc: {  	s18 =	simm.s32 $0xD000  }
0x4fd: {  	[tilespmem:s18], [sflag:$0x2] =	stream.indirect_vreg.gather [hbm4b:s25+s3], $0x80, v10, vm0, $0xb8;
	[tilespmem:$0x11800] =	vst v63  }
0x4fe: {  	v10 =	vld [tilespmem:$0x16A0];
	_ =	sdelay $0x4  }
0x4ff: {  	v35 =	vshll.u32 v10, $0x2  }
0x500: {  	v10 =	vand.u32 $0x7, v10;
	v11 =	vand.u32 $0xFFFFFFE0, v35  }
0x501: {  	v10 =	vor.u32 v10, v11  }
0x502: {  	v11 =	vperm.xlane v10, v5;
	_ =	sdelay $0x1  }
0x503: {  	v11 =	vadd.s32 v6, v11;
	_ =	sdelay $0x1  }
0x504: {  	v10 =	vperm.xlane v10, v7;
	_ =	sdelay $0x1  }
0x505: {  	s17 =	simm.s32 $0xD800;
	v10 =	vadd.s32 v6, v10  }
0x506: {  	[tilespmem:s17], [sflag:$0x2] =	stream.indirect_vreg.gather [hbm4b:s1+s3], $0x80, v11, vm0, $0xb8;
	[tilespmem:$0x11800] =	vst v63  }
0x507: {  	s18 =	simm.s32 $0xE000  }
0x508: {  	[tilespmem:s18], [sflag:$0x2] =	stream.indirect_vreg.gather [hbm4b:s25+s3], $0x80, v11, vm0, $0xb8;
	[tilespmem:$0x11800] =	vst v63  }
0x509: {  	s20 =	simm.s32 $0xE800  }
0x50a: {  	[tilespmem:s20], [sflag:$0x2] =	stream.indirect_vreg.gather [hbm4b:s1+s3], $0x80, v10, vm0, $0xb8;
	[tilespmem:$0x11800] =	vst v63  }
0x50b: {  	s21 =	simm.s32 $0xF000  }
0x50c: {  	[tilespmem:s21], [sflag:$0x2] =	stream.indirect_vreg.gather [hbm4b:s25+s3], $0x80, v10, vm0, $0xb8;
	[tilespmem:$0x11800] =	vst v63  }
0x50d: {  	v10 =	vld [tilespmem:$0x16B0];
	_ =	sdelay $0x4  }
0x50e: {  	v36 =	vshll.u32 v10, $0x2  }
0x50f: {  	v10 =	vand.u32 $0x7, v10;
	v11 =	vand.u32 $0xFFFFFFE0, v36  }
0x510: {  	v10 =	vor.u32 v10, v11  }
0x511: {  	v11 =	vperm.xlane v10, v5;
	_ =	sdelay $0x1  }
0x512: {  	v11 =	vadd.s32 v6, v11;
	_ =	sdelay $0x1  }
0x513: {  	v10 =	vperm.xlane v10, v7;
	_ =	sdelay $0x1  }
0x514: {  	s16 =	simm.s32 $0xF800;
	v10 =	vadd.s32 v6, v10  }
0x515: {  	[tilespmem:s16], [sflag:$0x2] =	stream.indirect_vreg.gather [hbm4b:s1+s3], $0x80, v11, vm0, $0xb8;
	[tilespmem:$0x11800] =	vst v63  }
0x516: {  	s17 =	simm.s32 $0x10000  }
0x517: {  	[tilespmem:s17], [sflag:$0x2] =	stream.indirect_vreg.gather [hbm4b:s25+s3], $0x80, v11, vm0, $0xb8;
	[tilespmem:$0x11800] =	vst v63  }
0x518: {  	s18 =	simm.s32 $0x10800  }
0x519: {  	[tilespmem:s18], [sflag:$0x2] =	stream.indirect_vreg.gather [hbm4b:s1+s3], $0x80, v10, vm0, $0xb8;
	[tilespmem:$0x11800] =	vst v63  }
0x51a: {  	s21 =	simm.s32 $0x11000  }
0x51b: {  	[tilespmem:s21], [sflag:$0x2] =	stream.indirect_vreg.gather [hbm4b:s25+s3], $0x80, v10, vm0, $0xb8;
	[tilespmem:$0x11800] =	vst v63  }
0x51c: {  	_ =	swait.ge [sflag:s4], $0x8000  }
0x51d: {  	[sflag:s4] =	ssyncset.done $0x0  }
0x51e: {  	s13 =	rddreg [dreg:$0x12];
	[sflag:s4] =	ssyncadd.s32 $0xFFFF8000  }
0x51f: {  	[hbm4b:s13+s3] =	stream.linear.scatter [tilespmem:s2], [sflag:$0x3], $0x8000, $0x38;
	[tilespmem:$0x11800] =	vst v63  }
0x520: {  	_ =	swait.ge [sflag:s9], $0x8000  }
0x521: {  	[sflag:s9] =	ssyncset.done $0x0  }
0x522: {  	[sflag:s9] =	ssyncadd.s32 $0xFFFF8000  }
0x523: {  	v37 =	vld [tilespmem:s7+$0xB80];
	_ =	sdelay $0x4  }
0x524: {  	(xrf0) =	vadd.scan.msk.s32 $0xffff, v37;
	_ =	sdelay $0x3  }
0x525: {  	v9 =	vperm.xlane v32, v4;
	_ =	sdelay $0x1  }
0x526: {  	v8 =	vadd.s32 v8, v9;
	v38, _, _ =	vpop (xrf0)  }
0x527: {  	v39 =	vadd.s32 v38, v8  }
0x528: {  	v10 =	vadd.s32 $0xFFFFFFFF, v39  }
0x529: {  	v40 =	vadd.s32 v0, v10  }
0x52a: {  	[tilespmem:$0x1700] =	vst v40  }
0x52b: {  	v41 =	vld [tilespmem:s7+$0xB90];
	_ =	sdelay $0x4  }
0x52c: {  	(xrf0) =	vadd.scan.msk.s32 $0xffff, v41;
	_ =	sdelay $0x2  }
0x52d: {  	v9 =	vperm.xlane v38, v4;
	_ =	sdelay $0x1  }
0x52e: {  	v8 =	vadd.s32 v8, v9  }
0x52f: {  	v43 =	vadd.s32 v8, v1;
	v42, _, _ =	vpop (xrf0)  }
0x530: {  	v12 =	vadd.s32 v42, v43  }
0x531: {  	[tilespmem:$0x1710] =	vst v12  }
0x532: {  	v12 =	vld [tilespmem:s7+$0xBA0];
	_ =	sdelay $0x4  }
0x533: {  	(xrf0) =	vadd.scan.msk.s32 $0xffff, v12;
	_ =	sdelay $0x2  }
0x534: {  	v9 =	vperm.xlane v42, v4;
	_ =	sdelay $0x1  }
0x535: {  	v8 =	vadd.s32 v8, v9  }
0x536: {  	v45 =	vadd.s32 v8, v1;
	v44, _, _ =	vpop (xrf0)  }
0x537: {  	v12 =	vadd.s32 v44, v45  }
0x538: {  	[tilespmem:$0x1720] =	vst v12  }
0x539: {  	v12 =	vld [tilespmem:s7+$0xBB0];
	_ =	sdelay $0x3  }
0x53a: {  	v11 =	vshll.u32 v40, $0x2  }
0x53b: {  	v10 =	vand.u32 $0x7, v10;
	v11 =	vand.u32 $0xFFFFFFE0, v11;
	(xrf0) =	vadd.scan.msk.s32 $0xffff, v12  }
0x53c: {  	v10 =	vor.u32 v10, v11  }
0x53d: {  	v11 =	vperm.xlane v10, v5  }
0x53e: {  	v9 =	vperm.xlane v44, v4  }
0x53f: {  	v11 =	vadd.s32 v6, v11  }
0x540: {  	v8 =	vadd.s32 v8, v9  }
0x541: {  	v10 =	vperm.xlane v10, v7;
	v47 =	vadd.s32 v8, v1;
	v46, _, _ =	vpop (xrf0)  }
0x542: {  	v12 =	vadd.s32 v46, v47  }
0x543: {  	v10 =	vadd.s32 v6, v10;
	[tilespmem:$0x1730] =	vst v12  }
0x544: {  	[tilespmem:s2], [sflag:$0x1] =	stream.indirect_vreg.gather [hbm4b:s1+s3], $0x80, v11, vm0, $0xb8;
	[tilespmem:$0x11800] =	vst v63  }
0x545: {  	s13 =	simm.s32 $0x2000  }
0x546: {  	[tilespmem:s13], [sflag:$0x1] =	stream.indirect_vreg.gather [hbm4b:s25+s3], $0x80, v11, vm0, $0xb8;
	[tilespmem:$0x11800] =	vst v63  }
0x547: {  	s13 =	simm.s32 $0x2800  }
0x548: {  	[tilespmem:s13], [sflag:$0x1] =	stream.indirect_vreg.gather [hbm4b:s1+s3], $0x80, v10, vm0, $0xb8;
	[tilespmem:$0x11800] =	vst v63  }
0x549: {  	s13 =	simm.s32 $0x3000  }
0x54a: {  	[tilespmem:s13], [sflag:$0x1] =	stream.indirect_vreg.gather [hbm4b:s25+s3], $0x80, v10, vm0, $0xb8;
	[tilespmem:$0x11800] =	vst v63  }
0x54b: {  	v10 =	vld [tilespmem:$0x1710];
	_ =	sdelay $0x4  }
0x54c: {  	v48 =	vshll.u32 v10, $0x2  }
0x54d: {  	v10 =	vand.u32 $0x7, v10;
	v11 =	vand.u32 $0xFFFFFFE0, v48  }
0x54e: {  	v10 =	vor.u32 v10, v11  }
0x54f: {  	v11 =	vperm.xlane v10, v5;
	_ =	sdelay $0x1  }
0x550: {  	v11 =	vadd.s32 v6, v11;
	_ =	sdelay $0x1  }
0x551: {  	v10 =	vperm.xlane v10, v7;
	_ =	sdelay $0x1  }
0x552: {  	s13 =	simm.s32 $0x3800;
	v10 =	vadd.s32 v6, v10  }
0x553: {  	[tilespmem:s13], [sflag:$0x1] =	stream.indirect_vreg.gather [hbm4b:s1+s3], $0x80, v11, vm0, $0xb8;
	[tilespmem:$0x11800] =	vst v63  }
0x554: {  	s13 =	simm.s32 $0x4000  }
0x555: {  	[tilespmem:s13], [sflag:$0x1] =	stream.indirect_vreg.gather [hbm4b:s25+s3], $0x80, v11, vm0, $0xb8;
	[tilespmem:$0x11800] =	vst v63  }
0x556: {  	s13 =	simm.s32 $0x4800  }
0x557: {  	[tilespmem:s13], [sflag:$0x1] =	stream.indirect_vreg.gather [hbm4b:s1+s3], $0x80, v10, vm0, $0xb8;
	[tilespmem:$0x11800] =	vst v63  }
0x558: {  	s13 =	simm.s32 $0x5000  }
0x559: {  	[tilespmem:s13], [sflag:$0x1] =	stream.indirect_vreg.gather [hbm4b:s25+s3], $0x80, v10, vm0, $0xb8;
	[tilespmem:$0x11800] =	vst v63  }
0x55a: {  	v10 =	vld [tilespmem:$0x1720];
	_ =	sdelay $0x4  }
0x55b: {  	v49 =	vshll.u32 v10, $0x2  }
0x55c: {  	v10 =	vand.u32 $0x7, v10;
	v11 =	vand.u32 $0xFFFFFFE0, v49  }
0x55d: {  	v10 =	vor.u32 v10, v11  }
0x55e: {  	v11 =	vperm.xlane v10, v5;
	_ =	sdelay $0x1  }
0x55f: {  	v11 =	vadd.s32 v6, v11;
	_ =	sdelay $0x1  }
0x560: {  	v10 =	vperm.xlane v10, v7;
	_ =	sdelay $0x1  }
0x561: {  	s13 =	simm.s32 $0x5800;
	v10 =	vadd.s32 v6, v10  }
0x562: {  	[tilespmem:s13], [sflag:$0x1] =	stream.indirect_vreg.gather [hbm4b:s1+s3], $0x80, v11, vm0, $0xb8;
	[tilespmem:$0x11800] =	vst v63  }
0x563: {  	s24 =	simm.s32 $0x6000  }
0x564: {  	[tilespmem:s24], [sflag:$0x1] =	stream.indirect_vreg.gather [hbm4b:s25+s3], $0x80, v11, vm0, $0xb8;
	[tilespmem:$0x11800] =	vst v63  }
0x565: {  	s26 =	simm.s32 $0x6800  }
0x566: {  	[tilespmem:s26], [sflag:$0x1] =	stream.indirect_vreg.gather [hbm4b:s1+s3], $0x80, v10, vm0, $0xb8;
	[tilespmem:$0x11800] =	vst v63  }
0x567: {  	s28 =	simm.s32 $0x7000  }
0x568: {  	[tilespmem:s28], [sflag:$0x1] =	stream.indirect_vreg.gather [hbm4b:s25+s3], $0x80, v10, vm0, $0xb8;
	[tilespmem:$0x11800] =	vst v63  }
0x569: {  	v10 =	vld [tilespmem:$0x1730];
	_ =	sdelay $0x4  }
0x56a: {  	v50 =	vshll.u32 v10, $0x2  }
0x56b: {  	v10 =	vand.u32 $0x7, v10;
	v11 =	vand.u32 $0xFFFFFFE0, v50  }
0x56c: {  	v10 =	vor.u32 v10, v11  }
0x56d: {  	v11 =	vperm.xlane v10, v5;
	_ =	sdelay $0x1  }
0x56e: {  	v11 =	vadd.s32 v6, v11;
	_ =	sdelay $0x1  }
0x56f: {  	v10 =	vperm.xlane v10, v7;
	_ =	sdelay $0x1  }
0x570: {  	s23 =	simm.s32 $0x7800;
	v10 =	vadd.s32 v6, v10  }
0x571: {  	[tilespmem:s23], [sflag:$0x1] =	stream.indirect_vreg.gather [hbm4b:s1+s3], $0x80, v11, vm0, $0xb8;
	[tilespmem:$0x11800] =	vst v63  }
0x572: {  	s26 =	simm.s32 $0x8000  }
0x573: {  	[tilespmem:s26], [sflag:$0x1] =	stream.indirect_vreg.gather [hbm4b:s25+s3], $0x80, v11, vm0, $0xb8;
	[tilespmem:$0x11800] =	vst v63  }
0x574: {  	s28 =	simm.s32 $0x8800  }
0x575: {  	[tilespmem:s28], [sflag:$0x1] =	stream.indirect_vreg.gather [hbm4b:s1+s3], $0x80, v10, vm0, $0xb8;
	[tilespmem:$0x11800] =	vst v63  }
0x576: {  	s23 =	simm.s32 $0x9000  }
0x577: {  	[tilespmem:s23], [sflag:$0x1] =	stream.indirect_vreg.gather [hbm4b:s25+s3], $0x80, v10, vm0, $0xb8;
	[tilespmem:$0x11800] =	vst v63  }
0x578: {  	_ =	swait.ge [sflag:s10], $0x8000  }
0x579: {  	[sflag:s10] =	ssyncset.done $0x0  }
0x57a: {  	s24 =	rddreg [dreg:$0x13];
	[sflag:s10] =	ssyncadd.s32 $0xFFFF8000  }
0x57b: {  	[hbm4b:s24+s3] =	stream.linear.scatter [tilespmem:s12], [sflag:$0x4], $0x8000, $0x38;
	[tilespmem:$0x11800] =	vst v63  }
0x57c: {  	_ =	swait.ge [sflag:s11], $0x8000  }
0x57d: {  	[sflag:s11] =	ssyncset.done $0x0  }
0x57e: {  	[sflag:s11] =	ssyncadd.s32 $0xFFFF8000  }
0x57f: {  	v51 =	vld [tilespmem:s7+$0xBC0];
	_ =	sdelay $0x4  }
0x580: {  	(xrf0) =	vadd.scan.msk.s32 $0xffff, v51;
	_ =	sdelay $0x3  }
0x581: {  	v9 =	vperm.xlane v46, v4;
	_ =	sdelay $0x1  }
0x582: {  	v8 =	vadd.s32 v8, v9;
	v52, _, _ =	vpop (xrf0)  }
0x583: {  	v53 =	vadd.s32 v52, v8  }
0x584: {  	v10 =	vadd.s32 $0xFFFFFFFF, v53  }
0x585: {  	v54 =	vadd.s32 v0, v10  }
0x586: {  	[tilespmem:$0x1780] =	vst v54  }
0x587: {  	v55 =	vld [tilespmem:s7+$0xBD0];
	_ =	sdelay $0x4  }
0x588: {  	(xrf0) =	vadd.scan.msk.s32 $0xffff, v55;
	_ =	sdelay $0x2  }
0x589: {  	v9 =	vperm.xlane v52, v4;
	_ =	sdelay $0x1  }
0x58a: {  	v8 =	vadd.s32 v8, v9  }
0x58b: {  	v57 =	vadd.s32 v8, v1;
	v56, _, _ =	vpop (xrf0)  }
0x58c: {  	v12 =	vadd.s32 v56, v57  }
0x58d: {  	[tilespmem:$0x1790] =	vst v12  }
0x58e: {  	v12 =	vld [tilespmem:s7+$0xBE0];
	_ =	sdelay $0x4  }
0x58f: {  	(xrf0) =	vadd.scan.msk.s32 $0xffff, v12;
	_ =	sdelay $0x2  }
0x590: {  	v9 =	vperm.xlane v56, v4;
	_ =	sdelay $0x1  }
0x591: {  	v8 =	vadd.s32 v8, v9  }
0x592: {  	v8 =	vadd.s32 v8, v1;
	v58, _, _ =	vpop (xrf0)  }
0x593: {  	v59 =	vadd.s32 v58, v8  }
0x594: {  	[tilespmem:$0x17A0] =	vst v59  }
0x595: {  	v12 =	vld [tilespmem:s7+$0xBF0];
	_ =	sdelay $0x3  }
0x596: {  	v11 =	vshll.u32 v54, $0x2  }
0x597: {  	v10 =	vand.u32 $0x7, v10;
	v11 =	vand.u32 $0xFFFFFFE0, v11;
	(xrf0) =	vadd.scan.msk.s32 $0xffff, v12  }
0x598: {  	v10 =	vor.u32 v10, v11  }
0x599: {  	v11 =	vperm.xlane v10, v5;
	_ =	sdelay $0x1  }
0x59a: {  	v11 =	vadd.s32 v6, v11;
	v9 =	vperm.xlane v58, v4;
	_ =	sdelay $0x1  }
0x59b: {  	v60 =	vperm.xlane v10, v7;
	v8 =	vadd.s32 v9, v8;
	v12, _, _ =	vpop (xrf0)  }
0x59c: {  	v8 =	vadd.s32 v12, v8  }
0x59d: {  	[tilespmem:$0x17B0] =	vst v8;
	v8 =	vadd.s32 v6, v60  }
0x59e: {  	[tilespmem:s12], [sflag:$0x2] =	stream.indirect_vreg.gather [hbm4b:s1+s3], $0x80, v11, vm0, $0xb8;
	[tilespmem:$0x11800] =	vst v63  }
0x59f: {  	s0 =	simm.s32 $0xA000  }
0x5a0: {  	[tilespmem:s0], [sflag:$0x2] =	stream.indirect_vreg.gather [hbm4b:s25+s3], $0x80, v11, vm0, $0xb8;
	[tilespmem:$0x11800] =	vst v63  }
0x5a1: {  	s8 =	simm.s32 $0xA800  }
0x5a2: {  	[tilespmem:s8], [sflag:$0x2] =	stream.indirect_vreg.gather [hbm4b:s1+s3], $0x80, v8, vm0, $0xb8;
	[tilespmem:$0x11800] =	vst v63  }
0x5a3: {  	s22 =	simm.s32 $0xB000  }
0x5a4: {  	[tilespmem:s22], [sflag:$0x2] =	stream.indirect_vreg.gather [hbm4b:s25+s3], $0x80, v8, vm0, $0xb8;
	[tilespmem:$0x11800] =	vst v63  }
0x5a5: {  	v8 =	vld [tilespmem:$0x1790];
	_ =	sdelay $0x4  }
0x5a6: {  	v61 =	vshll.u32 v8, $0x2  }
0x5a7: {  	v8 =	vand.u32 $0x7, v8;
	v9 =	vand.u32 $0xFFFFFFE0, v61  }
0x5a8: {  	v8 =	vor.u32 v8, v9  }
0x5a9: {  	v9 =	vperm.xlane v8, v5;
	_ =	sdelay $0x1  }
0x5aa: {  	v9 =	vadd.s32 v6, v9;
	_ =	sdelay $0x1  }
0x5ab: {  	v8 =	vperm.xlane v8, v7;
	_ =	sdelay $0x1  }
0x5ac: {  	s29 =	simm.s32 $0xB800;
	v8 =	vadd.s32 v6, v8  }
0x5ad: {  	[tilespmem:s29], [sflag:$0x2] =	stream.indirect_vreg.gather [hbm4b:s1+s3], $0x80, v9, vm0, $0xb8;
	[tilespmem:$0x11800] =	vst v63  }
0x5ae: {  	s31 =	simm.s32 $0xC000  }
0x5af: {  	[tilespmem:s31], [sflag:$0x2] =	stream.indirect_vreg.gather [hbm4b:s25+s3], $0x80, v9, vm0, $0xb8;
	[tilespmem:$0x11800] =	vst v63  }
0x5b0: {  	s5 =	simm.s32 $0xC800  }
0x5b1: {  	[tilespmem:s5], [sflag:$0x2] =	stream.indirect_vreg.gather [hbm4b:s1+s3], $0x80, v8, vm0, $0xb8;
	[tilespmem:$0x11800] =	vst v63  }
0x5b2: {  	s19 =	simm.s32 $0xD000  }
0x5b3: {  	[tilespmem:s19], [sflag:$0x2] =	stream.indirect_vreg.gather [hbm4b:s25+s3], $0x80, v8, vm0, $0xb8;
	[tilespmem:$0x11800] =	vst v63  }
0x5b4: {  	v8 =	vld [tilespmem:$0x17A0];
	_ =	sdelay $0x4  }
0x5b5: {  	v62 =	vshll.u32 v8, $0x2  }
0x5b6: {  	v8 =	vand.u32 $0x7, v8;
	v9 =	vand.u32 $0xFFFFFFE0, v62  }
0x5b7: {  	v8 =	vor.u32 v8, v9  }
0x5b8: {  	v9 =	vperm.xlane v8, v5;
	_ =	sdelay $0x1  }
0x5b9: {  	v9 =	vadd.s32 v6, v9;
	_ =	sdelay $0x1  }
0x5ba: {  	v8 =	vperm.xlane v8, v7;
	_ =	sdelay $0x1  }
0x5bb: {  	s6 =	simm.s32 $0xD800;
	v8 =	vadd.s32 v6, v8  }
0x5bc: {  	[tilespmem:s6], [sflag:$0x2] =	stream.indirect_vreg.gather [hbm4b:s1+s3], $0x80, v9, vm0, $0xb8;
	[tilespmem:$0x11800] =	vst v63  }
0x5bd: {  	s14 =	simm.s32 $0xE000  }
0x5be: {  	[tilespmem:s14], [sflag:$0x2] =	stream.indirect_vreg.gather [hbm4b:s25+s3], $0x80, v9, vm0, $0xb8;
	[tilespmem:$0x11800] =	vst v63  }
0x5bf: {  	s15 =	simm.s32 $0xE800  }
0x5c0: {  	[tilespmem:s15], [sflag:$0x2] =	stream.indirect_vreg.gather [hbm4b:s1+s3], $0x80, v8, vm0, $0xb8;
	[tilespmem:$0x11800] =	vst v63  }
0x5c1: {  	s20 =	simm.s32 $0xF000  }
0x5c2: {  	[tilespmem:s20], [sflag:$0x2] =	stream.indirect_vreg.gather [hbm4b:s25+s3], $0x80, v8, vm0, $0xb8;
	[tilespmem:$0x11800] =	vst v63  }
0x5c3: {  	v8 =	vld [tilespmem:$0x17B0];
	_ =	sdelay $0x4  }
0x5c4: {  	v63 =	vshll.u32 v8, $0x2  }
0x5c5: {  	v8 =	vand.u32 $0x7, v8;
	v9 =	vand.u32 $0xFFFFFFE0, v63  }
0x5c6: {  	v8 =	vor.u32 v8, v9  }
0x5c7: {  	v9 =	vperm.xlane v8, v5;
	_ =	sdelay $0x1  }
0x5c8: {  	v9 =	vadd.s32 v6, v9;
	_ =	sdelay $0x1  }
0x5c9: {  	v8 =	vperm.xlane v8, v7;
	_ =	sdelay $0x1  }
0x5ca: {  	s16 =	simm.s32 $0xF800;
	v8 =	vadd.s32 v6, v8  }
0x5cb: {  	[tilespmem:s16], [sflag:$0x2] =	stream.indirect_vreg.gather [hbm4b:s1+s3], $0x80, v9, vm0, $0xb8;
	[tilespmem:$0x11800] =	vst v63  }
0x5cc: {  	s17 =	simm.s32 $0x10000  }
0x5cd: {  	[tilespmem:s17], [sflag:$0x2] =	stream.indirect_vreg.gather [hbm4b:s25+s3], $0x80, v9, vm0, $0xb8;
	[tilespmem:$0x11800] =	vst v63  }
0x5ce: {  	s18 =	simm.s32 $0x10800  }
0x5cf: {  	[tilespmem:s18], [sflag:$0x2] =	stream.indirect_vreg.gather [hbm4b:s1+s3], $0x80, v8, vm0, $0xb8;
	[tilespmem:$0x11800] =	vst v63  }
0x5d0: {  	s21 =	simm.s32 $0x11000  }
0x5d1: {  	[tilespmem:s21], [sflag:$0x2] =	stream.indirect_vreg.gather [hbm4b:s25+s3], $0x80, v8, vm0, $0xb8;
	[tilespmem:$0x11800] =	vst v63  }
0x5d2: {  	_ =	swait.ge [sflag:s4], $0x8000  }
0x5d3: {  	[sflag:s4] =	ssyncset.done $0x0  }
0x5d4: {  	s26 =	rddreg [dreg:$0x14];
	[sflag:s4] =	ssyncadd.s32 $0xFFFF8000  }
0x5d5: {  	[hbm4b:s26+s3] =	stream.linear.scatter [tilespmem:s2], [sflag:$0x3], $0x8000, $0x38;
	[tilespmem:$0x11800] =	vst v63  }
0x5d6: {  	_ =	swait.ge [sflag:s10], $0x8000  }
0x5d7: {  	[sflag:s10] =	ssyncset.done $0x0  }
0x5d8: {  	s28 =	rddreg [dreg:$0x15];
	[sflag:s10] =	ssyncadd.s32 $0xFFFF8000  }
0x5d9: {  	[hbm4b:s28+s3] =	stream.linear.scatter [tilespmem:s12], [sflag:$0x4], $0x8000, $0x38;
	[tilespmem:$0x11800] =	vst v63  }
0x5da: {  	_ =	swait.ge [sflag:s9], $0x8000  }
0x5db: {  	[sflag:s9] =	ssyncset.done $0x0  }
0x5dc: {  	[sflag:s9] =	ssyncadd.s32 $0xFFFF8000  }
0x5dd: {  	_ =	swait.ge [sflag:s11], $0x8000  }
0x5de: {  	s29 =	rddreg [dreg:$0x17]  }
0x5df: {  	s31 =	rddreg [dreg:$0x16];
	s0 =	sadd.s32 $0x1, s29  }
0x5e0: {  	p1 =	sne.s32 s0, s31  }
.Ltmp1:
0x5e1: {  	_ = 	snop;
	(pc) =	sbr.rel @!p1 .LBB2_10-.Ltmp1, $3  }
0x5e2: {  	_ =	sdelay $0x1  }
0x5e3: {  	[sflag:s11] =	ssyncset.done $0x0  }
0x5e4: {  	[sflag:s11] =	ssyncadd.s32 $0xFFFF8000  }
.LBB2_1:
0x5e5: {  	s13 =	rddreg [dreg:$0x4];
	s14 =	simm.s32 $0x80;
	s15 =	simm.s32 $0x400  }
0x5e6: {  	[tilespmem:s3], [sflag:$0x5] =	stream.strided.gather [hbm4b:s13+s14], $0x800, s15, s14, $0x38;
	[tilespmem:$0x11800] =	vst v63  }
0x5e7: {  	s13 =	simm.s32 $0x0;
	s14 =	simm.s32 $0x200  }
.LBB2_2:
0x5e8: {  	p1 =	sne.s32 s14, $0x1E00;
	[tilespmem:s13+$0x870] =	vst v2  }
0x5e9: {  	[tilespmem:s13+$0x800] =	vst v2  }
0x5ea: {  	[tilespmem:s13+$0x810] =	vst v2  }
.Ltmp2:
0x5eb: {  	[tilespmem:s13+$0x820] =	vst v2;
	(pc) =	sbr.rel @p1 .LBB2_2-.Ltmp2, $4  }
0x5ec: {  	[tilespmem:s13+$0x830] =	vst v2  }
0x5ed: {  	[tilespmem:s13+$0x840] =	vst v2  }
0x5ee: {  	[tilespmem:s13+$0x850] =	vst v2  }
0x5ef: {  	[tilespmem:s13+$0x860] =	vst v2;
	s13 =	sshra.s32 s14, $0x2;
	s14 =	sadd.s32 $0x200, s14  }
0x5f0: {  	[tilespmem:s13+$0x870] =	vst v2  }
0x5f1: {  	[tilespmem:s13+$0x800] =	vst v2  }
0x5f2: {  	[tilespmem:s13+$0x810] =	vst v2  }
0x5f3: {  	[tilespmem:s13+$0x820] =	vst v2  }
0x5f4: {  	[tilespmem:s13+$0x830] =	vst v2  }
0x5f5: {  	[tilespmem:s13+$0x840] =	vst v2  }
0x5f6: {  	[tilespmem:s13+$0x850] =	vst v2  }
0x5f7: {  	[tilespmem:s13+$0x860] =	vst v2;
	s31 =	simm.s32 $0x5  }
0x5f8: {  	_ =	swait.ge [sflag:s31], $0x800  }
0x5f9: {  	[sflag:s31] =	ssyncset.done $0x0  }
0x5fa: {  	v8 =	vimm.s32 $0x0;
	s13 =	simm.s32 $0x0;
	[sflag:s31] =	ssyncadd.s32 $0xFFFFF800  }
.LBB2_4:
0x5fb: {  	s14 =	sshra.s32 s13, $0x2  }
0x5fc: {  	v9 =	vld [tilespmem:s14+$0x0];
	_ =	sdelay $0x4  }
0x5fd: {  	v9 =	vmax.f32 v9, $0.0e+00  }
0x5fe: {  	v9 =	vmin.f32 v9, $4.096000000e+03  }
0x5ff: {  	v9 =	vadd.f32 $5.000000000e-01, v9;
	_ =	sdelay $0x1  }
0x600: {  	v9 =	vtrunc.f32 v9  }
0x601: {  	v9 =	vcvt.f32.s32 v9;
	_ =	sdelay $0x1  }
0x602: {  	(xrf0) =	vadd.scan.msk.s32 $0xffff, v9;
	_ =	sdelay $0x5  }
0x603: {  	v10, _, _ =	vpop (xrf0)  }
0x604: {  	v9 =	vsub.s32 v10, v9  }
0x605: {  	v9 =	vadd.s32 v8, v9  }
0x606: {  	vm1 =	vlt.s32 v9, $0x800;
	_ =	sdelay $0x5  }
0x607: {  	[tilespmem:v9+s30+$0x0] =	vst.idx.add.s32.msk vm1, v3  }
0x608: {  	v9 =	vld [tilespmem:s14+$0x10];
	_ =	sdelay $0x4  }
0x609: {  	v9 =	vmax.f32 v9, $0.0e+00  }
0x60a: {  	v9 =	vmin.f32 v9, $4.096000000e+03  }
0x60b: {  	v9 =	vadd.f32 $5.000000000e-01, v9;
	_ =	sdelay $0x1  }
0x60c: {  	v9 =	vtrunc.f32 v9  }
0x60d: {  	v9 =	vcvt.f32.s32 v9;
	_ =	sdelay $0x1  }
0x60e: {  	(xrf0) =	vadd.scan.msk.s32 $0xffff, v9;
	_ =	sdelay $0x4  }
0x60f: {  	v10 =	vperm.xlane v10, v4  }
0x610: {  	v11, _, _ =	vpop (xrf0)  }
0x611: {  	v8 =	vadd.s32 v8, v10;
	v9 =	vsub.s32 v11, v9  }
0x612: {  	v9 =	vadd.s32 v8, v9  }
0x613: {  	vm1 =	vlt.s32 v9, $0x800;
	_ =	sdelay $0x5  }
0x614: {  	[tilespmem:v9+s30+$0x0] =	vst.idx.add.s32.msk vm1, v3  }
0x615: {  	v9 =	vld [tilespmem:s14+$0x20];
	_ =	sdelay $0x4  }
0x616: {  	v9 =	vmax.f32 v9, $0.0e+00  }
0x617: {  	v9 =	vmin.f32 v9, $4.096000000e+03  }
0x618: {  	v9 =	vadd.f32 $5.000000000e-01, v9;
	_ =	sdelay $0x1  }
0x619: {  	v9 =	vtrunc.f32 v9  }
0x61a: {  	v9 =	vcvt.f32.s32 v9;
	_ =	sdelay $0x1  }
0x61b: {  	(xrf0) =	vadd.scan.msk.s32 $0xffff, v9;
	_ =	sdelay $0x4  }
0x61c: {  	v10 =	vperm.xlane v11, v4  }
0x61d: {  	v11, _, _ =	vpop (xrf0)  }
0x61e: {  	v8 =	vadd.s32 v8, v10;
	v9 =	vsub.s32 v11, v9  }
0x61f: {  	v9 =	vadd.s32 v8, v9  }
0x620: {  	vm1 =	vlt.s32 v9, $0x800;
	_ =	sdelay $0x5  }
0x621: {  	[tilespmem:v9+s30+$0x0] =	vst.idx.add.s32.msk vm1, v3  }
0x622: {  	v9 =	vld [tilespmem:s14+$0x30];
	_ =	sdelay $0x4  }
0x623: {  	v9 =	vmax.f32 v9, $0.0e+00  }
0x624: {  	v9 =	vmin.f32 v9, $4.096000000e+03  }
0x625: {  	v9 =	vadd.f32 $5.000000000e-01, v9;
	_ =	sdelay $0x1  }
0x626: {  	v9 =	vtrunc.f32 v9  }
0x627: {  	v9 =	vcvt.f32.s32 v9;
	_ =	sdelay $0x1  }
0x628: {  	(xrf0) =	vadd.scan.msk.s32 $0xffff, v9;
	_ =	sdelay $0x4  }
0x629: {  	v10 =	vperm.xlane v11, v4  }
0x62a: {  	v11, _, _ =	vpop (xrf0)  }
0x62b: {  	v8 =	vadd.s32 v8, v10;
	v9 =	vsub.s32 v11, v9  }
0x62c: {  	v9 =	vadd.s32 v8, v9  }
0x62d: {  	vm1 =	vlt.s32 v9, $0x800  }
0x62e: {  	p1 =	sne.s32 s13, $0x1F00  }
.Ltmp3:
0x62f: {  	_ = 	snop;
	(pc) =	sbr.rel @p1 .LBB2_4-.Ltmp3, $3  }
0x630: {  	_ = 	snop  }
0x631: {  	v10 =	vperm.xlane v11, v4;
	_ =	sdelay $0x1  }
0x632: {  	s13 =	sadd.s32 $0x100, s13;
	v8 =	vadd.s32 v8, v10;
	[tilespmem:v9+s30+$0x0] =	vst.idx.add.s32.msk vm1, v3  }
.Ltmp4:
0x633: {  	(pc) =	sbr.rel @p0 .LBB2_9-.Ltmp4, $2  }
0x634: {  	_ =	sdelay $0x2  }
0x635: {  	s13 =	simm.s32 $0x800;
	v8 =	vimm.s32 $0x0;
	[dreg:$0x17] =	wrdreg s0  }
0x636: {  	s14 =	rddreg [dreg:$0x5]  }
0x637: {  	p1 =	sne.s32 s14, $0x1  }
.Ltmp5:
0x638: {  	v9 =	vld [tilespmem:s13+$0x0];
	(pc) =	sbr.rel @!p1 .LBB2_8-.Ltmp5, $2  }
0x639: {  	_ =	sdelay $0x2  }
0x63a: {  	s14 =	sadd.s32 $0xFFFFFFFF, s14  }
.LBB2_7:
0x63b: {  	p1 =	sne.s32 s14, $0x1  }
.Ltmp6:
0x63c: {  	_ = 	snop;
	(pc) =	sbr.rel @p1 .LBB2_7-.Ltmp6, $3  }
0x63d: {  	_ =	sdelay $0x1  }
0x63e: {  	s14 =	sadd.s32 $0xFFFFFFFF, s14;
	v8 =	vadd.s32 v8, v9;
	s13 =	sadd.s32 $0x10, s13  }
0x63f: {  	v9 =	vld [tilespmem:s13+$0x0]  }
.Ltmp7:
0x640: {  	_ = 	snop;
	(pc) =	sbr.rel .LBB2_8-.Ltmp7, $1  }
0x641: {  	_ =	sdelay $0x3  }
.LBB2_10:
0x642: {  	_ =	sfence.sel $0x180000  }
0x643: {  	[bflag:$0x0] =	sbarrier.arrive $0xFFFF  }
0x644: {  	_ =	strace $0x90000047  }
0x645: {  	s0 =	stileid.u32;
	[bflag:$0x2] =	sbarrier.arrive $0xFFFF  }
0x646: {  	p0 =	sne.s32 s0, $0x0;
	s0 =	rddreg [dreg:$0x3]  }
0x647: {  	s0 =	sadd.s32 @!p0 $0x100000, s0  }
0x648: {  	[sflag:s0] =	ssyncadd.tile.s32 @!p0 $0x1;
	_ =	shalt  }
.Lfunc_end2:
_tile_overlayer_lowered:
.L_overlay_start_2:
0x649: {  	(tag) =	ssettag $0x2  }
0x64a: {  	s0 =	rddreg [dreg:$0x0];
	s2 =	stileid.u32  }
0x64b: {  	s1 =	rddreg [dreg:$0x1];
	p0 =	sne.s32 s2, $0x0  }
0x64c: {  	s3 =	rddreg [dreg:$0x2];
	[bflag:$0x3] =	sbarrier.arrive $0xFFFF;
	s2 =	simm.s32 @!p0 $0x1C06  }
0x64d: {  	[timem:s3], [sflag:s2] =	dma.local @!p0 [hbm:s0], s1  }
0x64e: {  	s0 =	simm.s32 @!p0 $0x6  }
0x64f: {  	_ =	swait.ge @!p0 [sflag:s0], s1  }
0x650: {  	s1 =	ssub.s32 @!p0 $0x0, s1;
	[sflag:s0] =	ssyncset.done @!p0 $0x0  }
0x651: {  	[sflag:s0] =	ssyncadd.s32 @!p0 s1  }
0x652: {  	[bflag:$0x3] =	sbarrier.arrive $0xFFFF  }
0x653: {  	_ =	shalt  }

</sc_bundles>
